<compile_context>
chip_gen: v7x
topology: tpu7x:2x2x1
jax: 0.10.2.dev20260603
libtpu: 0.0.44.dev20260713+nightly
codegen_flags: <defaults>
</compile_context>

<pallas_src>
import functools

import jax
import jax.numpy as jnp
from jax import lax
from jax.experimental import pallas as pl
from jax.experimental.pallas import tpu as pltpu
from jax.experimental.pallas import tpu_sc as plsc


def _addend_body(months_ref, ch_ref, pos_ref, mon_ref, out_ref):
    b, t, bs, d = out_ref.shape
    n = ch_ref.shape[1]
    ch = ch_ref[...]
    zero = jnp.zeros((bs, n), jnp.float32)
    for bi in range(b):
        for ti in range(t):
            m = months_ref[bi, ti]
            row_m = mon_ref[pl.ds(m, 1), :]
            row3 = jnp.concatenate([
                ch,
                jnp.broadcast_to(pos_ref[ti:ti + 1, :], (bs, n)),
                jnp.broadcast_to(row_m, (bs, n)),
                zero,
            ], axis=-1)
            out_ref[bi, ti] = row3


def kernel(tokens, timestamps, channel_embed, pos_embed, month_table):
    b, h, w, t, bs, d = tokens.shape
    n = d // 4
    months = timestamps[:, :, 1].astype(jnp.int32)

    a_small = pl.pallas_call(
        _addend_body,
        in_specs=[
            pl.BlockSpec(memory_space=pltpu.SMEM),
            pl.BlockSpec(memory_space=pltpu.VMEM),
            pl.BlockSpec(memory_space=pltpu.VMEM),
            pl.BlockSpec(memory_space=pltpu.VMEM),
        ],
        out_shape=jax.ShapeDtypeStruct((b, t, bs, d), jnp.float32),
    )(months, channel_embed, pos_embed, month_table)

    NC, NS = 2, 16
    NW = NC * NS
    units = b * h * w
    upw = units // NW
    nvec = (3 * n) // 16

    mesh = plsc.VectorSubcoreMesh(core_axis_name="c", subcore_axis_name="s")

    nbuf = 2

    @functools.partial(
        pl.kernel,
        mesh=mesh,
        compiler_params=pltpu.CompilerParams(use_tc_tiling_on_sc=True),
        out_type=jax.ShapeDtypeStruct(tokens.shape, tokens.dtype),
        scratch_types=[
            pltpu.VMEM((nbuf, t, bs, d), jnp.float32),
            pltpu.VMEM((t, bs, d), jnp.float32),
        ]
        + [pltpu.SemaphoreType.DMA] * (2 * nbuf),
    )
    def _sc_add(tok_hbm, a_hbm, out_hbm, buf_v, a_v, *sems):
        sem_in = sems[:nbuf]
        sem_out = sems[nbuf:]
        cid = lax.axis_index("c")
        sid = lax.axis_index("s")
        wid = sid * NC + cid
        b_idx = wid // (NW // b)
        pltpu.sync_copy(a_hbm.at[b_idx], a_v)

        def unit_coords(u):
            bi = u // (h * w)
            rem = u % (h * w)
            return bi, rem // w, rem % w

        def start_in(j, slot):
            bi, hi, wi = unit_coords(wid * upw + j)
            pltpu.make_async_copy(
                tok_hbm.at[bi, hi, wi], buf_v.at[slot], sem_in[slot]).start()

        def start_out(j, slot):
            bi, hi, wi = unit_coords(wid * upw + j)
            pltpu.make_async_copy(
                buf_v.at[slot], out_hbm.at[bi, hi, wi], sem_out[slot]).start()

        def wait_in(j, slot):
            bi, hi, wi = unit_coords(wid * upw + j)
            pltpu.make_async_copy(
                tok_hbm.at[bi, hi, wi], buf_v.at[slot], sem_in[slot]).wait()

        def wait_out(j, slot):
            bi, hi, wi = unit_coords(wid * upw + j)
            pltpu.make_async_copy(
                buf_v.at[slot], out_hbm.at[bi, hi, wi], sem_out[slot]).wait()

        for slot in range(nbuf):
            start_in(slot, slot)

        def outer(j2, carry):
            for slot in range(nbuf):
                j = j2 * nbuf + slot
                wait_in(j, slot)

                def addrow(q, c2):
                    ti = q // bs
                    bsi = q % bs
                    for k in range(nvec):
                        sl = pl.ds(k * 16, 16)
                        buf_v[slot, ti, bsi, sl] = (
                            buf_v[slot, ti, bsi, sl] + a_v[ti, bsi, sl])
                    return c2
                lax.fori_loop(0, t * bs, addrow, 0)
                start_out(j, slot)
                nxt = j + nbuf

                @pl.when(nxt < upw)
                def _():
                    wait_out(nxt - nbuf, slot)
                    start_in(nxt, slot)
            return carry
        lax.fori_loop(0, upw // nbuf, outer, 0)

        for slot in range(nbuf):
            wait_out(upw - nbuf + slot, slot)

    return _sc_add(tokens, a_small)

# --- scband reference (transcript-rebuilt; emitter-appended) ---
"""Pipeline reference for scband-flexi-helios-composite-encodings-16123307229549 (READ-ONLY COPY).

The authoritative reference and input builder live on the scoring server;
editing this copy changes nothing except your own understanding.
"""

import jax, jax.numpy as jnp
import numpy as np

EMBED = 768
MAX_SEQ = 24
N_BAND_SETS = 3


def get_1d_sincos_pos_encoding(positions, dim):
    half = dim // 2
    freqs = jnp.arange(half, dtype=jnp.float32) / float(half)
    inv = 1.0 / (10000.0 ** freqs)
    args = positions.astype(jnp.float32)[:, None] * inv[None, :]
    return jnp.concatenate([jnp.sin(args), jnp.cos(args)], axis=-1)


def get_month_encoding_table(dim):
    assert dim % 2 == 0
    angles = jnp.arange(13, dtype=jnp.float32) * (2.0 * np.pi / 12.0)
    sin_t = jnp.stack([jnp.sin(angles)] * (dim // 2), axis=-1)
    cos_t = jnp.stack([jnp.cos(angles)] * (dim // 2), axis=-1)
    return jnp.concatenate([sin_t[:12], cos_t[:12]], axis=-1)


def setup_inputs(seed: int = 0) -> dict:
    key = jax.random.key(seed)
    k1, k2, k3 = jax.random.split(key, 3)
    n = EMBED // 4
    tokens = jax.random.normal(k1, (4, 16, 16, 12, N_BAND_SETS, EMBED), dtype=jnp.float32)
    timestamps = jax.random.randint(k2, (4, 12, 3), 0, 12, dtype=jnp.int64)
    channel_embed = jax.random.uniform(k3, (N_BAND_SETS, n), dtype=jnp.float32)
    pos_embed = get_1d_sincos_pos_encoding(jnp.arange(MAX_SEQ), n)
    month_table = get_month_encoding_table(n)
    return {"tokens": tokens, "timestamps": timestamps, "channel_embed": channel_embed, "pos_embed": pos_embed, "month_table": month_table}


def reference(tokens, timestamps, channel_embed, pos_embed, month_table):
    b, h, w, t, bs, d = tokens.shape
    n = d // 4
    modality_embed = jnp.zeros_like(tokens)
    # channel embeddings -> [..., :n]
    ch = jnp.broadcast_to(channel_embed[None, None, None, None, :, :], (b, h, w, t, bs, n))
    modality_embed = modality_embed.at[..., :n].add(ch)
    # temporal sincos position -> [..., n:2n]
    time_e = pos_embed[:t]
    time_b = jnp.broadcast_to(time_e[None, None, None, :, None, :], (b, h, w, t, bs, n))
    modality_embed = modality_embed.at[..., n:2 * n].add(time_b)
    # month embedding lookup -> [..., 2n:3n]
    months = timestamps[:, :, 1]
    month_e = jnp.take(month_table, months, axis=0)  # [b, t, n]
    month_b = jnp.broadcast_to(month_e[:, None, None, :, None, :], (b, h, w, t, bs, n))
    modality_embed = modality_embed.at[..., 2 * n:3 * n].add(month_b)
    # no_ape=True -> no spatial embedding
    return tokens + modality_embed

if __name__ == "__main__":
    import jax
    _d = setup_inputs()
    print(jax.jit(kernel)(*tuple(_d.values())))

</pallas_src>

<mosaic_0001>
#map = affine_map<(d0, d1) -> (0, 0, 0, 0, 0, 0)>
#map1 = affine_map<(d0, d1) -> (0, 0, 0, 0)>
module attributes {stable_mosaic.version = 14 : i64} {
  func.func @_sc_add(%arg0: i32, %arg1: i32, %arg2: memref<4x16x16x12x3x768xf32, #tpu.memory_space<hbm>>, %arg3: memref<4x12x3x768xf32, #tpu.memory_space<hbm>>, %arg4: memref<4x16x16x12x3x768xf32, #tpu.memory_space<hbm>>, %arg5: memref<2x12x3x768xf32, #tpu.memory_space<vmem>>, %arg6: memref<12x3x768xf32, #tpu.memory_space<vmem>>, %arg7: memref<!tpu.dma_semaphore, #tpu.memory_space<semaphore_mem>>, %arg8: memref<!tpu.dma_semaphore, #tpu.memory_space<semaphore_mem>>, %arg9: memref<!tpu.dma_semaphore, #tpu.memory_space<semaphore_mem>>, %arg10: memref<!tpu.dma_semaphore, #tpu.memory_space<semaphore_mem>>) attributes {dimension_semantics = [#tpu.dimension_semantics<core_parallel>, #tpu.dimension_semantics<subcore_parallel>], iteration_bounds = array<i64: 2, 16>, scalar_prefetch = 0 : i64, scratch_operands = 6 : i64, tpu.core_type = #tpu.core_type<sc_vector_subcore>, window_params = [{transform_indices = #map}, {transform_indices = #map1}, {transform_indices = #map}]} {
    %mul3A = arith.constant 2 : i32
    %mul3A_0 = arith.muli %arg1, %mul3A : i32
    %add3A = arith.addi %mul3A_0, %arg0 : i32
    %jit3A = arith.constant 8 : i32
    %div3A = arith.divsi %add3A, %jit3A : i32
    %sign3A = arith.constant 0 : i32
    %sign3A_1 = arith.cmpi sgt, %add3A, %sign3A : i32
    %sign3A_2 = arith.extui %sign3A_1 : i1 to i32
    %sign3A_3 = arith.constant 0 : i32
    %sign3A_4 = arith.cmpi slt, %add3A, %sign3A_3 : i32
    %sign3A_5 = arith.extui %sign3A_4 : i1 to i32
    %sign3A_6 = arith.subi %sign3A_2, %sign3A_5 : i32
    %sign3A_7 = arith.constant 0 : i32
    %sign3A_8 = arith.cmpi sgt, %jit3A, %sign3A_7 : i32
    %sign3A_9 = arith.extui %sign3A_8 : i1 to i32
    %sign3A_10 = arith.constant 0 : i32
    %sign3A_11 = arith.cmpi slt, %jit3A, %sign3A_10 : i32
    %sign3A_12 = arith.extui %sign3A_11 : i1 to i32
    %sign3A_13 = arith.subi %sign3A_9, %sign3A_12 : i32
    %ne3A = arith.cmpi ne, %sign3A_6, %sign3A_13 : i32
    %rem3A = arith.remsi %add3A, %jit3A : i32
    %ne3A_14 = arith.constant 0 : i32
    %ne3A_15 = arith.cmpi ne, %rem3A, %ne3A_14 : i32
    %and3A = arith.andi %ne3A, %ne3A_15 : i1
    %sub3A = arith.constant 1 : i32
    %sub3A_16 = arith.subi %div3A, %sub3A : i32
    %select_n3A = arith.select %and3A, %sub3A_16, %div3A : i32
    "tpu.region"() ({
      %run_scoped3A = tpu.sem_alloc : memref<!tpu.dma_semaphore, #tpu.memory_space<semaphore_mem>>
      %dma_start3A_438 = arith.constant 0 : i32
      %dma_start3A_439 = arith.constant 0 : i32
      %dma_start3A_440 = arith.constant 0 : i32
      %dma_start3A_441 = tpu.memref_slice %arg3[%select_n3A, %dma_start3A_438, %dma_start3A_439, %dma_start3A_440] : memref<4x12x3x768xf32, #tpu.memory_space<hbm>> -> memref<1x12x3x768xf32, #tpu.memory_space<hbm>>
      %dma_start3A_442 = tpu.memref_squeeze %dma_start3A_441 : memref<1x12x3x768xf32, #tpu.memory_space<hbm>> -> memref<12x3x768xf32, #tpu.memory_space<hbm>>
      %dma_start3A_443 = arith.constant 0 : i32
      %dma_start3A_444 = arith.constant 0 : i32
      %dma_start3A_445 = arith.constant 0 : i32
      %dma_start3A_446 = tpu.memref_slice %arg3[%select_n3A, %dma_start3A_443, %dma_start3A_444, %dma_start3A_445] : memref<4x12x3x768xf32, #tpu.memory_space<hbm>> -> memref<1x12x3x768xf32, #tpu.memory_space<hbm>>
      %dma_start3A_447 = tpu.memref_squeeze %dma_start3A_446 : memref<1x12x3x768xf32, #tpu.memory_space<hbm>> -> memref<12x3x768xf32, #tpu.memory_space<hbm>>
      tpu.enqueue_dma source(%dma_start3A_447 : memref<12x3x768xf32, #tpu.memory_space<hbm>>) target(%arg6 : memref<12x3x768xf32, #tpu.memory_space<vmem>>) target_semaphore(%run_scoped3A : memref<!tpu.dma_semaphore, #tpu.memory_space<semaphore_mem>>)
      %dma_wait3A_448 = arith.constant 0 : i32
      %dma_wait3A_449 = arith.constant 0 : i32
      %dma_wait3A_450 = arith.constant 0 : i32
      %dma_wait3A_451 = tpu.memref_slice %arg3[%select_n3A, %dma_wait3A_448, %dma_wait3A_449, %dma_wait3A_450] : memref<4x12x3x768xf32, #tpu.memory_space<hbm>> -> memref<1x12x3x768xf32, #tpu.memory_space<hbm>>
      %dma_wait3A_452 = tpu.memref_squeeze %dma_wait3A_451 : memref<1x12x3x768xf32, #tpu.memory_space<hbm>> -> memref<12x3x768xf32, #tpu.memory_space<hbm>>
      %dma_wait3A_453 = arith.constant 0 : i32
      %dma_wait3A_454 = arith.constant 0 : i32
      %dma_wait3A_455 = arith.constant 0 : i32
      %dma_wait3A_456 = tpu.memref_slice %arg3[%select_n3A, %dma_wait3A_453, %dma_wait3A_454, %dma_wait3A_455] : memref<4x12x3x768xf32, #tpu.memory_space<hbm>> -> memref<1x12x3x768xf32, #tpu.memory_space<hbm>>
      %dma_wait3A_457 = tpu.memref_squeeze %dma_wait3A_456 : memref<1x12x3x768xf32, #tpu.memory_space<hbm>> -> memref<12x3x768xf32, #tpu.memory_space<hbm>>
      tpu.wait_dma2 semaphore(%run_scoped3A : memref<!tpu.dma_semaphore, #tpu.memory_space<semaphore_mem>>) src(%dma_wait3A_457 : memref<12x3x768xf32, #tpu.memory_space<hbm>>) dst(%arg6 : memref<12x3x768xf32, #tpu.memory_space<vmem>>)
      tpu.yield
    }) : () -> ()
    %mul3A_17 = arith.constant 32 : i32
    %mul3A_18 = arith.muli %add3A, %mul3A_17 : i32
    %add3A_19 = arith.constant 0 : i32
    %add3A_20 = arith.addi %mul3A_18, %add3A_19 : i32
    %jit3A_21 = arith.constant 256 : i32
    %div3A_22 = arith.divsi %add3A_20, %jit3A_21 : i32
    %sign3A_23 = arith.constant 0 : i32
    %sign3A_24 = arith.cmpi sgt, %add3A_20, %sign3A_23 : i32
    %sign3A_25 = arith.extui %sign3A_24 : i1 to i32
    %sign3A_26 = arith.constant 0 : i32
    %sign3A_27 = arith.cmpi slt, %add3A_20, %sign3A_26 : i32
    %sign3A_28 = arith.extui %sign3A_27 : i1 to i32
    %sign3A_29 = arith.subi %sign3A_25, %sign3A_28 : i32
    %sign3A_30 = arith.constant 0 : i32
    %sign3A_31 = arith.cmpi sgt, %jit3A_21, %sign3A_30 : i32
    %sign3A_32 = arith.extui %sign3A_31 : i1 to i32
    %sign3A_33 = arith.constant 0 : i32
    %sign3A_34 = arith.cmpi slt, %jit3A_21, %sign3A_33 : i32
    %sign3A_35 = arith.extui %sign3A_34 : i1 to i32
    %sign3A_36 = arith.subi %sign3A_32, %sign3A_35 : i32
    %ne3A_37 = arith.cmpi ne, %sign3A_29, %sign3A_36 : i32
    %rem3A_38 = arith.remsi %add3A_20, %jit3A_21 : i32
    %ne3A_39 = arith.constant 0 : i32
    %ne3A_40 = arith.cmpi ne, %rem3A_38, %ne3A_39 : i32
    %and3A_41 = arith.andi %ne3A_37, %ne3A_40 : i1
    %sub3A_42 = arith.constant 1 : i32
    %sub3A_43 = arith.subi %div3A_22, %sub3A_42 : i32
    %select_n3A_44 = arith.select %and3A_41, %sub3A_43, %div3A_22 : i32
    %jit3A_45 = arith.constant 256 : i32
    %eq3A = arith.constant 0 : i32
    %eq3A_46 = arith.cmpi eq, %jit3A_45, %eq3A : i32
    %jit3A_47 = arith.constant 1 : i32
    %select_n3A_48 = arith.select %eq3A_46, %jit3A_47, %jit3A_45 : i32
    %rem3A_49 = arith.remsi %add3A_20, %select_n3A_48 : i32
    %ne3A_50 = arith.constant 0 : i32
    %ne3A_51 = arith.cmpi ne, %rem3A_49, %ne3A_50 : i32
    %lt3A = arith.constant 0 : i32
    %lt3A_52 = arith.cmpi slt, %rem3A_49, %lt3A : i32
    %lt3A_53 = arith.constant 0 : i32
    %lt3A_54 = arith.cmpi slt, %select_n3A_48, %lt3A_53 : i32
    %ne3A_55 = arith.xori %lt3A_52, %lt3A_54 : i1
    %and3A_56 = arith.andi %ne3A_55, %ne3A_51 : i1
    %add3A_57 = arith.addi %rem3A_49, %select_n3A_48 : i32
    %select_n3A_58 = arith.select %and3A_56, %add3A_57, %rem3A_49 : i32
    %jit3A_59 = arith.constant 16 : i32
    %div3A_60 = arith.divsi %select_n3A_58, %jit3A_59 : i32
    %sign3A_61 = arith.constant 0 : i32
    %sign3A_62 = arith.cmpi sgt, %select_n3A_58, %sign3A_61 : i32
    %sign3A_63 = arith.extui %sign3A_62 : i1 to i32
    %sign3A_64 = arith.constant 0 : i32
    %sign3A_65 = arith.cmpi slt, %select_n3A_58, %sign3A_64 : i32
    %sign3A_66 = arith.extui %sign3A_65 : i1 to i32
    %sign3A_67 = arith.subi %sign3A_63, %sign3A_66 : i32
    %sign3A_68 = arith.constant 0 : i32
    %sign3A_69 = arith.cmpi sgt, %jit3A_59, %sign3A_68 : i32
    %sign3A_70 = arith.extui %sign3A_69 : i1 to i32
    %sign3A_71 = arith.constant 0 : i32
    %sign3A_72 = arith.cmpi slt, %jit3A_59, %sign3A_71 : i32
    %sign3A_73 = arith.extui %sign3A_72 : i1 to i32
    %sign3A_74 = arith.subi %sign3A_70, %sign3A_73 : i32
    %ne3A_75 = arith.cmpi ne, %sign3A_67, %sign3A_74 : i32
    %rem3A_76 = arith.remsi %select_n3A_58, %jit3A_59 : i32
    %ne3A_77 = arith.constant 0 : i32
    %ne3A_78 = arith.cmpi ne, %rem3A_76, %ne3A_77 : i32
    %and3A_79 = arith.andi %ne3A_75, %ne3A_78 : i1
    %sub3A_80 = arith.constant 1 : i32
    %sub3A_81 = arith.subi %div3A_60, %sub3A_80 : i32
    %select_n3A_82 = arith.select %and3A_79, %sub3A_81, %div3A_60 : i32
    %jit3A_83 = arith.constant 16 : i32
    %eq3A_84 = arith.constant 0 : i32
    %eq3A_85 = arith.cmpi eq, %jit3A_83, %eq3A_84 : i32
    %jit3A_86 = arith.constant 1 : i32
    %select_n3A_87 = arith.select %eq3A_85, %jit3A_86, %jit3A_83 : i32
    %rem3A_88 = arith.remsi %select_n3A_58, %select_n3A_87 : i32
    %ne3A_89 = arith.constant 0 : i32
    %ne3A_90 = arith.cmpi ne, %rem3A_88, %ne3A_89 : i32
    %lt3A_91 = arith.constant 0 : i32
    %lt3A_92 = arith.cmpi slt, %rem3A_88, %lt3A_91 : i32
    %lt3A_93 = arith.constant 0 : i32
    %lt3A_94 = arith.cmpi slt, %select_n3A_87, %lt3A_93 : i32
    %ne3A_95 = arith.xori %lt3A_92, %lt3A_94 : i1
    %and3A_96 = arith.andi %ne3A_95, %ne3A_90 : i1
    %add3A_97 = arith.addi %rem3A_88, %select_n3A_87 : i32
    %select_n3A_98 = arith.select %and3A_96, %add3A_97, %rem3A_88 : i32
    %dma_start3A = arith.constant 0 : i32
    %dma_start3A_99 = arith.constant 0 : i32
    %dma_start3A_100 = arith.constant 0 : i32
    %dma_start3A_101 = arith.constant 0 : i32
    %dma_start3A_102 = tpu.memref_slice %arg5[%dma_start3A, %dma_start3A_99, %dma_start3A_100, %dma_start3A_101] : memref<2x12x3x768xf32, #tpu.memory_space<vmem>> -> memref<1x12x3x768xf32, #tpu.memory_space<vmem>>
    %dma_start3A_103 = tpu.memref_squeeze %dma_start3A_102 : memref<1x12x3x768xf32, #tpu.memory_space<vmem>> -> memref<12x3x768xf32, #tpu.memory_space<vmem>>
    %dma_start3A_104 = arith.constant 0 : i32
    %dma_start3A_105 = arith.constant 0 : i32
    %dma_start3A_106 = arith.constant 0 : i32
    %dma_start3A_107 = tpu.memref_slice %arg2[%select_n3A_44, %select_n3A_82, %select_n3A_98, %dma_start3A_104, %dma_start3A_105, %dma_start3A_106] : memref<4x16x16x12x3x768xf32, #tpu.memory_space<hbm>> -> memref<1x1x1x12x3x768xf32, #tpu.memory_space<hbm>>
    %dma_start3A_108 = tpu.memref_squeeze %dma_start3A_107 : memref<1x1x1x12x3x768xf32, #tpu.memory_space<hbm>> -> memref<12x3x768xf32, #tpu.memory_space<hbm>>
    %dma_start3A_109 = arith.constant 0 : i32
    %dma_start3A_110 = arith.constant 0 : i32
    %dma_start3A_111 = arith.constant 0 : i32
    %dma_start3A_112 = tpu.memref_slice %arg5[%dma_start3A, %dma_start3A_109, %dma_start3A_110, %dma_start3A_111] : memref<2x12x3x768xf32, #tpu.memory_space<vmem>> -> memref<1x12x3x768xf32, #tpu.memory_space<vmem>>
    %dma_start3A_113 = tpu.memref_squeeze %dma_start3A_112 : memref<1x12x3x768xf32, #tpu.memory_space<vmem>> -> memref<12x3x768xf32, #tpu.memory_space<vmem>>
    %dma_start3A_114 = arith.constant 0 : i32
    %dma_start3A_115 = arith.constant 0 : i32
    %dma_start3A_116 = arith.constant 0 : i32
    %dma_start3A_117 = tpu.memref_slice %arg2[%select_n3A_44, %select_n3A_82, %select_n3A_98, %dma_start3A_114, %dma_start3A_115, %dma_start3A_116] : memref<4x16x16x12x3x768xf32, #tpu.memory_space<hbm>> -> memref<1x1x1x12x3x768xf32, #tpu.memory_space<hbm>>
    %dma_start3A_118 = tpu.memref_squeeze %dma_start3A_117 : memref<1x1x1x12x3x768xf32, #tpu.memory_space<hbm>> -> memref<12x3x768xf32, #tpu.memory_space<hbm>>
    tpu.enqueue_dma source(%dma_start3A_118 : memref<12x3x768xf32, #tpu.memory_space<hbm>>) target(%dma_start3A_113 : memref<12x3x768xf32, #tpu.memory_space<vmem>>) target_semaphore(%arg7 : memref<!tpu.dma_semaphore, #tpu.memory_space<semaphore_mem>>)
    %mul3A_119 = arith.constant 32 : i32
    %mul3A_120 = arith.muli %add3A, %mul3A_119 : i32
    %add3A_121 = arith.constant 1 : i32
    %add3A_122 = arith.addi %mul3A_120, %add3A_121 : i32
    %jit3A_123 = arith.constant 256 : i32
    %div3A_124 = arith.divsi %add3A_122, %jit3A_123 : i32
    %sign3A_125 = arith.constant 0 : i32
    %sign3A_126 = arith.cmpi sgt, %add3A_122, %sign3A_125 : i32
    %sign3A_127 = arith.extui %sign3A_126 : i1 to i32
    %sign3A_128 = arith.constant 0 : i32
    %sign3A_129 = arith.cmpi slt, %add3A_122, %sign3A_128 : i32
    %sign3A_130 = arith.extui %sign3A_129 : i1 to i32
    %sign3A_131 = arith.subi %sign3A_127, %sign3A_130 : i32
    %sign3A_132 = arith.constant 0 : i32
    %sign3A_133 = arith.cmpi sgt, %jit3A_123, %sign3A_132 : i32
    %sign3A_134 = arith.extui %sign3A_133 : i1 to i32
    %sign3A_135 = arith.constant 0 : i32
    %sign3A_136 = arith.cmpi slt, %jit3A_123, %sign3A_135 : i32
    %sign3A_137 = arith.extui %sign3A_136 : i1 to i32
    %sign3A_138 = arith.subi %sign3A_134, %sign3A_137 : i32
    %ne3A_139 = arith.cmpi ne, %sign3A_131, %sign3A_138 : i32
    %rem3A_140 = arith.remsi %add3A_122, %jit3A_123 : i32
    %ne3A_141 = arith.constant 0 : i32
    %ne3A_142 = arith.cmpi ne, %rem3A_140, %ne3A_141 : i32
    %and3A_143 = arith.andi %ne3A_139, %ne3A_142 : i1
    %sub3A_144 = arith.constant 1 : i32
    %sub3A_145 = arith.subi %div3A_124, %sub3A_144 : i32
    %select_n3A_146 = arith.select %and3A_143, %sub3A_145, %div3A_124 : i32
    %jit3A_147 = arith.constant 256 : i32
    %eq3A_148 = arith.constant 0 : i32
    %eq3A_149 = arith.cmpi eq, %jit3A_147, %eq3A_148 : i32
    %jit3A_150 = arith.constant 1 : i32
    %select_n3A_151 = arith.select %eq3A_149, %jit3A_150, %jit3A_147 : i32
    %rem3A_152 = arith.remsi %add3A_122, %select_n3A_151 : i32
    %ne3A_153 = arith.constant 0 : i32
    %ne3A_154 = arith.cmpi ne, %rem3A_152, %ne3A_153 : i32
    %lt3A_155 = arith.constant 0 : i32
    %lt3A_156 = arith.cmpi slt, %rem3A_152, %lt3A_155 : i32
    %lt3A_157 = arith.constant 0 : i32
    %lt3A_158 = arith.cmpi slt, %select_n3A_151, %lt3A_157 : i32
    %ne3A_159 = arith.xori %lt3A_156, %lt3A_158 : i1
    %and3A_160 = arith.andi %ne3A_159, %ne3A_154 : i1
    %add3A_161 = arith.addi %rem3A_152, %select_n3A_151 : i32
    %select_n3A_162 = arith.select %and3A_160, %add3A_161, %rem3A_152 : i32
    %jit3A_163 = arith.constant 16 : i32
    %div3A_164 = arith.divsi %select_n3A_162, %jit3A_163 : i32
    %sign3A_165 = arith.constant 0 : i32
    %sign3A_166 = arith.cmpi sgt, %select_n3A_162, %sign3A_165 : i32
    %sign3A_167 = arith.extui %sign3A_166 : i1 to i32
    %sign3A_168 = arith.constant 0 : i32
    %sign3A_169 = arith.cmpi slt, %select_n3A_162, %sign3A_168 : i32
    %sign3A_170 = arith.extui %sign3A_169 : i1 to i32
    %sign3A_171 = arith.subi %sign3A_167, %sign3A_170 : i32
    %sign3A_172 = arith.constant 0 : i32
    %sign3A_173 = arith.cmpi sgt, %jit3A_163, %sign3A_172 : i32
    %sign3A_174 = arith.extui %sign3A_173 : i1 to i32
    %sign3A_175 = arith.constant 0 : i32
    %sign3A_176 = arith.cmpi slt, %jit3A_163, %sign3A_175 : i32
    %sign3A_177 = arith.extui %sign3A_176 : i1 to i32
    %sign3A_178 = arith.subi %sign3A_174, %sign3A_177 : i32
    %ne3A_179 = arith.cmpi ne, %sign3A_171, %sign3A_178 : i32
    %rem3A_180 = arith.remsi %select_n3A_162, %jit3A_163 : i32
    %ne3A_181 = arith.constant 0 : i32
    %ne3A_182 = arith.cmpi ne, %rem3A_180, %ne3A_181 : i32
    %and3A_183 = arith.andi %ne3A_179, %ne3A_182 : i1
    %sub3A_184 = arith.constant 1 : i32
    %sub3A_185 = arith.subi %div3A_164, %sub3A_184 : i32
    %select_n3A_186 = arith.select %and3A_183, %sub3A_185, %div3A_164 : i32
    %jit3A_187 = arith.constant 16 : i32
    %eq3A_188 = arith.constant 0 : i32
    %eq3A_189 = arith.cmpi eq, %jit3A_187, %eq3A_188 : i32
    %jit3A_190 = arith.constant 1 : i32
    %select_n3A_191 = arith.select %eq3A_189, %jit3A_190, %jit3A_187 : i32
    %rem3A_192 = arith.remsi %select_n3A_162, %select_n3A_191 : i32
    %ne3A_193 = arith.constant 0 : i32
    %ne3A_194 = arith.cmpi ne, %rem3A_192, %ne3A_193 : i32
    %lt3A_195 = arith.constant 0 : i32
    %lt3A_196 = arith.cmpi slt, %rem3A_192, %lt3A_195 : i32
    %lt3A_197 = arith.constant 0 : i32
    %lt3A_198 = arith.cmpi slt, %select_n3A_191, %lt3A_197 : i32
    %ne3A_199 = arith.xori %lt3A_196, %lt3A_198 : i1
    %and3A_200 = arith.andi %ne3A_199, %ne3A_194 : i1
    %add3A_201 = arith.addi %rem3A_192, %select_n3A_191 : i32
    %select_n3A_202 = arith.select %and3A_200, %add3A_201, %rem3A_192 : i32
    %dma_start3A_203 = arith.constant 1 : i32
    %dma_start3A_204 = arith.constant 0 : i32
    %dma_start3A_205 = arith.constant 0 : i32
    %dma_start3A_206 = arith.constant 0 : i32
    %dma_start3A_207 = tpu.memref_slice %arg5[%dma_start3A_203, %dma_start3A_204, %dma_start3A_205, %dma_start3A_206] : memref<2x12x3x768xf32, #tpu.memory_space<vmem>> -> memref<1x12x3x768xf32, #tpu.memory_space<vmem>>
    %dma_start3A_208 = tpu.memref_squeeze %dma_start3A_207 : memref<1x12x3x768xf32, #tpu.memory_space<vmem>> -> memref<12x3x768xf32, #tpu.memory_space<vmem>>
    %dma_start3A_209 = arith.constant 0 : i32
    %dma_start3A_210 = arith.constant 0 : i32
    %dma_start3A_211 = arith.constant 0 : i32
    %dma_start3A_212 = tpu.memref_slice %arg2[%select_n3A_146, %select_n3A_186, %select_n3A_202, %dma_start3A_209, %dma_start3A_210, %dma_start3A_211] : memref<4x16x16x12x3x768xf32, #tpu.memory_space<hbm>> -> memref<1x1x1x12x3x768xf32, #tpu.memory_space<hbm>>
    %dma_start3A_213 = tpu.memref_squeeze %dma_start3A_212 : memref<1x1x1x12x3x768xf32, #tpu.memory_space<hbm>> -> memref<12x3x768xf32, #tpu.memory_space<hbm>>
    %dma_start3A_214 = arith.constant 0 : i32
    %dma_start3A_215 = arith.constant 0 : i32
    %dma_start3A_216 = arith.constant 0 : i32
    %dma_start3A_217 = tpu.memref_slice %arg5[%dma_start3A_203, %dma_start3A_214, %dma_start3A_215, %dma_start3A_216] : memref<2x12x3x768xf32, #tpu.memory_space<vmem>> -> memref<1x12x3x768xf32, #tpu.memory_space<vmem>>
    %dma_start3A_218 = tpu.memref_squeeze %dma_start3A_217 : memref<1x12x3x768xf32, #tpu.memory_space<vmem>> -> memref<12x3x768xf32, #tpu.memory_space<vmem>>
    %dma_start3A_219 = arith.constant 0 : i32
    %dma_start3A_220 = arith.constant 0 : i32
    %dma_start3A_221 = arith.constant 0 : i32
    %dma_start3A_222 = tpu.memref_slice %arg2[%select_n3A_146, %select_n3A_186, %select_n3A_202, %dma_start3A_219, %dma_start3A_220, %dma_start3A_221] : memref<4x16x16x12x3x768xf32, #tpu.memory_space<hbm>> -> memref<1x1x1x12x3x768xf32, #tpu.memory_space<hbm>>
    %dma_start3A_223 = tpu.memref_squeeze %dma_start3A_222 : memref<1x1x1x12x3x768xf32, #tpu.memory_space<hbm>> -> memref<12x3x768xf32, #tpu.memory_space<hbm>>
    tpu.enqueue_dma source(%dma_start3A_223 : memref<12x3x768xf32, #tpu.memory_space<hbm>>) target(%dma_start3A_218 : memref<12x3x768xf32, #tpu.memory_space<vmem>>) target_semaphore(%arg8 : memref<!tpu.dma_semaphore, #tpu.memory_space<semaphore_mem>>)
    %scan3A = arith.constant 0 : i32
    %scan3A_224 = arith.constant 0 : i32
    %scan3A_225 = arith.constant 16 : i32
    %scan3A_226 = arith.addi %scan3A_224, %scan3A_225 : i32
    %scan3A_227 = arith.constant 1 : i32
    scf.for %scan3A_438 = %scan3A_224 to %scan3A_226 step %scan3A_227  : i32 {
      %mul3A_439 = arith.constant 2 : i32
      %mul3A_440 = arith.muli %scan3A_438, %mul3A_439 : i32
      %add3A_441 = arith.constant 0 : i32
      %add3A_442 = arith.addi %mul3A_440, %add3A_441 : i32
      %mul3A_443 = arith.constant 32 : i32
      %mul3A_444 = arith.muli %add3A, %mul3A_443 : i32
      %add3A_445 = arith.addi %mul3A_444, %add3A_442 : i32
      %jit3A_446 = arith.constant 256 : i32
      %div3A_447 = arith.divsi %add3A_445, %jit3A_446 : i32
      %sign3A_448 = arith.constant 0 : i32
      %sign3A_449 = arith.cmpi sgt, %add3A_445, %sign3A_448 : i32
      %sign3A_450 = arith.extui %sign3A_449 : i1 to i32
      %sign3A_451 = arith.constant 0 : i32
      %sign3A_452 = arith.cmpi slt, %add3A_445, %sign3A_451 : i32
      %sign3A_453 = arith.extui %sign3A_452 : i1 to i32
      %sign3A_454 = arith.subi %sign3A_450, %sign3A_453 : i32
      %sign3A_455 = arith.constant 0 : i32
      %sign3A_456 = arith.cmpi sgt, %jit3A_446, %sign3A_455 : i32
      %sign3A_457 = arith.extui %sign3A_456 : i1 to i32
      %sign3A_458 = arith.constant 0 : i32
      %sign3A_459 = arith.cmpi slt, %jit3A_446, %sign3A_458 : i32
      %sign3A_460 = arith.extui %sign3A_459 : i1 to i32
      %sign3A_461 = arith.subi %sign3A_457, %sign3A_460 : i32
      %ne3A_462 = arith.cmpi ne, %sign3A_454, %sign3A_461 : i32
      %rem3A_463 = arith.remsi %add3A_445, %jit3A_446 : i32
      %ne3A_464 = arith.constant 0 : i32
      %ne3A_465 = arith.cmpi ne, %rem3A_463, %ne3A_464 : i32
      %and3A_466 = arith.andi %ne3A_462, %ne3A_465 : i1
      %sub3A_467 = arith.constant 1 : i32
      %sub3A_468 = arith.subi %div3A_447, %sub3A_467 : i32
      %select_n3A_469 = arith.select %and3A_466, %sub3A_468, %div3A_447 : i32
      %jit3A_470 = arith.constant 256 : i32
      %eq3A_471 = arith.constant 0 : i32
      %eq3A_472 = arith.cmpi eq, %jit3A_470, %eq3A_471 : i32
      %jit3A_473 = arith.constant 1 : i32
      %select_n3A_474 = arith.select %eq3A_472, %jit3A_473, %jit3A_470 : i32
      %rem3A_475 = arith.remsi %add3A_445, %select_n3A_474 : i32
      %ne3A_476 = arith.constant 0 : i32
      %ne3A_477 = arith.cmpi ne, %rem3A_475, %ne3A_476 : i32
      %lt3A_478 = arith.constant 0 : i32
      %lt3A_479 = arith.cmpi slt, %rem3A_475, %lt3A_478 : i32
      %lt3A_480 = arith.constant 0 : i32
      %lt3A_481 = arith.cmpi slt, %select_n3A_474, %lt3A_480 : i32
      %ne3A_482 = arith.xori %lt3A_479, %lt3A_481 : i1
      %and3A_483 = arith.andi %ne3A_482, %ne3A_477 : i1
      %add3A_484 = arith.addi %rem3A_475, %select_n3A_474 : i32
      %select_n3A_485 = arith.select %and3A_483, %add3A_484, %rem3A_475 : i32
      %jit3A_486 = arith.constant 16 : i32
      %div3A_487 = arith.divsi %select_n3A_485, %jit3A_486 : i32
      %sign3A_488 = arith.constant 0 : i32
      %sign3A_489 = arith.cmpi sgt, %select_n3A_485, %sign3A_488 : i32
      %sign3A_490 = arith.extui %sign3A_489 : i1 to i32
      %sign3A_491 = arith.constant 0 : i32
      %sign3A_492 = arith.cmpi slt, %select_n3A_485, %sign3A_491 : i32
      %sign3A_493 = arith.extui %sign3A_492 : i1 to i32
      %sign3A_494 = arith.subi %sign3A_490, %sign3A_493 : i32
      %sign3A_495 = arith.constant 0 : i32
      %sign3A_496 = arith.cmpi sgt, %jit3A_486, %sign3A_495 : i32
      %sign3A_497 = arith.extui %sign3A_496 : i1 to i32
      %sign3A_498 = arith.constant 0 : i32
      %sign3A_499 = arith.cmpi slt, %jit3A_486, %sign3A_498 : i32
      %sign3A_500 = arith.extui %sign3A_499 : i1 to i32
      %sign3A_501 = arith.subi %sign3A_497, %sign3A_500 : i32
      %ne3A_502 = arith.cmpi ne, %sign3A_494, %sign3A_501 : i32
      %rem3A_503 = arith.remsi %select_n3A_485, %jit3A_486 : i32
      %ne3A_504 = arith.constant 0 : i32
      %ne3A_505 = arith.cmpi ne, %rem3A_503, %ne3A_504 : i32
      %and3A_506 = arith.andi %ne3A_502, %ne3A_505 : i1
      %sub3A_507 = arith.constant 1 : i32
      %sub3A_508 = arith.subi %div3A_487, %sub3A_507 : i32
      %select_n3A_509 = arith.select %and3A_506, %sub3A_508, %div3A_487 : i32
      %jit3A_510 = arith.constant 16 : i32
      %eq3A_511 = arith.constant 0 : i32
      %eq3A_512 = arith.cmpi eq, %jit3A_510, %eq3A_511 : i32
      %jit3A_513 = arith.constant 1 : i32
      %select_n3A_514 = arith.select %eq3A_512, %jit3A_513, %jit3A_510 : i32
      %rem3A_515 = arith.remsi %select_n3A_485, %select_n3A_514 : i32
      %ne3A_516 = arith.constant 0 : i32
      %ne3A_517 = arith.cmpi ne, %rem3A_515, %ne3A_516 : i32
      %lt3A_518 = arith.constant 0 : i32
      %lt3A_519 = arith.cmpi slt, %rem3A_515, %lt3A_518 : i32
      %lt3A_520 = arith.constant 0 : i32
      %lt3A_521 = arith.cmpi slt, %select_n3A_514, %lt3A_520 : i32
      %ne3A_522 = arith.xori %lt3A_519, %lt3A_521 : i1
      %and3A_523 = arith.andi %ne3A_522, %ne3A_517 : i1
      %add3A_524 = arith.addi %rem3A_515, %select_n3A_514 : i32
      %select_n3A_525 = arith.select %and3A_523, %add3A_524, %rem3A_515 : i32
      %dma_wait3A_526 = arith.constant 0 : i32
      %dma_wait3A_527 = arith.constant 0 : i32
      %dma_wait3A_528 = arith.constant 0 : i32
      %dma_wait3A_529 = arith.constant 0 : i32
      %dma_wait3A_530 = tpu.memref_slice %arg5[%dma_wait3A_526, %dma_wait3A_527, %dma_wait3A_528, %dma_wait3A_529] : memref<2x12x3x768xf32, #tpu.memory_space<vmem>> -> memref<1x12x3x768xf32, #tpu.memory_space<vmem>>
      %dma_wait3A_531 = tpu.memref_squeeze %dma_wait3A_530 : memref<1x12x3x768xf32, #tpu.memory_space<vmem>> -> memref<12x3x768xf32, #tpu.memory_space<vmem>>
      %dma_wait3A_532 = arith.constant 0 : i32
      %dma_wait3A_533 = arith.constant 0 : i32
      %dma_wait3A_534 = arith.constant 0 : i32
      %dma_wait3A_535 = tpu.memref_slice %arg2[%select_n3A_469, %select_n3A_509, %select_n3A_525, %dma_wait3A_532, %dma_wait3A_533, %dma_wait3A_534] : memref<4x16x16x12x3x768xf32, #tpu.memory_space<hbm>> -> memref<1x1x1x12x3x768xf32, #tpu.memory_space<hbm>>
      %dma_wait3A_536 = tpu.memref_squeeze %dma_wait3A_535 : memref<1x1x1x12x3x768xf32, #tpu.memory_space<hbm>> -> memref<12x3x768xf32, #tpu.memory_space<hbm>>
      %dma_wait3A_537 = arith.constant 0 : i32
      %dma_wait3A_538 = arith.constant 0 : i32
      %dma_wait3A_539 = arith.constant 0 : i32
      %dma_wait3A_540 = tpu.memref_slice %arg5[%dma_wait3A_526, %dma_wait3A_537, %dma_wait3A_538, %dma_wait3A_539] : memref<2x12x3x768xf32, #tpu.memory_space<vmem>> -> memref<1x12x3x768xf32, #tpu.memory_space<vmem>>
      %dma_wait3A_541 = tpu.memref_squeeze %dma_wait3A_540 : memref<1x12x3x768xf32, #tpu.memory_space<vmem>> -> memref<12x3x768xf32, #tpu.memory_space<vmem>>
      %dma_wait3A_542 = arith.constant 0 : i32
      %dma_wait3A_543 = arith.constant 0 : i32
      %dma_wait3A_544 = arith.constant 0 : i32
      %dma_wait3A_545 = tpu.memref_slice %arg2[%select_n3A_469, %select_n3A_509, %select_n3A_525, %dma_wait3A_542, %dma_wait3A_543, %dma_wait3A_544] : memref<4x16x16x12x3x768xf32, #tpu.memory_space<hbm>> -> memref<1x1x1x12x3x768xf32, #tpu.memory_space<hbm>>
      %dma_wait3A_546 = tpu.memref_squeeze %dma_wait3A_545 : memref<1x1x1x12x3x768xf32, #tpu.memory_space<hbm>> -> memref<12x3x768xf32, #tpu.memory_space<hbm>>
      tpu.wait_dma2 semaphore(%arg7 : memref<!tpu.dma_semaphore, #tpu.memory_space<semaphore_mem>>) src(%dma_wait3A_546 : memref<12x3x768xf32, #tpu.memory_space<hbm>>) dst(%dma_wait3A_541 : memref<12x3x768xf32, #tpu.memory_space<vmem>>)
      %scan3A_547 = arith.constant 0 : i32
      %scan3A_548 = arith.constant 0 : i32
      %scan3A_549 = arith.constant 36 : i32
      %scan3A_550 = arith.addi %scan3A_548, %scan3A_549 : i32
      %scan3A_551 = arith.constant 1 : i32
      scf.for %scan3A_887 = %scan3A_548 to %scan3A_550 step %scan3A_551  : i32 {
        %jit3A_888 = arith.constant 3 : i32
        %div3A_889 = arith.divsi %scan3A_887, %jit3A_888 : i32
        %sign3A_890 = arith.constant 0 : i32
        %sign3A_891 = arith.cmpi sgt, %scan3A_887, %sign3A_890 : i32
        %sign3A_892 = arith.extui %sign3A_891 : i1 to i32
        %sign3A_893 = arith.constant 0 : i32
        %sign3A_894 = arith.cmpi slt, %scan3A_887, %sign3A_893 : i32
        %sign3A_895 = arith.extui %sign3A_894 : i1 to i32
        %sign3A_896 = arith.subi %sign3A_892, %sign3A_895 : i32
        %sign3A_897 = arith.constant 0 : i32
        %sign3A_898 = arith.cmpi sgt, %jit3A_888, %sign3A_897 : i32
        %sign3A_899 = arith.extui %sign3A_898 : i1 to i32
        %sign3A_900 = arith.constant 0 : i32
        %sign3A_901 = arith.cmpi slt, %jit3A_888, %sign3A_900 : i32
        %sign3A_902 = arith.extui %sign3A_901 : i1 to i32
        %sign3A_903 = arith.subi %sign3A_899, %sign3A_902 : i32
        %ne3A_904 = arith.cmpi ne, %sign3A_896, %sign3A_903 : i32
        %rem3A_905 = arith.remsi %scan3A_887, %jit3A_888 : i32
        %ne3A_906 = arith.constant 0 : i32
        %ne3A_907 = arith.cmpi ne, %rem3A_905, %ne3A_906 : i32
        %and3A_908 = arith.andi %ne3A_904, %ne3A_907 : i1
        %sub3A_909 = arith.constant 1 : i32
        %sub3A_910 = arith.subi %div3A_889, %sub3A_909 : i32
        %select_n3A_911 = arith.select %and3A_908, %sub3A_910, %div3A_889 : i32
        %jit3A_912 = arith.constant 3 : i32
        %eq3A_913 = arith.constant 0 : i32
        %eq3A_914 = arith.cmpi eq, %jit3A_912, %eq3A_913 : i32
        %jit3A_915 = arith.constant 1 : i32
        %select_n3A_916 = arith.select %eq3A_914, %jit3A_915, %jit3A_912 : i32
        %rem3A_917 = arith.remsi %scan3A_887, %select_n3A_916 : i32
        %ne3A_918 = arith.constant 0 : i32
        %ne3A_919 = arith.cmpi ne, %rem3A_917, %ne3A_918 : i32
        %lt3A_920 = arith.constant 0 : i32
        %lt3A_921 = arith.cmpi slt, %rem3A_917, %lt3A_920 : i32
        %lt3A_922 = arith.constant 0 : i32
        %lt3A_923 = arith.cmpi slt, %select_n3A_916, %lt3A_922 : i32
        %ne3A_924 = arith.xori %lt3A_921, %lt3A_923 : i1
        %and3A_925 = arith.andi %ne3A_924, %ne3A_919 : i1
        %add3A_926 = arith.addi %rem3A_917, %select_n3A_916 : i32
        %select_n3A_927 = arith.select %and3A_925, %add3A_926, %rem3A_917 : i32
        %get3A = arith.constant 0 : i32
        %get3A_928 = arith.index_cast %get3A : i32 to index
        %get3A_929 = arith.index_cast %select_n3A_911 : i32 to index
        %get3A_930 = arith.index_cast %select_n3A_927 : i32 to index
        %get3A_931 = arith.constant 0 : index
        %get3A_932 = tpu.vector_load %arg5[%get3A_928, %get3A_929, %get3A_930, %get3A_931] {strides = array<i32>} : memref<2x12x3x768xf32, #tpu.memory_space<vmem>>, vector<1x1x1x16xf32>,
        %get3A_933 = vector.shape_cast %get3A_932 : vector<1x1x1x16xf32> to vector<16xf32>
        %get3A_934 = arith.index_cast %select_n3A_911 : i32 to index
        %get3A_935 = arith.index_cast %select_n3A_927 : i32 to index
        %get3A_936 = arith.constant 0 : index
        %get3A_937 = tpu.vector_load %arg6[%get3A_934, %get3A_935, %get3A_936] {strides = array<i32>} : memref<12x3x768xf32, #tpu.memory_space<vmem>>, vector<1x1x16xf32>,
        %get3A_938 = vector.shape_cast %get3A_937 : vector<1x1x16xf32> to vector<16xf32>
        %add3A_939 = arith.addf %get3A_933, %get3A_938 : vector<16xf32>
        %swap3A = arith.constant 0 : i32
        %swap3A_940 = arith.index_cast %swap3A : i32 to index
        %swap3A_941 = arith.index_cast %select_n3A_911 : i32 to index
        %swap3A_942 = arith.index_cast %select_n3A_927 : i32 to index
        %swap3A_943 = arith.constant 0 : index
        %swap3A_944 = tpu.vector_load %arg5[%swap3A_940, %swap3A_941, %swap3A_942, %swap3A_943] {strides = array<i32>} : memref<2x12x3x768xf32, #tpu.memory_space<vmem>>, vector<1x1x1x16xf32>,
        %swap3A_945 = vector.shape_cast %swap3A_944 : vector<1x1x1x16xf32> to vector<16xf32>
        %swap3A_946 = vector.shape_cast %add3A_939 : vector<16xf32> to vector<1x1x1x16xf32>
        tpu.vector_store %arg5[%swap3A_940, %swap3A_941, %swap3A_942, %swap3A_943], %swap3A_946 {strides = array<i32>} : memref<2x12x3x768xf32, #tpu.memory_space<vmem>>, vector<1x1x1x16xf32>,
        %get3A_947 = arith.constant 0 : i32
        %get3A_948 = arith.index_cast %get3A_947 : i32 to index
        %get3A_949 = arith.index_cast %select_n3A_911 : i32 to index
        %get3A_950 = arith.index_cast %select_n3A_927 : i32 to index
        %get3A_951 = arith.constant 16 : index
        %get3A_952 = tpu.vector_load %arg5[%get3A_948, %get3A_949, %get3A_950, %get3A_951] {strides = array<i32>} : memref<2x12x3x768xf32, #tpu.memory_space<vmem>>, vector<1x1x1x16xf32>,
        %get3A_953 = vector.shape_cast %get3A_952 : vector<1x1x1x16xf32> to vector<16xf32>
        %get3A_954 = arith.index_cast %select_n3A_911 : i32 to index
        %get3A_955 = arith.index_cast %select_n3A_927 : i32 to index
        %get3A_956 = arith.constant 16 : index
        %get3A_957 = tpu.vector_load %arg6[%get3A_954, %get3A_955, %get3A_956] {strides = array<i32>} : memref<12x3x768xf32, #tpu.memory_space<vmem>>, vector<1x1x16xf32>,
        %get3A_958 = vector.shape_cast %get3A_957 : vector<1x1x16xf32> to vector<16xf32>
        %add3A_959 = arith.addf %get3A_953, %get3A_958 : vector<16xf32>
        %swap3A_960 = arith.constant 0 : i32
        %swap3A_961 = arith.index_cast %swap3A_960 : i32 to index
        %swap3A_962 = arith.index_cast %select_n3A_911 : i32 to index
        %swap3A_963 = arith.index_cast %select_n3A_927 : i32 to index
        %swap3A_964 = arith.constant 16 : index
        %swap3A_965 = tpu.vector_load %arg5[%swap3A_961, %swap3A_962, %swap3A_963, %swap3A_964] {strides = array<i32>} : memref<2x12x3x768xf32, #tpu.memory_space<vmem>>, vector<1x1x1x16xf32>,
        %swap3A_966 = vector.shape_cast %swap3A_965 : vector<1x1x1x16xf32> to vector<16xf32>
        %swap3A_967 = vector.shape_cast %add3A_959 : vector<16xf32> to vector<1x1x1x16xf32>
        tpu.vector_store %arg5[%swap3A_961, %swap3A_962, %swap3A_963, %swap3A_964], %swap3A_967 {strides = array<i32>} : memref<2x12x3x768xf32, #tpu.memory_space<vmem>>, vector<1x1x1x16xf32>,
        %get3A_968 = arith.constant 0 : i32
        %get3A_969 = arith.index_cast %get3A_968 : i32 to index
        %get3A_970 = arith.index_cast %select_n3A_911 : i32 to index
        %get3A_971 = arith.index_cast %select_n3A_927 : i32 to index
        %get3A_972 = arith.constant 32 : index
        %get3A_973 = tpu.vector_load %arg5[%get3A_969, %get3A_970, %get3A_971, %get3A_972] {strides = array<i32>} : memref<2x12x3x768xf32, #tpu.memory_space<vmem>>, vector<1x1x1x16xf32>,
        %get3A_974 = vector.shape_cast %get3A_973 : vector<1x1x1x16xf32> to vector<16xf32>
        %get3A_975 = arith.index_cast %select_n3A_911 : i32 to index
        %get3A_976 = arith.index_cast %select_n3A_927 : i32 to index
        %get3A_977 = arith.constant 32 : index
        %get3A_978 = tpu.vector_load %arg6[%get3A_975, %get3A_976, %get3A_977] {strides = array<i32>} : memref<12x3x768xf32, #tpu.memory_space<vmem>>, vector<1x1x16xf32>,
        %get3A_979 = vector.shape_cast %get3A_978 : vector<1x1x16xf32> to vector<16xf32>
        %add3A_980 = arith.addf %get3A_974, %get3A_979 : vector<16xf32>
        %swap3A_981 = arith.constant 0 : i32
        %swap3A_982 = arith.index_cast %swap3A_981 : i32 to index
        %swap3A_983 = arith.index_cast %select_n3A_911 : i32 to index
        %swap3A_984 = arith.index_cast %select_n3A_927 : i32 to index
        %swap3A_985 = arith.constant 32 : index
        %swap3A_986 = tpu.vector_load %arg5[%swap3A_982, %swap3A_983, %swap3A_984, %swap3A_985] {strides = array<i32>} : memref<2x12x3x768xf32, #tpu.memory_space<vmem>>, vector<1x1x1x16xf32>,
        %swap3A_987 = vector.shape_cast %swap3A_986 : vector<1x1x1x16xf32> to vector<16xf32>
        %swap3A_988 = vector.shape_cast %add3A_980 : vector<16xf32> to vector<1x1x1x16xf32>
        tpu.vector_store %arg5[%swap3A_982, %swap3A_983, %swap3A_984, %swap3A_985], %swap3A_988 {strides = array<i32>} : memref<2x12x3x768xf32, #tpu.memory_space<vmem>>, vector<1x1x1x16xf32>,
        %get3A_989 = arith.constant 0 : i32
        %get3A_990 = arith.index_cast %get3A_989 : i32 to index
        %get3A_991 = arith.index_cast %select_n3A_911 : i32 to index
        %get3A_992 = arith.index_cast %select_n3A_927 : i32 to index
        %get3A_993 = arith.constant 48 : index
        %get3A_994 = tpu.vector_load %arg5[%get3A_990, %get3A_991, %get3A_992, %get3A_993] {strides = array<i32>} : memref<2x12x3x768xf32, #tpu.memory_space<vmem>>, vector<1x1x1x16xf32>,
        %get3A_995 = vector.shape_cast %get3A_994 : vector<1x1x1x16xf32> to vector<16xf32>
        %get3A_996 = arith.index_cast %select_n3A_911 : i32 to index
        %get3A_997 = arith.index_cast %select_n3A_927 : i32 to index
        %get3A_998 = arith.constant 48 : index
        %get3A_999 = tpu.vector_load %arg6[%get3A_996, %get3A_997, %get3A_998] {strides = array<i32>} : memref<12x3x768xf32, #tpu.memory_space<vmem>>, vector<1x1x16xf32>,
        %get3A_1000 = vector.shape_cast %get3A_999 : vector<1x1x16xf32> to vector<16xf32>
        %add3A_1001 = arith.addf %get3A_995, %get3A_1000 : vector<16xf32>
        %swap3A_1002 = arith.constant 0 : i32
        %swap3A_1003 = arith.index_cast %swap3A_1002 : i32 to index
        %swap3A_1004 = arith.index_cast %select_n3A_911 : i32 to index
        %swap3A_1005 = arith.index_cast %select_n3A_927 : i32 to index
        %swap3A_1006 = arith.constant 48 : index
        %swap3A_1007 = tpu.vector_load %arg5[%swap3A_1003, %swap3A_1004, %swap3A_1005, %swap3A_1006] {strides = array<i32>} : memref<2x12x3x768xf32, #tpu.memory_space<vmem>>, vector<1x1x1x16xf32>,
        %swap3A_1008 = vector.shape_cast %swap3A_1007 : vector<1x1x1x16xf32> to vector<16xf32>
        %swap3A_1009 = vector.shape_cast %add3A_1001 : vector<16xf32> to vector<1x1x1x16xf32>
        tpu.vector_store %arg5[%swap3A_1003, %swap3A_1004, %swap3A_1005, %swap3A_1006], %swap3A_1009 {strides = array<i32>} : memref<2x12x3x768xf32, #tpu.memory_space<vmem>>, vector<1x1x1x16xf32>,
        %get3A_1010 = arith.constant 0 : i32
        %get3A_1011 = arith.index_cast %get3A_1010 : i32 to index
        %get3A_1012 = arith.index_cast %select_n3A_911 : i32 to index
        %get3A_1013 = arith.index_cast %select_n3A_927 : i32 to index
        %get3A_1014 = arith.constant 64 : index
        %get3A_1015 = tpu.vector_load %arg5[%get3A_1011, %get3A_1012, %get3A_1013, %get3A_1014] {strides = array<i32>} : memref<2x12x3x768xf32, #tpu.memory_space<vmem>>, vector<1x1x1x16xf32>,
        %get3A_1016 = vector.shape_cast %get3A_1015 : vector<1x1x1x16xf32> to vector<16xf32>
        %get3A_1017 = arith.index_cast %select_n3A_911 : i32 to index
        %get3A_1018 = arith.index_cast %select_n3A_927 : i32 to index
        %get3A_1019 = arith.constant 64 : index
        %get3A_1020 = tpu.vector_load %arg6[%get3A_1017, %get3A_1018, %get3A_1019] {strides = array<i32>} : memref<12x3x768xf32, #tpu.memory_space<vmem>>, vector<1x1x16xf32>,
        %get3A_1021 = vector.shape_cast %get3A_1020 : vector<1x1x16xf32> to vector<16xf32>
        %add3A_1022 = arith.addf %get3A_1016, %get3A_1021 : vector<16xf32>
        %swap3A_1023 = arith.constant 0 : i32
        %swap3A_1024 = arith.index_cast %swap3A_1023 : i32 to index
        %swap3A_1025 = arith.index_cast %select_n3A_911 : i32 to index
        %swap3A_1026 = arith.index_cast %select_n3A_927 : i32 to index
        %swap3A_1027 = arith.constant 64 : index
        %swap3A_1028 = tpu.vector_load %arg5[%swap3A_1024, %swap3A_1025, %swap3A_1026, %swap3A_1027] {strides = array<i32>} : memref<2x12x3x768xf32, #tpu.memory_space<vmem>>, vector<1x1x1x16xf32>,
        %swap3A_1029 = vector.shape_cast %swap3A_1028 : vector<1x1x1x16xf32> to vector<16xf32>
        %swap3A_1030 = vector.shape_cast %add3A_1022 : vector<16xf32> to vector<1x1x1x16xf32>
        tpu.vector_store %arg5[%swap3A_1024, %swap3A_1025, %swap3A_1026, %swap3A_1027], %swap3A_1030 {strides = array<i32>} : memref<2x12x3x768xf32, #tpu.memory_space<vmem>>, vector<1x1x1x16xf32>,
        %get3A_1031 = arith.constant 0 : i32
        %get3A_1032 = arith.index_cast %get3A_1031 : i32 to index
        %get3A_1033 = arith.index_cast %select_n3A_911 : i32 to index
        %get3A_1034 = arith.index_cast %select_n3A_927 : i32 to index
        %get3A_1035 = arith.constant 80 : index
        %get3A_1036 = tpu.vector_load %arg5[%get3A_1032, %get3A_1033, %get3A_1034, %get3A_1035] {strides = array<i32>} : memref<2x12x3x768xf32, #tpu.memory_space<vmem>>, vector<1x1x1x16xf32>,
        %get3A_1037 = vector.shape_cast %get3A_1036 : vector<1x1x1x16xf32> to vector<16xf32>
        %get3A_1038 = arith.index_cast %select_n3A_911 : i32 to index
        %get3A_1039 = arith.index_cast %select_n3A_927 : i32 to index
        %get3A_1040 = arith.constant 80 : index
        %get3A_1041 = tpu.vector_load %arg6[%get3A_1038, %get3A_1039, %get3A_1040] {strides = array<i32>} : memref<12x3x768xf32, #tpu.memory_space<vmem>>, vector<1x1x16xf32>,
        %get3A_1042 = vector.shape_cast %get3A_1041 : vector<1x1x16xf32> to vector<16xf32>
        %add3A_1043 = arith.addf %get3A_1037, %get3A_1042 : vector<16xf32>
        %swap3A_1044 = arith.constant 0 : i32
        %swap3A_1045 = arith.index_cast %swap3A_1044 : i32 to index
        %swap3A_1046 = arith.index_cast %select_n3A_911 : i32 to index
        %swap3A_1047 = arith.index_cast %select_n3A_927 : i32 to index
        %swap3A_1048 = arith.constant 80 : index
        %swap3A_1049 = tpu.vector_load %arg5[%swap3A_1045, %swap3A_1046, %swap3A_1047, %swap3A_1048] {strides = array<i32>} : memref<2x12x3x768xf32, #tpu.memory_space<vmem>>, vector<1x1x1x16xf32>,
        %swap3A_1050 = vector.shape_cast %swap3A_1049 : vector<1x1x1x16xf32> to vector<16xf32>
        %swap3A_1051 = vector.shape_cast %add3A_1043 : vector<16xf32> to vector<1x1x1x16xf32>
        tpu.vector_store %arg5[%swap3A_1045, %swap3A_1046, %swap3A_1047, %swap3A_1048], %swap3A_1051 {strides = array<i32>} : memref<2x12x3x768xf32, #tpu.memory_space<vmem>>, vector<1x1x1x16xf32>,
        %get3A_1052 = arith.constant 0 : i32
        %get3A_1053 = arith.index_cast %get3A_1052 : i32 to index
        %get3A_1054 = arith.index_cast %select_n3A_911 : i32 to index
        %get3A_1055 = arith.index_cast %select_n3A_927 : i32 to index
        %get3A_1056 = arith.constant 96 : index
        %get3A_1057 = tpu.vector_load %arg5[%get3A_1053, %get3A_1054, %get3A_1055, %get3A_1056] {strides = array<i32>} : memref<2x12x3x768xf32, #tpu.memory_space<vmem>>, vector<1x1x1x16xf32>,
        %get3A_1058 = vector.shape_cast %get3A_1057 : vector<1x1x1x16xf32> to vector<16xf32>
        %get3A_1059 = arith.index_cast %select_n3A_911 : i32 to index
        %get3A_1060 = arith.index_cast %select_n3A_927 : i32 to index
        %get3A_1061 = arith.constant 96 : index
        %get3A_1062 = tpu.vector_load %arg6[%get3A_1059, %get3A_1060, %get3A_1061] {strides = array<i32>} : memref<12x3x768xf32, #tpu.memory_space<vmem>>, vector<1x1x16xf32>,
        %get3A_1063 = vector.shape_cast %get3A_1062 : vector<1x1x16xf32> to vector<16xf32>
        %add3A_1064 = arith.addf %get3A_1058, %get3A_1063 : vector<16xf32>
        %swap3A_1065 = arith.constant 0 : i32
        %swap3A_1066 = arith.index_cast %swap3A_1065 : i32 to index
        %swap3A_1067 = arith.index_cast %select_n3A_911 : i32 to index
        %swap3A_1068 = arith.index_cast %select_n3A_927 : i32 to index
        %swap3A_1069 = arith.constant 96 : index
        %swap3A_1070 = tpu.vector_load %arg5[%swap3A_1066, %swap3A_1067, %swap3A_1068, %swap3A_1069] {strides = array<i32>} : memref<2x12x3x768xf32, #tpu.memory_space<vmem>>, vector<1x1x1x16xf32>,
        %swap3A_1071 = vector.shape_cast %swap3A_1070 : vector<1x1x1x16xf32> to vector<16xf32>
        %swap3A_1072 = vector.shape_cast %add3A_1064 : vector<16xf32> to vector<1x1x1x16xf32>
        tpu.vector_store %arg5[%swap3A_1066, %swap3A_1067, %swap3A_1068, %swap3A_1069], %swap3A_1072 {strides = array<i32>} : memref<2x12x3x768xf32, #tpu.memory_space<vmem>>, vector<1x1x1x16xf32>,
        %get3A_1073 = arith.constant 0 : i32
        %get3A_1074 = arith.index_cast %get3A_1073 : i32 to index
        %get3A_1075 = arith.index_cast %select_n3A_911 : i32 to index
        %get3A_1076 = arith.index_cast %select_n3A_927 : i32 to index
        %get3A_1077 = arith.constant 112 : index
        %get3A_1078 = tpu.vector_load %arg5[%get3A_1074, %get3A_1075, %get3A_1076, %get3A_1077] {strides = array<i32>} : memref<2x12x3x768xf32, #tpu.memory_space<vmem>>, vector<1x1x1x16xf32>,
        %get3A_1079 = vector.shape_cast %get3A_1078 : vector<1x1x1x16xf32> to vector<16xf32>
        %get3A_1080 = arith.index_cast %select_n3A_911 : i32 to index
        %get3A_1081 = arith.index_cast %select_n3A_927 : i32 to index
        %get3A_1082 = arith.constant 112 : index
        %get3A_1083 = tpu.vector_load %arg6[%get3A_1080, %get3A_1081, %get3A_1082] {strides = array<i32>} : memref<12x3x768xf32, #tpu.memory_space<vmem>>, vector<1x1x16xf32>,
        %get3A_1084 = vector.shape_cast %get3A_1083 : vector<1x1x16xf32> to vector<16xf32>
        %add3A_1085 = arith.addf %get3A_1079, %get3A_1084 : vector<16xf32>
        %swap3A_1086 = arith.constant 0 : i32
        %swap3A_1087 = arith.index_cast %swap3A_1086 : i32 to index
        %swap3A_1088 = arith.index_cast %select_n3A_911 : i32 to index
        %swap3A_1089 = arith.index_cast %select_n3A_927 : i32 to index
        %swap3A_1090 = arith.constant 112 : index
        %swap3A_1091 = tpu.vector_load %arg5[%swap3A_1087, %swap3A_1088, %swap3A_1089, %swap3A_1090] {strides = array<i32>} : memref<2x12x3x768xf32, #tpu.memory_space<vmem>>, vector<1x1x1x16xf32>,
        %swap3A_1092 = vector.shape_cast %swap3A_1091 : vector<1x1x1x16xf32> to vector<16xf32>
        %swap3A_1093 = vector.shape_cast %add3A_1085 : vector<16xf32> to vector<1x1x1x16xf32>
        tpu.vector_store %arg5[%swap3A_1087, %swap3A_1088, %swap3A_1089, %swap3A_1090], %swap3A_1093 {strides = array<i32>} : memref<2x12x3x768xf32, #tpu.memory_space<vmem>>, vector<1x1x1x16xf32>,
        %get3A_1094 = arith.constant 0 : i32
        %get3A_1095 = arith.index_cast %get3A_1094 : i32 to index
        %get3A_1096 = arith.index_cast %select_n3A_911 : i32 to index
        %get3A_1097 = arith.index_cast %select_n3A_927 : i32 to index
        %get3A_1098 = arith.constant 128 : index
        %get3A_1099 = tpu.vector_load %arg5[%get3A_1095, %get3A_1096, %get3A_1097, %get3A_1098] {strides = array<i32>} : memref<2x12x3x768xf32, #tpu.memory_space<vmem>>, vector<1x1x1x16xf32>,
        %get3A_1100 = vector.shape_cast %get3A_1099 : vector<1x1x1x16xf32> to vector<16xf32>
        %get3A_1101 = arith.index_cast %select_n3A_911 : i32 to index
        %get3A_1102 = arith.index_cast %select_n3A_927 : i32 to index
        %get3A_1103 = arith.constant 128 : index
        %get3A_1104 = tpu.vector_load %arg6[%get3A_1101, %get3A_1102, %get3A_1103] {strides = array<i32>} : memref<12x3x768xf32, #tpu.memory_space<vmem>>, vector<1x1x16xf32>,
        %get3A_1105 = vector.shape_cast %get3A_1104 : vector<1x1x16xf32> to vector<16xf32>
        %add3A_1106 = arith.addf %get3A_1100, %get3A_1105 : vector<16xf32>
        %swap3A_1107 = arith.constant 0 : i32
        %swap3A_1108 = arith.index_cast %swap3A_1107 : i32 to index
        %swap3A_1109 = arith.index_cast %select_n3A_911 : i32 to index
        %swap3A_1110 = arith.index_cast %select_n3A_927 : i32 to index
        %swap3A_1111 = arith.constant 128 : index
        %swap3A_1112 = tpu.vector_load %arg5[%swap3A_1108, %swap3A_1109, %swap3A_1110, %swap3A_1111] {strides = array<i32>} : memref<2x12x3x768xf32, #tpu.memory_space<vmem>>, vector<1x1x1x16xf32>,
        %swap3A_1113 = vector.shape_cast %swap3A_1112 : vector<1x1x1x16xf32> to vector<16xf32>
        %swap3A_1114 = vector.shape_cast %add3A_1106 : vector<16xf32> to vector<1x1x1x16xf32>
        tpu.vector_store %arg5[%swap3A_1108, %swap3A_1109, %swap3A_1110, %swap3A_1111], %swap3A_1114 {strides = array<i32>} : memref<2x12x3x768xf32, #tpu.memory_space<vmem>>, vector<1x1x1x16xf32>,
        %get3A_1115 = arith.constant 0 : i32
        %get3A_1116 = arith.index_cast %get3A_1115 : i32 to index
        %get3A_1117 = arith.index_cast %select_n3A_911 : i32 to index
        %get3A_1118 = arith.index_cast %select_n3A_927 : i32 to index
        %get3A_1119 = arith.constant 144 : index
        %get3A_1120 = tpu.vector_load %arg5[%get3A_1116, %get3A_1117, %get3A_1118, %get3A_1119] {strides = array<i32>} : memref<2x12x3x768xf32, #tpu.memory_space<vmem>>, vector<1x1x1x16xf32>,
        %get3A_1121 = vector.shape_cast %get3A_1120 : vector<1x1x1x16xf32> to vector<16xf32>
        %get3A_1122 = arith.index_cast %select_n3A_911 : i32 to index
        %get3A_1123 = arith.index_cast %select_n3A_927 : i32 to index
        %get3A_1124 = arith.constant 144 : index
        %get3A_1125 = tpu.vector_load %arg6[%get3A_1122, %get3A_1123, %get3A_1124] {strides = array<i32>} : memref<12x3x768xf32, #tpu.memory_space<vmem>>, vector<1x1x16xf32>,
        %get3A_1126 = vector.shape_cast %get3A_1125 : vector<1x1x16xf32> to vector<16xf32>
        %add3A_1127 = arith.addf %get3A_1121, %get3A_1126 : vector<16xf32>
        %swap3A_1128 = arith.constant 0 : i32
        %swap3A_1129 = arith.index_cast %swap3A_1128 : i32 to index
        %swap3A_1130 = arith.index_cast %select_n3A_911 : i32 to index
        %swap3A_1131 = arith.index_cast %select_n3A_927 : i32 to index
        %swap3A_1132 = arith.constant 144 : index
        %swap3A_1133 = tpu.vector_load %arg5[%swap3A_1129, %swap3A_1130, %swap3A_1131, %swap3A_1132] {strides = array<i32>} : memref<2x12x3x768xf32, #tpu.memory_space<vmem>>, vector<1x1x1x16xf32>,
        %swap3A_1134 = vector.shape_cast %swap3A_1133 : vector<1x1x1x16xf32> to vector<16xf32>
        %swap3A_1135 = vector.shape_cast %add3A_1127 : vector<16xf32> to vector<1x1x1x16xf32>
        tpu.vector_store %arg5[%swap3A_1129, %swap3A_1130, %swap3A_1131, %swap3A_1132], %swap3A_1135 {strides = array<i32>} : memref<2x12x3x768xf32, #tpu.memory_space<vmem>>, vector<1x1x1x16xf32>,
        %get3A_1136 = arith.constant 0 : i32
        %get3A_1137 = arith.index_cast %get3A_1136 : i32 to index
        %get3A_1138 = arith.index_cast %select_n3A_911 : i32 to index
        %get3A_1139 = arith.index_cast %select_n3A_927 : i32 to index
        %get3A_1140 = arith.constant 160 : index
        %get3A_1141 = tpu.vector_load %arg5[%get3A_1137, %get3A_1138, %get3A_1139, %get3A_1140] {strides = array<i32>} : memref<2x12x3x768xf32, #tpu.memory_space<vmem>>, vector<1x1x1x16xf32>,
        %get3A_1142 = vector.shape_cast %get3A_1141 : vector<1x1x1x16xf32> to vector<16xf32>
        %get3A_1143 = arith.index_cast %select_n3A_911 : i32 to index
        %get3A_1144 = arith.index_cast %select_n3A_927 : i32 to index
        %get3A_1145 = arith.constant 160 : index
        %get3A_1146 = tpu.vector_load %arg6[%get3A_1143, %get3A_1144, %get3A_1145] {strides = array<i32>} : memref<12x3x768xf32, #tpu.memory_space<vmem>>, vector<1x1x16xf32>,
        %get3A_1147 = vector.shape_cast %get3A_1146 : vector<1x1x16xf32> to vector<16xf32>
        %add3A_1148 = arith.addf %get3A_1142, %get3A_1147 : vector<16xf32>
        %swap3A_1149 = arith.constant 0 : i32
        %swap3A_1150 = arith.index_cast %swap3A_1149 : i32 to index
        %swap3A_1151 = arith.index_cast %select_n3A_911 : i32 to index
        %swap3A_1152 = arith.index_cast %select_n3A_927 : i32 to index
        %swap3A_1153 = arith.constant 160 : index
        %swap3A_1154 = tpu.vector_load %arg5[%swap3A_1150, %swap3A_1151, %swap3A_1152, %swap3A_1153] {strides = array<i32>} : memref<2x12x3x768xf32, #tpu.memory_space<vmem>>, vector<1x1x1x16xf32>,
        %swap3A_1155 = vector.shape_cast %swap3A_1154 : vector<1x1x1x16xf32> to vector<16xf32>
        %swap3A_1156 = vector.shape_cast %add3A_1148 : vector<16xf32> to vector<1x1x1x16xf32>
        tpu.vector_store %arg5[%swap3A_1150, %swap3A_1151, %swap3A_1152, %swap3A_1153], %swap3A_1156 {strides = array<i32>} : memref<2x12x3x768xf32, #tpu.memory_space<vmem>>, vector<1x1x1x16xf32>,
        %get3A_1157 = arith.constant 0 : i32
        %get3A_1158 = arith.index_cast %get3A_1157 : i32 to index
        %get3A_1159 = arith.index_cast %select_n3A_911 : i32 to index
        %get3A_1160 = arith.index_cast %select_n3A_927 : i32 to index
        %get3A_1161 = arith.constant 176 : index
        %get3A_1162 = tpu.vector_load %arg5[%get3A_1158, %get3A_1159, %get3A_1160, %get3A_1161] {strides = array<i32>} : memref<2x12x3x768xf32, #tpu.memory_space<vmem>>, vector<1x1x1x16xf32>,
        %get3A_1163 = vector.shape_cast %get3A_1162 : vector<1x1x1x16xf32> to vector<16xf32>
        %get3A_1164 = arith.index_cast %select_n3A_911 : i32 to index
        %get3A_1165 = arith.index_cast %select_n3A_927 : i32 to index
        %get3A_1166 = arith.constant 176 : index
        %get3A_1167 = tpu.vector_load %arg6[%get3A_1164, %get3A_1165, %get3A_1166] {strides = array<i32>} : memref<12x3x768xf32, #tpu.memory_space<vmem>>, vector<1x1x16xf32>,
        %get3A_1168 = vector.shape_cast %get3A_1167 : vector<1x1x16xf32> to vector<16xf32>
        %add3A_1169 = arith.addf %get3A_1163, %get3A_1168 : vector<16xf32>
        %swap3A_1170 = arith.constant 0 : i32
        %swap3A_1171 = arith.index_cast %swap3A_1170 : i32 to index
        %swap3A_1172 = arith.index_cast %select_n3A_911 : i32 to index
        %swap3A_1173 = arith.index_cast %select_n3A_927 : i32 to index
        %swap3A_1174 = arith.constant 176 : index
        %swap3A_1175 = tpu.vector_load %arg5[%swap3A_1171, %swap3A_1172, %swap3A_1173, %swap3A_1174] {strides = array<i32>} : memref<2x12x3x768xf32, #tpu.memory_space<vmem>>, vector<1x1x1x16xf32>,
        %swap3A_1176 = vector.shape_cast %swap3A_1175 : vector<1x1x1x16xf32> to vector<16xf32>
        %swap3A_1177 = vector.shape_cast %add3A_1169 : vector<16xf32> to vector<1x1x1x16xf32>
        tpu.vector_store %arg5[%swap3A_1171, %swap3A_1172, %swap3A_1173, %swap3A_1174], %swap3A_1177 {strides = array<i32>} : memref<2x12x3x768xf32, #tpu.memory_space<vmem>>, vector<1x1x1x16xf32>,
        %get3A_1178 = arith.constant 0 : i32
        %get3A_1179 = arith.index_cast %get3A_1178 : i32 to index
        %get3A_1180 = arith.index_cast %select_n3A_911 : i32 to index
        %get3A_1181 = arith.index_cast %select_n3A_927 : i32 to index
        %get3A_1182 = arith.constant 192 : index
        %get3A_1183 = tpu.vector_load %arg5[%get3A_1179, %get3A_1180, %get3A_1181, %get3A_1182] {strides = array<i32>} : memref<2x12x3x768xf32, #tpu.memory_space<vmem>>, vector<1x1x1x16xf32>,
        %get3A_1184 = vector.shape_cast %get3A_1183 : vector<1x1x1x16xf32> to vector<16xf32>
        %get3A_1185 = arith.index_cast %select_n3A_911 : i32 to index
        %get3A_1186 = arith.index_cast %select_n3A_927 : i32 to index
        %get3A_1187 = arith.constant 192 : index
        %get3A_1188 = tpu.vector_load %arg6[%get3A_1185, %get3A_1186, %get3A_1187] {strides = array<i32>} : memref<12x3x768xf32, #tpu.memory_space<vmem>>, vector<1x1x16xf32>,
        %get3A_1189 = vector.shape_cast %get3A_1188 : vector<1x1x16xf32> to vector<16xf32>
        %add3A_1190 = arith.addf %get3A_1184, %get3A_1189 : vector<16xf32>
        %swap3A_1191 = arith.constant 0 : i32
        %swap3A_1192 = arith.index_cast %swap3A_1191 : i32 to index
        %swap3A_1193 = arith.index_cast %select_n3A_911 : i32 to index
        %swap3A_1194 = arith.index_cast %select_n3A_927 : i32 to index
        %swap3A_1195 = arith.constant 192 : index
        %swap3A_1196 = tpu.vector_load %arg5[%swap3A_1192, %swap3A_1193, %swap3A_1194, %swap3A_1195] {strides = array<i32>} : memref<2x12x3x768xf32, #tpu.memory_space<vmem>>, vector<1x1x1x16xf32>,
        %swap3A_1197 = vector.shape_cast %swap3A_1196 : vector<1x1x1x16xf32> to vector<16xf32>
        %swap3A_1198 = vector.shape_cast %add3A_1190 : vector<16xf32> to vector<1x1x1x16xf32>
        tpu.vector_store %arg5[%swap3A_1192, %swap3A_1193, %swap3A_1194, %swap3A_1195], %swap3A_1198 {strides = array<i32>} : memref<2x12x3x768xf32, #tpu.memory_space<vmem>>, vector<1x1x1x16xf32>,
        %get3A_1199 = arith.constant 0 : i32
        %get3A_1200 = arith.index_cast %get3A_1199 : i32 to index
        %get3A_1201 = arith.index_cast %select_n3A_911 : i32 to index
        %get3A_1202 = arith.index_cast %select_n3A_927 : i32 to index
        %get3A_1203 = arith.constant 208 : index
        %get3A_1204 = tpu.vector_load %arg5[%get3A_1200, %get3A_1201, %get3A_1202, %get3A_1203] {strides = array<i32>} : memref<2x12x3x768xf32, #tpu.memory_space<vmem>>, vector<1x1x1x16xf32>,
        %get3A_1205 = vector.shape_cast %get3A_1204 : vector<1x1x1x16xf32> to vector<16xf32>
        %get3A_1206 = arith.index_cast %select_n3A_911 : i32 to index
        %get3A_1207 = arith.index_cast %select_n3A_927 : i32 to index
        %get3A_1208 = arith.constant 208 : index
        %get3A_1209 = tpu.vector_load %arg6[%get3A_1206, %get3A_1207, %get3A_1208] {strides = array<i32>} : memref<12x3x768xf32, #tpu.memory_space<vmem>>, vector<1x1x16xf32>,
        %get3A_1210 = vector.shape_cast %get3A_1209 : vector<1x1x16xf32> to vector<16xf32>
        %add3A_1211 = arith.addf %get3A_1205, %get3A_1210 : vector<16xf32>
        %swap3A_1212 = arith.constant 0 : i32
        %swap3A_1213 = arith.index_cast %swap3A_1212 : i32 to index
        %swap3A_1214 = arith.index_cast %select_n3A_911 : i32 to index
        %swap3A_1215 = arith.index_cast %select_n3A_927 : i32 to index
        %swap3A_1216 = arith.constant 208 : index
        %swap3A_1217 = tpu.vector_load %arg5[%swap3A_1213, %swap3A_1214, %swap3A_1215, %swap3A_1216] {strides = array<i32>} : memref<2x12x3x768xf32, #tpu.memory_space<vmem>>, vector<1x1x1x16xf32>,
        %swap3A_1218 = vector.shape_cast %swap3A_1217 : vector<1x1x1x16xf32> to vector<16xf32>
        %swap3A_1219 = vector.shape_cast %add3A_1211 : vector<16xf32> to vector<1x1x1x16xf32>
        tpu.vector_store %arg5[%swap3A_1213, %swap3A_1214, %swap3A_1215, %swap3A_1216], %swap3A_1219 {strides = array<i32>} : memref<2x12x3x768xf32, #tpu.memory_space<vmem>>, vector<1x1x1x16xf32>,
        %get3A_1220 = arith.constant 0 : i32
        %get3A_1221 = arith.index_cast %get3A_1220 : i32 to index
        %get3A_1222 = arith.index_cast %select_n3A_911 : i32 to index
        %get3A_1223 = arith.index_cast %select_n3A_927 : i32 to index
        %get3A_1224 = arith.constant 224 : index
        %get3A_1225 = tpu.vector_load %arg5[%get3A_1221, %get3A_1222, %get3A_1223, %get3A_1224] {strides = array<i32>} : memref<2x12x3x768xf32, #tpu.memory_space<vmem>>, vector<1x1x1x16xf32>,
        %get3A_1226 = vector.shape_cast %get3A_1225 : vector<1x1x1x16xf32> to vector<16xf32>
        %get3A_1227 = arith.index_cast %select_n3A_911 : i32 to index
        %get3A_1228 = arith.index_cast %select_n3A_927 : i32 to index
        %get3A_1229 = arith.constant 224 : index
        %get3A_1230 = tpu.vector_load %arg6[%get3A_1227, %get3A_1228, %get3A_1229] {strides = array<i32>} : memref<12x3x768xf32, #tpu.memory_space<vmem>>, vector<1x1x16xf32>,
        %get3A_1231 = vector.shape_cast %get3A_1230 : vector<1x1x16xf32> to vector<16xf32>
        %add3A_1232 = arith.addf %get3A_1226, %get3A_1231 : vector<16xf32>
        %swap3A_1233 = arith.constant 0 : i32
        %swap3A_1234 = arith.index_cast %swap3A_1233 : i32 to index
        %swap3A_1235 = arith.index_cast %select_n3A_911 : i32 to index
        %swap3A_1236 = arith.index_cast %select_n3A_927 : i32 to index
        %swap3A_1237 = arith.constant 224 : index
        %swap3A_1238 = tpu.vector_load %arg5[%swap3A_1234, %swap3A_1235, %swap3A_1236, %swap3A_1237] {strides = array<i32>} : memref<2x12x3x768xf32, #tpu.memory_space<vmem>>, vector<1x1x1x16xf32>,
        %swap3A_1239 = vector.shape_cast %swap3A_1238 : vector<1x1x1x16xf32> to vector<16xf32>
        %swap3A_1240 = vector.shape_cast %add3A_1232 : vector<16xf32> to vector<1x1x1x16xf32>
        tpu.vector_store %arg5[%swap3A_1234, %swap3A_1235, %swap3A_1236, %swap3A_1237], %swap3A_1240 {strides = array<i32>} : memref<2x12x3x768xf32, #tpu.memory_space<vmem>>, vector<1x1x1x16xf32>,
        %get3A_1241 = arith.constant 0 : i32
        %get3A_1242 = arith.index_cast %get3A_1241 : i32 to index
        %get3A_1243 = arith.index_cast %select_n3A_911 : i32 to index
        %get3A_1244 = arith.index_cast %select_n3A_927 : i32 to index
        %get3A_1245 = arith.constant 240 : index
        %get3A_1246 = tpu.vector_load %arg5[%get3A_1242, %get3A_1243, %get3A_1244, %get3A_1245] {strides = array<i32>} : memref<2x12x3x768xf32, #tpu.memory_space<vmem>>, vector<1x1x1x16xf32>,
        %get3A_1247 = vector.shape_cast %get3A_1246 : vector<1x1x1x16xf32> to vector<16xf32>
        %get3A_1248 = arith.index_cast %select_n3A_911 : i32 to index
        %get3A_1249 = arith.index_cast %select_n3A_927 : i32 to index
        %get3A_1250 = arith.constant 240 : index
        %get3A_1251 = tpu.vector_load %arg6[%get3A_1248, %get3A_1249, %get3A_1250] {strides = array<i32>} : memref<12x3x768xf32, #tpu.memory_space<vmem>>, vector<1x1x16xf32>,
        %get3A_1252 = vector.shape_cast %get3A_1251 : vector<1x1x16xf32> to vector<16xf32>
        %add3A_1253 = arith.addf %get3A_1247, %get3A_1252 : vector<16xf32>
        %swap3A_1254 = arith.constant 0 : i32
        %swap3A_1255 = arith.index_cast %swap3A_1254 : i32 to index
        %swap3A_1256 = arith.index_cast %select_n3A_911 : i32 to index
        %swap3A_1257 = arith.index_cast %select_n3A_927 : i32 to index
        %swap3A_1258 = arith.constant 240 : index
        %swap3A_1259 = tpu.vector_load %arg5[%swap3A_1255, %swap3A_1256, %swap3A_1257, %swap3A_1258] {strides = array<i32>} : memref<2x12x3x768xf32, #tpu.memory_space<vmem>>, vector<1x1x1x16xf32>,
        %swap3A_1260 = vector.shape_cast %swap3A_1259 : vector<1x1x1x16xf32> to vector<16xf32>
        %swap3A_1261 = vector.shape_cast %add3A_1253 : vector<16xf32> to vector<1x1x1x16xf32>
        tpu.vector_store %arg5[%swap3A_1255, %swap3A_1256, %swap3A_1257, %swap3A_1258], %swap3A_1261 {strides = array<i32>} : memref<2x12x3x768xf32, #tpu.memory_space<vmem>>, vector<1x1x1x16xf32>,
        %get3A_1262 = arith.constant 0 : i32
        %get3A_1263 = arith.index_cast %get3A_1262 : i32 to index
        %get3A_1264 = arith.index_cast %select_n3A_911 : i32 to index
        %get3A_1265 = arith.index_cast %select_n3A_927 : i32 to index
        %get3A_1266 = arith.constant 256 : index
        %get3A_1267 = tpu.vector_load %arg5[%get3A_1263, %get3A_1264, %get3A_1265, %get3A_1266] {strides = array<i32>} : memref<2x12x3x768xf32, #tpu.memory_space<vmem>>, vector<1x1x1x16xf32>,
        %get3A_1268 = vector.shape_cast %get3A_1267 : vector<1x1x1x16xf32> to vector<16xf32>
        %get3A_1269 = arith.index_cast %select_n3A_911 : i32 to index
        %get3A_1270 = arith.index_cast %select_n3A_927 : i32 to index
        %get3A_1271 = arith.constant 256 : index
        %get3A_1272 = tpu.vector_load %arg6[%get3A_1269, %get3A_1270, %get3A_1271] {strides = array<i32>} : memref<12x3x768xf32, #tpu.memory_space<vmem>>, vector<1x1x16xf32>,
        %get3A_1273 = vector.shape_cast %get3A_1272 : vector<1x1x16xf32> to vector<16xf32>
        %add3A_1274 = arith.addf %get3A_1268, %get3A_1273 : vector<16xf32>
        %swap3A_1275 = arith.constant 0 : i32
        %swap3A_1276 = arith.index_cast %swap3A_1275 : i32 to index
        %swap3A_1277 = arith.index_cast %select_n3A_911 : i32 to index
        %swap3A_1278 = arith.index_cast %select_n3A_927 : i32 to index
        %swap3A_1279 = arith.constant 256 : index
        %swap3A_1280 = tpu.vector_load %arg5[%swap3A_1276, %swap3A_1277, %swap3A_1278, %swap3A_1279] {strides = array<i32>} : memref<2x12x3x768xf32, #tpu.memory_space<vmem>>, vector<1x1x1x16xf32>,
        %swap3A_1281 = vector.shape_cast %swap3A_1280 : vector<1x1x1x16xf32> to vector<16xf32>
        %swap3A_1282 = vector.shape_cast %add3A_1274 : vector<16xf32> to vector<1x1x1x16xf32>
        tpu.vector_store %arg5[%swap3A_1276, %swap3A_1277, %swap3A_1278, %swap3A_1279], %swap3A_1282 {strides = array<i32>} : memref<2x12x3x768xf32, #tpu.memory_space<vmem>>, vector<1x1x1x16xf32>,
        %get3A_1283 = arith.constant 0 : i32
        %get3A_1284 = arith.index_cast %get3A_1283 : i32 to index
        %get3A_1285 = arith.index_cast %select_n3A_911 : i32 to index
        %get3A_1286 = arith.index_cast %select_n3A_927 : i32 to index
        %get3A_1287 = arith.constant 272 : index
        %get3A_1288 = tpu.vector_load %arg5[%get3A_1284, %get3A_1285, %get3A_1286, %get3A_1287] {strides = array<i32>} : memref<2x12x3x768xf32, #tpu.memory_space<vmem>>, vector<1x1x1x16xf32>,
        %get3A_1289 = vector.shape_cast %get3A_1288 : vector<1x1x1x16xf32> to vector<16xf32>
        %get3A_1290 = arith.index_cast %select_n3A_911 : i32 to index
        %get3A_1291 = arith.index_cast %select_n3A_927 : i32 to index
        %get3A_1292 = arith.constant 272 : index
        %get3A_1293 = tpu.vector_load %arg6[%get3A_1290, %get3A_1291, %get3A_1292] {strides = array<i32>} : memref<12x3x768xf32, #tpu.memory_space<vmem>>, vector<1x1x16xf32>,
        %get3A_1294 = vector.shape_cast %get3A_1293 : vector<1x1x16xf32> to vector<16xf32>
        %add3A_1295 = arith.addf %get3A_1289, %get3A_1294 : vector<16xf32>
        %swap3A_1296 = arith.constant 0 : i32
        %swap3A_1297 = arith.index_cast %swap3A_1296 : i32 to index
        %swap3A_1298 = arith.index_cast %select_n3A_911 : i32 to index
        %swap3A_1299 = arith.index_cast %select_n3A_927 : i32 to index
        %swap3A_1300 = arith.constant 272 : index
        %swap3A_1301 = tpu.vector_load %arg5[%swap3A_1297, %swap3A_1298, %swap3A_1299, %swap3A_1300] {strides = array<i32>} : memref<2x12x3x768xf32, #tpu.memory_space<vmem>>, vector<1x1x1x16xf32>,
        %swap3A_1302 = vector.shape_cast %swap3A_1301 : vector<1x1x1x16xf32> to vector<16xf32>
        %swap3A_1303 = vector.shape_cast %add3A_1295 : vector<16xf32> to vector<1x1x1x16xf32>
        tpu.vector_store %arg5[%swap3A_1297, %swap3A_1298, %swap3A_1299, %swap3A_1300], %swap3A_1303 {strides = array<i32>} : memref<2x12x3x768xf32, #tpu.memory_space<vmem>>, vector<1x1x1x16xf32>,
        %get3A_1304 = arith.constant 0 : i32
        %get3A_1305 = arith.index_cast %get3A_1304 : i32 to index
        %get3A_1306 = arith.index_cast %select_n3A_911 : i32 to index
        %get3A_1307 = arith.index_cast %select_n3A_927 : i32 to index
        %get3A_1308 = arith.constant 288 : index
        %get3A_1309 = tpu.vector_load %arg5[%get3A_1305, %get3A_1306, %get3A_1307, %get3A_1308] {strides = array<i32>} : memref<2x12x3x768xf32, #tpu.memory_space<vmem>>, vector<1x1x1x16xf32>,
        %get3A_1310 = vector.shape_cast %get3A_1309 : vector<1x1x1x16xf32> to vector<16xf32>
        %get3A_1311 = arith.index_cast %select_n3A_911 : i32 to index
        %get3A_1312 = arith.index_cast %select_n3A_927 : i32 to index
        %get3A_1313 = arith.constant 288 : index
        %get3A_1314 = tpu.vector_load %arg6[%get3A_1311, %get3A_1312, %get3A_1313] {strides = array<i32>} : memref<12x3x768xf32, #tpu.memory_space<vmem>>, vector<1x1x16xf32>,
        %get3A_1315 = vector.shape_cast %get3A_1314 : vector<1x1x16xf32> to vector<16xf32>
        %add3A_1316 = arith.addf %get3A_1310, %get3A_1315 : vector<16xf32>
        %swap3A_1317 = arith.constant 0 : i32
        %swap3A_1318 = arith.index_cast %swap3A_1317 : i32 to index
        %swap3A_1319 = arith.index_cast %select_n3A_911 : i32 to index
        %swap3A_1320 = arith.index_cast %select_n3A_927 : i32 to index
        %swap3A_1321 = arith.constant 288 : index
        %swap3A_1322 = tpu.vector_load %arg5[%swap3A_1318, %swap3A_1319, %swap3A_1320, %swap3A_1321] {strides = array<i32>} : memref<2x12x3x768xf32, #tpu.memory_space<vmem>>, vector<1x1x1x16xf32>,
        %swap3A_1323 = vector.shape_cast %swap3A_1322 : vector<1x1x1x16xf32> to vector<16xf32>
        %swap3A_1324 = vector.shape_cast %add3A_1316 : vector<16xf32> to vector<1x1x1x16xf32>
        tpu.vector_store %arg5[%swap3A_1318, %swap3A_1319, %swap3A_1320, %swap3A_1321], %swap3A_1324 {strides = array<i32>} : memref<2x12x3x768xf32, #tpu.memory_space<vmem>>, vector<1x1x1x16xf32>,
        %get3A_1325 = arith.constant 0 : i32
        %get3A_1326 = arith.index_cast %get3A_1325 : i32 to index
        %get3A_1327 = arith.index_cast %select_n3A_911 : i32 to index
        %get3A_1328 = arith.index_cast %select_n3A_927 : i32 to index
        %get3A_1329 = arith.constant 304 : index
        %get3A_1330 = tpu.vector_load %arg5[%get3A_1326, %get3A_1327, %get3A_1328, %get3A_1329] {strides = array<i32>} : memref<2x12x3x768xf32, #tpu.memory_space<vmem>>, vector<1x1x1x16xf32>,
        %get3A_1331 = vector.shape_cast %get3A_1330 : vector<1x1x1x16xf32> to vector<16xf32>
        %get3A_1332 = arith.index_cast %select_n3A_911 : i32 to index
        %get3A_1333 = arith.index_cast %select_n3A_927 : i32 to index
        %get3A_1334 = arith.constant 304 : index
        %get3A_1335 = tpu.vector_load %arg6[%get3A_1332, %get3A_1333, %get3A_1334] {strides = array<i32>} : memref<12x3x768xf32, #tpu.memory_space<vmem>>, vector<1x1x16xf32>,
        %get3A_1336 = vector.shape_cast %get3A_1335 : vector<1x1x16xf32> to vector<16xf32>
        %add3A_1337 = arith.addf %get3A_1331, %get3A_1336 : vector<16xf32>
        %swap3A_1338 = arith.constant 0 : i32
        %swap3A_1339 = arith.index_cast %swap3A_1338 : i32 to index
        %swap3A_1340 = arith.index_cast %select_n3A_911 : i32 to index
        %swap3A_1341 = arith.index_cast %select_n3A_927 : i32 to index
        %swap3A_1342 = arith.constant 304 : index
        %swap3A_1343 = tpu.vector_load %arg5[%swap3A_1339, %swap3A_1340, %swap3A_1341, %swap3A_1342] {strides = array<i32>} : memref<2x12x3x768xf32, #tpu.memory_space<vmem>>, vector<1x1x1x16xf32>,
        %swap3A_1344 = vector.shape_cast %swap3A_1343 : vector<1x1x1x16xf32> to vector<16xf32>
        %swap3A_1345 = vector.shape_cast %add3A_1337 : vector<16xf32> to vector<1x1x1x16xf32>
        tpu.vector_store %arg5[%swap3A_1339, %swap3A_1340, %swap3A_1341, %swap3A_1342], %swap3A_1345 {strides = array<i32>} : memref<2x12x3x768xf32, #tpu.memory_space<vmem>>, vector<1x1x1x16xf32>,
        %get3A_1346 = arith.constant 0 : i32
        %get3A_1347 = arith.index_cast %get3A_1346 : i32 to index
        %get3A_1348 = arith.index_cast %select_n3A_911 : i32 to index
        %get3A_1349 = arith.index_cast %select_n3A_927 : i32 to index
        %get3A_1350 = arith.constant 320 : index
        %get3A_1351 = tpu.vector_load %arg5[%get3A_1347, %get3A_1348, %get3A_1349, %get3A_1350] {strides = array<i32>} : memref<2x12x3x768xf32, #tpu.memory_space<vmem>>, vector<1x1x1x16xf32>,
        %get3A_1352 = vector.shape_cast %get3A_1351 : vector<1x1x1x16xf32> to vector<16xf32>
        %get3A_1353 = arith.index_cast %select_n3A_911 : i32 to index
        %get3A_1354 = arith.index_cast %select_n3A_927 : i32 to index
        %get3A_1355 = arith.constant 320 : index
        %get3A_1356 = tpu.vector_load %arg6[%get3A_1353, %get3A_1354, %get3A_1355] {strides = array<i32>} : memref<12x3x768xf32, #tpu.memory_space<vmem>>, vector<1x1x16xf32>,
        %get3A_1357 = vector.shape_cast %get3A_1356 : vector<1x1x16xf32> to vector<16xf32>
        %add3A_1358 = arith.addf %get3A_1352, %get3A_1357 : vector<16xf32>
        %swap3A_1359 = arith.constant 0 : i32
        %swap3A_1360 = arith.index_cast %swap3A_1359 : i32 to index
        %swap3A_1361 = arith.index_cast %select_n3A_911 : i32 to index
        %swap3A_1362 = arith.index_cast %select_n3A_927 : i32 to index
        %swap3A_1363 = arith.constant 320 : index
        %swap3A_1364 = tpu.vector_load %arg5[%swap3A_1360, %swap3A_1361, %swap3A_1362, %swap3A_1363] {strides = array<i32>} : memref<2x12x3x768xf32, #tpu.memory_space<vmem>>, vector<1x1x1x16xf32>,
        %swap3A_1365 = vector.shape_cast %swap3A_1364 : vector<1x1x1x16xf32> to vector<16xf32>
        %swap3A_1366 = vector.shape_cast %add3A_1358 : vector<16xf32> to vector<1x1x1x16xf32>
        tpu.vector_store %arg5[%swap3A_1360, %swap3A_1361, %swap3A_1362, %swap3A_1363], %swap3A_1366 {strides = array<i32>} : memref<2x12x3x768xf32, #tpu.memory_space<vmem>>, vector<1x1x1x16xf32>,
        %get3A_1367 = arith.constant 0 : i32
        %get3A_1368 = arith.index_cast %get3A_1367 : i32 to index
        %get3A_1369 = arith.index_cast %select_n3A_911 : i32 to index
        %get3A_1370 = arith.index_cast %select_n3A_927 : i32 to index
        %get3A_1371 = arith.constant 336 : index
        %get3A_1372 = tpu.vector_load %arg5[%get3A_1368, %get3A_1369, %get3A_1370, %get3A_1371] {strides = array<i32>} : memref<2x12x3x768xf32, #tpu.memory_space<vmem>>, vector<1x1x1x16xf32>,
        %get3A_1373 = vector.shape_cast %get3A_1372 : vector<1x1x1x16xf32> to vector<16xf32>
        %get3A_1374 = arith.index_cast %select_n3A_911 : i32 to index
        %get3A_1375 = arith.index_cast %select_n3A_927 : i32 to index
        %get3A_1376 = arith.constant 336 : index
        %get3A_1377 = tpu.vector_load %arg6[%get3A_1374, %get3A_1375, %get3A_1376] {strides = array<i32>} : memref<12x3x768xf32, #tpu.memory_space<vmem>>, vector<1x1x16xf32>,
        %get3A_1378 = vector.shape_cast %get3A_1377 : vector<1x1x16xf32> to vector<16xf32>
        %add3A_1379 = arith.addf %get3A_1373, %get3A_1378 : vector<16xf32>
        %swap3A_1380 = arith.constant 0 : i32
        %swap3A_1381 = arith.index_cast %swap3A_1380 : i32 to index
        %swap3A_1382 = arith.index_cast %select_n3A_911 : i32 to index
        %swap3A_1383 = arith.index_cast %select_n3A_927 : i32 to index
        %swap3A_1384 = arith.constant 336 : index
        %swap3A_1385 = tpu.vector_load %arg5[%swap3A_1381, %swap3A_1382, %swap3A_1383, %swap3A_1384] {strides = array<i32>} : memref<2x12x3x768xf32, #tpu.memory_space<vmem>>, vector<1x1x1x16xf32>,
        %swap3A_1386 = vector.shape_cast %swap3A_1385 : vector<1x1x1x16xf32> to vector<16xf32>
        %swap3A_1387 = vector.shape_cast %add3A_1379 : vector<16xf32> to vector<1x1x1x16xf32>
        tpu.vector_store %arg5[%swap3A_1381, %swap3A_1382, %swap3A_1383, %swap3A_1384], %swap3A_1387 {strides = array<i32>} : memref<2x12x3x768xf32, #tpu.memory_space<vmem>>, vector<1x1x1x16xf32>,
        %get3A_1388 = arith.constant 0 : i32
        %get3A_1389 = arith.index_cast %get3A_1388 : i32 to index
        %get3A_1390 = arith.index_cast %select_n3A_911 : i32 to index
        %get3A_1391 = arith.index_cast %select_n3A_927 : i32 to index
        %get3A_1392 = arith.constant 352 : index
        %get3A_1393 = tpu.vector_load %arg5[%get3A_1389, %get3A_1390, %get3A_1391, %get3A_1392] {strides = array<i32>} : memref<2x12x3x768xf32, #tpu.memory_space<vmem>>, vector<1x1x1x16xf32>,
        %get3A_1394 = vector.shape_cast %get3A_1393 : vector<1x1x1x16xf32> to vector<16xf32>
        %get3A_1395 = arith.index_cast %select_n3A_911 : i32 to index
        %get3A_1396 = arith.index_cast %select_n3A_927 : i32 to index
        %get3A_1397 = arith.constant 352 : index
        %get3A_1398 = tpu.vector_load %arg6[%get3A_1395, %get3A_1396, %get3A_1397] {strides = array<i32>} : memref<12x3x768xf32, #tpu.memory_space<vmem>>, vector<1x1x16xf32>,
        %get3A_1399 = vector.shape_cast %get3A_1398 : vector<1x1x16xf32> to vector<16xf32>
        %add3A_1400 = arith.addf %get3A_1394, %get3A_1399 : vector<16xf32>
        %swap3A_1401 = arith.constant 0 : i32
        %swap3A_1402 = arith.index_cast %swap3A_1401 : i32 to index
        %swap3A_1403 = arith.index_cast %select_n3A_911 : i32 to index
        %swap3A_1404 = arith.index_cast %select_n3A_927 : i32 to index
        %swap3A_1405 = arith.constant 352 : index
        %swap3A_1406 = tpu.vector_load %arg5[%swap3A_1402, %swap3A_1403, %swap3A_1404, %swap3A_1405] {strides = array<i32>} : memref<2x12x3x768xf32, #tpu.memory_space<vmem>>, vector<1x1x1x16xf32>,
        %swap3A_1407 = vector.shape_cast %swap3A_1406 : vector<1x1x1x16xf32> to vector<16xf32>
        %swap3A_1408 = vector.shape_cast %add3A_1400 : vector<16xf32> to vector<1x1x1x16xf32>
        tpu.vector_store %arg5[%swap3A_1402, %swap3A_1403, %swap3A_1404, %swap3A_1405], %swap3A_1408 {strides = array<i32>} : memref<2x12x3x768xf32, #tpu.memory_space<vmem>>, vector<1x1x1x16xf32>,
        %get3A_1409 = arith.constant 0 : i32
        %get3A_1410 = arith.index_cast %get3A_1409 : i32 to index
        %get3A_1411 = arith.index_cast %select_n3A_911 : i32 to index
        %get3A_1412 = arith.index_cast %select_n3A_927 : i32 to index
        %get3A_1413 = arith.constant 368 : index
        %get3A_1414 = tpu.vector_load %arg5[%get3A_1410, %get3A_1411, %get3A_1412, %get3A_1413] {strides = array<i32>} : memref<2x12x3x768xf32, #tpu.memory_space<vmem>>, vector<1x1x1x16xf32>,
        %get3A_1415 = vector.shape_cast %get3A_1414 : vector<1x1x1x16xf32> to vector<16xf32>
        %get3A_1416 = arith.index_cast %select_n3A_911 : i32 to index
        %get3A_1417 = arith.index_cast %select_n3A_927 : i32 to index
        %get3A_1418 = arith.constant 368 : index
        %get3A_1419 = tpu.vector_load %arg6[%get3A_1416, %get3A_1417, %get3A_1418] {strides = array<i32>} : memref<12x3x768xf32, #tpu.memory_space<vmem>>, vector<1x1x16xf32>,
        %get3A_1420 = vector.shape_cast %get3A_1419 : vector<1x1x16xf32> to vector<16xf32>
        %add3A_1421 = arith.addf %get3A_1415, %get3A_1420 : vector<16xf32>
        %swap3A_1422 = arith.constant 0 : i32
        %swap3A_1423 = arith.index_cast %swap3A_1422 : i32 to index
        %swap3A_1424 = arith.index_cast %select_n3A_911 : i32 to index
        %swap3A_1425 = arith.index_cast %select_n3A_927 : i32 to index
        %swap3A_1426 = arith.constant 368 : index
        %swap3A_1427 = tpu.vector_load %arg5[%swap3A_1423, %swap3A_1424, %swap3A_1425, %swap3A_1426] {strides = array<i32>} : memref<2x12x3x768xf32, #tpu.memory_space<vmem>>, vector<1x1x1x16xf32>,
        %swap3A_1428 = vector.shape_cast %swap3A_1427 : vector<1x1x1x16xf32> to vector<16xf32>
        %swap3A_1429 = vector.shape_cast %add3A_1421 : vector<16xf32> to vector<1x1x1x16xf32>
        tpu.vector_store %arg5[%swap3A_1423, %swap3A_1424, %swap3A_1425, %swap3A_1426], %swap3A_1429 {strides = array<i32>} : memref<2x12x3x768xf32, #tpu.memory_space<vmem>>, vector<1x1x1x16xf32>,
        %get3A_1430 = arith.constant 0 : i32
        %get3A_1431 = arith.index_cast %get3A_1430 : i32 to index
        %get3A_1432 = arith.index_cast %select_n3A_911 : i32 to index
        %get3A_1433 = arith.index_cast %select_n3A_927 : i32 to index
        %get3A_1434 = arith.constant 384 : index
        %get3A_1435 = tpu.vector_load %arg5[%get3A_1431, %get3A_1432, %get3A_1433, %get3A_1434] {strides = array<i32>} : memref<2x12x3x768xf32, #tpu.memory_space<vmem>>, vector<1x1x1x16xf32>,
        %get3A_1436 = vector.shape_cast %get3A_1435 : vector<1x1x1x16xf32> to vector<16xf32>
        %get3A_1437 = arith.index_cast %select_n3A_911 : i32 to index
        %get3A_1438 = arith.index_cast %select_n3A_927 : i32 to index
        %get3A_1439 = arith.constant 384 : index
        %get3A_1440 = tpu.vector_load %arg6[%get3A_1437, %get3A_1438, %get3A_1439] {strides = array<i32>} : memref<12x3x768xf32, #tpu.memory_space<vmem>>, vector<1x1x16xf32>,
        %get3A_1441 = vector.shape_cast %get3A_1440 : vector<1x1x16xf32> to vector<16xf32>
        %add3A_1442 = arith.addf %get3A_1436, %get3A_1441 : vector<16xf32>
        %swap3A_1443 = arith.constant 0 : i32
        %swap3A_1444 = arith.index_cast %swap3A_1443 : i32 to index
        %swap3A_1445 = arith.index_cast %select_n3A_911 : i32 to index
        %swap3A_1446 = arith.index_cast %select_n3A_927 : i32 to index
        %swap3A_1447 = arith.constant 384 : index
        %swap3A_1448 = tpu.vector_load %arg5[%swap3A_1444, %swap3A_1445, %swap3A_1446, %swap3A_1447] {strides = array<i32>} : memref<2x12x3x768xf32, #tpu.memory_space<vmem>>, vector<1x1x1x16xf32>,
        %swap3A_1449 = vector.shape_cast %swap3A_1448 : vector<1x1x1x16xf32> to vector<16xf32>
        %swap3A_1450 = vector.shape_cast %add3A_1442 : vector<16xf32> to vector<1x1x1x16xf32>
        tpu.vector_store %arg5[%swap3A_1444, %swap3A_1445, %swap3A_1446, %swap3A_1447], %swap3A_1450 {strides = array<i32>} : memref<2x12x3x768xf32, #tpu.memory_space<vmem>>, vector<1x1x1x16xf32>,
        %get3A_1451 = arith.constant 0 : i32
        %get3A_1452 = arith.index_cast %get3A_1451 : i32 to index
        %get3A_1453 = arith.index_cast %select_n3A_911 : i32 to index
        %get3A_1454 = arith.index_cast %select_n3A_927 : i32 to index
        %get3A_1455 = arith.constant 400 : index
        %get3A_1456 = tpu.vector_load %arg5[%get3A_1452, %get3A_1453, %get3A_1454, %get3A_1455] {strides = array<i32>} : memref<2x12x3x768xf32, #tpu.memory_space<vmem>>, vector<1x1x1x16xf32>,
        %get3A_1457 = vector.shape_cast %get3A_1456 : vector<1x1x1x16xf32> to vector<16xf32>
        %get3A_1458 = arith.index_cast %select_n3A_911 : i32 to index
        %get3A_1459 = arith.index_cast %select_n3A_927 : i32 to index
        %get3A_1460 = arith.constant 400 : index
        %get3A_1461 = tpu.vector_load %arg6[%get3A_1458, %get3A_1459, %get3A_1460] {strides = array<i32>} : memref<12x3x768xf32, #tpu.memory_space<vmem>>, vector<1x1x16xf32>,
        %get3A_1462 = vector.shape_cast %get3A_1461 : vector<1x1x16xf32> to vector<16xf32>
        %add3A_1463 = arith.addf %get3A_1457, %get3A_1462 : vector<16xf32>
        %swap3A_1464 = arith.constant 0 : i32
        %swap3A_1465 = arith.index_cast %swap3A_1464 : i32 to index
        %swap3A_1466 = arith.index_cast %select_n3A_911 : i32 to index
        %swap3A_1467 = arith.index_cast %select_n3A_927 : i32 to index
        %swap3A_1468 = arith.constant 400 : index
        %swap3A_1469 = tpu.vector_load %arg5[%swap3A_1465, %swap3A_1466, %swap3A_1467, %swap3A_1468] {strides = array<i32>} : memref<2x12x3x768xf32, #tpu.memory_space<vmem>>, vector<1x1x1x16xf32>,
        %swap3A_1470 = vector.shape_cast %swap3A_1469 : vector<1x1x1x16xf32> to vector<16xf32>
        %swap3A_1471 = vector.shape_cast %add3A_1463 : vector<16xf32> to vector<1x1x1x16xf32>
        tpu.vector_store %arg5[%swap3A_1465, %swap3A_1466, %swap3A_1467, %swap3A_1468], %swap3A_1471 {strides = array<i32>} : memref<2x12x3x768xf32, #tpu.memory_space<vmem>>, vector<1x1x1x16xf32>,
        %get3A_1472 = arith.constant 0 : i32
        %get3A_1473 = arith.index_cast %get3A_1472 : i32 to index
        %get3A_1474 = arith.index_cast %select_n3A_911 : i32 to index
        %get3A_1475 = arith.index_cast %select_n3A_927 : i32 to index
        %get3A_1476 = arith.constant 416 : index
        %get3A_1477 = tpu.vector_load %arg5[%get3A_1473, %get3A_1474, %get3A_1475, %get3A_1476] {strides = array<i32>} : memref<2x12x3x768xf32, #tpu.memory_space<vmem>>, vector<1x1x1x16xf32>,
        %get3A_1478 = vector.shape_cast %get3A_1477 : vector<1x1x1x16xf32> to vector<16xf32>
        %get3A_1479 = arith.index_cast %select_n3A_911 : i32 to index
        %get3A_1480 = arith.index_cast %select_n3A_927 : i32 to index
        %get3A_1481 = arith.constant 416 : index
        %get3A_1482 = tpu.vector_load %arg6[%get3A_1479, %get3A_1480, %get3A_1481] {strides = array<i32>} : memref<12x3x768xf32, #tpu.memory_space<vmem>>, vector<1x1x16xf32>,
        %get3A_1483 = vector.shape_cast %get3A_1482 : vector<1x1x16xf32> to vector<16xf32>
        %add3A_1484 = arith.addf %get3A_1478, %get3A_1483 : vector<16xf32>
        %swap3A_1485 = arith.constant 0 : i32
        %swap3A_1486 = arith.index_cast %swap3A_1485 : i32 to index
        %swap3A_1487 = arith.index_cast %select_n3A_911 : i32 to index
        %swap3A_1488 = arith.index_cast %select_n3A_927 : i32 to index
        %swap3A_1489 = arith.constant 416 : index
        %swap3A_1490 = tpu.vector_load %arg5[%swap3A_1486, %swap3A_1487, %swap3A_1488, %swap3A_1489] {strides = array<i32>} : memref<2x12x3x768xf32, #tpu.memory_space<vmem>>, vector<1x1x1x16xf32>,
        %swap3A_1491 = vector.shape_cast %swap3A_1490 : vector<1x1x1x16xf32> to vector<16xf32>
        %swap3A_1492 = vector.shape_cast %add3A_1484 : vector<16xf32> to vector<1x1x1x16xf32>
        tpu.vector_store %arg5[%swap3A_1486, %swap3A_1487, %swap3A_1488, %swap3A_1489], %swap3A_1492 {strides = array<i32>} : memref<2x12x3x768xf32, #tpu.memory_space<vmem>>, vector<1x1x1x16xf32>,
        %get3A_1493 = arith.constant 0 : i32
        %get3A_1494 = arith.index_cast %get3A_1493 : i32 to index
        %get3A_1495 = arith.index_cast %select_n3A_911 : i32 to index
        %get3A_1496 = arith.index_cast %select_n3A_927 : i32 to index
        %get3A_1497 = arith.constant 432 : index
        %get3A_1498 = tpu.vector_load %arg5[%get3A_1494, %get3A_1495, %get3A_1496, %get3A_1497] {strides = array<i32>} : memref<2x12x3x768xf32, #tpu.memory_space<vmem>>, vector<1x1x1x16xf32>,
        %get3A_1499 = vector.shape_cast %get3A_1498 : vector<1x1x1x16xf32> to vector<16xf32>
        %get3A_1500 = arith.index_cast %select_n3A_911 : i32 to index
        %get3A_1501 = arith.index_cast %select_n3A_927 : i32 to index
        %get3A_1502 = arith.constant 432 : index
        %get3A_1503 = tpu.vector_load %arg6[%get3A_1500, %get3A_1501, %get3A_1502] {strides = array<i32>} : memref<12x3x768xf32, #tpu.memory_space<vmem>>, vector<1x1x16xf32>,
        %get3A_1504 = vector.shape_cast %get3A_1503 : vector<1x1x16xf32> to vector<16xf32>
        %add3A_1505 = arith.addf %get3A_1499, %get3A_1504 : vector<16xf32>
        %swap3A_1506 = arith.constant 0 : i32
        %swap3A_1507 = arith.index_cast %swap3A_1506 : i32 to index
        %swap3A_1508 = arith.index_cast %select_n3A_911 : i32 to index
        %swap3A_1509 = arith.index_cast %select_n3A_927 : i32 to index
        %swap3A_1510 = arith.constant 432 : index
        %swap3A_1511 = tpu.vector_load %arg5[%swap3A_1507, %swap3A_1508, %swap3A_1509, %swap3A_1510] {strides = array<i32>} : memref<2x12x3x768xf32, #tpu.memory_space<vmem>>, vector<1x1x1x16xf32>,
        %swap3A_1512 = vector.shape_cast %swap3A_1511 : vector<1x1x1x16xf32> to vector<16xf32>
        %swap3A_1513 = vector.shape_cast %add3A_1505 : vector<16xf32> to vector<1x1x1x16xf32>
        tpu.vector_store %arg5[%swap3A_1507, %swap3A_1508, %swap3A_1509, %swap3A_1510], %swap3A_1513 {strides = array<i32>} : memref<2x12x3x768xf32, #tpu.memory_space<vmem>>, vector<1x1x1x16xf32>,
        %get3A_1514 = arith.constant 0 : i32
        %get3A_1515 = arith.index_cast %get3A_1514 : i32 to index
        %get3A_1516 = arith.index_cast %select_n3A_911 : i32 to index
        %get3A_1517 = arith.index_cast %select_n3A_927 : i32 to index
        %get3A_1518 = arith.constant 448 : index
        %get3A_1519 = tpu.vector_load %arg5[%get3A_1515, %get3A_1516, %get3A_1517, %get3A_1518] {strides = array<i32>} : memref<2x12x3x768xf32, #tpu.memory_space<vmem>>, vector<1x1x1x16xf32>,
        %get3A_1520 = vector.shape_cast %get3A_1519 : vector<1x1x1x16xf32> to vector<16xf32>
        %get3A_1521 = arith.index_cast %select_n3A_911 : i32 to index
        %get3A_1522 = arith.index_cast %select_n3A_927 : i32 to index
        %get3A_1523 = arith.constant 448 : index
        %get3A_1524 = tpu.vector_load %arg6[%get3A_1521, %get3A_1522, %get3A_1523] {strides = array<i32>} : memref<12x3x768xf32, #tpu.memory_space<vmem>>, vector<1x1x16xf32>,
        %get3A_1525 = vector.shape_cast %get3A_1524 : vector<1x1x16xf32> to vector<16xf32>
        %add3A_1526 = arith.addf %get3A_1520, %get3A_1525 : vector<16xf32>
        %swap3A_1527 = arith.constant 0 : i32
        %swap3A_1528 = arith.index_cast %swap3A_1527 : i32 to index
        %swap3A_1529 = arith.index_cast %select_n3A_911 : i32 to index
        %swap3A_1530 = arith.index_cast %select_n3A_927 : i32 to index
        %swap3A_1531 = arith.constant 448 : index
        %swap3A_1532 = tpu.vector_load %arg5[%swap3A_1528, %swap3A_1529, %swap3A_1530, %swap3A_1531] {strides = array<i32>} : memref<2x12x3x768xf32, #tpu.memory_space<vmem>>, vector<1x1x1x16xf32>,
        %swap3A_1533 = vector.shape_cast %swap3A_1532 : vector<1x1x1x16xf32> to vector<16xf32>
        %swap3A_1534 = vector.shape_cast %add3A_1526 : vector<16xf32> to vector<1x1x1x16xf32>
        tpu.vector_store %arg5[%swap3A_1528, %swap3A_1529, %swap3A_1530, %swap3A_1531], %swap3A_1534 {strides = array<i32>} : memref<2x12x3x768xf32, #tpu.memory_space<vmem>>, vector<1x1x1x16xf32>,
        %get3A_1535 = arith.constant 0 : i32
        %get3A_1536 = arith.index_cast %get3A_1535 : i32 to index
        %get3A_1537 = arith.index_cast %select_n3A_911 : i32 to index
        %get3A_1538 = arith.index_cast %select_n3A_927 : i32 to index
        %get3A_1539 = arith.constant 464 : index
        %get3A_1540 = tpu.vector_load %arg5[%get3A_1536, %get3A_1537, %get3A_1538, %get3A_1539] {strides = array<i32>} : memref<2x12x3x768xf32, #tpu.memory_space<vmem>>, vector<1x1x1x16xf32>,
        %get3A_1541 = vector.shape_cast %get3A_1540 : vector<1x1x1x16xf32> to vector<16xf32>
        %get3A_1542 = arith.index_cast %select_n3A_911 : i32 to index
        %get3A_1543 = arith.index_cast %select_n3A_927 : i32 to index
        %get3A_1544 = arith.constant 464 : index
        %get3A_1545 = tpu.vector_load %arg6[%get3A_1542, %get3A_1543, %get3A_1544] {strides = array<i32>} : memref<12x3x768xf32, #tpu.memory_space<vmem>>, vector<1x1x16xf32>,
        %get3A_1546 = vector.shape_cast %get3A_1545 : vector<1x1x16xf32> to vector<16xf32>
        %add3A_1547 = arith.addf %get3A_1541, %get3A_1546 : vector<16xf32>
        %swap3A_1548 = arith.constant 0 : i32
        %swap3A_1549 = arith.index_cast %swap3A_1548 : i32 to index
        %swap3A_1550 = arith.index_cast %select_n3A_911 : i32 to index
        %swap3A_1551 = arith.index_cast %select_n3A_927 : i32 to index
        %swap3A_1552 = arith.constant 464 : index
        %swap3A_1553 = tpu.vector_load %arg5[%swap3A_1549, %swap3A_1550, %swap3A_1551, %swap3A_1552] {strides = array<i32>} : memref<2x12x3x768xf32, #tpu.memory_space<vmem>>, vector<1x1x1x16xf32>,
        %swap3A_1554 = vector.shape_cast %swap3A_1553 : vector<1x1x1x16xf32> to vector<16xf32>
        %swap3A_1555 = vector.shape_cast %add3A_1547 : vector<16xf32> to vector<1x1x1x16xf32>
        tpu.vector_store %arg5[%swap3A_1549, %swap3A_1550, %swap3A_1551, %swap3A_1552], %swap3A_1555 {strides = array<i32>} : memref<2x12x3x768xf32, #tpu.memory_space<vmem>>, vector<1x1x1x16xf32>,
        %get3A_1556 = arith.constant 0 : i32
        %get3A_1557 = arith.index_cast %get3A_1556 : i32 to index
        %get3A_1558 = arith.index_cast %select_n3A_911 : i32 to index
        %get3A_1559 = arith.index_cast %select_n3A_927 : i32 to index
        %get3A_1560 = arith.constant 480 : index
        %get3A_1561 = tpu.vector_load %arg5[%get3A_1557, %get3A_1558, %get3A_1559, %get3A_1560] {strides = array<i32>} : memref<2x12x3x768xf32, #tpu.memory_space<vmem>>, vector<1x1x1x16xf32>,
        %get3A_1562 = vector.shape_cast %get3A_1561 : vector<1x1x1x16xf32> to vector<16xf32>
        %get3A_1563 = arith.index_cast %select_n3A_911 : i32 to index
        %get3A_1564 = arith.index_cast %select_n3A_927 : i32 to index
        %get3A_1565 = arith.constant 480 : index
        %get3A_1566 = tpu.vector_load %arg6[%get3A_1563, %get3A_1564, %get3A_1565] {strides = array<i32>} : memref<12x3x768xf32, #tpu.memory_space<vmem>>, vector<1x1x16xf32>,
        %get3A_1567 = vector.shape_cast %get3A_1566 : vector<1x1x16xf32> to vector<16xf32>
        %add3A_1568 = arith.addf %get3A_1562, %get3A_1567 : vector<16xf32>
        %swap3A_1569 = arith.constant 0 : i32
        %swap3A_1570 = arith.index_cast %swap3A_1569 : i32 to index
        %swap3A_1571 = arith.index_cast %select_n3A_911 : i32 to index
        %swap3A_1572 = arith.index_cast %select_n3A_927 : i32 to index
        %swap3A_1573 = arith.constant 480 : index
        %swap3A_1574 = tpu.vector_load %arg5[%swap3A_1570, %swap3A_1571, %swap3A_1572, %swap3A_1573] {strides = array<i32>} : memref<2x12x3x768xf32, #tpu.memory_space<vmem>>, vector<1x1x1x16xf32>,
        %swap3A_1575 = vector.shape_cast %swap3A_1574 : vector<1x1x1x16xf32> to vector<16xf32>
        %swap3A_1576 = vector.shape_cast %add3A_1568 : vector<16xf32> to vector<1x1x1x16xf32>
        tpu.vector_store %arg5[%swap3A_1570, %swap3A_1571, %swap3A_1572, %swap3A_1573], %swap3A_1576 {strides = array<i32>} : memref<2x12x3x768xf32, #tpu.memory_space<vmem>>, vector<1x1x1x16xf32>,
        %get3A_1577 = arith.constant 0 : i32
        %get3A_1578 = arith.index_cast %get3A_1577 : i32 to index
        %get3A_1579 = arith.index_cast %select_n3A_911 : i32 to index
        %get3A_1580 = arith.index_cast %select_n3A_927 : i32 to index
        %get3A_1581 = arith.constant 496 : index
        %get3A_1582 = tpu.vector_load %arg5[%get3A_1578, %get3A_1579, %get3A_1580, %get3A_1581] {strides = array<i32>} : memref<2x12x3x768xf32, #tpu.memory_space<vmem>>, vector<1x1x1x16xf32>,
        %get3A_1583 = vector.shape_cast %get3A_1582 : vector<1x1x1x16xf32> to vector<16xf32>
        %get3A_1584 = arith.index_cast %select_n3A_911 : i32 to index
        %get3A_1585 = arith.index_cast %select_n3A_927 : i32 to index
        %get3A_1586 = arith.constant 496 : index
        %get3A_1587 = tpu.vector_load %arg6[%get3A_1584, %get3A_1585, %get3A_1586] {strides = array<i32>} : memref<12x3x768xf32, #tpu.memory_space<vmem>>, vector<1x1x16xf32>,
        %get3A_1588 = vector.shape_cast %get3A_1587 : vector<1x1x16xf32> to vector<16xf32>
        %add3A_1589 = arith.addf %get3A_1583, %get3A_1588 : vector<16xf32>
        %swap3A_1590 = arith.constant 0 : i32
        %swap3A_1591 = arith.index_cast %swap3A_1590 : i32 to index
        %swap3A_1592 = arith.index_cast %select_n3A_911 : i32 to index
        %swap3A_1593 = arith.index_cast %select_n3A_927 : i32 to index
        %swap3A_1594 = arith.constant 496 : index
        %swap3A_1595 = tpu.vector_load %arg5[%swap3A_1591, %swap3A_1592, %swap3A_1593, %swap3A_1594] {strides = array<i32>} : memref<2x12x3x768xf32, #tpu.memory_space<vmem>>, vector<1x1x1x16xf32>,
        %swap3A_1596 = vector.shape_cast %swap3A_1595 : vector<1x1x1x16xf32> to vector<16xf32>
        %swap3A_1597 = vector.shape_cast %add3A_1589 : vector<16xf32> to vector<1x1x1x16xf32>
        tpu.vector_store %arg5[%swap3A_1591, %swap3A_1592, %swap3A_1593, %swap3A_1594], %swap3A_1597 {strides = array<i32>} : memref<2x12x3x768xf32, #tpu.memory_space<vmem>>, vector<1x1x1x16xf32>,
        %get3A_1598 = arith.constant 0 : i32
        %get3A_1599 = arith.index_cast %get3A_1598 : i32 to index
        %get3A_1600 = arith.index_cast %select_n3A_911 : i32 to index
        %get3A_1601 = arith.index_cast %select_n3A_927 : i32 to index
        %get3A_1602 = arith.constant 512 : index
        %get3A_1603 = tpu.vector_load %arg5[%get3A_1599, %get3A_1600, %get3A_1601, %get3A_1602] {strides = array<i32>} : memref<2x12x3x768xf32, #tpu.memory_space<vmem>>, vector<1x1x1x16xf32>,
        %get3A_1604 = vector.shape_cast %get3A_1603 : vector<1x1x1x16xf32> to vector<16xf32>
        %get3A_1605 = arith.index_cast %select_n3A_911 : i32 to index
        %get3A_1606 = arith.index_cast %select_n3A_927 : i32 to index
        %get3A_1607 = arith.constant 512 : index
        %get3A_1608 = tpu.vector_load %arg6[%get3A_1605, %get3A_1606, %get3A_1607] {strides = array<i32>} : memref<12x3x768xf32, #tpu.memory_space<vmem>>, vector<1x1x16xf32>,
        %get3A_1609 = vector.shape_cast %get3A_1608 : vector<1x1x16xf32> to vector<16xf32>
        %add3A_1610 = arith.addf %get3A_1604, %get3A_1609 : vector<16xf32>
        %swap3A_1611 = arith.constant 0 : i32
        %swap3A_1612 = arith.index_cast %swap3A_1611 : i32 to index
        %swap3A_1613 = arith.index_cast %select_n3A_911 : i32 to index
        %swap3A_1614 = arith.index_cast %select_n3A_927 : i32 to index
        %swap3A_1615 = arith.constant 512 : index
        %swap3A_1616 = tpu.vector_load %arg5[%swap3A_1612, %swap3A_1613, %swap3A_1614, %swap3A_1615] {strides = array<i32>} : memref<2x12x3x768xf32, #tpu.memory_space<vmem>>, vector<1x1x1x16xf32>,
        %swap3A_1617 = vector.shape_cast %swap3A_1616 : vector<1x1x1x16xf32> to vector<16xf32>
        %swap3A_1618 = vector.shape_cast %add3A_1610 : vector<16xf32> to vector<1x1x1x16xf32>
        tpu.vector_store %arg5[%swap3A_1612, %swap3A_1613, %swap3A_1614, %swap3A_1615], %swap3A_1618 {strides = array<i32>} : memref<2x12x3x768xf32, #tpu.memory_space<vmem>>, vector<1x1x1x16xf32>,
        %get3A_1619 = arith.constant 0 : i32
        %get3A_1620 = arith.index_cast %get3A_1619 : i32 to index
        %get3A_1621 = arith.index_cast %select_n3A_911 : i32 to index
        %get3A_1622 = arith.index_cast %select_n3A_927 : i32 to index
        %get3A_1623 = arith.constant 528 : index
        %get3A_1624 = tpu.vector_load %arg5[%get3A_1620, %get3A_1621, %get3A_1622, %get3A_1623] {strides = array<i32>} : memref<2x12x3x768xf32, #tpu.memory_space<vmem>>, vector<1x1x1x16xf32>,
        %get3A_1625 = vector.shape_cast %get3A_1624 : vector<1x1x1x16xf32> to vector<16xf32>
        %get3A_1626 = arith.index_cast %select_n3A_911 : i32 to index
        %get3A_1627 = arith.index_cast %select_n3A_927 : i32 to index
        %get3A_1628 = arith.constant 528 : index
        %get3A_1629 = tpu.vector_load %arg6[%get3A_1626, %get3A_1627, %get3A_1628] {strides = array<i32>} : memref<12x3x768xf32, #tpu.memory_space<vmem>>, vector<1x1x16xf32>,
        %get3A_1630 = vector.shape_cast %get3A_1629 : vector<1x1x16xf32> to vector<16xf32>
        %add3A_1631 = arith.addf %get3A_1625, %get3A_1630 : vector<16xf32>
        %swap3A_1632 = arith.constant 0 : i32
        %swap3A_1633 = arith.index_cast %swap3A_1632 : i32 to index
        %swap3A_1634 = arith.index_cast %select_n3A_911 : i32 to index
        %swap3A_1635 = arith.index_cast %select_n3A_927 : i32 to index
        %swap3A_1636 = arith.constant 528 : index
        %swap3A_1637 = tpu.vector_load %arg5[%swap3A_1633, %swap3A_1634, %swap3A_1635, %swap3A_1636] {strides = array<i32>} : memref<2x12x3x768xf32, #tpu.memory_space<vmem>>, vector<1x1x1x16xf32>,
        %swap3A_1638 = vector.shape_cast %swap3A_1637 : vector<1x1x1x16xf32> to vector<16xf32>
        %swap3A_1639 = vector.shape_cast %add3A_1631 : vector<16xf32> to vector<1x1x1x16xf32>
        tpu.vector_store %arg5[%swap3A_1633, %swap3A_1634, %swap3A_1635, %swap3A_1636], %swap3A_1639 {strides = array<i32>} : memref<2x12x3x768xf32, #tpu.memory_space<vmem>>, vector<1x1x1x16xf32>,
        %get3A_1640 = arith.constant 0 : i32
        %get3A_1641 = arith.index_cast %get3A_1640 : i32 to index
        %get3A_1642 = arith.index_cast %select_n3A_911 : i32 to index
        %get3A_1643 = arith.index_cast %select_n3A_927 : i32 to index
        %get3A_1644 = arith.constant 544 : index
        %get3A_1645 = tpu.vector_load %arg5[%get3A_1641, %get3A_1642, %get3A_1643, %get3A_1644] {strides = array<i32>} : memref<2x12x3x768xf32, #tpu.memory_space<vmem>>, vector<1x1x1x16xf32>,
        %get3A_1646 = vector.shape_cast %get3A_1645 : vector<1x1x1x16xf32> to vector<16xf32>
        %get3A_1647 = arith.index_cast %select_n3A_911 : i32 to index
        %get3A_1648 = arith.index_cast %select_n3A_927 : i32 to index
        %get3A_1649 = arith.constant 544 : index
        %get3A_1650 = tpu.vector_load %arg6[%get3A_1647, %get3A_1648, %get3A_1649] {strides = array<i32>} : memref<12x3x768xf32, #tpu.memory_space<vmem>>, vector<1x1x16xf32>,
        %get3A_1651 = vector.shape_cast %get3A_1650 : vector<1x1x16xf32> to vector<16xf32>
        %add3A_1652 = arith.addf %get3A_1646, %get3A_1651 : vector<16xf32>
        %swap3A_1653 = arith.constant 0 : i32
        %swap3A_1654 = arith.index_cast %swap3A_1653 : i32 to index
        %swap3A_1655 = arith.index_cast %select_n3A_911 : i32 to index
        %swap3A_1656 = arith.index_cast %select_n3A_927 : i32 to index
        %swap3A_1657 = arith.constant 544 : index
        %swap3A_1658 = tpu.vector_load %arg5[%swap3A_1654, %swap3A_1655, %swap3A_1656, %swap3A_1657] {strides = array<i32>} : memref<2x12x3x768xf32, #tpu.memory_space<vmem>>, vector<1x1x1x16xf32>,
        %swap3A_1659 = vector.shape_cast %swap3A_1658 : vector<1x1x1x16xf32> to vector<16xf32>
        %swap3A_1660 = vector.shape_cast %add3A_1652 : vector<16xf32> to vector<1x1x1x16xf32>
        tpu.vector_store %arg5[%swap3A_1654, %swap3A_1655, %swap3A_1656, %swap3A_1657], %swap3A_1660 {strides = array<i32>} : memref<2x12x3x768xf32, #tpu.memory_space<vmem>>, vector<1x1x1x16xf32>,
        %get3A_1661 = arith.constant 0 : i32
        %get3A_1662 = arith.index_cast %get3A_1661 : i32 to index
        %get3A_1663 = arith.index_cast %select_n3A_911 : i32 to index
        %get3A_1664 = arith.index_cast %select_n3A_927 : i32 to index
        %get3A_1665 = arith.constant 560 : index
        %get3A_1666 = tpu.vector_load %arg5[%get3A_1662, %get3A_1663, %get3A_1664, %get3A_1665] {strides = array<i32>} : memref<2x12x3x768xf32, #tpu.memory_space<vmem>>, vector<1x1x1x16xf32>,
        %get3A_1667 = vector.shape_cast %get3A_1666 : vector<1x1x1x16xf32> to vector<16xf32>
        %get3A_1668 = arith.index_cast %select_n3A_911 : i32 to index
        %get3A_1669 = arith.index_cast %select_n3A_927 : i32 to index
        %get3A_1670 = arith.constant 560 : index
        %get3A_1671 = tpu.vector_load %arg6[%get3A_1668, %get3A_1669, %get3A_1670] {strides = array<i32>} : memref<12x3x768xf32, #tpu.memory_space<vmem>>, vector<1x1x16xf32>,
        %get3A_1672 = vector.shape_cast %get3A_1671 : vector<1x1x16xf32> to vector<16xf32>
        %add3A_1673 = arith.addf %get3A_1667, %get3A_1672 : vector<16xf32>
        %swap3A_1674 = arith.constant 0 : i32
        %swap3A_1675 = arith.index_cast %swap3A_1674 : i32 to index
        %swap3A_1676 = arith.index_cast %select_n3A_911 : i32 to index
        %swap3A_1677 = arith.index_cast %select_n3A_927 : i32 to index
        %swap3A_1678 = arith.constant 560 : index
        %swap3A_1679 = tpu.vector_load %arg5[%swap3A_1675, %swap3A_1676, %swap3A_1677, %swap3A_1678] {strides = array<i32>} : memref<2x12x3x768xf32, #tpu.memory_space<vmem>>, vector<1x1x1x16xf32>,
        %swap3A_1680 = vector.shape_cast %swap3A_1679 : vector<1x1x1x16xf32> to vector<16xf32>
        %swap3A_1681 = vector.shape_cast %add3A_1673 : vector<16xf32> to vector<1x1x1x16xf32>
        tpu.vector_store %arg5[%swap3A_1675, %swap3A_1676, %swap3A_1677, %swap3A_1678], %swap3A_1681 {strides = array<i32>} : memref<2x12x3x768xf32, #tpu.memory_space<vmem>>, vector<1x1x1x16xf32>,
      }
      %scan3A_552 = arith.constant 36 : i32
      %mul3A_553 = arith.constant 32 : i32
      %mul3A_554 = arith.muli %add3A, %mul3A_553 : i32
      %add3A_555 = arith.addi %mul3A_554, %add3A_442 : i32
      %jit3A_556 = arith.constant 256 : i32
      %div3A_557 = arith.divsi %add3A_555, %jit3A_556 : i32
      %sign3A_558 = arith.constant 0 : i32
      %sign3A_559 = arith.cmpi sgt, %add3A_555, %sign3A_558 : i32
      %sign3A_560 = arith.extui %sign3A_559 : i1 to i32
      %sign3A_561 = arith.constant 0 : i32
      %sign3A_562 = arith.cmpi slt, %add3A_555, %sign3A_561 : i32
      %sign3A_563 = arith.extui %sign3A_562 : i1 to i32
      %sign3A_564 = arith.subi %sign3A_560, %sign3A_563 : i32
      %sign3A_565 = arith.constant 0 : i32
      %sign3A_566 = arith.cmpi sgt, %jit3A_556, %sign3A_565 : i32
      %sign3A_567 = arith.extui %sign3A_566 : i1 to i32
      %sign3A_568 = arith.constant 0 : i32
      %sign3A_569 = arith.cmpi slt, %jit3A_556, %sign3A_568 : i32
      %sign3A_570 = arith.extui %sign3A_569 : i1 to i32
      %sign3A_571 = arith.subi %sign3A_567, %sign3A_570 : i32
      %ne3A_572 = arith.cmpi ne, %sign3A_564, %sign3A_571 : i32
      %rem3A_573 = arith.remsi %add3A_555, %jit3A_556 : i32
      %ne3A_574 = arith.constant 0 : i32
      %ne3A_575 = arith.cmpi ne, %rem3A_573, %ne3A_574 : i32
      %and3A_576 = arith.andi %ne3A_572, %ne3A_575 : i1
      %sub3A_577 = arith.constant 1 : i32
      %sub3A_578 = arith.subi %div3A_557, %sub3A_577 : i32
      %select_n3A_579 = arith.select %and3A_576, %sub3A_578, %div3A_557 : i32
      %jit3A_580 = arith.constant 256 : i32
      %eq3A_581 = arith.constant 0 : i32
      %eq3A_582 = arith.cmpi eq, %jit3A_580, %eq3A_581 : i32
      %jit3A_583 = arith.constant 1 : i32
      %select_n3A_584 = arith.select %eq3A_582, %jit3A_583, %jit3A_580 : i32
      %rem3A_585 = arith.remsi %add3A_555, %select_n3A_584 : i32
      %ne3A_586 = arith.constant 0 : i32
      %ne3A_587 = arith.cmpi ne, %rem3A_585, %ne3A_586 : i32
      %lt3A_588 = arith.constant 0 : i32
      %lt3A_589 = arith.cmpi slt, %rem3A_585, %lt3A_588 : i32
      %lt3A_590 = arith.constant 0 : i32
      %lt3A_591 = arith.cmpi slt, %select_n3A_584, %lt3A_590 : i32
      %ne3A_592 = arith.xori %lt3A_589, %lt3A_591 : i1
      %and3A_593 = arith.andi %ne3A_592, %ne3A_587 : i1
      %add3A_594 = arith.addi %rem3A_585, %select_n3A_584 : i32
      %select_n3A_595 = arith.select %and3A_593, %add3A_594, %rem3A_585 : i32
      %jit3A_596 = arith.constant 16 : i32
      %div3A_597 = arith.divsi %select_n3A_595, %jit3A_596 : i32
      %sign3A_598 = arith.constant 0 : i32
      %sign3A_599 = arith.cmpi sgt, %select_n3A_595, %sign3A_598 : i32
      %sign3A_600 = arith.extui %sign3A_599 : i1 to i32
      %sign3A_601 = arith.constant 0 : i32
      %sign3A_602 = arith.cmpi slt, %select_n3A_595, %sign3A_601 : i32
      %sign3A_603 = arith.extui %sign3A_602 : i1 to i32
      %sign3A_604 = arith.subi %sign3A_600, %sign3A_603 : i32
      %sign3A_605 = arith.constant 0 : i32
      %sign3A_606 = arith.cmpi sgt, %jit3A_596, %sign3A_605 : i32
      %sign3A_607 = arith.extui %sign3A_606 : i1 to i32
      %sign3A_608 = arith.constant 0 : i32
      %sign3A_609 = arith.cmpi slt, %jit3A_596, %sign3A_608 : i32
      %sign3A_610 = arith.extui %sign3A_609 : i1 to i32
      %sign3A_611 = arith.subi %sign3A_607, %sign3A_610 : i32
      %ne3A_612 = arith.cmpi ne, %sign3A_604, %sign3A_611 : i32
      %rem3A_613 = arith.remsi %select_n3A_595, %jit3A_596 : i32
      %ne3A_614 = arith.constant 0 : i32
      %ne3A_615 = arith.cmpi ne, %rem3A_613, %ne3A_614 : i32
      %and3A_616 = arith.andi %ne3A_612, %ne3A_615 : i1
      %sub3A_617 = arith.constant 1 : i32
      %sub3A_618 = arith.subi %div3A_597, %sub3A_617 : i32
      %select_n3A_619 = arith.select %and3A_616, %sub3A_618, %div3A_597 : i32
      %jit3A_620 = arith.constant 16 : i32
      %eq3A_621 = arith.constant 0 : i32
      %eq3A_622 = arith.cmpi eq, %jit3A_620, %eq3A_621 : i32
      %jit3A_623 = arith.constant 1 : i32
      %select_n3A_624 = arith.select %eq3A_622, %jit3A_623, %jit3A_620 : i32
      %rem3A_625 = arith.remsi %select_n3A_595, %select_n3A_624 : i32
      %ne3A_626 = arith.constant 0 : i32
      %ne3A_627 = arith.cmpi ne, %rem3A_625, %ne3A_626 : i32
      %lt3A_628 = arith.constant 0 : i32
      %lt3A_629 = arith.cmpi slt, %rem3A_625, %lt3A_628 : i32
      %lt3A_630 = arith.constant 0 : i32
      %lt3A_631 = arith.cmpi slt, %select_n3A_624, %lt3A_630 : i32
      %ne3A_632 = arith.xori %lt3A_629, %lt3A_631 : i1
      %and3A_633 = arith.andi %ne3A_632, %ne3A_627 : i1
      %add3A_634 = arith.addi %rem3A_625, %select_n3A_624 : i32
      %select_n3A_635 = arith.select %and3A_633, %add3A_634, %rem3A_625 : i32
      %dma_start3A_636 = arith.constant 0 : i32
      %dma_start3A_637 = arith.constant 0 : i32
      %dma_start3A_638 = arith.constant 0 : i32
      %dma_start3A_639 = arith.constant 0 : i32
      %dma_start3A_640 = tpu.memref_slice %arg5[%dma_start3A_636, %dma_start3A_637, %dma_start3A_638, %dma_start3A_639] : memref<2x12x3x768xf32, #tpu.memory_space<vmem>> -> memref<1x12x3x768xf32, #tpu.memory_space<vmem>>
      %dma_start3A_641 = tpu.memref_squeeze %dma_start3A_640 : memref<1x12x3x768xf32, #tpu.memory_space<vmem>> -> memref<12x3x768xf32, #tpu.memory_space<vmem>>
      %dma_start3A_642 = arith.constant 0 : i32
      %dma_start3A_643 = arith.constant 0 : i32
      %dma_start3A_644 = arith.constant 0 : i32
      %dma_start3A_645 = tpu.memref_slice %arg4[%select_n3A_579, %select_n3A_619, %select_n3A_635, %dma_start3A_642, %dma_start3A_643, %dma_start3A_644] : memref<4x16x16x12x3x768xf32, #tpu.memory_space<hbm>> -> memref<1x1x1x12x3x768xf32, #tpu.memory_space<hbm>>
      %dma_start3A_646 = tpu.memref_squeeze %dma_start3A_645 : memref<1x1x1x12x3x768xf32, #tpu.memory_space<hbm>> -> memref<12x3x768xf32, #tpu.memory_space<hbm>>
      %dma_start3A_647 = arith.constant 0 : i32
      %dma_start3A_648 = arith.constant 0 : i32
      %dma_start3A_649 = arith.constant 0 : i32
      %dma_start3A_650 = tpu.memref_slice %arg4[%select_n3A_579, %select_n3A_619, %select_n3A_635, %dma_start3A_647, %dma_start3A_648, %dma_start3A_649] : memref<4x16x16x12x3x768xf32, #tpu.memory_space<hbm>> -> memref<1x1x1x12x3x768xf32, #tpu.memory_space<hbm>>
      %dma_start3A_651 = tpu.memref_squeeze %dma_start3A_650 : memref<1x1x1x12x3x768xf32, #tpu.memory_space<hbm>> -> memref<12x3x768xf32, #tpu.memory_space<hbm>>
      %dma_start3A_652 = arith.constant 0 : i32
      %dma_start3A_653 = arith.constant 0 : i32
      %dma_start3A_654 = arith.constant 0 : i32
      %dma_start3A_655 = tpu.memref_slice %arg5[%dma_start3A_636, %dma_start3A_652, %dma_start3A_653, %dma_start3A_654] : memref<2x12x3x768xf32, #tpu.memory_space<vmem>> -> memref<1x12x3x768xf32, #tpu.memory_space<vmem>>
      %dma_start3A_656 = tpu.memref_squeeze %dma_start3A_655 : memref<1x12x3x768xf32, #tpu.memory_space<vmem>> -> memref<12x3x768xf32, #tpu.memory_space<vmem>>
      tpu.enqueue_dma source(%dma_start3A_656 : memref<12x3x768xf32, #tpu.memory_space<vmem>>) target(%dma_start3A_651 : memref<12x3x768xf32, #tpu.memory_space<hbm>>) target_semaphore(%arg9 : memref<!tpu.dma_semaphore, #tpu.memory_space<semaphore_mem>>)
      %add3A_657 = arith.constant 2 : i32
      %add3A_658 = arith.addi %add3A_442, %add3A_657 : i32
      %lt3A_659 = arith.constant 32 : i32
      %lt3A_660 = arith.cmpi slt, %add3A_658, %lt3A_659 : i32
      %convert_element_type3A = arith.extui %lt3A_660 : i1 to i32
      %cond3A = arith.constant 0 : i32
      %cond3A_661 = arith.cmpi ne, %convert_element_type3A, %cond3A : i32
      scf.if %cond3A_661 {
        %sub3A_887 = arith.constant 2 : i32
        %sub3A_888 = arith.subi %add3A_658, %sub3A_887 : i32
        %mul3A_889 = arith.constant 32 : i32
        %mul3A_890 = arith.muli %add3A, %mul3A_889 : i32
        %add3A_891 = arith.addi %mul3A_890, %sub3A_888 : i32
        %jit3A_892 = arith.constant 256 : i32
        %div3A_893 = arith.divsi %add3A_891, %jit3A_892 : i32
        %sign3A_894 = arith.constant 0 : i32
        %sign3A_895 = arith.cmpi sgt, %add3A_891, %sign3A_894 : i32
        %sign3A_896 = arith.extui %sign3A_895 : i1 to i32
        %sign3A_897 = arith.constant 0 : i32
        %sign3A_898 = arith.cmpi slt, %add3A_891, %sign3A_897 : i32
        %sign3A_899 = arith.extui %sign3A_898 : i1 to i32
        %sign3A_900 = arith.subi %sign3A_896, %sign3A_899 : i32
        %sign3A_901 = arith.constant 0 : i32
        %sign3A_902 = arith.cmpi sgt, %jit3A_892, %sign3A_901 : i32
        %sign3A_903 = arith.extui %sign3A_902 : i1 to i32
        %sign3A_904 = arith.constant 0 : i32
        %sign3A_905 = arith.cmpi slt, %jit3A_892, %sign3A_904 : i32
        %sign3A_906 = arith.extui %sign3A_905 : i1 to i32
        %sign3A_907 = arith.subi %sign3A_903, %sign3A_906 : i32
        %ne3A_908 = arith.cmpi ne, %sign3A_900, %sign3A_907 : i32
        %rem3A_909 = arith.remsi %add3A_891, %jit3A_892 : i32
        %ne3A_910 = arith.constant 0 : i32
        %ne3A_911 = arith.cmpi ne, %rem3A_909, %ne3A_910 : i32
        %and3A_912 = arith.andi %ne3A_908, %ne3A_911 : i1
        %sub3A_913 = arith.constant 1 : i32
        %sub3A_914 = arith.subi %div3A_893, %sub3A_913 : i32
        %select_n3A_915 = arith.select %and3A_912, %sub3A_914, %div3A_893 : i32
        %jit3A_916 = arith.constant 256 : i32
        %eq3A_917 = arith.constant 0 : i32
        %eq3A_918 = arith.cmpi eq, %jit3A_916, %eq3A_917 : i32
        %jit3A_919 = arith.constant 1 : i32
        %select_n3A_920 = arith.select %eq3A_918, %jit3A_919, %jit3A_916 : i32
        %rem3A_921 = arith.remsi %add3A_891, %select_n3A_920 : i32
        %ne3A_922 = arith.constant 0 : i32
        %ne3A_923 = arith.cmpi ne, %rem3A_921, %ne3A_922 : i32
        %lt3A_924 = arith.constant 0 : i32
        %lt3A_925 = arith.cmpi slt, %rem3A_921, %lt3A_924 : i32
        %lt3A_926 = arith.constant 0 : i32
        %lt3A_927 = arith.cmpi slt, %select_n3A_920, %lt3A_926 : i32
        %ne3A_928 = arith.xori %lt3A_925, %lt3A_927 : i1
        %and3A_929 = arith.andi %ne3A_928, %ne3A_923 : i1
        %add3A_930 = arith.addi %rem3A_921, %select_n3A_920 : i32
        %select_n3A_931 = arith.select %and3A_929, %add3A_930, %rem3A_921 : i32
        %jit3A_932 = arith.constant 16 : i32
        %div3A_933 = arith.divsi %select_n3A_931, %jit3A_932 : i32
        %sign3A_934 = arith.constant 0 : i32
        %sign3A_935 = arith.cmpi sgt, %select_n3A_931, %sign3A_934 : i32
        %sign3A_936 = arith.extui %sign3A_935 : i1 to i32
        %sign3A_937 = arith.constant 0 : i32
        %sign3A_938 = arith.cmpi slt, %select_n3A_931, %sign3A_937 : i32
        %sign3A_939 = arith.extui %sign3A_938 : i1 to i32
        %sign3A_940 = arith.subi %sign3A_936, %sign3A_939 : i32
        %sign3A_941 = arith.constant 0 : i32
        %sign3A_942 = arith.cmpi sgt, %jit3A_932, %sign3A_941 : i32
        %sign3A_943 = arith.extui %sign3A_942 : i1 to i32
        %sign3A_944 = arith.constant 0 : i32
        %sign3A_945 = arith.cmpi slt, %jit3A_932, %sign3A_944 : i32
        %sign3A_946 = arith.extui %sign3A_945 : i1 to i32
        %sign3A_947 = arith.subi %sign3A_943, %sign3A_946 : i32
        %ne3A_948 = arith.cmpi ne, %sign3A_940, %sign3A_947 : i32
        %rem3A_949 = arith.remsi %select_n3A_931, %jit3A_932 : i32
        %ne3A_950 = arith.constant 0 : i32
        %ne3A_951 = arith.cmpi ne, %rem3A_949, %ne3A_950 : i32
        %and3A_952 = arith.andi %ne3A_948, %ne3A_951 : i1
        %sub3A_953 = arith.constant 1 : i32
        %sub3A_954 = arith.subi %div3A_933, %sub3A_953 : i32
        %select_n3A_955 = arith.select %and3A_952, %sub3A_954, %div3A_933 : i32
        %jit3A_956 = arith.constant 16 : i32
        %eq3A_957 = arith.constant 0 : i32
        %eq3A_958 = arith.cmpi eq, %jit3A_956, %eq3A_957 : i32
        %jit3A_959 = arith.constant 1 : i32
        %select_n3A_960 = arith.select %eq3A_958, %jit3A_959, %jit3A_956 : i32
        %rem3A_961 = arith.remsi %select_n3A_931, %select_n3A_960 : i32
        %ne3A_962 = arith.constant 0 : i32
        %ne3A_963 = arith.cmpi ne, %rem3A_961, %ne3A_962 : i32
        %lt3A_964 = arith.constant 0 : i32
        %lt3A_965 = arith.cmpi slt, %rem3A_961, %lt3A_964 : i32
        %lt3A_966 = arith.constant 0 : i32
        %lt3A_967 = arith.cmpi slt, %select_n3A_960, %lt3A_966 : i32
        %ne3A_968 = arith.xori %lt3A_965, %lt3A_967 : i1
        %and3A_969 = arith.andi %ne3A_968, %ne3A_963 : i1
        %add3A_970 = arith.addi %rem3A_961, %select_n3A_960 : i32
        %select_n3A_971 = arith.select %and3A_969, %add3A_970, %rem3A_961 : i32
        %dma_wait3A_972 = arith.constant 0 : i32
        %dma_wait3A_973 = arith.constant 0 : i32
        %dma_wait3A_974 = arith.constant 0 : i32
        %dma_wait3A_975 = arith.constant 0 : i32
        %dma_wait3A_976 = tpu.memref_slice %arg5[%dma_wait3A_972, %dma_wait3A_973, %dma_wait3A_974, %dma_wait3A_975] : memref<2x12x3x768xf32, #tpu.memory_space<vmem>> -> memref<1x12x3x768xf32, #tpu.memory_space<vmem>>
        %dma_wait3A_977 = tpu.memref_squeeze %dma_wait3A_976 : memref<1x12x3x768xf32, #tpu.memory_space<vmem>> -> memref<12x3x768xf32, #tpu.memory_space<vmem>>
        %dma_wait3A_978 = arith.constant 0 : i32
        %dma_wait3A_979 = arith.constant 0 : i32
        %dma_wait3A_980 = arith.constant 0 : i32
        %dma_wait3A_981 = tpu.memref_slice %arg4[%select_n3A_915, %select_n3A_955, %select_n3A_971, %dma_wait3A_978, %dma_wait3A_979, %dma_wait3A_980] : memref<4x16x16x12x3x768xf32, #tpu.memory_space<hbm>> -> memref<1x1x1x12x3x768xf32, #tpu.memory_space<hbm>>
        %dma_wait3A_982 = tpu.memref_squeeze %dma_wait3A_981 : memref<1x1x1x12x3x768xf32, #tpu.memory_space<hbm>> -> memref<12x3x768xf32, #tpu.memory_space<hbm>>
        %dma_wait3A_983 = arith.constant 0 : i32
        %dma_wait3A_984 = arith.constant 0 : i32
        %dma_wait3A_985 = arith.constant 0 : i32
        %dma_wait3A_986 = tpu.memref_slice %arg4[%select_n3A_915, %select_n3A_955, %select_n3A_971, %dma_wait3A_983, %dma_wait3A_984, %dma_wait3A_985] : memref<4x16x16x12x3x768xf32, #tpu.memory_space<hbm>> -> memref<1x1x1x12x3x768xf32, #tpu.memory_space<hbm>>
        %dma_wait3A_987 = tpu.memref_squeeze %dma_wait3A_986 : memref<1x1x1x12x3x768xf32, #tpu.memory_space<hbm>> -> memref<12x3x768xf32, #tpu.memory_space<hbm>>
        %dma_wait3A_988 = arith.constant 0 : i32
        %dma_wait3A_989 = arith.constant 0 : i32
        %dma_wait3A_990 = arith.constant 0 : i32
        %dma_wait3A_991 = tpu.memref_slice %arg5[%dma_wait3A_972, %dma_wait3A_988, %dma_wait3A_989, %dma_wait3A_990] : memref<2x12x3x768xf32, #tpu.memory_space<vmem>> -> memref<1x12x3x768xf32, #tpu.memory_space<vmem>>
        %dma_wait3A_992 = tpu.memref_squeeze %dma_wait3A_991 : memref<1x12x3x768xf32, #tpu.memory_space<vmem>> -> memref<12x3x768xf32, #tpu.memory_space<vmem>>
        tpu.wait_dma2 semaphore(%arg9 : memref<!tpu.dma_semaphore, #tpu.memory_space<semaphore_mem>>) src(%dma_wait3A_992 : memref<12x3x768xf32, #tpu.memory_space<vmem>>) dst(%dma_wait3A_987 : memref<12x3x768xf32, #tpu.memory_space<hbm>>)
        %mul3A_993 = arith.constant 32 : i32
        %mul3A_994 = arith.muli %add3A, %mul3A_993 : i32
        %add3A_995 = arith.addi %mul3A_994, %add3A_658 : i32
        %jit3A_996 = arith.constant 256 : i32
        %div3A_997 = arith.divsi %add3A_995, %jit3A_996 : i32
        %sign3A_998 = arith.constant 0 : i32
        %sign3A_999 = arith.cmpi sgt, %add3A_995, %sign3A_998 : i32
        %sign3A_1000 = arith.extui %sign3A_999 : i1 to i32
        %sign3A_1001 = arith.constant 0 : i32
        %sign3A_1002 = arith.cmpi slt, %add3A_995, %sign3A_1001 : i32
        %sign3A_1003 = arith.extui %sign3A_1002 : i1 to i32
        %sign3A_1004 = arith.subi %sign3A_1000, %sign3A_1003 : i32
        %sign3A_1005 = arith.constant 0 : i32
        %sign3A_1006 = arith.cmpi sgt, %jit3A_996, %sign3A_1005 : i32
        %sign3A_1007 = arith.extui %sign3A_1006 : i1 to i32
        %sign3A_1008 = arith.constant 0 : i32
        %sign3A_1009 = arith.cmpi slt, %jit3A_996, %sign3A_1008 : i32
        %sign3A_1010 = arith.extui %sign3A_1009 : i1 to i32
        %sign3A_1011 = arith.subi %sign3A_1007, %sign3A_1010 : i32
        %ne3A_1012 = arith.cmpi ne, %sign3A_1004, %sign3A_1011 : i32
        %rem3A_1013 = arith.remsi %add3A_995, %jit3A_996 : i32
        %ne3A_1014 = arith.constant 0 : i32
        %ne3A_1015 = arith.cmpi ne, %rem3A_1013, %ne3A_1014 : i32
        %and3A_1016 = arith.andi %ne3A_1012, %ne3A_1015 : i1
        %sub3A_1017 = arith.constant 1 : i32
        %sub3A_1018 = arith.subi %div3A_997, %sub3A_1017 : i32
        %select_n3A_1019 = arith.select %and3A_1016, %sub3A_1018, %div3A_997 : i32
        %jit3A_1020 = arith.constant 256 : i32
        %eq3A_1021 = arith.constant 0 : i32
        %eq3A_1022 = arith.cmpi eq, %jit3A_1020, %eq3A_1021 : i32
        %jit3A_1023 = arith.constant 1 : i32
        %select_n3A_1024 = arith.select %eq3A_1022, %jit3A_1023, %jit3A_1020 : i32
        %rem3A_1025 = arith.remsi %add3A_995, %select_n3A_1024 : i32
        %ne3A_1026 = arith.constant 0 : i32
        %ne3A_1027 = arith.cmpi ne, %rem3A_1025, %ne3A_1026 : i32
        %lt3A_1028 = arith.constant 0 : i32
        %lt3A_1029 = arith.cmpi slt, %rem3A_1025, %lt3A_1028 : i32
        %lt3A_1030 = arith.constant 0 : i32
        %lt3A_1031 = arith.cmpi slt, %select_n3A_1024, %lt3A_1030 : i32
        %ne3A_1032 = arith.xori %lt3A_1029, %lt3A_1031 : i1
        %and3A_1033 = arith.andi %ne3A_1032, %ne3A_1027 : i1
        %add3A_1034 = arith.addi %rem3A_1025, %select_n3A_1024 : i32
        %select_n3A_1035 = arith.select %and3A_1033, %add3A_1034, %rem3A_1025 : i32
        %jit3A_1036 = arith.constant 16 : i32
        %div3A_1037 = arith.divsi %select_n3A_1035, %jit3A_1036 : i32
        %sign3A_1038 = arith.constant 0 : i32
        %sign3A_1039 = arith.cmpi sgt, %select_n3A_1035, %sign3A_1038 : i32
        %sign3A_1040 = arith.extui %sign3A_1039 : i1 to i32
        %sign3A_1041 = arith.constant 0 : i32
        %sign3A_1042 = arith.cmpi slt, %select_n3A_1035, %sign3A_1041 : i32
        %sign3A_1043 = arith.extui %sign3A_1042 : i1 to i32
        %sign3A_1044 = arith.subi %sign3A_1040, %sign3A_1043 : i32
        %sign3A_1045 = arith.constant 0 : i32
        %sign3A_1046 = arith.cmpi sgt, %jit3A_1036, %sign3A_1045 : i32
        %sign3A_1047 = arith.extui %sign3A_1046 : i1 to i32
        %sign3A_1048 = arith.constant 0 : i32
        %sign3A_1049 = arith.cmpi slt, %jit3A_1036, %sign3A_1048 : i32
        %sign3A_1050 = arith.extui %sign3A_1049 : i1 to i32
        %sign3A_1051 = arith.subi %sign3A_1047, %sign3A_1050 : i32
        %ne3A_1052 = arith.cmpi ne, %sign3A_1044, %sign3A_1051 : i32
        %rem3A_1053 = arith.remsi %select_n3A_1035, %jit3A_1036 : i32
        %ne3A_1054 = arith.constant 0 : i32
        %ne3A_1055 = arith.cmpi ne, %rem3A_1053, %ne3A_1054 : i32
        %and3A_1056 = arith.andi %ne3A_1052, %ne3A_1055 : i1
        %sub3A_1057 = arith.constant 1 : i32
        %sub3A_1058 = arith.subi %div3A_1037, %sub3A_1057 : i32
        %select_n3A_1059 = arith.select %and3A_1056, %sub3A_1058, %div3A_1037 : i32
        %jit3A_1060 = arith.constant 16 : i32
        %eq3A_1061 = arith.constant 0 : i32
        %eq3A_1062 = arith.cmpi eq, %jit3A_1060, %eq3A_1061 : i32
        %jit3A_1063 = arith.constant 1 : i32
        %select_n3A_1064 = arith.select %eq3A_1062, %jit3A_1063, %jit3A_1060 : i32
        %rem3A_1065 = arith.remsi %select_n3A_1035, %select_n3A_1064 : i32
        %ne3A_1066 = arith.constant 0 : i32
        %ne3A_1067 = arith.cmpi ne, %rem3A_1065, %ne3A_1066 : i32
        %lt3A_1068 = arith.constant 0 : i32
        %lt3A_1069 = arith.cmpi slt, %rem3A_1065, %lt3A_1068 : i32
        %lt3A_1070 = arith.constant 0 : i32
        %lt3A_1071 = arith.cmpi slt, %select_n3A_1064, %lt3A_1070 : i32
        %ne3A_1072 = arith.xori %lt3A_1069, %lt3A_1071 : i1
        %and3A_1073 = arith.andi %ne3A_1072, %ne3A_1067 : i1
        %add3A_1074 = arith.addi %rem3A_1065, %select_n3A_1064 : i32
        %select_n3A_1075 = arith.select %and3A_1073, %add3A_1074, %rem3A_1065 : i32
        %dma_start3A_1076 = arith.constant 0 : i32
        %dma_start3A_1077 = arith.constant 0 : i32
        %dma_start3A_1078 = arith.constant 0 : i32
        %dma_start3A_1079 = arith.constant 0 : i32
        %dma_start3A_1080 = tpu.memref_slice %arg5[%dma_start3A_1076, %dma_start3A_1077, %dma_start3A_1078, %dma_start3A_1079] : memref<2x12x3x768xf32, #tpu.memory_space<vmem>> -> memref<1x12x3x768xf32, #tpu.memory_space<vmem>>
        %dma_start3A_1081 = tpu.memref_squeeze %dma_start3A_1080 : memref<1x12x3x768xf32, #tpu.memory_space<vmem>> -> memref<12x3x768xf32, #tpu.memory_space<vmem>>
        %dma_start3A_1082 = arith.constant 0 : i32
        %dma_start3A_1083 = arith.constant 0 : i32
        %dma_start3A_1084 = arith.constant 0 : i32
        %dma_start3A_1085 = tpu.memref_slice %arg2[%select_n3A_1019, %select_n3A_1059, %select_n3A_1075, %dma_start3A_1082, %dma_start3A_1083, %dma_start3A_1084] : memref<4x16x16x12x3x768xf32, #tpu.memory_space<hbm>> -> memref<1x1x1x12x3x768xf32, #tpu.memory_space<hbm>>
        %dma_start3A_1086 = tpu.memref_squeeze %dma_start3A_1085 : memref<1x1x1x12x3x768xf32, #tpu.memory_space<hbm>> -> memref<12x3x768xf32, #tpu.memory_space<hbm>>
        %dma_start3A_1087 = arith.constant 0 : i32
        %dma_start3A_1088 = arith.constant 0 : i32
        %dma_start3A_1089 = arith.constant 0 : i32
        %dma_start3A_1090 = tpu.memref_slice %arg5[%dma_start3A_1076, %dma_start3A_1087, %dma_start3A_1088, %dma_start3A_1089] : memref<2x12x3x768xf32, #tpu.memory_space<vmem>> -> memref<1x12x3x768xf32, #tpu.memory_space<vmem>>
        %dma_start3A_1091 = tpu.memref_squeeze %dma_start3A_1090 : memref<1x12x3x768xf32, #tpu.memory_space<vmem>> -> memref<12x3x768xf32, #tpu.memory_space<vmem>>
        %dma_start3A_1092 = arith.constant 0 : i32
        %dma_start3A_1093 = arith.constant 0 : i32
        %dma_start3A_1094 = arith.constant 0 : i32
        %dma_start3A_1095 = tpu.memref_slice %arg2[%select_n3A_1019, %select_n3A_1059, %select_n3A_1075, %dma_start3A_1092, %dma_start3A_1093, %dma_start3A_1094] : memref<4x16x16x12x3x768xf32, #tpu.memory_space<hbm>> -> memref<1x1x1x12x3x768xf32, #tpu.memory_space<hbm>>
        %dma_start3A_1096 = tpu.memref_squeeze %dma_start3A_1095 : memref<1x1x1x12x3x768xf32, #tpu.memory_space<hbm>> -> memref<12x3x768xf32, #tpu.memory_space<hbm>>
        tpu.enqueue_dma source(%dma_start3A_1096 : memref<12x3x768xf32, #tpu.memory_space<hbm>>) target(%dma_start3A_1091 : memref<12x3x768xf32, #tpu.memory_space<vmem>>) target_semaphore(%arg7 : memref<!tpu.dma_semaphore, #tpu.memory_space<semaphore_mem>>)
      } else {
      }
      %mul3A_662 = arith.constant 2 : i32
      %mul3A_663 = arith.muli %scan3A_438, %mul3A_662 : i32
      %add3A_664 = arith.constant 1 : i32
      %add3A_665 = arith.addi %mul3A_663, %add3A_664 : i32
      %mul3A_666 = arith.constant 32 : i32
      %mul3A_667 = arith.muli %add3A, %mul3A_666 : i32
      %add3A_668 = arith.addi %mul3A_667, %add3A_665 : i32
      %jit3A_669 = arith.constant 256 : i32
      %div3A_670 = arith.divsi %add3A_668, %jit3A_669 : i32
      %sign3A_671 = arith.constant 0 : i32
      %sign3A_672 = arith.cmpi sgt, %add3A_668, %sign3A_671 : i32
      %sign3A_673 = arith.extui %sign3A_672 : i1 to i32
      %sign3A_674 = arith.constant 0 : i32
      %sign3A_675 = arith.cmpi slt, %add3A_668, %sign3A_674 : i32
      %sign3A_676 = arith.extui %sign3A_675 : i1 to i32
      %sign3A_677 = arith.subi %sign3A_673, %sign3A_676 : i32
      %sign3A_678 = arith.constant 0 : i32
      %sign3A_679 = arith.cmpi sgt, %jit3A_669, %sign3A_678 : i32
      %sign3A_680 = arith.extui %sign3A_679 : i1 to i32
      %sign3A_681 = arith.constant 0 : i32
      %sign3A_682 = arith.cmpi slt, %jit3A_669, %sign3A_681 : i32
      %sign3A_683 = arith.extui %sign3A_682 : i1 to i32
      %sign3A_684 = arith.subi %sign3A_680, %sign3A_683 : i32
      %ne3A_685 = arith.cmpi ne, %sign3A_677, %sign3A_684 : i32
      %rem3A_686 = arith.remsi %add3A_668, %jit3A_669 : i32
      %ne3A_687 = arith.constant 0 : i32
      %ne3A_688 = arith.cmpi ne, %rem3A_686, %ne3A_687 : i32
      %and3A_689 = arith.andi %ne3A_685, %ne3A_688 : i1
      %sub3A_690 = arith.constant 1 : i32
      %sub3A_691 = arith.subi %div3A_670, %sub3A_690 : i32
      %select_n3A_692 = arith.select %and3A_689, %sub3A_691, %div3A_670 : i32
      %jit3A_693 = arith.constant 256 : i32
      %eq3A_694 = arith.constant 0 : i32
      %eq3A_695 = arith.cmpi eq, %jit3A_693, %eq3A_694 : i32
      %jit3A_696 = arith.constant 1 : i32
      %select_n3A_697 = arith.select %eq3A_695, %jit3A_696, %jit3A_693 : i32
      %rem3A_698 = arith.remsi %add3A_668, %select_n3A_697 : i32
      %ne3A_699 = arith.constant 0 : i32
      %ne3A_700 = arith.cmpi ne, %rem3A_698, %ne3A_699 : i32
      %lt3A_701 = arith.constant 0 : i32
      %lt3A_702 = arith.cmpi slt, %rem3A_698, %lt3A_701 : i32
      %lt3A_703 = arith.constant 0 : i32
      %lt3A_704 = arith.cmpi slt, %select_n3A_697, %lt3A_703 : i32
      %ne3A_705 = arith.xori %lt3A_702, %lt3A_704 : i1
      %and3A_706 = arith.andi %ne3A_705, %ne3A_700 : i1
      %add3A_707 = arith.addi %rem3A_698, %select_n3A_697 : i32
      %select_n3A_708 = arith.select %and3A_706, %add3A_707, %rem3A_698 : i32
      %jit3A_709 = arith.constant 16 : i32
      %div3A_710 = arith.divsi %select_n3A_708, %jit3A_709 : i32
      %sign3A_711 = arith.constant 0 : i32
      %sign3A_712 = arith.cmpi sgt, %select_n3A_708, %sign3A_711 : i32
      %sign3A_713 = arith.extui %sign3A_712 : i1 to i32
      %sign3A_714 = arith.constant 0 : i32
      %sign3A_715 = arith.cmpi slt, %select_n3A_708, %sign3A_714 : i32
      %sign3A_716 = arith.extui %sign3A_715 : i1 to i32
      %sign3A_717 = arith.subi %sign3A_713, %sign3A_716 : i32
      %sign3A_718 = arith.constant 0 : i32
      %sign3A_719 = arith.cmpi sgt, %jit3A_709, %sign3A_718 : i32
      %sign3A_720 = arith.extui %sign3A_719 : i1 to i32
      %sign3A_721 = arith.constant 0 : i32
      %sign3A_722 = arith.cmpi slt, %jit3A_709, %sign3A_721 : i32
      %sign3A_723 = arith.extui %sign3A_722 : i1 to i32
      %sign3A_724 = arith.subi %sign3A_720, %sign3A_723 : i32
      %ne3A_725 = arith.cmpi ne, %sign3A_717, %sign3A_724 : i32
      %rem3A_726 = arith.remsi %select_n3A_708, %jit3A_709 : i32
      %ne3A_727 = arith.constant 0 : i32
      %ne3A_728 = arith.cmpi ne, %rem3A_726, %ne3A_727 : i32
      %and3A_729 = arith.andi %ne3A_725, %ne3A_728 : i1
      %sub3A_730 = arith.constant 1 : i32
      %sub3A_731 = arith.subi %div3A_710, %sub3A_730 : i32
      %select_n3A_732 = arith.select %and3A_729, %sub3A_731, %div3A_710 : i32
      %jit3A_733 = arith.constant 16 : i32
      %eq3A_734 = arith.constant 0 : i32
      %eq3A_735 = arith.cmpi eq, %jit3A_733, %eq3A_734 : i32
      %jit3A_736 = arith.constant 1 : i32
      %select_n3A_737 = arith.select %eq3A_735, %jit3A_736, %jit3A_733 : i32
      %rem3A_738 = arith.remsi %select_n3A_708, %select_n3A_737 : i32
      %ne3A_739 = arith.constant 0 : i32
      %ne3A_740 = arith.cmpi ne, %rem3A_738, %ne3A_739 : i32
      %lt3A_741 = arith.constant 0 : i32
      %lt3A_742 = arith.cmpi slt, %rem3A_738, %lt3A_741 : i32
      %lt3A_743 = arith.constant 0 : i32
      %lt3A_744 = arith.cmpi slt, %select_n3A_737, %lt3A_743 : i32
      %ne3A_745 = arith.xori %lt3A_742, %lt3A_744 : i1
      %and3A_746 = arith.andi %ne3A_745, %ne3A_740 : i1
      %add3A_747 = arith.addi %rem3A_738, %select_n3A_737 : i32
      %select_n3A_748 = arith.select %and3A_746, %add3A_747, %rem3A_738 : i32
      %dma_wait3A_749 = arith.constant 1 : i32
      %dma_wait3A_750 = arith.constant 0 : i32
      %dma_wait3A_751 = arith.constant 0 : i32
      %dma_wait3A_752 = arith.constant 0 : i32
      %dma_wait3A_753 = tpu.memref_slice %arg5[%dma_wait3A_749, %dma_wait3A_750, %dma_wait3A_751, %dma_wait3A_752] : memref<2x12x3x768xf32, #tpu.memory_space<vmem>> -> memref<1x12x3x768xf32, #tpu.memory_space<vmem>>
      %dma_wait3A_754 = tpu.memref_squeeze %dma_wait3A_753 : memref<1x12x3x768xf32, #tpu.memory_space<vmem>> -> memref<12x3x768xf32, #tpu.memory_space<vmem>>
      %dma_wait3A_755 = arith.constant 0 : i32
      %dma_wait3A_756 = arith.constant 0 : i32
      %dma_wait3A_757 = arith.constant 0 : i32
      %dma_wait3A_758 = tpu.memref_slice %arg2[%select_n3A_692, %select_n3A_732, %select_n3A_748, %dma_wait3A_755, %dma_wait3A_756, %dma_wait3A_757] : memref<4x16x16x12x3x768xf32, #tpu.memory_space<hbm>> -> memref<1x1x1x12x3x768xf32, #tpu.memory_space<hbm>>
      %dma_wait3A_759 = tpu.memref_squeeze %dma_wait3A_758 : memref<1x1x1x12x3x768xf32, #tpu.memory_space<hbm>> -> memref<12x3x768xf32, #tpu.memory_space<hbm>>
      %dma_wait3A_760 = arith.constant 0 : i32
      %dma_wait3A_761 = arith.constant 0 : i32
      %dma_wait3A_762 = arith.constant 0 : i32
      %dma_wait3A_763 = tpu.memref_slice %arg5[%dma_wait3A_749, %dma_wait3A_760, %dma_wait3A_761, %dma_wait3A_762] : memref<2x12x3x768xf32, #tpu.memory_space<vmem>> -> memref<1x12x3x768xf32, #tpu.memory_space<vmem>>
      %dma_wait3A_764 = tpu.memref_squeeze %dma_wait3A_763 : memref<1x12x3x768xf32, #tpu.memory_space<vmem>> -> memref<12x3x768xf32, #tpu.memory_space<vmem>>
      %dma_wait3A_765 = arith.constant 0 : i32
      %dma_wait3A_766 = arith.constant 0 : i32
      %dma_wait3A_767 = arith.constant 0 : i32
      %dma_wait3A_768 = tpu.memref_slice %arg2[%select_n3A_692, %select_n3A_732, %select_n3A_748, %dma_wait3A_765, %dma_wait3A_766, %dma_wait3A_767] : memref<4x16x16x12x3x768xf32, #tpu.memory_space<hbm>> -> memref<1x1x1x12x3x768xf32, #tpu.memory_space<hbm>>
      %dma_wait3A_769 = tpu.memref_squeeze %dma_wait3A_768 : memref<1x1x1x12x3x768xf32, #tpu.memory_space<hbm>> -> memref<12x3x768xf32, #tpu.memory_space<hbm>>
      tpu.wait_dma2 semaphore(%arg8 : memref<!tpu.dma_semaphore, #tpu.memory_space<semaphore_mem>>) src(%dma_wait3A_769 : memref<12x3x768xf32, #tpu.memory_space<hbm>>) dst(%dma_wait3A_764 : memref<12x3x768xf32, #tpu.memory_space<vmem>>)
      %scan3A_770 = arith.constant 0 : i32
      %scan3A_771 = arith.constant 0 : i32
      %scan3A_772 = arith.constant 36 : i32
      %scan3A_773 = arith.addi %scan3A_771, %scan3A_772 : i32
      %scan3A_774 = arith.constant 1 : i32
      scf.for %scan3A_887 = %scan3A_771 to %scan3A_773 step %scan3A_774  : i32 {
        %jit3A_888 = arith.constant 3 : i32
        %div3A_889 = arith.divsi %scan3A_887, %jit3A_888 : i32
        %sign3A_890 = arith.constant 0 : i32
        %sign3A_891 = arith.cmpi sgt, %scan3A_887, %sign3A_890 : i32
        %sign3A_892 = arith.extui %sign3A_891 : i1 to i32
        %sign3A_893 = arith.constant 0 : i32
        %sign3A_894 = arith.cmpi slt, %scan3A_887, %sign3A_893 : i32
        %sign3A_895 = arith.extui %sign3A_894 : i1 to i32
        %sign3A_896 = arith.subi %sign3A_892, %sign3A_895 : i32
        %sign3A_897 = arith.constant 0 : i32
        %sign3A_898 = arith.cmpi sgt, %jit3A_888, %sign3A_897 : i32
        %sign3A_899 = arith.extui %sign3A_898 : i1 to i32
        %sign3A_900 = arith.constant 0 : i32
        %sign3A_901 = arith.cmpi slt, %jit3A_888, %sign3A_900 : i32
        %sign3A_902 = arith.extui %sign3A_901 : i1 to i32
        %sign3A_903 = arith.subi %sign3A_899, %sign3A_902 : i32
        %ne3A_904 = arith.cmpi ne, %sign3A_896, %sign3A_903 : i32
        %rem3A_905 = arith.remsi %scan3A_887, %jit3A_888 : i32
        %ne3A_906 = arith.constant 0 : i32
        %ne3A_907 = arith.cmpi ne, %rem3A_905, %ne3A_906 : i32
        %and3A_908 = arith.andi %ne3A_904, %ne3A_907 : i1
        %sub3A_909 = arith.constant 1 : i32
        %sub3A_910 = arith.subi %div3A_889, %sub3A_909 : i32
        %select_n3A_911 = arith.select %and3A_908, %sub3A_910, %div3A_889 : i32
        %jit3A_912 = arith.constant 3 : i32
        %eq3A_913 = arith.constant 0 : i32
        %eq3A_914 = arith.cmpi eq, %jit3A_912, %eq3A_913 : i32
        %jit3A_915 = arith.constant 1 : i32
        %select_n3A_916 = arith.select %eq3A_914, %jit3A_915, %jit3A_912 : i32
        %rem3A_917 = arith.remsi %scan3A_887, %select_n3A_916 : i32
        %ne3A_918 = arith.constant 0 : i32
        %ne3A_919 = arith.cmpi ne, %rem3A_917, %ne3A_918 : i32
        %lt3A_920 = arith.constant 0 : i32
        %lt3A_921 = arith.cmpi slt, %rem3A_917, %lt3A_920 : i32
        %lt3A_922 = arith.constant 0 : i32
        %lt3A_923 = arith.cmpi slt, %select_n3A_916, %lt3A_922 : i32
        %ne3A_924 = arith.xori %lt3A_921, %lt3A_923 : i1
        %and3A_925 = arith.andi %ne3A_924, %ne3A_919 : i1
        %add3A_926 = arith.addi %rem3A_917, %select_n3A_916 : i32
        %select_n3A_927 = arith.select %and3A_925, %add3A_926, %rem3A_917 : i32
        %get3A = arith.constant 1 : i32
        %get3A_928 = arith.index_cast %get3A : i32 to index
        %get3A_929 = arith.index_cast %select_n3A_911 : i32 to index
        %get3A_930 = arith.index_cast %select_n3A_927 : i32 to index
        %get3A_931 = arith.constant 0 : index
        %get3A_932 = tpu.vector_load %arg5[%get3A_928, %get3A_929, %get3A_930, %get3A_931] {strides = array<i32>} : memref<2x12x3x768xf32, #tpu.memory_space<vmem>>, vector<1x1x1x16xf32>,
        %get3A_933 = vector.shape_cast %get3A_932 : vector<1x1x1x16xf32> to vector<16xf32>
        %get3A_934 = arith.index_cast %select_n3A_911 : i32 to index
        %get3A_935 = arith.index_cast %select_n3A_927 : i32 to index
        %get3A_936 = arith.constant 0 : index
        %get3A_937 = tpu.vector_load %arg6[%get3A_934, %get3A_935, %get3A_936] {strides = array<i32>} : memref<12x3x768xf32, #tpu.memory_space<vmem>>, vector<1x1x16xf32>,
        %get3A_938 = vector.shape_cast %get3A_937 : vector<1x1x16xf32> to vector<16xf32>
        %add3A_939 = arith.addf %get3A_933, %get3A_938 : vector<16xf32>
        %swap3A = arith.constant 1 : i32
        %swap3A_940 = arith.index_cast %swap3A : i32 to index
        %swap3A_941 = arith.index_cast %select_n3A_911 : i32 to index
        %swap3A_942 = arith.index_cast %select_n3A_927 : i32 to index
        %swap3A_943 = arith.constant 0 : index
        %swap3A_944 = tpu.vector_load %arg5[%swap3A_940, %swap3A_941, %swap3A_942, %swap3A_943] {strides = array<i32>} : memref<2x12x3x768xf32, #tpu.memory_space<vmem>>, vector<1x1x1x16xf32>,
        %swap3A_945 = vector.shape_cast %swap3A_944 : vector<1x1x1x16xf32> to vector<16xf32>
        %swap3A_946 = vector.shape_cast %add3A_939 : vector<16xf32> to vector<1x1x1x16xf32>
        tpu.vector_store %arg5[%swap3A_940, %swap3A_941, %swap3A_942, %swap3A_943], %swap3A_946 {strides = array<i32>} : memref<2x12x3x768xf32, #tpu.memory_space<vmem>>, vector<1x1x1x16xf32>,
        %get3A_947 = arith.constant 1 : i32
        %get3A_948 = arith.index_cast %get3A_947 : i32 to index
        %get3A_949 = arith.index_cast %select_n3A_911 : i32 to index
        %get3A_950 = arith.index_cast %select_n3A_927 : i32 to index
        %get3A_951 = arith.constant 16 : index
        %get3A_952 = tpu.vector_load %arg5[%get3A_948, %get3A_949, %get3A_950, %get3A_951] {strides = array<i32>} : memref<2x12x3x768xf32, #tpu.memory_space<vmem>>, vector<1x1x1x16xf32>,
        %get3A_953 = vector.shape_cast %get3A_952 : vector<1x1x1x16xf32> to vector<16xf32>
        %get3A_954 = arith.index_cast %select_n3A_911 : i32 to index
        %get3A_955 = arith.index_cast %select_n3A_927 : i32 to index
        %get3A_956 = arith.constant 16 : index
        %get3A_957 = tpu.vector_load %arg6[%get3A_954, %get3A_955, %get3A_956] {strides = array<i32>} : memref<12x3x768xf32, #tpu.memory_space<vmem>>, vector<1x1x16xf32>,
        %get3A_958 = vector.shape_cast %get3A_957 : vector<1x1x16xf32> to vector<16xf32>
        %add3A_959 = arith.addf %get3A_953, %get3A_958 : vector<16xf32>
        %swap3A_960 = arith.constant 1 : i32
        %swap3A_961 = arith.index_cast %swap3A_960 : i32 to index
        %swap3A_962 = arith.index_cast %select_n3A_911 : i32 to index
        %swap3A_963 = arith.index_cast %select_n3A_927 : i32 to index
        %swap3A_964 = arith.constant 16 : index
        %swap3A_965 = tpu.vector_load %arg5[%swap3A_961, %swap3A_962, %swap3A_963, %swap3A_964] {strides = array<i32>} : memref<2x12x3x768xf32, #tpu.memory_space<vmem>>, vector<1x1x1x16xf32>,
        %swap3A_966 = vector.shape_cast %swap3A_965 : vector<1x1x1x16xf32> to vector<16xf32>
        %swap3A_967 = vector.shape_cast %add3A_959 : vector<16xf32> to vector<1x1x1x16xf32>
        tpu.vector_store %arg5[%swap3A_961, %swap3A_962, %swap3A_963, %swap3A_964], %swap3A_967 {strides = array<i32>} : memref<2x12x3x768xf32, #tpu.memory_space<vmem>>, vector<1x1x1x16xf32>,
        %get3A_968 = arith.constant 1 : i32
        %get3A_969 = arith.index_cast %get3A_968 : i32 to index
        %get3A_970 = arith.index_cast %select_n3A_911 : i32 to index
        %get3A_971 = arith.index_cast %select_n3A_927 : i32 to index
        %get3A_972 = arith.constant 32 : index
        %get3A_973 = tpu.vector_load %arg5[%get3A_969, %get3A_970, %get3A_971, %get3A_972] {strides = array<i32>} : memref<2x12x3x768xf32, #tpu.memory_space<vmem>>, vector<1x1x1x16xf32>,
        %get3A_974 = vector.shape_cast %get3A_973 : vector<1x1x1x16xf32> to vector<16xf32>
        %get3A_975 = arith.index_cast %select_n3A_911 : i32 to index
        %get3A_976 = arith.index_cast %select_n3A_927 : i32 to index
        %get3A_977 = arith.constant 32 : index
        %get3A_978 = tpu.vector_load %arg6[%get3A_975, %get3A_976, %get3A_977] {strides = array<i32>} : memref<12x3x768xf32, #tpu.memory_space<vmem>>, vector<1x1x16xf32>,
        %get3A_979 = vector.shape_cast %get3A_978 : vector<1x1x16xf32> to vector<16xf32>
        %add3A_980 = arith.addf %get3A_974, %get3A_979 : vector<16xf32>
        %swap3A_981 = arith.constant 1 : i32
        %swap3A_982 = arith.index_cast %swap3A_981 : i32 to index
        %swap3A_983 = arith.index_cast %select_n3A_911 : i32 to index
        %swap3A_984 = arith.index_cast %select_n3A_927 : i32 to index
        %swap3A_985 = arith.constant 32 : index
        %swap3A_986 = tpu.vector_load %arg5[%swap3A_982, %swap3A_983, %swap3A_984, %swap3A_985] {strides = array<i32>} : memref<2x12x3x768xf32, #tpu.memory_space<vmem>>, vector<1x1x1x16xf32>,
        %swap3A_987 = vector.shape_cast %swap3A_986 : vector<1x1x1x16xf32> to vector<16xf32>
        %swap3A_988 = vector.shape_cast %add3A_980 : vector<16xf32> to vector<1x1x1x16xf32>
        tpu.vector_store %arg5[%swap3A_982, %swap3A_983, %swap3A_984, %swap3A_985], %swap3A_988 {strides = array<i32>} : memref<2x12x3x768xf32, #tpu.memory_space<vmem>>, vector<1x1x1x16xf32>,
        %get3A_989 = arith.constant 1 : i32
        %get3A_990 = arith.index_cast %get3A_989 : i32 to index
        %get3A_991 = arith.index_cast %select_n3A_911 : i32 to index
        %get3A_992 = arith.index_cast %select_n3A_927 : i32 to index
        %get3A_993 = arith.constant 48 : index
        %get3A_994 = tpu.vector_load %arg5[%get3A_990, %get3A_991, %get3A_992, %get3A_993] {strides = array<i32>} : memref<2x12x3x768xf32, #tpu.memory_space<vmem>>, vector<1x1x1x16xf32>,
        %get3A_995 = vector.shape_cast %get3A_994 : vector<1x1x1x16xf32> to vector<16xf32>
        %get3A_996 = arith.index_cast %select_n3A_911 : i32 to index
        %get3A_997 = arith.index_cast %select_n3A_927 : i32 to index
        %get3A_998 = arith.constant 48 : index
        %get3A_999 = tpu.vector_load %arg6[%get3A_996, %get3A_997, %get3A_998] {strides = array<i32>} : memref<12x3x768xf32, #tpu.memory_space<vmem>>, vector<1x1x16xf32>,
        %get3A_1000 = vector.shape_cast %get3A_999 : vector<1x1x16xf32> to vector<16xf32>
        %add3A_1001 = arith.addf %get3A_995, %get3A_1000 : vector<16xf32>
        %swap3A_1002 = arith.constant 1 : i32
        %swap3A_1003 = arith.index_cast %swap3A_1002 : i32 to index
        %swap3A_1004 = arith.index_cast %select_n3A_911 : i32 to index
        %swap3A_1005 = arith.index_cast %select_n3A_927 : i32 to index
        %swap3A_1006 = arith.constant 48 : index
        %swap3A_1007 = tpu.vector_load %arg5[%swap3A_1003, %swap3A_1004, %swap3A_1005, %swap3A_1006] {strides = array<i32>} : memref<2x12x3x768xf32, #tpu.memory_space<vmem>>, vector<1x1x1x16xf32>,
        %swap3A_1008 = vector.shape_cast %swap3A_1007 : vector<1x1x1x16xf32> to vector<16xf32>
        %swap3A_1009 = vector.shape_cast %add3A_1001 : vector<16xf32> to vector<1x1x1x16xf32>
        tpu.vector_store %arg5[%swap3A_1003, %swap3A_1004, %swap3A_1005, %swap3A_1006], %swap3A_1009 {strides = array<i32>} : memref<2x12x3x768xf32, #tpu.memory_space<vmem>>, vector<1x1x1x16xf32>,
        %get3A_1010 = arith.constant 1 : i32
        %get3A_1011 = arith.index_cast %get3A_1010 : i32 to index
        %get3A_1012 = arith.index_cast %select_n3A_911 : i32 to index
        %get3A_1013 = arith.index_cast %select_n3A_927 : i32 to index
        %get3A_1014 = arith.constant 64 : index
        %get3A_1015 = tpu.vector_load %arg5[%get3A_1011, %get3A_1012, %get3A_1013, %get3A_1014] {strides = array<i32>} : memref<2x12x3x768xf32, #tpu.memory_space<vmem>>, vector<1x1x1x16xf32>,
        %get3A_1016 = vector.shape_cast %get3A_1015 : vector<1x1x1x16xf32> to vector<16xf32>
        %get3A_1017 = arith.index_cast %select_n3A_911 : i32 to index
        %get3A_1018 = arith.index_cast %select_n3A_927 : i32 to index
        %get3A_1019 = arith.constant 64 : index
        %get3A_1020 = tpu.vector_load %arg6[%get3A_1017, %get3A_1018, %get3A_1019] {strides = array<i32>} : memref<12x3x768xf32, #tpu.memory_space<vmem>>, vector<1x1x16xf32>,
        %get3A_1021 = vector.shape_cast %get3A_1020 : vector<1x1x16xf32> to vector<16xf32>
        %add3A_1022 = arith.addf %get3A_1016, %get3A_1021 : vector<16xf32>
        %swap3A_1023 = arith.constant 1 : i32
        %swap3A_1024 = arith.index_cast %swap3A_1023 : i32 to index
        %swap3A_1025 = arith.index_cast %select_n3A_911 : i32 to index
        %swap3A_1026 = arith.index_cast %select_n3A_927 : i32 to index
        %swap3A_1027 = arith.constant 64 : index
        %swap3A_1028 = tpu.vector_load %arg5[%swap3A_1024, %swap3A_1025, %swap3A_1026, %swap3A_1027] {strides = array<i32>} : memref<2x12x3x768xf32, #tpu.memory_space<vmem>>, vector<1x1x1x16xf32>,
        %swap3A_1029 = vector.shape_cast %swap3A_1028 : vector<1x1x1x16xf32> to vector<16xf32>
        %swap3A_1030 = vector.shape_cast %add3A_1022 : vector<16xf32> to vector<1x1x1x16xf32>
        tpu.vector_store %arg5[%swap3A_1024, %swap3A_1025, %swap3A_1026, %swap3A_1027], %swap3A_1030 {strides = array<i32>} : memref<2x12x3x768xf32, #tpu.memory_space<vmem>>, vector<1x1x1x16xf32>,
        %get3A_1031 = arith.constant 1 : i32
        %get3A_1032 = arith.index_cast %get3A_1031 : i32 to index
        %get3A_1033 = arith.index_cast %select_n3A_911 : i32 to index
        %get3A_1034 = arith.index_cast %select_n3A_927 : i32 to index
        %get3A_1035 = arith.constant 80 : index
        %get3A_1036 = tpu.vector_load %arg5[%get3A_1032, %get3A_1033, %get3A_1034, %get3A_1035] {strides = array<i32>} : memref<2x12x3x768xf32, #tpu.memory_space<vmem>>, vector<1x1x1x16xf32>,
        %get3A_1037 = vector.shape_cast %get3A_1036 : vector<1x1x1x16xf32> to vector<16xf32>
        %get3A_1038 = arith.index_cast %select_n3A_911 : i32 to index
        %get3A_1039 = arith.index_cast %select_n3A_927 : i32 to index
        %get3A_1040 = arith.constant 80 : index
        %get3A_1041 = tpu.vector_load %arg6[%get3A_1038, %get3A_1039, %get3A_1040] {strides = array<i32>} : memref<12x3x768xf32, #tpu.memory_space<vmem>>, vector<1x1x16xf32>,
        %get3A_1042 = vector.shape_cast %get3A_1041 : vector<1x1x16xf32> to vector<16xf32>
        %add3A_1043 = arith.addf %get3A_1037, %get3A_1042 : vector<16xf32>
        %swap3A_1044 = arith.constant 1 : i32
        %swap3A_1045 = arith.index_cast %swap3A_1044 : i32 to index
        %swap3A_1046 = arith.index_cast %select_n3A_911 : i32 to index
        %swap3A_1047 = arith.index_cast %select_n3A_927 : i32 to index
        %swap3A_1048 = arith.constant 80 : index
        %swap3A_1049 = tpu.vector_load %arg5[%swap3A_1045, %swap3A_1046, %swap3A_1047, %swap3A_1048] {strides = array<i32>} : memref<2x12x3x768xf32, #tpu.memory_space<vmem>>, vector<1x1x1x16xf32>,
        %swap3A_1050 = vector.shape_cast %swap3A_1049 : vector<1x1x1x16xf32> to vector<16xf32>
        %swap3A_1051 = vector.shape_cast %add3A_1043 : vector<16xf32> to vector<1x1x1x16xf32>
        tpu.vector_store %arg5[%swap3A_1045, %swap3A_1046, %swap3A_1047, %swap3A_1048], %swap3A_1051 {strides = array<i32>} : memref<2x12x3x768xf32, #tpu.memory_space<vmem>>, vector<1x1x1x16xf32>,
        %get3A_1052 = arith.constant 1 : i32
        %get3A_1053 = arith.index_cast %get3A_1052 : i32 to index
        %get3A_1054 = arith.index_cast %select_n3A_911 : i32 to index
        %get3A_1055 = arith.index_cast %select_n3A_927 : i32 to index
        %get3A_1056 = arith.constant 96 : index
        %get3A_1057 = tpu.vector_load %arg5[%get3A_1053, %get3A_1054, %get3A_1055, %get3A_1056] {strides = array<i32>} : memref<2x12x3x768xf32, #tpu.memory_space<vmem>>, vector<1x1x1x16xf32>,
        %get3A_1058 = vector.shape_cast %get3A_1057 : vector<1x1x1x16xf32> to vector<16xf32>
        %get3A_1059 = arith.index_cast %select_n3A_911 : i32 to index
        %get3A_1060 = arith.index_cast %select_n3A_927 : i32 to index
        %get3A_1061 = arith.constant 96 : index
        %get3A_1062 = tpu.vector_load %arg6[%get3A_1059, %get3A_1060, %get3A_1061] {strides = array<i32>} : memref<12x3x768xf32, #tpu.memory_space<vmem>>, vector<1x1x16xf32>,
        %get3A_1063 = vector.shape_cast %get3A_1062 : vector<1x1x16xf32> to vector<16xf32>
        %add3A_1064 = arith.addf %get3A_1058, %get3A_1063 : vector<16xf32>
        %swap3A_1065 = arith.constant 1 : i32
        %swap3A_1066 = arith.index_cast %swap3A_1065 : i32 to index
        %swap3A_1067 = arith.index_cast %select_n3A_911 : i32 to index
        %swap3A_1068 = arith.index_cast %select_n3A_927 : i32 to index
        %swap3A_1069 = arith.constant 96 : index
        %swap3A_1070 = tpu.vector_load %arg5[%swap3A_1066, %swap3A_1067, %swap3A_1068, %swap3A_1069] {strides = array<i32>} : memref<2x12x3x768xf32, #tpu.memory_space<vmem>>, vector<1x1x1x16xf32>,
        %swap3A_1071 = vector.shape_cast %swap3A_1070 : vector<1x1x1x16xf32> to vector<16xf32>
        %swap3A_1072 = vector.shape_cast %add3A_1064 : vector<16xf32> to vector<1x1x1x16xf32>
        tpu.vector_store %arg5[%swap3A_1066, %swap3A_1067, %swap3A_1068, %swap3A_1069], %swap3A_1072 {strides = array<i32>} : memref<2x12x3x768xf32, #tpu.memory_space<vmem>>, vector<1x1x1x16xf32>,
        %get3A_1073 = arith.constant 1 : i32
        %get3A_1074 = arith.index_cast %get3A_1073 : i32 to index
        %get3A_1075 = arith.index_cast %select_n3A_911 : i32 to index
        %get3A_1076 = arith.index_cast %select_n3A_927 : i32 to index
        %get3A_1077 = arith.constant 112 : index
        %get3A_1078 = tpu.vector_load %arg5[%get3A_1074, %get3A_1075, %get3A_1076, %get3A_1077] {strides = array<i32>} : memref<2x12x3x768xf32, #tpu.memory_space<vmem>>, vector<1x1x1x16xf32>,
        %get3A_1079 = vector.shape_cast %get3A_1078 : vector<1x1x1x16xf32> to vector<16xf32>
        %get3A_1080 = arith.index_cast %select_n3A_911 : i32 to index
        %get3A_1081 = arith.index_cast %select_n3A_927 : i32 to index
        %get3A_1082 = arith.constant 112 : index
        %get3A_1083 = tpu.vector_load %arg6[%get3A_1080, %get3A_1081, %get3A_1082] {strides = array<i32>} : memref<12x3x768xf32, #tpu.memory_space<vmem>>, vector<1x1x16xf32>,
        %get3A_1084 = vector.shape_cast %get3A_1083 : vector<1x1x16xf32> to vector<16xf32>
        %add3A_1085 = arith.addf %get3A_1079, %get3A_1084 : vector<16xf32>
        %swap3A_1086 = arith.constant 1 : i32
        %swap3A_1087 = arith.index_cast %swap3A_1086 : i32 to index
        %swap3A_1088 = arith.index_cast %select_n3A_911 : i32 to index
        %swap3A_1089 = arith.index_cast %select_n3A_927 : i32 to index
        %swap3A_1090 = arith.constant 112 : index
        %swap3A_1091 = tpu.vector_load %arg5[%swap3A_1087, %swap3A_1088, %swap3A_1089, %swap3A_1090] {strides = array<i32>} : memref<2x12x3x768xf32, #tpu.memory_space<vmem>>, vector<1x1x1x16xf32>,
        %swap3A_1092 = vector.shape_cast %swap3A_1091 : vector<1x1x1x16xf32> to vector<16xf32>
        %swap3A_1093 = vector.shape_cast %add3A_1085 : vector<16xf32> to vector<1x1x1x16xf32>
        tpu.vector_store %arg5[%swap3A_1087, %swap3A_1088, %swap3A_1089, %swap3A_1090], %swap3A_1093 {strides = array<i32>} : memref<2x12x3x768xf32, #tpu.memory_space<vmem>>, vector<1x1x1x16xf32>,
        %get3A_1094 = arith.constant 1 : i32
        %get3A_1095 = arith.index_cast %get3A_1094 : i32 to index
        %get3A_1096 = arith.index_cast %select_n3A_911 : i32 to index
        %get3A_1097 = arith.index_cast %select_n3A_927 : i32 to index
        %get3A_1098 = arith.constant 128 : index
        %get3A_1099 = tpu.vector_load %arg5[%get3A_1095, %get3A_1096, %get3A_1097, %get3A_1098] {strides = array<i32>} : memref<2x12x3x768xf32, #tpu.memory_space<vmem>>, vector<1x1x1x16xf32>,
        %get3A_1100 = vector.shape_cast %get3A_1099 : vector<1x1x1x16xf32> to vector<16xf32>
        %get3A_1101 = arith.index_cast %select_n3A_911 : i32 to index
        %get3A_1102 = arith.index_cast %select_n3A_927 : i32 to index
        %get3A_1103 = arith.constant 128 : index
        %get3A_1104 = tpu.vector_load %arg6[%get3A_1101, %get3A_1102, %get3A_1103] {strides = array<i32>} : memref<12x3x768xf32, #tpu.memory_space<vmem>>, vector<1x1x16xf32>,
        %get3A_1105 = vector.shape_cast %get3A_1104 : vector<1x1x16xf32> to vector<16xf32>
        %add3A_1106 = arith.addf %get3A_1100, %get3A_1105 : vector<16xf32>
        %swap3A_1107 = arith.constant 1 : i32
        %swap3A_1108 = arith.index_cast %swap3A_1107 : i32 to index
        %swap3A_1109 = arith.index_cast %select_n3A_911 : i32 to index
        %swap3A_1110 = arith.index_cast %select_n3A_927 : i32 to index
        %swap3A_1111 = arith.constant 128 : index
        %swap3A_1112 = tpu.vector_load %arg5[%swap3A_1108, %swap3A_1109, %swap3A_1110, %swap3A_1111] {strides = array<i32>} : memref<2x12x3x768xf32, #tpu.memory_space<vmem>>, vector<1x1x1x16xf32>,
        %swap3A_1113 = vector.shape_cast %swap3A_1112 : vector<1x1x1x16xf32> to vector<16xf32>
        %swap3A_1114 = vector.shape_cast %add3A_1106 : vector<16xf32> to vector<1x1x1x16xf32>
        tpu.vector_store %arg5[%swap3A_1108, %swap3A_1109, %swap3A_1110, %swap3A_1111], %swap3A_1114 {strides = array<i32>} : memref<2x12x3x768xf32, #tpu.memory_space<vmem>>, vector<1x1x1x16xf32>,
        %get3A_1115 = arith.constant 1 : i32
        %get3A_1116 = arith.index_cast %get3A_1115 : i32 to index
        %get3A_1117 = arith.index_cast %select_n3A_911 : i32 to index
        %get3A_1118 = arith.index_cast %select_n3A_927 : i32 to index
        %get3A_1119 = arith.constant 144 : index
        %get3A_1120 = tpu.vector_load %arg5[%get3A_1116, %get3A_1117, %get3A_1118, %get3A_1119] {strides = array<i32>} : memref<2x12x3x768xf32, #tpu.memory_space<vmem>>, vector<1x1x1x16xf32>,
        %get3A_1121 = vector.shape_cast %get3A_1120 : vector<1x1x1x16xf32> to vector<16xf32>
        %get3A_1122 = arith.index_cast %select_n3A_911 : i32 to index
        %get3A_1123 = arith.index_cast %select_n3A_927 : i32 to index
        %get3A_1124 = arith.constant 144 : index
        %get3A_1125 = tpu.vector_load %arg6[%get3A_1122, %get3A_1123, %get3A_1124] {strides = array<i32>} : memref<12x3x768xf32, #tpu.memory_space<vmem>>, vector<1x1x16xf32>,
        %get3A_1126 = vector.shape_cast %get3A_1125 : vector<1x1x16xf32> to vector<16xf32>
        %add3A_1127 = arith.addf %get3A_1121, %get3A_1126 : vector<16xf32>
        %swap3A_1128 = arith.constant 1 : i32
        %swap3A_1129 = arith.index_cast %swap3A_1128 : i32 to index
        %swap3A_1130 = arith.index_cast %select_n3A_911 : i32 to index
        %swap3A_1131 = arith.index_cast %select_n3A_927 : i32 to index
        %swap3A_1132 = arith.constant 144 : index
        %swap3A_1133 = tpu.vector_load %arg5[%swap3A_1129, %swap3A_1130, %swap3A_1131, %swap3A_1132] {strides = array<i32>} : memref<2x12x3x768xf32, #tpu.memory_space<vmem>>, vector<1x1x1x16xf32>,
        %swap3A_1134 = vector.shape_cast %swap3A_1133 : vector<1x1x1x16xf32> to vector<16xf32>
        %swap3A_1135 = vector.shape_cast %add3A_1127 : vector<16xf32> to vector<1x1x1x16xf32>
        tpu.vector_store %arg5[%swap3A_1129, %swap3A_1130, %swap3A_1131, %swap3A_1132], %swap3A_1135 {strides = array<i32>} : memref<2x12x3x768xf32, #tpu.memory_space<vmem>>, vector<1x1x1x16xf32>,
        %get3A_1136 = arith.constant 1 : i32
        %get3A_1137 = arith.index_cast %get3A_1136 : i32 to index
        %get3A_1138 = arith.index_cast %select_n3A_911 : i32 to index
        %get3A_1139 = arith.index_cast %select_n3A_927 : i32 to index
        %get3A_1140 = arith.constant 160 : index
        %get3A_1141 = tpu.vector_load %arg5[%get3A_1137, %get3A_1138, %get3A_1139, %get3A_1140] {strides = array<i32>} : memref<2x12x3x768xf32, #tpu.memory_space<vmem>>, vector<1x1x1x16xf32>,
        %get3A_1142 = vector.shape_cast %get3A_1141 : vector<1x1x1x16xf32> to vector<16xf32>
        %get3A_1143 = arith.index_cast %select_n3A_911 : i32 to index
        %get3A_1144 = arith.index_cast %select_n3A_927 : i32 to index
        %get3A_1145 = arith.constant 160 : index
        %get3A_1146 = tpu.vector_load %arg6[%get3A_1143, %get3A_1144, %get3A_1145] {strides = array<i32>} : memref<12x3x768xf32, #tpu.memory_space<vmem>>, vector<1x1x16xf32>,
        %get3A_1147 = vector.shape_cast %get3A_1146 : vector<1x1x16xf32> to vector<16xf32>
        %add3A_1148 = arith.addf %get3A_1142, %get3A_1147 : vector<16xf32>
        %swap3A_1149 = arith.constant 1 : i32
        %swap3A_1150 = arith.index_cast %swap3A_1149 : i32 to index
        %swap3A_1151 = arith.index_cast %select_n3A_911 : i32 to index
        %swap3A_1152 = arith.index_cast %select_n3A_927 : i32 to index
        %swap3A_1153 = arith.constant 160 : index
        %swap3A_1154 = tpu.vector_load %arg5[%swap3A_1150, %swap3A_1151, %swap3A_1152, %swap3A_1153] {strides = array<i32>} : memref<2x12x3x768xf32, #tpu.memory_space<vmem>>, vector<1x1x1x16xf32>,
        %swap3A_1155 = vector.shape_cast %swap3A_1154 : vector<1x1x1x16xf32> to vector<16xf32>
        %swap3A_1156 = vector.shape_cast %add3A_1148 : vector<16xf32> to vector<1x1x1x16xf32>
        tpu.vector_store %arg5[%swap3A_1150, %swap3A_1151, %swap3A_1152, %swap3A_1153], %swap3A_1156 {strides = array<i32>} : memref<2x12x3x768xf32, #tpu.memory_space<vmem>>, vector<1x1x1x16xf32>,
        %get3A_1157 = arith.constant 1 : i32
        %get3A_1158 = arith.index_cast %get3A_1157 : i32 to index
        %get3A_1159 = arith.index_cast %select_n3A_911 : i32 to index
        %get3A_1160 = arith.index_cast %select_n3A_927 : i32 to index
        %get3A_1161 = arith.constant 176 : index
        %get3A_1162 = tpu.vector_load %arg5[%get3A_1158, %get3A_1159, %get3A_1160, %get3A_1161] {strides = array<i32>} : memref<2x12x3x768xf32, #tpu.memory_space<vmem>>, vector<1x1x1x16xf32>,
        %get3A_1163 = vector.shape_cast %get3A_1162 : vector<1x1x1x16xf32> to vector<16xf32>
        %get3A_1164 = arith.index_cast %select_n3A_911 : i32 to index
        %get3A_1165 = arith.index_cast %select_n3A_927 : i32 to index
        %get3A_1166 = arith.constant 176 : index
        %get3A_1167 = tpu.vector_load %arg6[%get3A_1164, %get3A_1165, %get3A_1166] {strides = array<i32>} : memref<12x3x768xf32, #tpu.memory_space<vmem>>, vector<1x1x16xf32>,
        %get3A_1168 = vector.shape_cast %get3A_1167 : vector<1x1x16xf32> to vector<16xf32>
        %add3A_1169 = arith.addf %get3A_1163, %get3A_1168 : vector<16xf32>
        %swap3A_1170 = arith.constant 1 : i32
        %swap3A_1171 = arith.index_cast %swap3A_1170 : i32 to index
        %swap3A_1172 = arith.index_cast %select_n3A_911 : i32 to index
        %swap3A_1173 = arith.index_cast %select_n3A_927 : i32 to index
        %swap3A_1174 = arith.constant 176 : index
        %swap3A_1175 = tpu.vector_load %arg5[%swap3A_1171, %swap3A_1172, %swap3A_1173, %swap3A_1174] {strides = array<i32>} : memref<2x12x3x768xf32, #tpu.memory_space<vmem>>, vector<1x1x1x16xf32>,
        %swap3A_1176 = vector.shape_cast %swap3A_1175 : vector<1x1x1x16xf32> to vector<16xf32>
        %swap3A_1177 = vector.shape_cast %add3A_1169 : vector<16xf32> to vector<1x1x1x16xf32>
        tpu.vector_store %arg5[%swap3A_1171, %swap3A_1172, %swap3A_1173, %swap3A_1174], %swap3A_1177 {strides = array<i32>} : memref<2x12x3x768xf32, #tpu.memory_space<vmem>>, vector<1x1x1x16xf32>,
        %get3A_1178 = arith.constant 1 : i32
        %get3A_1179 = arith.index_cast %get3A_1178 : i32 to index
        %get3A_1180 = arith.index_cast %select_n3A_911 : i32 to index
        %get3A_1181 = arith.index_cast %select_n3A_927 : i32 to index
        %get3A_1182 = arith.constant 192 : index
        %get3A_1183 = tpu.vector_load %arg5[%get3A_1179, %get3A_1180, %get3A_1181, %get3A_1182] {strides = array<i32>} : memref<2x12x3x768xf32, #tpu.memory_space<vmem>>, vector<1x1x1x16xf32>,
        %get3A_1184 = vector.shape_cast %get3A_1183 : vector<1x1x1x16xf32> to vector<16xf32>
        %get3A_1185 = arith.index_cast %select_n3A_911 : i32 to index
        %get3A_1186 = arith.index_cast %select_n3A_927 : i32 to index
        %get3A_1187 = arith.constant 192 : index
        %get3A_1188 = tpu.vector_load %arg6[%get3A_1185, %get3A_1186, %get3A_1187] {strides = array<i32>} : memref<12x3x768xf32, #tpu.memory_space<vmem>>, vector<1x1x16xf32>,
        %get3A_1189 = vector.shape_cast %get3A_1188 : vector<1x1x16xf32> to vector<16xf32>
        %add3A_1190 = arith.addf %get3A_1184, %get3A_1189 : vector<16xf32>
        %swap3A_1191 = arith.constant 1 : i32
        %swap3A_1192 = arith.index_cast %swap3A_1191 : i32 to index
        %swap3A_1193 = arith.index_cast %select_n3A_911 : i32 to index
        %swap3A_1194 = arith.index_cast %select_n3A_927 : i32 to index
        %swap3A_1195 = arith.constant 192 : index
        %swap3A_1196 = tpu.vector_load %arg5[%swap3A_1192, %swap3A_1193, %swap3A_1194, %swap3A_1195] {strides = array<i32>} : memref<2x12x3x768xf32, #tpu.memory_space<vmem>>, vector<1x1x1x16xf32>,
        %swap3A_1197 = vector.shape_cast %swap3A_1196 : vector<1x1x1x16xf32> to vector<16xf32>
        %swap3A_1198 = vector.shape_cast %add3A_1190 : vector<16xf32> to vector<1x1x1x16xf32>
        tpu.vector_store %arg5[%swap3A_1192, %swap3A_1193, %swap3A_1194, %swap3A_1195], %swap3A_1198 {strides = array<i32>} : memref<2x12x3x768xf32, #tpu.memory_space<vmem>>, vector<1x1x1x16xf32>,
        %get3A_1199 = arith.constant 1 : i32
        %get3A_1200 = arith.index_cast %get3A_1199 : i32 to index
        %get3A_1201 = arith.index_cast %select_n3A_911 : i32 to index
        %get3A_1202 = arith.index_cast %select_n3A_927 : i32 to index
        %get3A_1203 = arith.constant 208 : index
        %get3A_1204 = tpu.vector_load %arg5[%get3A_1200, %get3A_1201, %get3A_1202, %get3A_1203] {strides = array<i32>} : memref<2x12x3x768xf32, #tpu.memory_space<vmem>>, vector<1x1x1x16xf32>,
        %get3A_1205 = vector.shape_cast %get3A_1204 : vector<1x1x1x16xf32> to vector<16xf32>
        %get3A_1206 = arith.index_cast %select_n3A_911 : i32 to index
        %get3A_1207 = arith.index_cast %select_n3A_927 : i32 to index
        %get3A_1208 = arith.constant 208 : index
        %get3A_1209 = tpu.vector_load %arg6[%get3A_1206, %get3A_1207, %get3A_1208] {strides = array<i32>} : memref<12x3x768xf32, #tpu.memory_space<vmem>>, vector<1x1x16xf32>,
        %get3A_1210 = vector.shape_cast %get3A_1209 : vector<1x1x16xf32> to vector<16xf32>
        %add3A_1211 = arith.addf %get3A_1205, %get3A_1210 : vector<16xf32>
        %swap3A_1212 = arith.constant 1 : i32
        %swap3A_1213 = arith.index_cast %swap3A_1212 : i32 to index
        %swap3A_1214 = arith.index_cast %select_n3A_911 : i32 to index
        %swap3A_1215 = arith.index_cast %select_n3A_927 : i32 to index
        %swap3A_1216 = arith.constant 208 : index
        %swap3A_1217 = tpu.vector_load %arg5[%swap3A_1213, %swap3A_1214, %swap3A_1215, %swap3A_1216] {strides = array<i32>} : memref<2x12x3x768xf32, #tpu.memory_space<vmem>>, vector<1x1x1x16xf32>,
        %swap3A_1218 = vector.shape_cast %swap3A_1217 : vector<1x1x1x16xf32> to vector<16xf32>
        %swap3A_1219 = vector.shape_cast %add3A_1211 : vector<16xf32> to vector<1x1x1x16xf32>
        tpu.vector_store %arg5[%swap3A_1213, %swap3A_1214, %swap3A_1215, %swap3A_1216], %swap3A_1219 {strides = array<i32>} : memref<2x12x3x768xf32, #tpu.memory_space<vmem>>, vector<1x1x1x16xf32>,
        %get3A_1220 = arith.constant 1 : i32
        %get3A_1221 = arith.index_cast %get3A_1220 : i32 to index
        %get3A_1222 = arith.index_cast %select_n3A_911 : i32 to index
        %get3A_1223 = arith.index_cast %select_n3A_927 : i32 to index
        %get3A_1224 = arith.constant 224 : index
        %get3A_1225 = tpu.vector_load %arg5[%get3A_1221, %get3A_1222, %get3A_1223, %get3A_1224] {strides = array<i32>} : memref<2x12x3x768xf32, #tpu.memory_space<vmem>>, vector<1x1x1x16xf32>,
        %get3A_1226 = vector.shape_cast %get3A_1225 : vector<1x1x1x16xf32> to vector<16xf32>
        %get3A_1227 = arith.index_cast %select_n3A_911 : i32 to index
        %get3A_1228 = arith.index_cast %select_n3A_927 : i32 to index
        %get3A_1229 = arith.constant 224 : index
        %get3A_1230 = tpu.vector_load %arg6[%get3A_1227, %get3A_1228, %get3A_1229] {strides = array<i32>} : memref<12x3x768xf32, #tpu.memory_space<vmem>>, vector<1x1x16xf32>,
        %get3A_1231 = vector.shape_cast %get3A_1230 : vector<1x1x16xf32> to vector<16xf32>
        %add3A_1232 = arith.addf %get3A_1226, %get3A_1231 : vector<16xf32>
        %swap3A_1233 = arith.constant 1 : i32
        %swap3A_1234 = arith.index_cast %swap3A_1233 : i32 to index
        %swap3A_1235 = arith.index_cast %select_n3A_911 : i32 to index
        %swap3A_1236 = arith.index_cast %select_n3A_927 : i32 to index
        %swap3A_1237 = arith.constant 224 : index
        %swap3A_1238 = tpu.vector_load %arg5[%swap3A_1234, %swap3A_1235, %swap3A_1236, %swap3A_1237] {strides = array<i32>} : memref<2x12x3x768xf32, #tpu.memory_space<vmem>>, vector<1x1x1x16xf32>,
        %swap3A_1239 = vector.shape_cast %swap3A_1238 : vector<1x1x1x16xf32> to vector<16xf32>
        %swap3A_1240 = vector.shape_cast %add3A_1232 : vector<16xf32> to vector<1x1x1x16xf32>
        tpu.vector_store %arg5[%swap3A_1234, %swap3A_1235, %swap3A_1236, %swap3A_1237], %swap3A_1240 {strides = array<i32>} : memref<2x12x3x768xf32, #tpu.memory_space<vmem>>, vector<1x1x1x16xf32>,
        %get3A_1241 = arith.constant 1 : i32
        %get3A_1242 = arith.index_cast %get3A_1241 : i32 to index
        %get3A_1243 = arith.index_cast %select_n3A_911 : i32 to index
        %get3A_1244 = arith.index_cast %select_n3A_927 : i32 to index
        %get3A_1245 = arith.constant 240 : index
        %get3A_1246 = tpu.vector_load %arg5[%get3A_1242, %get3A_1243, %get3A_1244, %get3A_1245] {strides = array<i32>} : memref<2x12x3x768xf32, #tpu.memory_space<vmem>>, vector<1x1x1x16xf32>,
        %get3A_1247 = vector.shape_cast %get3A_1246 : vector<1x1x1x16xf32> to vector<16xf32>
        %get3A_1248 = arith.index_cast %select_n3A_911 : i32 to index
        %get3A_1249 = arith.index_cast %select_n3A_927 : i32 to index
        %get3A_1250 = arith.constant 240 : index
        %get3A_1251 = tpu.vector_load %arg6[%get3A_1248, %get3A_1249, %get3A_1250] {strides = array<i32>} : memref<12x3x768xf32, #tpu.memory_space<vmem>>, vector<1x1x16xf32>,
        %get3A_1252 = vector.shape_cast %get3A_1251 : vector<1x1x16xf32> to vector<16xf32>
        %add3A_1253 = arith.addf %get3A_1247, %get3A_1252 : vector<16xf32>
        %swap3A_1254 = arith.constant 1 : i32
        %swap3A_1255 = arith.index_cast %swap3A_1254 : i32 to index
        %swap3A_1256 = arith.index_cast %select_n3A_911 : i32 to index
        %swap3A_1257 = arith.index_cast %select_n3A_927 : i32 to index
        %swap3A_1258 = arith.constant 240 : index
        %swap3A_1259 = tpu.vector_load %arg5[%swap3A_1255, %swap3A_1256, %swap3A_1257, %swap3A_1258] {strides = array<i32>} : memref<2x12x3x768xf32, #tpu.memory_space<vmem>>, vector<1x1x1x16xf32>,
        %swap3A_1260 = vector.shape_cast %swap3A_1259 : vector<1x1x1x16xf32> to vector<16xf32>
        %swap3A_1261 = vector.shape_cast %add3A_1253 : vector<16xf32> to vector<1x1x1x16xf32>
        tpu.vector_store %arg5[%swap3A_1255, %swap3A_1256, %swap3A_1257, %swap3A_1258], %swap3A_1261 {strides = array<i32>} : memref<2x12x3x768xf32, #tpu.memory_space<vmem>>, vector<1x1x1x16xf32>,
        %get3A_1262 = arith.constant 1 : i32
        %get3A_1263 = arith.index_cast %get3A_1262 : i32 to index
        %get3A_1264 = arith.index_cast %select_n3A_911 : i32 to index
        %get3A_1265 = arith.index_cast %select_n3A_927 : i32 to index
        %get3A_1266 = arith.constant 256 : index
        %get3A_1267 = tpu.vector_load %arg5[%get3A_1263, %get3A_1264, %get3A_1265, %get3A_1266] {strides = array<i32>} : memref<2x12x3x768xf32, #tpu.memory_space<vmem>>, vector<1x1x1x16xf32>,
        %get3A_1268 = vector.shape_cast %get3A_1267 : vector<1x1x1x16xf32> to vector<16xf32>
        %get3A_1269 = arith.index_cast %select_n3A_911 : i32 to index
        %get3A_1270 = arith.index_cast %select_n3A_927 : i32 to index
        %get3A_1271 = arith.constant 256 : index
        %get3A_1272 = tpu.vector_load %arg6[%get3A_1269, %get3A_1270, %get3A_1271] {strides = array<i32>} : memref<12x3x768xf32, #tpu.memory_space<vmem>>, vector<1x1x16xf32>,
        %get3A_1273 = vector.shape_cast %get3A_1272 : vector<1x1x16xf32> to vector<16xf32>
        %add3A_1274 = arith.addf %get3A_1268, %get3A_1273 : vector<16xf32>
        %swap3A_1275 = arith.constant 1 : i32
        %swap3A_1276 = arith.index_cast %swap3A_1275 : i32 to index
        %swap3A_1277 = arith.index_cast %select_n3A_911 : i32 to index
        %swap3A_1278 = arith.index_cast %select_n3A_927 : i32 to index
        %swap3A_1279 = arith.constant 256 : index
        %swap3A_1280 = tpu.vector_load %arg5[%swap3A_1276, %swap3A_1277, %swap3A_1278, %swap3A_1279] {strides = array<i32>} : memref<2x12x3x768xf32, #tpu.memory_space<vmem>>, vector<1x1x1x16xf32>,
        %swap3A_1281 = vector.shape_cast %swap3A_1280 : vector<1x1x1x16xf32> to vector<16xf32>
        %swap3A_1282 = vector.shape_cast %add3A_1274 : vector<16xf32> to vector<1x1x1x16xf32>
        tpu.vector_store %arg5[%swap3A_1276, %swap3A_1277, %swap3A_1278, %swap3A_1279], %swap3A_1282 {strides = array<i32>} : memref<2x12x3x768xf32, #tpu.memory_space<vmem>>, vector<1x1x1x16xf32>,
        %get3A_1283 = arith.constant 1 : i32
        %get3A_1284 = arith.index_cast %get3A_1283 : i32 to index
        %get3A_1285 = arith.index_cast %select_n3A_911 : i32 to index
        %get3A_1286 = arith.index_cast %select_n3A_927 : i32 to index
        %get3A_1287 = arith.constant 272 : index
        %get3A_1288 = tpu.vector_load %arg5[%get3A_1284, %get3A_1285, %get3A_1286, %get3A_1287] {strides = array<i32>} : memref<2x12x3x768xf32, #tpu.memory_space<vmem>>, vector<1x1x1x16xf32>,
        %get3A_1289 = vector.shape_cast %get3A_1288 : vector<1x1x1x16xf32> to vector<16xf32>
        %get3A_1290 = arith.index_cast %select_n3A_911 : i32 to index
        %get3A_1291 = arith.index_cast %select_n3A_927 : i32 to index
        %get3A_1292 = arith.constant 272 : index
        %get3A_1293 = tpu.vector_load %arg6[%get3A_1290, %get3A_1291, %get3A_1292] {strides = array<i32>} : memref<12x3x768xf32, #tpu.memory_space<vmem>>, vector<1x1x16xf32>,
        %get3A_1294 = vector.shape_cast %get3A_1293 : vector<1x1x16xf32> to vector<16xf32>
        %add3A_1295 = arith.addf %get3A_1289, %get3A_1294 : vector<16xf32>
        %swap3A_1296 = arith.constant 1 : i32
        %swap3A_1297 = arith.index_cast %swap3A_1296 : i32 to index
        %swap3A_1298 = arith.index_cast %select_n3A_911 : i32 to index
        %swap3A_1299 = arith.index_cast %select_n3A_927 : i32 to index
        %swap3A_1300 = arith.constant 272 : index
        %swap3A_1301 = tpu.vector_load %arg5[%swap3A_1297, %swap3A_1298, %swap3A_1299, %swap3A_1300] {strides = array<i32>} : memref<2x12x3x768xf32, #tpu.memory_space<vmem>>, vector<1x1x1x16xf32>,
        %swap3A_1302 = vector.shape_cast %swap3A_1301 : vector<1x1x1x16xf32> to vector<16xf32>
        %swap3A_1303 = vector.shape_cast %add3A_1295 : vector<16xf32> to vector<1x1x1x16xf32>
        tpu.vector_store %arg5[%swap3A_1297, %swap3A_1298, %swap3A_1299, %swap3A_1300], %swap3A_1303 {strides = array<i32>} : memref<2x12x3x768xf32, #tpu.memory_space<vmem>>, vector<1x1x1x16xf32>,
        %get3A_1304 = arith.constant 1 : i32
        %get3A_1305 = arith.index_cast %get3A_1304 : i32 to index
        %get3A_1306 = arith.index_cast %select_n3A_911 : i32 to index
        %get3A_1307 = arith.index_cast %select_n3A_927 : i32 to index
        %get3A_1308 = arith.constant 288 : index
        %get3A_1309 = tpu.vector_load %arg5[%get3A_1305, %get3A_1306, %get3A_1307, %get3A_1308] {strides = array<i32>} : memref<2x12x3x768xf32, #tpu.memory_space<vmem>>, vector<1x1x1x16xf32>,
        %get3A_1310 = vector.shape_cast %get3A_1309 : vector<1x1x1x16xf32> to vector<16xf32>
        %get3A_1311 = arith.index_cast %select_n3A_911 : i32 to index
        %get3A_1312 = arith.index_cast %select_n3A_927 : i32 to index
        %get3A_1313 = arith.constant 288 : index
        %get3A_1314 = tpu.vector_load %arg6[%get3A_1311, %get3A_1312, %get3A_1313] {strides = array<i32>} : memref<12x3x768xf32, #tpu.memory_space<vmem>>, vector<1x1x16xf32>,
        %get3A_1315 = vector.shape_cast %get3A_1314 : vector<1x1x16xf32> to vector<16xf32>
        %add3A_1316 = arith.addf %get3A_1310, %get3A_1315 : vector<16xf32>
        %swap3A_1317 = arith.constant 1 : i32
        %swap3A_1318 = arith.index_cast %swap3A_1317 : i32 to index
        %swap3A_1319 = arith.index_cast %select_n3A_911 : i32 to index
        %swap3A_1320 = arith.index_cast %select_n3A_927 : i32 to index
        %swap3A_1321 = arith.constant 288 : index
        %swap3A_1322 = tpu.vector_load %arg5[%swap3A_1318, %swap3A_1319, %swap3A_1320, %swap3A_1321] {strides = array<i32>} : memref<2x12x3x768xf32, #tpu.memory_space<vmem>>, vector<1x1x1x16xf32>,
        %swap3A_1323 = vector.shape_cast %swap3A_1322 : vector<1x1x1x16xf32> to vector<16xf32>
        %swap3A_1324 = vector.shape_cast %add3A_1316 : vector<16xf32> to vector<1x1x1x16xf32>
        tpu.vector_store %arg5[%swap3A_1318, %swap3A_1319, %swap3A_1320, %swap3A_1321], %swap3A_1324 {strides = array<i32>} : memref<2x12x3x768xf32, #tpu.memory_space<vmem>>, vector<1x1x1x16xf32>,
        %get3A_1325 = arith.constant 1 : i32
        %get3A_1326 = arith.index_cast %get3A_1325 : i32 to index
        %get3A_1327 = arith.index_cast %select_n3A_911 : i32 to index
        %get3A_1328 = arith.index_cast %select_n3A_927 : i32 to index
        %get3A_1329 = arith.constant 304 : index
        %get3A_1330 = tpu.vector_load %arg5[%get3A_1326, %get3A_1327, %get3A_1328, %get3A_1329] {strides = array<i32>} : memref<2x12x3x768xf32, #tpu.memory_space<vmem>>, vector<1x1x1x16xf32>,
        %get3A_1331 = vector.shape_cast %get3A_1330 : vector<1x1x1x16xf32> to vector<16xf32>
        %get3A_1332 = arith.index_cast %select_n3A_911 : i32 to index
        %get3A_1333 = arith.index_cast %select_n3A_927 : i32 to index
        %get3A_1334 = arith.constant 304 : index
        %get3A_1335 = tpu.vector_load %arg6[%get3A_1332, %get3A_1333, %get3A_1334] {strides = array<i32>} : memref<12x3x768xf32, #tpu.memory_space<vmem>>, vector<1x1x16xf32>,
        %get3A_1336 = vector.shape_cast %get3A_1335 : vector<1x1x16xf32> to vector<16xf32>
        %add3A_1337 = arith.addf %get3A_1331, %get3A_1336 : vector<16xf32>
        %swap3A_1338 = arith.constant 1 : i32
        %swap3A_1339 = arith.index_cast %swap3A_1338 : i32 to index
        %swap3A_1340 = arith.index_cast %select_n3A_911 : i32 to index
        %swap3A_1341 = arith.index_cast %select_n3A_927 : i32 to index
        %swap3A_1342 = arith.constant 304 : index
        %swap3A_1343 = tpu.vector_load %arg5[%swap3A_1339, %swap3A_1340, %swap3A_1341, %swap3A_1342] {strides = array<i32>} : memref<2x12x3x768xf32, #tpu.memory_space<vmem>>, vector<1x1x1x16xf32>,
        %swap3A_1344 = vector.shape_cast %swap3A_1343 : vector<1x1x1x16xf32> to vector<16xf32>
        %swap3A_1345 = vector.shape_cast %add3A_1337 : vector<16xf32> to vector<1x1x1x16xf32>
        tpu.vector_store %arg5[%swap3A_1339, %swap3A_1340, %swap3A_1341, %swap3A_1342], %swap3A_1345 {strides = array<i32>} : memref<2x12x3x768xf32, #tpu.memory_space<vmem>>, vector<1x1x1x16xf32>,
        %get3A_1346 = arith.constant 1 : i32
        %get3A_1347 = arith.index_cast %get3A_1346 : i32 to index
        %get3A_1348 = arith.index_cast %select_n3A_911 : i32 to index
        %get3A_1349 = arith.index_cast %select_n3A_927 : i32 to index
        %get3A_1350 = arith.constant 320 : index
        %get3A_1351 = tpu.vector_load %arg5[%get3A_1347, %get3A_1348, %get3A_1349, %get3A_1350] {strides = array<i32>} : memref<2x12x3x768xf32, #tpu.memory_space<vmem>>, vector<1x1x1x16xf32>,
        %get3A_1352 = vector.shape_cast %get3A_1351 : vector<1x1x1x16xf32> to vector<16xf32>
        %get3A_1353 = arith.index_cast %select_n3A_911 : i32 to index
        %get3A_1354 = arith.index_cast %select_n3A_927 : i32 to index
        %get3A_1355 = arith.constant 320 : index
        %get3A_1356 = tpu.vector_load %arg6[%get3A_1353, %get3A_1354, %get3A_1355] {strides = array<i32>} : memref<12x3x768xf32, #tpu.memory_space<vmem>>, vector<1x1x16xf32>,
        %get3A_1357 = vector.shape_cast %get3A_1356 : vector<1x1x16xf32> to vector<16xf32>
        %add3A_1358 = arith.addf %get3A_1352, %get3A_1357 : vector<16xf32>
        %swap3A_1359 = arith.constant 1 : i32
        %swap3A_1360 = arith.index_cast %swap3A_1359 : i32 to index
        %swap3A_1361 = arith.index_cast %select_n3A_911 : i32 to index
        %swap3A_1362 = arith.index_cast %select_n3A_927 : i32 to index
        %swap3A_1363 = arith.constant 320 : index
        %swap3A_1364 = tpu.vector_load %arg5[%swap3A_1360, %swap3A_1361, %swap3A_1362, %swap3A_1363] {strides = array<i32>} : memref<2x12x3x768xf32, #tpu.memory_space<vmem>>, vector<1x1x1x16xf32>,
        %swap3A_1365 = vector.shape_cast %swap3A_1364 : vector<1x1x1x16xf32> to vector<16xf32>
        %swap3A_1366 = vector.shape_cast %add3A_1358 : vector<16xf32> to vector<1x1x1x16xf32>
        tpu.vector_store %arg5[%swap3A_1360, %swap3A_1361, %swap3A_1362, %swap3A_1363], %swap3A_1366 {strides = array<i32>} : memref<2x12x3x768xf32, #tpu.memory_space<vmem>>, vector<1x1x1x16xf32>,
        %get3A_1367 = arith.constant 1 : i32
        %get3A_1368 = arith.index_cast %get3A_1367 : i32 to index
        %get3A_1369 = arith.index_cast %select_n3A_911 : i32 to index
        %get3A_1370 = arith.index_cast %select_n3A_927 : i32 to index
        %get3A_1371 = arith.constant 336 : index
        %get3A_1372 = tpu.vector_load %arg5[%get3A_1368, %get3A_1369, %get3A_1370, %get3A_1371] {strides = array<i32>} : memref<2x12x3x768xf32, #tpu.memory_space<vmem>>, vector<1x1x1x16xf32>,
        %get3A_1373 = vector.shape_cast %get3A_1372 : vector<1x1x1x16xf32> to vector<16xf32>
        %get3A_1374 = arith.index_cast %select_n3A_911 : i32 to index
        %get3A_1375 = arith.index_cast %select_n3A_927 : i32 to index
        %get3A_1376 = arith.constant 336 : index
        %get3A_1377 = tpu.vector_load %arg6[%get3A_1374, %get3A_1375, %get3A_1376] {strides = array<i32>} : memref<12x3x768xf32, #tpu.memory_space<vmem>>, vector<1x1x16xf32>,
        %get3A_1378 = vector.shape_cast %get3A_1377 : vector<1x1x16xf32> to vector<16xf32>
        %add3A_1379 = arith.addf %get3A_1373, %get3A_1378 : vector<16xf32>
        %swap3A_1380 = arith.constant 1 : i32
        %swap3A_1381 = arith.index_cast %swap3A_1380 : i32 to index
        %swap3A_1382 = arith.index_cast %select_n3A_911 : i32 to index
        %swap3A_1383 = arith.index_cast %select_n3A_927 : i32 to index
        %swap3A_1384 = arith.constant 336 : index
        %swap3A_1385 = tpu.vector_load %arg5[%swap3A_1381, %swap3A_1382, %swap3A_1383, %swap3A_1384] {strides = array<i32>} : memref<2x12x3x768xf32, #tpu.memory_space<vmem>>, vector<1x1x1x16xf32>,
        %swap3A_1386 = vector.shape_cast %swap3A_1385 : vector<1x1x1x16xf32> to vector<16xf32>
        %swap3A_1387 = vector.shape_cast %add3A_1379 : vector<16xf32> to vector<1x1x1x16xf32>
        tpu.vector_store %arg5[%swap3A_1381, %swap3A_1382, %swap3A_1383, %swap3A_1384], %swap3A_1387 {strides = array<i32>} : memref<2x12x3x768xf32, #tpu.memory_space<vmem>>, vector<1x1x1x16xf32>,
        %get3A_1388 = arith.constant 1 : i32
        %get3A_1389 = arith.index_cast %get3A_1388 : i32 to index
        %get3A_1390 = arith.index_cast %select_n3A_911 : i32 to index
        %get3A_1391 = arith.index_cast %select_n3A_927 : i32 to index
        %get3A_1392 = arith.constant 352 : index
        %get3A_1393 = tpu.vector_load %arg5[%get3A_1389, %get3A_1390, %get3A_1391, %get3A_1392] {strides = array<i32>} : memref<2x12x3x768xf32, #tpu.memory_space<vmem>>, vector<1x1x1x16xf32>,
        %get3A_1394 = vector.shape_cast %get3A_1393 : vector<1x1x1x16xf32> to vector<16xf32>
        %get3A_1395 = arith.index_cast %select_n3A_911 : i32 to index
        %get3A_1396 = arith.index_cast %select_n3A_927 : i32 to index
        %get3A_1397 = arith.constant 352 : index
        %get3A_1398 = tpu.vector_load %arg6[%get3A_1395, %get3A_1396, %get3A_1397] {strides = array<i32>} : memref<12x3x768xf32, #tpu.memory_space<vmem>>, vector<1x1x16xf32>,
        %get3A_1399 = vector.shape_cast %get3A_1398 : vector<1x1x16xf32> to vector<16xf32>
        %add3A_1400 = arith.addf %get3A_1394, %get3A_1399 : vector<16xf32>
        %swap3A_1401 = arith.constant 1 : i32
        %swap3A_1402 = arith.index_cast %swap3A_1401 : i32 to index
        %swap3A_1403 = arith.index_cast %select_n3A_911 : i32 to index
        %swap3A_1404 = arith.index_cast %select_n3A_927 : i32 to index
        %swap3A_1405 = arith.constant 352 : index
        %swap3A_1406 = tpu.vector_load %arg5[%swap3A_1402, %swap3A_1403, %swap3A_1404, %swap3A_1405] {strides = array<i32>} : memref<2x12x3x768xf32, #tpu.memory_space<vmem>>, vector<1x1x1x16xf32>,
        %swap3A_1407 = vector.shape_cast %swap3A_1406 : vector<1x1x1x16xf32> to vector<16xf32>
        %swap3A_1408 = vector.shape_cast %add3A_1400 : vector<16xf32> to vector<1x1x1x16xf32>
        tpu.vector_store %arg5[%swap3A_1402, %swap3A_1403, %swap3A_1404, %swap3A_1405], %swap3A_1408 {strides = array<i32>} : memref<2x12x3x768xf32, #tpu.memory_space<vmem>>, vector<1x1x1x16xf32>,
        %get3A_1409 = arith.constant 1 : i32
        %get3A_1410 = arith.index_cast %get3A_1409 : i32 to index
        %get3A_1411 = arith.index_cast %select_n3A_911 : i32 to index
        %get3A_1412 = arith.index_cast %select_n3A_927 : i32 to index
        %get3A_1413 = arith.constant 368 : index
        %get3A_1414 = tpu.vector_load %arg5[%get3A_1410, %get3A_1411, %get3A_1412, %get3A_1413] {strides = array<i32>} : memref<2x12x3x768xf32, #tpu.memory_space<vmem>>, vector<1x1x1x16xf32>,
        %get3A_1415 = vector.shape_cast %get3A_1414 : vector<1x1x1x16xf32> to vector<16xf32>
        %get3A_1416 = arith.index_cast %select_n3A_911 : i32 to index
        %get3A_1417 = arith.index_cast %select_n3A_927 : i32 to index
        %get3A_1418 = arith.constant 368 : index
        %get3A_1419 = tpu.vector_load %arg6[%get3A_1416, %get3A_1417, %get3A_1418] {strides = array<i32>} : memref<12x3x768xf32, #tpu.memory_space<vmem>>, vector<1x1x16xf32>,
        %get3A_1420 = vector.shape_cast %get3A_1419 : vector<1x1x16xf32> to vector<16xf32>
        %add3A_1421 = arith.addf %get3A_1415, %get3A_1420 : vector<16xf32>
        %swap3A_1422 = arith.constant 1 : i32
        %swap3A_1423 = arith.index_cast %swap3A_1422 : i32 to index
        %swap3A_1424 = arith.index_cast %select_n3A_911 : i32 to index
        %swap3A_1425 = arith.index_cast %select_n3A_927 : i32 to index
        %swap3A_1426 = arith.constant 368 : index
        %swap3A_1427 = tpu.vector_load %arg5[%swap3A_1423, %swap3A_1424, %swap3A_1425, %swap3A_1426] {strides = array<i32>} : memref<2x12x3x768xf32, #tpu.memory_space<vmem>>, vector<1x1x1x16xf32>,
        %swap3A_1428 = vector.shape_cast %swap3A_1427 : vector<1x1x1x16xf32> to vector<16xf32>
        %swap3A_1429 = vector.shape_cast %add3A_1421 : vector<16xf32> to vector<1x1x1x16xf32>
        tpu.vector_store %arg5[%swap3A_1423, %swap3A_1424, %swap3A_1425, %swap3A_1426], %swap3A_1429 {strides = array<i32>} : memref<2x12x3x768xf32, #tpu.memory_space<vmem>>, vector<1x1x1x16xf32>,
        %get3A_1430 = arith.constant 1 : i32
        %get3A_1431 = arith.index_cast %get3A_1430 : i32 to index
        %get3A_1432 = arith.index_cast %select_n3A_911 : i32 to index
        %get3A_1433 = arith.index_cast %select_n3A_927 : i32 to index
        %get3A_1434 = arith.constant 384 : index
        %get3A_1435 = tpu.vector_load %arg5[%get3A_1431, %get3A_1432, %get3A_1433, %get3A_1434] {strides = array<i32>} : memref<2x12x3x768xf32, #tpu.memory_space<vmem>>, vector<1x1x1x16xf32>,
        %get3A_1436 = vector.shape_cast %get3A_1435 : vector<1x1x1x16xf32> to vector<16xf32>
        %get3A_1437 = arith.index_cast %select_n3A_911 : i32 to index
        %get3A_1438 = arith.index_cast %select_n3A_927 : i32 to index
        %get3A_1439 = arith.constant 384 : index
        %get3A_1440 = tpu.vector_load %arg6[%get3A_1437, %get3A_1438, %get3A_1439] {strides = array<i32>} : memref<12x3x768xf32, #tpu.memory_space<vmem>>, vector<1x1x16xf32>,
        %get3A_1441 = vector.shape_cast %get3A_1440 : vector<1x1x16xf32> to vector<16xf32>
        %add3A_1442 = arith.addf %get3A_1436, %get3A_1441 : vector<16xf32>
        %swap3A_1443 = arith.constant 1 : i32
        %swap3A_1444 = arith.index_cast %swap3A_1443 : i32 to index
        %swap3A_1445 = arith.index_cast %select_n3A_911 : i32 to index
        %swap3A_1446 = arith.index_cast %select_n3A_927 : i32 to index
        %swap3A_1447 = arith.constant 384 : index
        %swap3A_1448 = tpu.vector_load %arg5[%swap3A_1444, %swap3A_1445, %swap3A_1446, %swap3A_1447] {strides = array<i32>} : memref<2x12x3x768xf32, #tpu.memory_space<vmem>>, vector<1x1x1x16xf32>,
        %swap3A_1449 = vector.shape_cast %swap3A_1448 : vector<1x1x1x16xf32> to vector<16xf32>
        %swap3A_1450 = vector.shape_cast %add3A_1442 : vector<16xf32> to vector<1x1x1x16xf32>
        tpu.vector_store %arg5[%swap3A_1444, %swap3A_1445, %swap3A_1446, %swap3A_1447], %swap3A_1450 {strides = array<i32>} : memref<2x12x3x768xf32, #tpu.memory_space<vmem>>, vector<1x1x1x16xf32>,
        %get3A_1451 = arith.constant 1 : i32
        %get3A_1452 = arith.index_cast %get3A_1451 : i32 to index
        %get3A_1453 = arith.index_cast %select_n3A_911 : i32 to index
        %get3A_1454 = arith.index_cast %select_n3A_927 : i32 to index
        %get3A_1455 = arith.constant 400 : index
        %get3A_1456 = tpu.vector_load %arg5[%get3A_1452, %get3A_1453, %get3A_1454, %get3A_1455] {strides = array<i32>} : memref<2x12x3x768xf32, #tpu.memory_space<vmem>>, vector<1x1x1x16xf32>,
        %get3A_1457 = vector.shape_cast %get3A_1456 : vector<1x1x1x16xf32> to vector<16xf32>
        %get3A_1458 = arith.index_cast %select_n3A_911 : i32 to index
        %get3A_1459 = arith.index_cast %select_n3A_927 : i32 to index
        %get3A_1460 = arith.constant 400 : index
        %get3A_1461 = tpu.vector_load %arg6[%get3A_1458, %get3A_1459, %get3A_1460] {strides = array<i32>} : memref<12x3x768xf32, #tpu.memory_space<vmem>>, vector<1x1x16xf32>,
        %get3A_1462 = vector.shape_cast %get3A_1461 : vector<1x1x16xf32> to vector<16xf32>
        %add3A_1463 = arith.addf %get3A_1457, %get3A_1462 : vector<16xf32>
        %swap3A_1464 = arith.constant 1 : i32
        %swap3A_1465 = arith.index_cast %swap3A_1464 : i32 to index
        %swap3A_1466 = arith.index_cast %select_n3A_911 : i32 to index
        %swap3A_1467 = arith.index_cast %select_n3A_927 : i32 to index
        %swap3A_1468 = arith.constant 400 : index
        %swap3A_1469 = tpu.vector_load %arg5[%swap3A_1465, %swap3A_1466, %swap3A_1467, %swap3A_1468] {strides = array<i32>} : memref<2x12x3x768xf32, #tpu.memory_space<vmem>>, vector<1x1x1x16xf32>,
        %swap3A_1470 = vector.shape_cast %swap3A_1469 : vector<1x1x1x16xf32> to vector<16xf32>
        %swap3A_1471 = vector.shape_cast %add3A_1463 : vector<16xf32> to vector<1x1x1x16xf32>
        tpu.vector_store %arg5[%swap3A_1465, %swap3A_1466, %swap3A_1467, %swap3A_1468], %swap3A_1471 {strides = array<i32>} : memref<2x12x3x768xf32, #tpu.memory_space<vmem>>, vector<1x1x1x16xf32>,
        %get3A_1472 = arith.constant 1 : i32
        %get3A_1473 = arith.index_cast %get3A_1472 : i32 to index
        %get3A_1474 = arith.index_cast %select_n3A_911 : i32 to index
        %get3A_1475 = arith.index_cast %select_n3A_927 : i32 to index
        %get3A_1476 = arith.constant 416 : index
        %get3A_1477 = tpu.vector_load %arg5[%get3A_1473, %get3A_1474, %get3A_1475, %get3A_1476] {strides = array<i32>} : memref<2x12x3x768xf32, #tpu.memory_space<vmem>>, vector<1x1x1x16xf32>,
        %get3A_1478 = vector.shape_cast %get3A_1477 : vector<1x1x1x16xf32> to vector<16xf32>
        %get3A_1479 = arith.index_cast %select_n3A_911 : i32 to index
        %get3A_1480 = arith.index_cast %select_n3A_927 : i32 to index
        %get3A_1481 = arith.constant 416 : index
        %get3A_1482 = tpu.vector_load %arg6[%get3A_1479, %get3A_1480, %get3A_1481] {strides = array<i32>} : memref<12x3x768xf32, #tpu.memory_space<vmem>>, vector<1x1x16xf32>,
        %get3A_1483 = vector.shape_cast %get3A_1482 : vector<1x1x16xf32> to vector<16xf32>
        %add3A_1484 = arith.addf %get3A_1478, %get3A_1483 : vector<16xf32>
        %swap3A_1485 = arith.constant 1 : i32
        %swap3A_1486 = arith.index_cast %swap3A_1485 : i32 to index
        %swap3A_1487 = arith.index_cast %select_n3A_911 : i32 to index
        %swap3A_1488 = arith.index_cast %select_n3A_927 : i32 to index
        %swap3A_1489 = arith.constant 416 : index
        %swap3A_1490 = tpu.vector_load %arg5[%swap3A_1486, %swap3A_1487, %swap3A_1488, %swap3A_1489] {strides = array<i32>} : memref<2x12x3x768xf32, #tpu.memory_space<vmem>>, vector<1x1x1x16xf32>,
        %swap3A_1491 = vector.shape_cast %swap3A_1490 : vector<1x1x1x16xf32> to vector<16xf32>
        %swap3A_1492 = vector.shape_cast %add3A_1484 : vector<16xf32> to vector<1x1x1x16xf32>
        tpu.vector_store %arg5[%swap3A_1486, %swap3A_1487, %swap3A_1488, %swap3A_1489], %swap3A_1492 {strides = array<i32>} : memref<2x12x3x768xf32, #tpu.memory_space<vmem>>, vector<1x1x1x16xf32>,
        %get3A_1493 = arith.constant 1 : i32
        %get3A_1494 = arith.index_cast %get3A_1493 : i32 to index
        %get3A_1495 = arith.index_cast %select_n3A_911 : i32 to index
        %get3A_1496 = arith.index_cast %select_n3A_927 : i32 to index
        %get3A_1497 = arith.constant 432 : index
        %get3A_1498 = tpu.vector_load %arg5[%get3A_1494, %get3A_1495, %get3A_1496, %get3A_1497] {strides = array<i32>} : memref<2x12x3x768xf32, #tpu.memory_space<vmem>>, vector<1x1x1x16xf32>,
        %get3A_1499 = vector.shape_cast %get3A_1498 : vector<1x1x1x16xf32> to vector<16xf32>
        %get3A_1500 = arith.index_cast %select_n3A_911 : i32 to index
        %get3A_1501 = arith.index_cast %select_n3A_927 : i32 to index
        %get3A_1502 = arith.constant 432 : index
        %get3A_1503 = tpu.vector_load %arg6[%get3A_1500, %get3A_1501, %get3A_1502] {strides = array<i32>} : memref<12x3x768xf32, #tpu.memory_space<vmem>>, vector<1x1x16xf32>,
        %get3A_1504 = vector.shape_cast %get3A_1503 : vector<1x1x16xf32> to vector<16xf32>
        %add3A_1505 = arith.addf %get3A_1499, %get3A_1504 : vector<16xf32>
        %swap3A_1506 = arith.constant 1 : i32
        %swap3A_1507 = arith.index_cast %swap3A_1506 : i32 to index
        %swap3A_1508 = arith.index_cast %select_n3A_911 : i32 to index
        %swap3A_1509 = arith.index_cast %select_n3A_927 : i32 to index
        %swap3A_1510 = arith.constant 432 : index
        %swap3A_1511 = tpu.vector_load %arg5[%swap3A_1507, %swap3A_1508, %swap3A_1509, %swap3A_1510] {strides = array<i32>} : memref<2x12x3x768xf32, #tpu.memory_space<vmem>>, vector<1x1x1x16xf32>,
        %swap3A_1512 = vector.shape_cast %swap3A_1511 : vector<1x1x1x16xf32> to vector<16xf32>
        %swap3A_1513 = vector.shape_cast %add3A_1505 : vector<16xf32> to vector<1x1x1x16xf32>
        tpu.vector_store %arg5[%swap3A_1507, %swap3A_1508, %swap3A_1509, %swap3A_1510], %swap3A_1513 {strides = array<i32>} : memref<2x12x3x768xf32, #tpu.memory_space<vmem>>, vector<1x1x1x16xf32>,
        %get3A_1514 = arith.constant 1 : i32
        %get3A_1515 = arith.index_cast %get3A_1514 : i32 to index
        %get3A_1516 = arith.index_cast %select_n3A_911 : i32 to index
        %get3A_1517 = arith.index_cast %select_n3A_927 : i32 to index
        %get3A_1518 = arith.constant 448 : index
        %get3A_1519 = tpu.vector_load %arg5[%get3A_1515, %get3A_1516, %get3A_1517, %get3A_1518] {strides = array<i32>} : memref<2x12x3x768xf32, #tpu.memory_space<vmem>>, vector<1x1x1x16xf32>,
        %get3A_1520 = vector.shape_cast %get3A_1519 : vector<1x1x1x16xf32> to vector<16xf32>
        %get3A_1521 = arith.index_cast %select_n3A_911 : i32 to index
        %get3A_1522 = arith.index_cast %select_n3A_927 : i32 to index
        %get3A_1523 = arith.constant 448 : index
        %get3A_1524 = tpu.vector_load %arg6[%get3A_1521, %get3A_1522, %get3A_1523] {strides = array<i32>} : memref<12x3x768xf32, #tpu.memory_space<vmem>>, vector<1x1x16xf32>,
        %get3A_1525 = vector.shape_cast %get3A_1524 : vector<1x1x16xf32> to vector<16xf32>
        %add3A_1526 = arith.addf %get3A_1520, %get3A_1525 : vector<16xf32>
        %swap3A_1527 = arith.constant 1 : i32
        %swap3A_1528 = arith.index_cast %swap3A_1527 : i32 to index
        %swap3A_1529 = arith.index_cast %select_n3A_911 : i32 to index
        %swap3A_1530 = arith.index_cast %select_n3A_927 : i32 to index
        %swap3A_1531 = arith.constant 448 : index
        %swap3A_1532 = tpu.vector_load %arg5[%swap3A_1528, %swap3A_1529, %swap3A_1530, %swap3A_1531] {strides = array<i32>} : memref<2x12x3x768xf32, #tpu.memory_space<vmem>>, vector<1x1x1x16xf32>,
        %swap3A_1533 = vector.shape_cast %swap3A_1532 : vector<1x1x1x16xf32> to vector<16xf32>
        %swap3A_1534 = vector.shape_cast %add3A_1526 : vector<16xf32> to vector<1x1x1x16xf32>
        tpu.vector_store %arg5[%swap3A_1528, %swap3A_1529, %swap3A_1530, %swap3A_1531], %swap3A_1534 {strides = array<i32>} : memref<2x12x3x768xf32, #tpu.memory_space<vmem>>, vector<1x1x1x16xf32>,
        %get3A_1535 = arith.constant 1 : i32
        %get3A_1536 = arith.index_cast %get3A_1535 : i32 to index
        %get3A_1537 = arith.index_cast %select_n3A_911 : i32 to index
        %get3A_1538 = arith.index_cast %select_n3A_927 : i32 to index
        %get3A_1539 = arith.constant 464 : index
        %get3A_1540 = tpu.vector_load %arg5[%get3A_1536, %get3A_1537, %get3A_1538, %get3A_1539] {strides = array<i32>} : memref<2x12x3x768xf32, #tpu.memory_space<vmem>>, vector<1x1x1x16xf32>,
        %get3A_1541 = vector.shape_cast %get3A_1540 : vector<1x1x1x16xf32> to vector<16xf32>
        %get3A_1542 = arith.index_cast %select_n3A_911 : i32 to index
        %get3A_1543 = arith.index_cast %select_n3A_927 : i32 to index
        %get3A_1544 = arith.constant 464 : index
        %get3A_1545 = tpu.vector_load %arg6[%get3A_1542, %get3A_1543, %get3A_1544] {strides = array<i32>} : memref<12x3x768xf32, #tpu.memory_space<vmem>>, vector<1x1x16xf32>,
        %get3A_1546 = vector.shape_cast %get3A_1545 : vector<1x1x16xf32> to vector<16xf32>
        %add3A_1547 = arith.addf %get3A_1541, %get3A_1546 : vector<16xf32>
        %swap3A_1548 = arith.constant 1 : i32
        %swap3A_1549 = arith.index_cast %swap3A_1548 : i32 to index
        %swap3A_1550 = arith.index_cast %select_n3A_911 : i32 to index
        %swap3A_1551 = arith.index_cast %select_n3A_927 : i32 to index
        %swap3A_1552 = arith.constant 464 : index
        %swap3A_1553 = tpu.vector_load %arg5[%swap3A_1549, %swap3A_1550, %swap3A_1551, %swap3A_1552] {strides = array<i32>} : memref<2x12x3x768xf32, #tpu.memory_space<vmem>>, vector<1x1x1x16xf32>,
        %swap3A_1554 = vector.shape_cast %swap3A_1553 : vector<1x1x1x16xf32> to vector<16xf32>
        %swap3A_1555 = vector.shape_cast %add3A_1547 : vector<16xf32> to vector<1x1x1x16xf32>
        tpu.vector_store %arg5[%swap3A_1549, %swap3A_1550, %swap3A_1551, %swap3A_1552], %swap3A_1555 {strides = array<i32>} : memref<2x12x3x768xf32, #tpu.memory_space<vmem>>, vector<1x1x1x16xf32>,
        %get3A_1556 = arith.constant 1 : i32
        %get3A_1557 = arith.index_cast %get3A_1556 : i32 to index
        %get3A_1558 = arith.index_cast %select_n3A_911 : i32 to index
        %get3A_1559 = arith.index_cast %select_n3A_927 : i32 to index
        %get3A_1560 = arith.constant 480 : index
        %get3A_1561 = tpu.vector_load %arg5[%get3A_1557, %get3A_1558, %get3A_1559, %get3A_1560] {strides = array<i32>} : memref<2x12x3x768xf32, #tpu.memory_space<vmem>>, vector<1x1x1x16xf32>,
        %get3A_1562 = vector.shape_cast %get3A_1561 : vector<1x1x1x16xf32> to vector<16xf32>
        %get3A_1563 = arith.index_cast %select_n3A_911 : i32 to index
        %get3A_1564 = arith.index_cast %select_n3A_927 : i32 to index
        %get3A_1565 = arith.constant 480 : index
        %get3A_1566 = tpu.vector_load %arg6[%get3A_1563, %get3A_1564, %get3A_1565] {strides = array<i32>} : memref<12x3x768xf32, #tpu.memory_space<vmem>>, vector<1x1x16xf32>,
        %get3A_1567 = vector.shape_cast %get3A_1566 : vector<1x1x16xf32> to vector<16xf32>
        %add3A_1568 = arith.addf %get3A_1562, %get3A_1567 : vector<16xf32>
        %swap3A_1569 = arith.constant 1 : i32
        %swap3A_1570 = arith.index_cast %swap3A_1569 : i32 to index
        %swap3A_1571 = arith.index_cast %select_n3A_911 : i32 to index
        %swap3A_1572 = arith.index_cast %select_n3A_927 : i32 to index
        %swap3A_1573 = arith.constant 480 : index
        %swap3A_1574 = tpu.vector_load %arg5[%swap3A_1570, %swap3A_1571, %swap3A_1572, %swap3A_1573] {strides = array<i32>} : memref<2x12x3x768xf32, #tpu.memory_space<vmem>>, vector<1x1x1x16xf32>,
        %swap3A_1575 = vector.shape_cast %swap3A_1574 : vector<1x1x1x16xf32> to vector<16xf32>
        %swap3A_1576 = vector.shape_cast %add3A_1568 : vector<16xf32> to vector<1x1x1x16xf32>
        tpu.vector_store %arg5[%swap3A_1570, %swap3A_1571, %swap3A_1572, %swap3A_1573], %swap3A_1576 {strides = array<i32>} : memref<2x12x3x768xf32, #tpu.memory_space<vmem>>, vector<1x1x1x16xf32>,
        %get3A_1577 = arith.constant 1 : i32
        %get3A_1578 = arith.index_cast %get3A_1577 : i32 to index
        %get3A_1579 = arith.index_cast %select_n3A_911 : i32 to index
        %get3A_1580 = arith.index_cast %select_n3A_927 : i32 to index
        %get3A_1581 = arith.constant 496 : index
        %get3A_1582 = tpu.vector_load %arg5[%get3A_1578, %get3A_1579, %get3A_1580, %get3A_1581] {strides = array<i32>} : memref<2x12x3x768xf32, #tpu.memory_space<vmem>>, vector<1x1x1x16xf32>,
        %get3A_1583 = vector.shape_cast %get3A_1582 : vector<1x1x1x16xf32> to vector<16xf32>
        %get3A_1584 = arith.index_cast %select_n3A_911 : i32 to index
        %get3A_1585 = arith.index_cast %select_n3A_927 : i32 to index
        %get3A_1586 = arith.constant 496 : index
        %get3A_1587 = tpu.vector_load %arg6[%get3A_1584, %get3A_1585, %get3A_1586] {strides = array<i32>} : memref<12x3x768xf32, #tpu.memory_space<vmem>>, vector<1x1x16xf32>,
        %get3A_1588 = vector.shape_cast %get3A_1587 : vector<1x1x16xf32> to vector<16xf32>
        %add3A_1589 = arith.addf %get3A_1583, %get3A_1588 : vector<16xf32>
        %swap3A_1590 = arith.constant 1 : i32
        %swap3A_1591 = arith.index_cast %swap3A_1590 : i32 to index
        %swap3A_1592 = arith.index_cast %select_n3A_911 : i32 to index
        %swap3A_1593 = arith.index_cast %select_n3A_927 : i32 to index
        %swap3A_1594 = arith.constant 496 : index
        %swap3A_1595 = tpu.vector_load %arg5[%swap3A_1591, %swap3A_1592, %swap3A_1593, %swap3A_1594] {strides = array<i32>} : memref<2x12x3x768xf32, #tpu.memory_space<vmem>>, vector<1x1x1x16xf32>,
        %swap3A_1596 = vector.shape_cast %swap3A_1595 : vector<1x1x1x16xf32> to vector<16xf32>
        %swap3A_1597 = vector.shape_cast %add3A_1589 : vector<16xf32> to vector<1x1x1x16xf32>
        tpu.vector_store %arg5[%swap3A_1591, %swap3A_1592, %swap3A_1593, %swap3A_1594], %swap3A_1597 {strides = array<i32>} : memref<2x12x3x768xf32, #tpu.memory_space<vmem>>, vector<1x1x1x16xf32>,
        %get3A_1598 = arith.constant 1 : i32
        %get3A_1599 = arith.index_cast %get3A_1598 : i32 to index
        %get3A_1600 = arith.index_cast %select_n3A_911 : i32 to index
        %get3A_1601 = arith.index_cast %select_n3A_927 : i32 to index
        %get3A_1602 = arith.constant 512 : index
        %get3A_1603 = tpu.vector_load %arg5[%get3A_1599, %get3A_1600, %get3A_1601, %get3A_1602] {strides = array<i32>} : memref<2x12x3x768xf32, #tpu.memory_space<vmem>>, vector<1x1x1x16xf32>,
        %get3A_1604 = vector.shape_cast %get3A_1603 : vector<1x1x1x16xf32> to vector<16xf32>
        %get3A_1605 = arith.index_cast %select_n3A_911 : i32 to index
        %get3A_1606 = arith.index_cast %select_n3A_927 : i32 to index
        %get3A_1607 = arith.constant 512 : index
        %get3A_1608 = tpu.vector_load %arg6[%get3A_1605, %get3A_1606, %get3A_1607] {strides = array<i32>} : memref<12x3x768xf32, #tpu.memory_space<vmem>>, vector<1x1x16xf32>,
        %get3A_1609 = vector.shape_cast %get3A_1608 : vector<1x1x16xf32> to vector<16xf32>
        %add3A_1610 = arith.addf %get3A_1604, %get3A_1609 : vector<16xf32>
        %swap3A_1611 = arith.constant 1 : i32
        %swap3A_1612 = arith.index_cast %swap3A_1611 : i32 to index
        %swap3A_1613 = arith.index_cast %select_n3A_911 : i32 to index
        %swap3A_1614 = arith.index_cast %select_n3A_927 : i32 to index
        %swap3A_1615 = arith.constant 512 : index
        %swap3A_1616 = tpu.vector_load %arg5[%swap3A_1612, %swap3A_1613, %swap3A_1614, %swap3A_1615] {strides = array<i32>} : memref<2x12x3x768xf32, #tpu.memory_space<vmem>>, vector<1x1x1x16xf32>,
        %swap3A_1617 = vector.shape_cast %swap3A_1616 : vector<1x1x1x16xf32> to vector<16xf32>
        %swap3A_1618 = vector.shape_cast %add3A_1610 : vector<16xf32> to vector<1x1x1x16xf32>
        tpu.vector_store %arg5[%swap3A_1612, %swap3A_1613, %swap3A_1614, %swap3A_1615], %swap3A_1618 {strides = array<i32>} : memref<2x12x3x768xf32, #tpu.memory_space<vmem>>, vector<1x1x1x16xf32>,
        %get3A_1619 = arith.constant 1 : i32
        %get3A_1620 = arith.index_cast %get3A_1619 : i32 to index
        %get3A_1621 = arith.index_cast %select_n3A_911 : i32 to index
        %get3A_1622 = arith.index_cast %select_n3A_927 : i32 to index
        %get3A_1623 = arith.constant 528 : index
        %get3A_1624 = tpu.vector_load %arg5[%get3A_1620, %get3A_1621, %get3A_1622, %get3A_1623] {strides = array<i32>} : memref<2x12x3x768xf32, #tpu.memory_space<vmem>>, vector<1x1x1x16xf32>,
        %get3A_1625 = vector.shape_cast %get3A_1624 : vector<1x1x1x16xf32> to vector<16xf32>
        %get3A_1626 = arith.index_cast %select_n3A_911 : i32 to index
        %get3A_1627 = arith.index_cast %select_n3A_927 : i32 to index
        %get3A_1628 = arith.constant 528 : index
        %get3A_1629 = tpu.vector_load %arg6[%get3A_1626, %get3A_1627, %get3A_1628] {strides = array<i32>} : memref<12x3x768xf32, #tpu.memory_space<vmem>>, vector<1x1x16xf32>,
        %get3A_1630 = vector.shape_cast %get3A_1629 : vector<1x1x16xf32> to vector<16xf32>
        %add3A_1631 = arith.addf %get3A_1625, %get3A_1630 : vector<16xf32>
        %swap3A_1632 = arith.constant 1 : i32
        %swap3A_1633 = arith.index_cast %swap3A_1632 : i32 to index
        %swap3A_1634 = arith.index_cast %select_n3A_911 : i32 to index
        %swap3A_1635 = arith.index_cast %select_n3A_927 : i32 to index
        %swap3A_1636 = arith.constant 528 : index
        %swap3A_1637 = tpu.vector_load %arg5[%swap3A_1633, %swap3A_1634, %swap3A_1635, %swap3A_1636] {strides = array<i32>} : memref<2x12x3x768xf32, #tpu.memory_space<vmem>>, vector<1x1x1x16xf32>,
        %swap3A_1638 = vector.shape_cast %swap3A_1637 : vector<1x1x1x16xf32> to vector<16xf32>
        %swap3A_1639 = vector.shape_cast %add3A_1631 : vector<16xf32> to vector<1x1x1x16xf32>
        tpu.vector_store %arg5[%swap3A_1633, %swap3A_1634, %swap3A_1635, %swap3A_1636], %swap3A_1639 {strides = array<i32>} : memref<2x12x3x768xf32, #tpu.memory_space<vmem>>, vector<1x1x1x16xf32>,
        %get3A_1640 = arith.constant 1 : i32
        %get3A_1641 = arith.index_cast %get3A_1640 : i32 to index
        %get3A_1642 = arith.index_cast %select_n3A_911 : i32 to index
        %get3A_1643 = arith.index_cast %select_n3A_927 : i32 to index
        %get3A_1644 = arith.constant 544 : index
        %get3A_1645 = tpu.vector_load %arg5[%get3A_1641, %get3A_1642, %get3A_1643, %get3A_1644] {strides = array<i32>} : memref<2x12x3x768xf32, #tpu.memory_space<vmem>>, vector<1x1x1x16xf32>,
        %get3A_1646 = vector.shape_cast %get3A_1645 : vector<1x1x1x16xf32> to vector<16xf32>
        %get3A_1647 = arith.index_cast %select_n3A_911 : i32 to index
        %get3A_1648 = arith.index_cast %select_n3A_927 : i32 to index
        %get3A_1649 = arith.constant 544 : index
        %get3A_1650 = tpu.vector_load %arg6[%get3A_1647, %get3A_1648, %get3A_1649] {strides = array<i32>} : memref<12x3x768xf32, #tpu.memory_space<vmem>>, vector<1x1x16xf32>,
        %get3A_1651 = vector.shape_cast %get3A_1650 : vector<1x1x16xf32> to vector<16xf32>
        %add3A_1652 = arith.addf %get3A_1646, %get3A_1651 : vector<16xf32>
        %swap3A_1653 = arith.constant 1 : i32
        %swap3A_1654 = arith.index_cast %swap3A_1653 : i32 to index
        %swap3A_1655 = arith.index_cast %select_n3A_911 : i32 to index
        %swap3A_1656 = arith.index_cast %select_n3A_927 : i32 to index
        %swap3A_1657 = arith.constant 544 : index
        %swap3A_1658 = tpu.vector_load %arg5[%swap3A_1654, %swap3A_1655, %swap3A_1656, %swap3A_1657] {strides = array<i32>} : memref<2x12x3x768xf32, #tpu.memory_space<vmem>>, vector<1x1x1x16xf32>,
        %swap3A_1659 = vector.shape_cast %swap3A_1658 : vector<1x1x1x16xf32> to vector<16xf32>
        %swap3A_1660 = vector.shape_cast %add3A_1652 : vector<16xf32> to vector<1x1x1x16xf32>
        tpu.vector_store %arg5[%swap3A_1654, %swap3A_1655, %swap3A_1656, %swap3A_1657], %swap3A_1660 {strides = array<i32>} : memref<2x12x3x768xf32, #tpu.memory_space<vmem>>, vector<1x1x1x16xf32>,
        %get3A_1661 = arith.constant 1 : i32
        %get3A_1662 = arith.index_cast %get3A_1661 : i32 to index
        %get3A_1663 = arith.index_cast %select_n3A_911 : i32 to index
        %get3A_1664 = arith.index_cast %select_n3A_927 : i32 to index
        %get3A_1665 = arith.constant 560 : index
        %get3A_1666 = tpu.vector_load %arg5[%get3A_1662, %get3A_1663, %get3A_1664, %get3A_1665] {strides = array<i32>} : memref<2x12x3x768xf32, #tpu.memory_space<vmem>>, vector<1x1x1x16xf32>,
        %get3A_1667 = vector.shape_cast %get3A_1666 : vector<1x1x1x16xf32> to vector<16xf32>
        %get3A_1668 = arith.index_cast %select_n3A_911 : i32 to index
        %get3A_1669 = arith.index_cast %select_n3A_927 : i32 to index
        %get3A_1670 = arith.constant 560 : index
        %get3A_1671 = tpu.vector_load %arg6[%get3A_1668, %get3A_1669, %get3A_1670] {strides = array<i32>} : memref<12x3x768xf32, #tpu.memory_space<vmem>>, vector<1x1x16xf32>,
        %get3A_1672 = vector.shape_cast %get3A_1671 : vector<1x1x16xf32> to vector<16xf32>
        %add3A_1673 = arith.addf %get3A_1667, %get3A_1672 : vector<16xf32>
        %swap3A_1674 = arith.constant 1 : i32
        %swap3A_1675 = arith.index_cast %swap3A_1674 : i32 to index
        %swap3A_1676 = arith.index_cast %select_n3A_911 : i32 to index
        %swap3A_1677 = arith.index_cast %select_n3A_927 : i32 to index
        %swap3A_1678 = arith.constant 560 : index
        %swap3A_1679 = tpu.vector_load %arg5[%swap3A_1675, %swap3A_1676, %swap3A_1677, %swap3A_1678] {strides = array<i32>} : memref<2x12x3x768xf32, #tpu.memory_space<vmem>>, vector<1x1x1x16xf32>,
        %swap3A_1680 = vector.shape_cast %swap3A_1679 : vector<1x1x1x16xf32> to vector<16xf32>
        %swap3A_1681 = vector.shape_cast %add3A_1673 : vector<16xf32> to vector<1x1x1x16xf32>
        tpu.vector_store %arg5[%swap3A_1675, %swap3A_1676, %swap3A_1677, %swap3A_1678], %swap3A_1681 {strides = array<i32>} : memref<2x12x3x768xf32, #tpu.memory_space<vmem>>, vector<1x1x1x16xf32>,
      }
      %scan3A_775 = arith.constant 36 : i32
      %mul3A_776 = arith.constant 32 : i32
      %mul3A_777 = arith.muli %add3A, %mul3A_776 : i32
      %add3A_778 = arith.addi %mul3A_777, %add3A_665 : i32
      %jit3A_779 = arith.constant 256 : i32
      %div3A_780 = arith.divsi %add3A_778, %jit3A_779 : i32
      %sign3A_781 = arith.constant 0 : i32
      %sign3A_782 = arith.cmpi sgt, %add3A_778, %sign3A_781 : i32
      %sign3A_783 = arith.extui %sign3A_782 : i1 to i32
      %sign3A_784 = arith.constant 0 : i32
      %sign3A_785 = arith.cmpi slt, %add3A_778, %sign3A_784 : i32
      %sign3A_786 = arith.extui %sign3A_785 : i1 to i32
      %sign3A_787 = arith.subi %sign3A_783, %sign3A_786 : i32
      %sign3A_788 = arith.constant 0 : i32
      %sign3A_789 = arith.cmpi sgt, %jit3A_779, %sign3A_788 : i32
      %sign3A_790 = arith.extui %sign3A_789 : i1 to i32
      %sign3A_791 = arith.constant 0 : i32
      %sign3A_792 = arith.cmpi slt, %jit3A_779, %sign3A_791 : i32
      %sign3A_793 = arith.extui %sign3A_792 : i1 to i32
      %sign3A_794 = arith.subi %sign3A_790, %sign3A_793 : i32
      %ne3A_795 = arith.cmpi ne, %sign3A_787, %sign3A_794 : i32
      %rem3A_796 = arith.remsi %add3A_778, %jit3A_779 : i32
      %ne3A_797 = arith.constant 0 : i32
      %ne3A_798 = arith.cmpi ne, %rem3A_796, %ne3A_797 : i32
      %and3A_799 = arith.andi %ne3A_795, %ne3A_798 : i1
      %sub3A_800 = arith.constant 1 : i32
      %sub3A_801 = arith.subi %div3A_780, %sub3A_800 : i32
      %select_n3A_802 = arith.select %and3A_799, %sub3A_801, %div3A_780 : i32
      %jit3A_803 = arith.constant 256 : i32
      %eq3A_804 = arith.constant 0 : i32
      %eq3A_805 = arith.cmpi eq, %jit3A_803, %eq3A_804 : i32
      %jit3A_806 = arith.constant 1 : i32
      %select_n3A_807 = arith.select %eq3A_805, %jit3A_806, %jit3A_803 : i32
      %rem3A_808 = arith.remsi %add3A_778, %select_n3A_807 : i32
      %ne3A_809 = arith.constant 0 : i32
      %ne3A_810 = arith.cmpi ne, %rem3A_808, %ne3A_809 : i32
      %lt3A_811 = arith.constant 0 : i32
      %lt3A_812 = arith.cmpi slt, %rem3A_808, %lt3A_811 : i32
      %lt3A_813 = arith.constant 0 : i32
      %lt3A_814 = arith.cmpi slt, %select_n3A_807, %lt3A_813 : i32
      %ne3A_815 = arith.xori %lt3A_812, %lt3A_814 : i1
      %and3A_816 = arith.andi %ne3A_815, %ne3A_810 : i1
      %add3A_817 = arith.addi %rem3A_808, %select_n3A_807 : i32
      %select_n3A_818 = arith.select %and3A_816, %add3A_817, %rem3A_808 : i32
      %jit3A_819 = arith.constant 16 : i32
      %div3A_820 = arith.divsi %select_n3A_818, %jit3A_819 : i32
      %sign3A_821 = arith.constant 0 : i32
      %sign3A_822 = arith.cmpi sgt, %select_n3A_818, %sign3A_821 : i32
      %sign3A_823 = arith.extui %sign3A_822 : i1 to i32
      %sign3A_824 = arith.constant 0 : i32
      %sign3A_825 = arith.cmpi slt, %select_n3A_818, %sign3A_824 : i32
      %sign3A_826 = arith.extui %sign3A_825 : i1 to i32
      %sign3A_827 = arith.subi %sign3A_823, %sign3A_826 : i32
      %sign3A_828 = arith.constant 0 : i32
      %sign3A_829 = arith.cmpi sgt, %jit3A_819, %sign3A_828 : i32
      %sign3A_830 = arith.extui %sign3A_829 : i1 to i32
      %sign3A_831 = arith.constant 0 : i32
      %sign3A_832 = arith.cmpi slt, %jit3A_819, %sign3A_831 : i32
      %sign3A_833 = arith.extui %sign3A_832 : i1 to i32
      %sign3A_834 = arith.subi %sign3A_830, %sign3A_833 : i32
      %ne3A_835 = arith.cmpi ne, %sign3A_827, %sign3A_834 : i32
      %rem3A_836 = arith.remsi %select_n3A_818, %jit3A_819 : i32
      %ne3A_837 = arith.constant 0 : i32
      %ne3A_838 = arith.cmpi ne, %rem3A_836, %ne3A_837 : i32
      %and3A_839 = arith.andi %ne3A_835, %ne3A_838 : i1
      %sub3A_840 = arith.constant 1 : i32
      %sub3A_841 = arith.subi %div3A_820, %sub3A_840 : i32
      %select_n3A_842 = arith.select %and3A_839, %sub3A_841, %div3A_820 : i32
      %jit3A_843 = arith.constant 16 : i32
      %eq3A_844 = arith.constant 0 : i32
      %eq3A_845 = arith.cmpi eq, %jit3A_843, %eq3A_844 : i32
      %jit3A_846 = arith.constant 1 : i32
      %select_n3A_847 = arith.select %eq3A_845, %jit3A_846, %jit3A_843 : i32
      %rem3A_848 = arith.remsi %select_n3A_818, %select_n3A_847 : i32
      %ne3A_849 = arith.constant 0 : i32
      %ne3A_850 = arith.cmpi ne, %rem3A_848, %ne3A_849 : i32
      %lt3A_851 = arith.constant 0 : i32
      %lt3A_852 = arith.cmpi slt, %rem3A_848, %lt3A_851 : i32
      %lt3A_853 = arith.constant 0 : i32
      %lt3A_854 = arith.cmpi slt, %select_n3A_847, %lt3A_853 : i32
      %ne3A_855 = arith.xori %lt3A_852, %lt3A_854 : i1
      %and3A_856 = arith.andi %ne3A_855, %ne3A_850 : i1
      %add3A_857 = arith.addi %rem3A_848, %select_n3A_847 : i32
      %select_n3A_858 = arith.select %and3A_856, %add3A_857, %rem3A_848 : i32
      %dma_start3A_859 = arith.constant 1 : i32
      %dma_start3A_860 = arith.constant 0 : i32
      %dma_start3A_861 = arith.constant 0 : i32
      %dma_start3A_862 = arith.constant 0 : i32
      %dma_start3A_863 = tpu.memref_slice %arg5[%dma_start3A_859, %dma_start3A_860, %dma_start3A_861, %dma_start3A_862] : memref<2x12x3x768xf32, #tpu.memory_space<vmem>> -> memref<1x12x3x768xf32, #tpu.memory_space<vmem>>
      %dma_start3A_864 = tpu.memref_squeeze %dma_start3A_863 : memref<1x12x3x768xf32, #tpu.memory_space<vmem>> -> memref<12x3x768xf32, #tpu.memory_space<vmem>>
      %dma_start3A_865 = arith.constant 0 : i32
      %dma_start3A_866 = arith.constant 0 : i32
      %dma_start3A_867 = arith.constant 0 : i32
      %dma_start3A_868 = tpu.memref_slice %arg4[%select_n3A_802, %select_n3A_842, %select_n3A_858, %dma_start3A_865, %dma_start3A_866, %dma_start3A_867] : memref<4x16x16x12x3x768xf32, #tpu.memory_space<hbm>> -> memref<1x1x1x12x3x768xf32, #tpu.memory_space<hbm>>
      %dma_start3A_869 = tpu.memref_squeeze %dma_start3A_868 : memref<1x1x1x12x3x768xf32, #tpu.memory_space<hbm>> -> memref<12x3x768xf32, #tpu.memory_space<hbm>>
      %dma_start3A_870 = arith.constant 0 : i32
      %dma_start3A_871 = arith.constant 0 : i32
      %dma_start3A_872 = arith.constant 0 : i32
      %dma_start3A_873 = tpu.memref_slice %arg4[%select_n3A_802, %select_n3A_842, %select_n3A_858, %dma_start3A_870, %dma_start3A_871, %dma_start3A_872] : memref<4x16x16x12x3x768xf32, #tpu.memory_space<hbm>> -> memref<1x1x1x12x3x768xf32, #tpu.memory_space<hbm>>
      %dma_start3A_874 = tpu.memref_squeeze %dma_start3A_873 : memref<1x1x1x12x3x768xf32, #tpu.memory_space<hbm>> -> memref<12x3x768xf32, #tpu.memory_space<hbm>>
      %dma_start3A_875 = arith.constant 0 : i32
      %dma_start3A_876 = arith.constant 0 : i32
      %dma_start3A_877 = arith.constant 0 : i32
      %dma_start3A_878 = tpu.memref_slice %arg5[%dma_start3A_859, %dma_start3A_875, %dma_start3A_876, %dma_start3A_877] : memref<2x12x3x768xf32, #tpu.memory_space<vmem>> -> memref<1x12x3x768xf32, #tpu.memory_space<vmem>>
      %dma_start3A_879 = tpu.memref_squeeze %dma_start3A_878 : memref<1x12x3x768xf32, #tpu.memory_space<vmem>> -> memref<12x3x768xf32, #tpu.memory_space<vmem>>
      tpu.enqueue_dma source(%dma_start3A_879 : memref<12x3x768xf32, #tpu.memory_space<vmem>>) target(%dma_start3A_874 : memref<12x3x768xf32, #tpu.memory_space<hbm>>) target_semaphore(%arg10 : memref<!tpu.dma_semaphore, #tpu.memory_space<semaphore_mem>>)
      %add3A_880 = arith.constant 2 : i32
      %add3A_881 = arith.addi %add3A_665, %add3A_880 : i32
      %lt3A_882 = arith.constant 32 : i32
      %lt3A_883 = arith.cmpi slt, %add3A_881, %lt3A_882 : i32
      %convert_element_type3A_884 = arith.extui %lt3A_883 : i1 to i32
      %cond3A_885 = arith.constant 0 : i32
      %cond3A_886 = arith.cmpi ne, %convert_element_type3A_884, %cond3A_885 : i32
      scf.if %cond3A_886 {
        %sub3A_887 = arith.constant 2 : i32
        %sub3A_888 = arith.subi %add3A_881, %sub3A_887 : i32
        %mul3A_889 = arith.constant 32 : i32
        %mul3A_890 = arith.muli %add3A, %mul3A_889 : i32
        %add3A_891 = arith.addi %mul3A_890, %sub3A_888 : i32
        %jit3A_892 = arith.constant 256 : i32
        %div3A_893 = arith.divsi %add3A_891, %jit3A_892 : i32
        %sign3A_894 = arith.constant 0 : i32
        %sign3A_895 = arith.cmpi sgt, %add3A_891, %sign3A_894 : i32
        %sign3A_896 = arith.extui %sign3A_895 : i1 to i32
        %sign3A_897 = arith.constant 0 : i32
        %sign3A_898 = arith.cmpi slt, %add3A_891, %sign3A_897 : i32
        %sign3A_899 = arith.extui %sign3A_898 : i1 to i32
        %sign3A_900 = arith.subi %sign3A_896, %sign3A_899 : i32
        %sign3A_901 = arith.constant 0 : i32
        %sign3A_902 = arith.cmpi sgt, %jit3A_892, %sign3A_901 : i32
        %sign3A_903 = arith.extui %sign3A_902 : i1 to i32
        %sign3A_904 = arith.constant 0 : i32
        %sign3A_905 = arith.cmpi slt, %jit3A_892, %sign3A_904 : i32
        %sign3A_906 = arith.extui %sign3A_905 : i1 to i32
        %sign3A_907 = arith.subi %sign3A_903, %sign3A_906 : i32
        %ne3A_908 = arith.cmpi ne, %sign3A_900, %sign3A_907 : i32
        %rem3A_909 = arith.remsi %add3A_891, %jit3A_892 : i32
        %ne3A_910 = arith.constant 0 : i32
        %ne3A_911 = arith.cmpi ne, %rem3A_909, %ne3A_910 : i32
        %and3A_912 = arith.andi %ne3A_908, %ne3A_911 : i1
        %sub3A_913 = arith.constant 1 : i32
        %sub3A_914 = arith.subi %div3A_893, %sub3A_913 : i32
        %select_n3A_915 = arith.select %and3A_912, %sub3A_914, %div3A_893 : i32
        %jit3A_916 = arith.constant 256 : i32
        %eq3A_917 = arith.constant 0 : i32
        %eq3A_918 = arith.cmpi eq, %jit3A_916, %eq3A_917 : i32
        %jit3A_919 = arith.constant 1 : i32
        %select_n3A_920 = arith.select %eq3A_918, %jit3A_919, %jit3A_916 : i32
        %rem3A_921 = arith.remsi %add3A_891, %select_n3A_920 : i32
        %ne3A_922 = arith.constant 0 : i32
        %ne3A_923 = arith.cmpi ne, %rem3A_921, %ne3A_922 : i32
        %lt3A_924 = arith.constant 0 : i32
        %lt3A_925 = arith.cmpi slt, %rem3A_921, %lt3A_924 : i32
        %lt3A_926 = arith.constant 0 : i32
        %lt3A_927 = arith.cmpi slt, %select_n3A_920, %lt3A_926 : i32
        %ne3A_928 = arith.xori %lt3A_925, %lt3A_927 : i1
        %and3A_929 = arith.andi %ne3A_928, %ne3A_923 : i1
        %add3A_930 = arith.addi %rem3A_921, %select_n3A_920 : i32
        %select_n3A_931 = arith.select %and3A_929, %add3A_930, %rem3A_921 : i32
        %jit3A_932 = arith.constant 16 : i32
        %div3A_933 = arith.divsi %select_n3A_931, %jit3A_932 : i32
        %sign3A_934 = arith.constant 0 : i32
        %sign3A_935 = arith.cmpi sgt, %select_n3A_931, %sign3A_934 : i32
        %sign3A_936 = arith.extui %sign3A_935 : i1 to i32
        %sign3A_937 = arith.constant 0 : i32
        %sign3A_938 = arith.cmpi slt, %select_n3A_931, %sign3A_937 : i32
        %sign3A_939 = arith.extui %sign3A_938 : i1 to i32
        %sign3A_940 = arith.subi %sign3A_936, %sign3A_939 : i32
        %sign3A_941 = arith.constant 0 : i32
        %sign3A_942 = arith.cmpi sgt, %jit3A_932, %sign3A_941 : i32
        %sign3A_943 = arith.extui %sign3A_942 : i1 to i32
        %sign3A_944 = arith.constant 0 : i32
        %sign3A_945 = arith.cmpi slt, %jit3A_932, %sign3A_944 : i32
        %sign3A_946 = arith.extui %sign3A_945 : i1 to i32
        %sign3A_947 = arith.subi %sign3A_943, %sign3A_946 : i32
        %ne3A_948 = arith.cmpi ne, %sign3A_940, %sign3A_947 : i32
        %rem3A_949 = arith.remsi %select_n3A_931, %jit3A_932 : i32
        %ne3A_950 = arith.constant 0 : i32
        %ne3A_951 = arith.cmpi ne, %rem3A_949, %ne3A_950 : i32
        %and3A_952 = arith.andi %ne3A_948, %ne3A_951 : i1
        %sub3A_953 = arith.constant 1 : i32
        %sub3A_954 = arith.subi %div3A_933, %sub3A_953 : i32
        %select_n3A_955 = arith.select %and3A_952, %sub3A_954, %div3A_933 : i32
        %jit3A_956 = arith.constant 16 : i32
        %eq3A_957 = arith.constant 0 : i32
        %eq3A_958 = arith.cmpi eq, %jit3A_956, %eq3A_957 : i32
        %jit3A_959 = arith.constant 1 : i32
        %select_n3A_960 = arith.select %eq3A_958, %jit3A_959, %jit3A_956 : i32
        %rem3A_961 = arith.remsi %select_n3A_931, %select_n3A_960 : i32
        %ne3A_962 = arith.constant 0 : i32
        %ne3A_963 = arith.cmpi ne, %rem3A_961, %ne3A_962 : i32
        %lt3A_964 = arith.constant 0 : i32
        %lt3A_965 = arith.cmpi slt, %rem3A_961, %lt3A_964 : i32
        %lt3A_966 = arith.constant 0 : i32
        %lt3A_967 = arith.cmpi slt, %select_n3A_960, %lt3A_966 : i32
        %ne3A_968 = arith.xori %lt3A_965, %lt3A_967 : i1
        %and3A_969 = arith.andi %ne3A_968, %ne3A_963 : i1
        %add3A_970 = arith.addi %rem3A_961, %select_n3A_960 : i32
        %select_n3A_971 = arith.select %and3A_969, %add3A_970, %rem3A_961 : i32
        %dma_wait3A_972 = arith.constant 1 : i32
        %dma_wait3A_973 = arith.constant 0 : i32
        %dma_wait3A_974 = arith.constant 0 : i32
        %dma_wait3A_975 = arith.constant 0 : i32
        %dma_wait3A_976 = tpu.memref_slice %arg5[%dma_wait3A_972, %dma_wait3A_973, %dma_wait3A_974, %dma_wait3A_975] : memref<2x12x3x768xf32, #tpu.memory_space<vmem>> -> memref<1x12x3x768xf32, #tpu.memory_space<vmem>>
        %dma_wait3A_977 = tpu.memref_squeeze %dma_wait3A_976 : memref<1x12x3x768xf32, #tpu.memory_space<vmem>> -> memref<12x3x768xf32, #tpu.memory_space<vmem>>
        %dma_wait3A_978 = arith.constant 0 : i32
        %dma_wait3A_979 = arith.constant 0 : i32
        %dma_wait3A_980 = arith.constant 0 : i32
        %dma_wait3A_981 = tpu.memref_slice %arg4[%select_n3A_915, %select_n3A_955, %select_n3A_971, %dma_wait3A_978, %dma_wait3A_979, %dma_wait3A_980] : memref<4x16x16x12x3x768xf32, #tpu.memory_space<hbm>> -> memref<1x1x1x12x3x768xf32, #tpu.memory_space<hbm>>
        %dma_wait3A_982 = tpu.memref_squeeze %dma_wait3A_981 : memref<1x1x1x12x3x768xf32, #tpu.memory_space<hbm>> -> memref<12x3x768xf32, #tpu.memory_space<hbm>>
        %dma_wait3A_983 = arith.constant 0 : i32
        %dma_wait3A_984 = arith.constant 0 : i32
        %dma_wait3A_985 = arith.constant 0 : i32
        %dma_wait3A_986 = tpu.memref_slice %arg4[%select_n3A_915, %select_n3A_955, %select_n3A_971, %dma_wait3A_983, %dma_wait3A_984, %dma_wait3A_985] : memref<4x16x16x12x3x768xf32, #tpu.memory_space<hbm>> -> memref<1x1x1x12x3x768xf32, #tpu.memory_space<hbm>>
        %dma_wait3A_987 = tpu.memref_squeeze %dma_wait3A_986 : memref<1x1x1x12x3x768xf32, #tpu.memory_space<hbm>> -> memref<12x3x768xf32, #tpu.memory_space<hbm>>
        %dma_wait3A_988 = arith.constant 0 : i32
        %dma_wait3A_989 = arith.constant 0 : i32
        %dma_wait3A_990 = arith.constant 0 : i32
        %dma_wait3A_991 = tpu.memref_slice %arg5[%dma_wait3A_972, %dma_wait3A_988, %dma_wait3A_989, %dma_wait3A_990] : memref<2x12x3x768xf32, #tpu.memory_space<vmem>> -> memref<1x12x3x768xf32, #tpu.memory_space<vmem>>
        %dma_wait3A_992 = tpu.memref_squeeze %dma_wait3A_991 : memref<1x12x3x768xf32, #tpu.memory_space<vmem>> -> memref<12x3x768xf32, #tpu.memory_space<vmem>>
        tpu.wait_dma2 semaphore(%arg10 : memref<!tpu.dma_semaphore, #tpu.memory_space<semaphore_mem>>) src(%dma_wait3A_992 : memref<12x3x768xf32, #tpu.memory_space<vmem>>) dst(%dma_wait3A_987 : memref<12x3x768xf32, #tpu.memory_space<hbm>>)
        %mul3A_993 = arith.constant 32 : i32
        %mul3A_994 = arith.muli %add3A, %mul3A_993 : i32
        %add3A_995 = arith.addi %mul3A_994, %add3A_881 : i32
        %jit3A_996 = arith.constant 256 : i32
        %div3A_997 = arith.divsi %add3A_995, %jit3A_996 : i32
        %sign3A_998 = arith.constant 0 : i32
        %sign3A_999 = arith.cmpi sgt, %add3A_995, %sign3A_998 : i32
        %sign3A_1000 = arith.extui %sign3A_999 : i1 to i32
        %sign3A_1001 = arith.constant 0 : i32
        %sign3A_1002 = arith.cmpi slt, %add3A_995, %sign3A_1001 : i32
        %sign3A_1003 = arith.extui %sign3A_1002 : i1 to i32
        %sign3A_1004 = arith.subi %sign3A_1000, %sign3A_1003 : i32
        %sign3A_1005 = arith.constant 0 : i32
        %sign3A_1006 = arith.cmpi sgt, %jit3A_996, %sign3A_1005 : i32
        %sign3A_1007 = arith.extui %sign3A_1006 : i1 to i32
        %sign3A_1008 = arith.constant 0 : i32
        %sign3A_1009 = arith.cmpi slt, %jit3A_996, %sign3A_1008 : i32
        %sign3A_1010 = arith.extui %sign3A_1009 : i1 to i32
        %sign3A_1011 = arith.subi %sign3A_1007, %sign3A_1010 : i32
        %ne3A_1012 = arith.cmpi ne, %sign3A_1004, %sign3A_1011 : i32
        %rem3A_1013 = arith.remsi %add3A_995, %jit3A_996 : i32
        %ne3A_1014 = arith.constant 0 : i32
        %ne3A_1015 = arith.cmpi ne, %rem3A_1013, %ne3A_1014 : i32
        %and3A_1016 = arith.andi %ne3A_1012, %ne3A_1015 : i1
        %sub3A_1017 = arith.constant 1 : i32
        %sub3A_1018 = arith.subi %div3A_997, %sub3A_1017 : i32
        %select_n3A_1019 = arith.select %and3A_1016, %sub3A_1018, %div3A_997 : i32
        %jit3A_1020 = arith.constant 256 : i32
        %eq3A_1021 = arith.constant 0 : i32
        %eq3A_1022 = arith.cmpi eq, %jit3A_1020, %eq3A_1021 : i32
        %jit3A_1023 = arith.constant 1 : i32
        %select_n3A_1024 = arith.select %eq3A_1022, %jit3A_1023, %jit3A_1020 : i32
        %rem3A_1025 = arith.remsi %add3A_995, %select_n3A_1024 : i32
        %ne3A_1026 = arith.constant 0 : i32
        %ne3A_1027 = arith.cmpi ne, %rem3A_1025, %ne3A_1026 : i32
        %lt3A_1028 = arith.constant 0 : i32
        %lt3A_1029 = arith.cmpi slt, %rem3A_1025, %lt3A_1028 : i32
        %lt3A_1030 = arith.constant 0 : i32
        %lt3A_1031 = arith.cmpi slt, %select_n3A_1024, %lt3A_1030 : i32
        %ne3A_1032 = arith.xori %lt3A_1029, %lt3A_1031 : i1
        %and3A_1033 = arith.andi %ne3A_1032, %ne3A_1027 : i1
        %add3A_1034 = arith.addi %rem3A_1025, %select_n3A_1024 : i32
        %select_n3A_1035 = arith.select %and3A_1033, %add3A_1034, %rem3A_1025 : i32
        %jit3A_1036 = arith.constant 16 : i32
        %div3A_1037 = arith.divsi %select_n3A_1035, %jit3A_1036 : i32
        %sign3A_1038 = arith.constant 0 : i32
        %sign3A_1039 = arith.cmpi sgt, %select_n3A_1035, %sign3A_1038 : i32
        %sign3A_1040 = arith.extui %sign3A_1039 : i1 to i32
        %sign3A_1041 = arith.constant 0 : i32
        %sign3A_1042 = arith.cmpi slt, %select_n3A_1035, %sign3A_1041 : i32
        %sign3A_1043 = arith.extui %sign3A_1042 : i1 to i32
        %sign3A_1044 = arith.subi %sign3A_1040, %sign3A_1043 : i32
        %sign3A_1045 = arith.constant 0 : i32
        %sign3A_1046 = arith.cmpi sgt, %jit3A_1036, %sign3A_1045 : i32
        %sign3A_1047 = arith.extui %sign3A_1046 : i1 to i32
        %sign3A_1048 = arith.constant 0 : i32
        %sign3A_1049 = arith.cmpi slt, %jit3A_1036, %sign3A_1048 : i32
        %sign3A_1050 = arith.extui %sign3A_1049 : i1 to i32
        %sign3A_1051 = arith.subi %sign3A_1047, %sign3A_1050 : i32
        %ne3A_1052 = arith.cmpi ne, %sign3A_1044, %sign3A_1051 : i32
        %rem3A_1053 = arith.remsi %select_n3A_1035, %jit3A_1036 : i32
        %ne3A_1054 = arith.constant 0 : i32
        %ne3A_1055 = arith.cmpi ne, %rem3A_1053, %ne3A_1054 : i32
        %and3A_1056 = arith.andi %ne3A_1052, %ne3A_1055 : i1
        %sub3A_1057 = arith.constant 1 : i32
        %sub3A_1058 = arith.subi %div3A_1037, %sub3A_1057 : i32
        %select_n3A_1059 = arith.select %and3A_1056, %sub3A_1058, %div3A_1037 : i32
        %jit3A_1060 = arith.constant 16 : i32
        %eq3A_1061 = arith.constant 0 : i32
        %eq3A_1062 = arith.cmpi eq, %jit3A_1060, %eq3A_1061 : i32
        %jit3A_1063 = arith.constant 1 : i32
        %select_n3A_1064 = arith.select %eq3A_1062, %jit3A_1063, %jit3A_1060 : i32
        %rem3A_1065 = arith.remsi %select_n3A_1035, %select_n3A_1064 : i32
        %ne3A_1066 = arith.constant 0 : i32
        %ne3A_1067 = arith.cmpi ne, %rem3A_1065, %ne3A_1066 : i32
        %lt3A_1068 = arith.constant 0 : i32
        %lt3A_1069 = arith.cmpi slt, %rem3A_1065, %lt3A_1068 : i32
        %lt3A_1070 = arith.constant 0 : i32
        %lt3A_1071 = arith.cmpi slt, %select_n3A_1064, %lt3A_1070 : i32
        %ne3A_1072 = arith.xori %lt3A_1069, %lt3A_1071 : i1
        %and3A_1073 = arith.andi %ne3A_1072, %ne3A_1067 : i1
        %add3A_1074 = arith.addi %rem3A_1065, %select_n3A_1064 : i32
        %select_n3A_1075 = arith.select %and3A_1073, %add3A_1074, %rem3A_1065 : i32
        %dma_start3A_1076 = arith.constant 1 : i32
        %dma_start3A_1077 = arith.constant 0 : i32
        %dma_start3A_1078 = arith.constant 0 : i32
        %dma_start3A_1079 = arith.constant 0 : i32
        %dma_start3A_1080 = tpu.memref_slice %arg5[%dma_start3A_1076, %dma_start3A_1077, %dma_start3A_1078, %dma_start3A_1079] : memref<2x12x3x768xf32, #tpu.memory_space<vmem>> -> memref<1x12x3x768xf32, #tpu.memory_space<vmem>>
        %dma_start3A_1081 = tpu.memref_squeeze %dma_start3A_1080 : memref<1x12x3x768xf32, #tpu.memory_space<vmem>> -> memref<12x3x768xf32, #tpu.memory_space<vmem>>
        %dma_start3A_1082 = arith.constant 0 : i32
        %dma_start3A_1083 = arith.constant 0 : i32
        %dma_start3A_1084 = arith.constant 0 : i32
        %dma_start3A_1085 = tpu.memref_slice %arg2[%select_n3A_1019, %select_n3A_1059, %select_n3A_1075, %dma_start3A_1082, %dma_start3A_1083, %dma_start3A_1084] : memref<4x16x16x12x3x768xf32, #tpu.memory_space<hbm>> -> memref<1x1x1x12x3x768xf32, #tpu.memory_space<hbm>>
        %dma_start3A_1086 = tpu.memref_squeeze %dma_start3A_1085 : memref<1x1x1x12x3x768xf32, #tpu.memory_space<hbm>> -> memref<12x3x768xf32, #tpu.memory_space<hbm>>
        %dma_start3A_1087 = arith.constant 0 : i32
        %dma_start3A_1088 = arith.constant 0 : i32
        %dma_start3A_1089 = arith.constant 0 : i32
        %dma_start3A_1090 = tpu.memref_slice %arg5[%dma_start3A_1076, %dma_start3A_1087, %dma_start3A_1088, %dma_start3A_1089] : memref<2x12x3x768xf32, #tpu.memory_space<vmem>> -> memref<1x12x3x768xf32, #tpu.memory_space<vmem>>
        %dma_start3A_1091 = tpu.memref_squeeze %dma_start3A_1090 : memref<1x12x3x768xf32, #tpu.memory_space<vmem>> -> memref<12x3x768xf32, #tpu.memory_space<vmem>>
        %dma_start3A_1092 = arith.constant 0 : i32
        %dma_start3A_1093 = arith.constant 0 : i32
        %dma_start3A_1094 = arith.constant 0 : i32
        %dma_start3A_1095 = tpu.memref_slice %arg2[%select_n3A_1019, %select_n3A_1059, %select_n3A_1075, %dma_start3A_1092, %dma_start3A_1093, %dma_start3A_1094] : memref<4x16x16x12x3x768xf32, #tpu.memory_space<hbm>> -> memref<1x1x1x12x3x768xf32, #tpu.memory_space<hbm>>
        %dma_start3A_1096 = tpu.memref_squeeze %dma_start3A_1095 : memref<1x1x1x12x3x768xf32, #tpu.memory_space<hbm>> -> memref<12x3x768xf32, #tpu.memory_space<hbm>>
        tpu.enqueue_dma source(%dma_start3A_1096 : memref<12x3x768xf32, #tpu.memory_space<hbm>>) target(%dma_start3A_1091 : memref<12x3x768xf32, #tpu.memory_space<vmem>>) target_semaphore(%arg8 : memref<!tpu.dma_semaphore, #tpu.memory_space<semaphore_mem>>)
      } else {
      }
    }
    %scan3A_228 = arith.constant 16 : i32
    %mul3A_229 = arith.constant 32 : i32
    %mul3A_230 = arith.muli %add3A, %mul3A_229 : i32
    %add3A_231 = arith.constant 30 : i32
    %add3A_232 = arith.addi %mul3A_230, %add3A_231 : i32
    %jit3A_233 = arith.constant 256 : i32
    %div3A_234 = arith.divsi %add3A_232, %jit3A_233 : i32
    %sign3A_235 = arith.constant 0 : i32
    %sign3A_236 = arith.cmpi sgt, %add3A_232, %sign3A_235 : i32
    %sign3A_237 = arith.extui %sign3A_236 : i1 to i32
    %sign3A_238 = arith.constant 0 : i32
    %sign3A_239 = arith.cmpi slt, %add3A_232, %sign3A_238 : i32
    %sign3A_240 = arith.extui %sign3A_239 : i1 to i32
    %sign3A_241 = arith.subi %sign3A_237, %sign3A_240 : i32
    %sign3A_242 = arith.constant 0 : i32
    %sign3A_243 = arith.cmpi sgt, %jit3A_233, %sign3A_242 : i32
    %sign3A_244 = arith.extui %sign3A_243 : i1 to i32
    %sign3A_245 = arith.constant 0 : i32
    %sign3A_246 = arith.cmpi slt, %jit3A_233, %sign3A_245 : i32
    %sign3A_247 = arith.extui %sign3A_246 : i1 to i32
    %sign3A_248 = arith.subi %sign3A_244, %sign3A_247 : i32
    %ne3A_249 = arith.cmpi ne, %sign3A_241, %sign3A_248 : i32
    %rem3A_250 = arith.remsi %add3A_232, %jit3A_233 : i32
    %ne3A_251 = arith.constant 0 : i32
    %ne3A_252 = arith.cmpi ne, %rem3A_250, %ne3A_251 : i32
    %and3A_253 = arith.andi %ne3A_249, %ne3A_252 : i1
    %sub3A_254 = arith.constant 1 : i32
    %sub3A_255 = arith.subi %div3A_234, %sub3A_254 : i32
    %select_n3A_256 = arith.select %and3A_253, %sub3A_255, %div3A_234 : i32
    %jit3A_257 = arith.constant 256 : i32
    %eq3A_258 = arith.constant 0 : i32
    %eq3A_259 = arith.cmpi eq, %jit3A_257, %eq3A_258 : i32
    %jit3A_260 = arith.constant 1 : i32
    %select_n3A_261 = arith.select %eq3A_259, %jit3A_260, %jit3A_257 : i32
    %rem3A_262 = arith.remsi %add3A_232, %select_n3A_261 : i32
    %ne3A_263 = arith.constant 0 : i32
    %ne3A_264 = arith.cmpi ne, %rem3A_262, %ne3A_263 : i32
    %lt3A_265 = arith.constant 0 : i32
    %lt3A_266 = arith.cmpi slt, %rem3A_262, %lt3A_265 : i32
    %lt3A_267 = arith.constant 0 : i32
    %lt3A_268 = arith.cmpi slt, %select_n3A_261, %lt3A_267 : i32
    %ne3A_269 = arith.xori %lt3A_266, %lt3A_268 : i1
    %and3A_270 = arith.andi %ne3A_269, %ne3A_264 : i1
    %add3A_271 = arith.addi %rem3A_262, %select_n3A_261 : i32
    %select_n3A_272 = arith.select %and3A_270, %add3A_271, %rem3A_262 : i32
    %jit3A_273 = arith.constant 16 : i32
    %div3A_274 = arith.divsi %select_n3A_272, %jit3A_273 : i32
    %sign3A_275 = arith.constant 0 : i32
    %sign3A_276 = arith.cmpi sgt, %select_n3A_272, %sign3A_275 : i32
    %sign3A_277 = arith.extui %sign3A_276 : i1 to i32
    %sign3A_278 = arith.constant 0 : i32
    %sign3A_279 = arith.cmpi slt, %select_n3A_272, %sign3A_278 : i32
    %sign3A_280 = arith.extui %sign3A_279 : i1 to i32
    %sign3A_281 = arith.subi %sign3A_277, %sign3A_280 : i32
    %sign3A_282 = arith.constant 0 : i32
    %sign3A_283 = arith.cmpi sgt, %jit3A_273, %sign3A_282 : i32
    %sign3A_284 = arith.extui %sign3A_283 : i1 to i32
    %sign3A_285 = arith.constant 0 : i32
    %sign3A_286 = arith.cmpi slt, %jit3A_273, %sign3A_285 : i32
    %sign3A_287 = arith.extui %sign3A_286 : i1 to i32
    %sign3A_288 = arith.subi %sign3A_284, %sign3A_287 : i32
    %ne3A_289 = arith.cmpi ne, %sign3A_281, %sign3A_288 : i32
    %rem3A_290 = arith.remsi %select_n3A_272, %jit3A_273 : i32
    %ne3A_291 = arith.constant 0 : i32
    %ne3A_292 = arith.cmpi ne, %rem3A_290, %ne3A_291 : i32
    %and3A_293 = arith.andi %ne3A_289, %ne3A_292 : i1
    %sub3A_294 = arith.constant 1 : i32
    %sub3A_295 = arith.subi %div3A_274, %sub3A_294 : i32
    %select_n3A_296 = arith.select %and3A_293, %sub3A_295, %div3A_274 : i32
    %jit3A_297 = arith.constant 16 : i32
    %eq3A_298 = arith.constant 0 : i32
    %eq3A_299 = arith.cmpi eq, %jit3A_297, %eq3A_298 : i32
    %jit3A_300 = arith.constant 1 : i32
    %select_n3A_301 = arith.select %eq3A_299, %jit3A_300, %jit3A_297 : i32
    %rem3A_302 = arith.remsi %select_n3A_272, %select_n3A_301 : i32
    %ne3A_303 = arith.constant 0 : i32
    %ne3A_304 = arith.cmpi ne, %rem3A_302, %ne3A_303 : i32
    %lt3A_305 = arith.constant 0 : i32
    %lt3A_306 = arith.cmpi slt, %rem3A_302, %lt3A_305 : i32
    %lt3A_307 = arith.constant 0 : i32
    %lt3A_308 = arith.cmpi slt, %select_n3A_301, %lt3A_307 : i32
    %ne3A_309 = arith.xori %lt3A_306, %lt3A_308 : i1
    %and3A_310 = arith.andi %ne3A_309, %ne3A_304 : i1
    %add3A_311 = arith.addi %rem3A_302, %select_n3A_301 : i32
    %select_n3A_312 = arith.select %and3A_310, %add3A_311, %rem3A_302 : i32
    %dma_wait3A = arith.constant 0 : i32
    %dma_wait3A_313 = arith.constant 0 : i32
    %dma_wait3A_314 = arith.constant 0 : i32
    %dma_wait3A_315 = arith.constant 0 : i32
    %dma_wait3A_316 = tpu.memref_slice %arg5[%dma_wait3A, %dma_wait3A_313, %dma_wait3A_314, %dma_wait3A_315] : memref<2x12x3x768xf32, #tpu.memory_space<vmem>> -> memref<1x12x3x768xf32, #tpu.memory_space<vmem>>
    %dma_wait3A_317 = tpu.memref_squeeze %dma_wait3A_316 : memref<1x12x3x768xf32, #tpu.memory_space<vmem>> -> memref<12x3x768xf32, #tpu.memory_space<vmem>>
    %dma_wait3A_318 = arith.constant 0 : i32
    %dma_wait3A_319 = arith.constant 0 : i32
    %dma_wait3A_320 = arith.constant 0 : i32
    %dma_wait3A_321 = tpu.memref_slice %arg4[%select_n3A_256, %select_n3A_296, %select_n3A_312, %dma_wait3A_318, %dma_wait3A_319, %dma_wait3A_320] : memref<4x16x16x12x3x768xf32, #tpu.memory_space<hbm>> -> memref<1x1x1x12x3x768xf32, #tpu.memory_space<hbm>>
    %dma_wait3A_322 = tpu.memref_squeeze %dma_wait3A_321 : memref<1x1x1x12x3x768xf32, #tpu.memory_space<hbm>> -> memref<12x3x768xf32, #tpu.memory_space<hbm>>
    %dma_wait3A_323 = arith.constant 0 : i32
    %dma_wait3A_324 = arith.constant 0 : i32
    %dma_wait3A_325 = arith.constant 0 : i32
    %dma_wait3A_326 = tpu.memref_slice %arg4[%select_n3A_256, %select_n3A_296, %select_n3A_312, %dma_wait3A_323, %dma_wait3A_324, %dma_wait3A_325] : memref<4x16x16x12x3x768xf32, #tpu.memory_space<hbm>> -> memref<1x1x1x12x3x768xf32, #tpu.memory_space<hbm>>
    %dma_wait3A_327 = tpu.memref_squeeze %dma_wait3A_326 : memref<1x1x1x12x3x768xf32, #tpu.memory_space<hbm>> -> memref<12x3x768xf32, #tpu.memory_space<hbm>>
    %dma_wait3A_328 = arith.constant 0 : i32
    %dma_wait3A_329 = arith.constant 0 : i32
    %dma_wait3A_330 = arith.constant 0 : i32
    %dma_wait3A_331 = tpu.memref_slice %arg5[%dma_wait3A, %dma_wait3A_328, %dma_wait3A_329, %dma_wait3A_330] : memref<2x12x3x768xf32, #tpu.memory_space<vmem>> -> memref<1x12x3x768xf32, #tpu.memory_space<vmem>>
    %dma_wait3A_332 = tpu.memref_squeeze %dma_wait3A_331 : memref<1x12x3x768xf32, #tpu.memory_space<vmem>> -> memref<12x3x768xf32, #tpu.memory_space<vmem>>
    tpu.wait_dma2 semaphore(%arg9 : memref<!tpu.dma_semaphore, #tpu.memory_space<semaphore_mem>>) src(%dma_wait3A_332 : memref<12x3x768xf32, #tpu.memory_space<vmem>>) dst(%dma_wait3A_327 : memref<12x3x768xf32, #tpu.memory_space<hbm>>)
    %mul3A_333 = arith.constant 32 : i32
    %mul3A_334 = arith.muli %add3A, %mul3A_333 : i32
    %add3A_335 = arith.constant 31 : i32
    %add3A_336 = arith.addi %mul3A_334, %add3A_335 : i32
    %jit3A_337 = arith.constant 256 : i32
    %div3A_338 = arith.divsi %add3A_336, %jit3A_337 : i32
    %sign3A_339 = arith.constant 0 : i32
    %sign3A_340 = arith.cmpi sgt, %add3A_336, %sign3A_339 : i32
    %sign3A_341 = arith.extui %sign3A_340 : i1 to i32
    %sign3A_342 = arith.constant 0 : i32
    %sign3A_343 = arith.cmpi slt, %add3A_336, %sign3A_342 : i32
    %sign3A_344 = arith.extui %sign3A_343 : i1 to i32
    %sign3A_345 = arith.subi %sign3A_341, %sign3A_344 : i32
    %sign3A_346 = arith.constant 0 : i32
    %sign3A_347 = arith.cmpi sgt, %jit3A_337, %sign3A_346 : i32
    %sign3A_348 = arith.extui %sign3A_347 : i1 to i32
    %sign3A_349 = arith.constant 0 : i32
    %sign3A_350 = arith.cmpi slt, %jit3A_337, %sign3A_349 : i32
    %sign3A_351 = arith.extui %sign3A_350 : i1 to i32
    %sign3A_352 = arith.subi %sign3A_348, %sign3A_351 : i32
    %ne3A_353 = arith.cmpi ne, %sign3A_345, %sign3A_352 : i32
    %rem3A_354 = arith.remsi %add3A_336, %jit3A_337 : i32
    %ne3A_355 = arith.constant 0 : i32
    %ne3A_356 = arith.cmpi ne, %rem3A_354, %ne3A_355 : i32
    %and3A_357 = arith.andi %ne3A_353, %ne3A_356 : i1
    %sub3A_358 = arith.constant 1 : i32
    %sub3A_359 = arith.subi %div3A_338, %sub3A_358 : i32
    %select_n3A_360 = arith.select %and3A_357, %sub3A_359, %div3A_338 : i32
    %jit3A_361 = arith.constant 256 : i32
    %eq3A_362 = arith.constant 0 : i32
    %eq3A_363 = arith.cmpi eq, %jit3A_361, %eq3A_362 : i32
    %jit3A_364 = arith.constant 1 : i32
    %select_n3A_365 = arith.select %eq3A_363, %jit3A_364, %jit3A_361 : i32
    %rem3A_366 = arith.remsi %add3A_336, %select_n3A_365 : i32
    %ne3A_367 = arith.constant 0 : i32
    %ne3A_368 = arith.cmpi ne, %rem3A_366, %ne3A_367 : i32
    %lt3A_369 = arith.constant 0 : i32
    %lt3A_370 = arith.cmpi slt, %rem3A_366, %lt3A_369 : i32
    %lt3A_371 = arith.constant 0 : i32
    %lt3A_372 = arith.cmpi slt, %select_n3A_365, %lt3A_371 : i32
    %ne3A_373 = arith.xori %lt3A_370, %lt3A_372 : i1
    %and3A_374 = arith.andi %ne3A_373, %ne3A_368 : i1
    %add3A_375 = arith.addi %rem3A_366, %select_n3A_365 : i32
    %select_n3A_376 = arith.select %and3A_374, %add3A_375, %rem3A_366 : i32
    %jit3A_377 = arith.constant 16 : i32
    %div3A_378 = arith.divsi %select_n3A_376, %jit3A_377 : i32
    %sign3A_379 = arith.constant 0 : i32
    %sign3A_380 = arith.cmpi sgt, %select_n3A_376, %sign3A_379 : i32
    %sign3A_381 = arith.extui %sign3A_380 : i1 to i32
    %sign3A_382 = arith.constant 0 : i32
    %sign3A_383 = arith.cmpi slt, %select_n3A_376, %sign3A_382 : i32
    %sign3A_384 = arith.extui %sign3A_383 : i1 to i32
    %sign3A_385 = arith.subi %sign3A_381, %sign3A_384 : i32
    %sign3A_386 = arith.constant 0 : i32
    %sign3A_387 = arith.cmpi sgt, %jit3A_377, %sign3A_386 : i32
    %sign3A_388 = arith.extui %sign3A_387 : i1 to i32
    %sign3A_389 = arith.constant 0 : i32
    %sign3A_390 = arith.cmpi slt, %jit3A_377, %sign3A_389 : i32
    %sign3A_391 = arith.extui %sign3A_390 : i1 to i32
    %sign3A_392 = arith.subi %sign3A_388, %sign3A_391 : i32
    %ne3A_393 = arith.cmpi ne, %sign3A_385, %sign3A_392 : i32
    %rem3A_394 = arith.remsi %select_n3A_376, %jit3A_377 : i32
    %ne3A_395 = arith.constant 0 : i32
    %ne3A_396 = arith.cmpi ne, %rem3A_394, %ne3A_395 : i32
    %and3A_397 = arith.andi %ne3A_393, %ne3A_396 : i1
    %sub3A_398 = arith.constant 1 : i32
    %sub3A_399 = arith.subi %div3A_378, %sub3A_398 : i32
    %select_n3A_400 = arith.select %and3A_397, %sub3A_399, %div3A_378 : i32
    %jit3A_401 = arith.constant 16 : i32
    %eq3A_402 = arith.constant 0 : i32
    %eq3A_403 = arith.cmpi eq, %jit3A_401, %eq3A_402 : i32
    %jit3A_404 = arith.constant 1 : i32
    %select_n3A_405 = arith.select %eq3A_403, %jit3A_404, %jit3A_401 : i32
    %rem3A_406 = arith.remsi %select_n3A_376, %select_n3A_405 : i32
    %ne3A_407 = arith.constant 0 : i32
    %ne3A_408 = arith.cmpi ne, %rem3A_406, %ne3A_407 : i32
    %lt3A_409 = arith.constant 0 : i32
    %lt3A_410 = arith.cmpi slt, %rem3A_406, %lt3A_409 : i32
    %lt3A_411 = arith.constant 0 : i32
    %lt3A_412 = arith.cmpi slt, %select_n3A_405, %lt3A_411 : i32
    %ne3A_413 = arith.xori %lt3A_410, %lt3A_412 : i1
    %and3A_414 = arith.andi %ne3A_413, %ne3A_408 : i1
    %add3A_415 = arith.addi %rem3A_406, %select_n3A_405 : i32
    %select_n3A_416 = arith.select %and3A_414, %add3A_415, %rem3A_406 : i32
    %dma_wait3A_417 = arith.constant 1 : i32
    %dma_wait3A_418 = arith.constant 0 : i32
    %dma_wait3A_419 = arith.constant 0 : i32
    %dma_wait3A_420 = arith.constant 0 : i32
    %dma_wait3A_421 = tpu.memref_slice %arg5[%dma_wait3A_417, %dma_wait3A_418, %dma_wait3A_419, %dma_wait3A_420] : memref<2x12x3x768xf32, #tpu.memory_space<vmem>> -> memref<1x12x3x768xf32, #tpu.memory_space<vmem>>
    %dma_wait3A_422 = tpu.memref_squeeze %dma_wait3A_421 : memref<1x12x3x768xf32, #tpu.memory_space<vmem>> -> memref<12x3x768xf32, #tpu.memory_space<vmem>>
    %dma_wait3A_423 = arith.constant 0 : i32
    %dma_wait3A_424 = arith.constant 0 : i32
    %dma_wait3A_425 = arith.constant 0 : i32
    %dma_wait3A_426 = tpu.memref_slice %arg4[%select_n3A_360, %select_n3A_400, %select_n3A_416, %dma_wait3A_423, %dma_wait3A_424, %dma_wait3A_425] : memref<4x16x16x12x3x768xf32, #tpu.memory_space<hbm>> -> memref<1x1x1x12x3x768xf32, #tpu.memory_space<hbm>>
    %dma_wait3A_427 = tpu.memref_squeeze %dma_wait3A_426 : memref<1x1x1x12x3x768xf32, #tpu.memory_space<hbm>> -> memref<12x3x768xf32, #tpu.memory_space<hbm>>
    %dma_wait3A_428 = arith.constant 0 : i32
    %dma_wait3A_429 = arith.constant 0 : i32
    %dma_wait3A_430 = arith.constant 0 : i32
    %dma_wait3A_431 = tpu.memref_slice %arg4[%select_n3A_360, %select_n3A_400, %select_n3A_416, %dma_wait3A_428, %dma_wait3A_429, %dma_wait3A_430] : memref<4x16x16x12x3x768xf32, #tpu.memory_space<hbm>> -> memref<1x1x1x12x3x768xf32, #tpu.memory_space<hbm>>
    %dma_wait3A_432 = tpu.memref_squeeze %dma_wait3A_431 : memref<1x1x1x12x3x768xf32, #tpu.memory_space<hbm>> -> memref<12x3x768xf32, #tpu.memory_space<hbm>>
    %dma_wait3A_433 = arith.constant 0 : i32
    %dma_wait3A_434 = arith.constant 0 : i32
    %dma_wait3A_435 = arith.constant 0 : i32
    %dma_wait3A_436 = tpu.memref_slice %arg5[%dma_wait3A_417, %dma_wait3A_433, %dma_wait3A_434, %dma_wait3A_435] : memref<2x12x3x768xf32, #tpu.memory_space<vmem>> -> memref<1x12x3x768xf32, #tpu.memory_space<vmem>>
    %dma_wait3A_437 = tpu.memref_squeeze %dma_wait3A_436 : memref<1x12x3x768xf32, #tpu.memory_space<vmem>> -> memref<12x3x768xf32, #tpu.memory_space<vmem>>
    tpu.wait_dma2 semaphore(%arg10 : memref<!tpu.dma_semaphore, #tpu.memory_space<semaphore_mem>>) src(%dma_wait3A_437 : memref<12x3x768xf32, #tpu.memory_space<vmem>>) dst(%dma_wait3A_432 : memref<12x3x768xf32, #tpu.memory_space<hbm>>)
    return
  }
}

module attributes {stable_mosaic.version = 14 : i64} {
  func.func @_addend_body(%arg0: memref<4x12xi32, #tpu.memory_space<smem>>, %arg1: memref<3x192xf32, #tpu.memory_space<vmem>>, %arg2: memref<24x192xf32, #tpu.memory_space<vmem>>, %arg3: memref<12x192xf32, #tpu.memory_space<vmem>>, %arg4: memref<4x12x3x768xf32, #tpu.memory_space<vmem>>) attributes {dimension_semantics = [], scalar_prefetch = 0 : i64, scratch_operands = 0 : i64, tpu.core_type = #tpu.core_type<tc>} {
    %get3A = arith.constant 0 : index
    %get3A_0 = arith.constant 0 : index
    %get3A_1 = vector.load %arg1[%get3A, %get3A_0] : memref<3x192xf32, #tpu.memory_space<vmem>>, vector<3x192xf32>
    %broadcast_in_dim3A = arith.constant 0.000000e+00 : f32
    %broadcast_in_dim3A_2 = vector.broadcast %broadcast_in_dim3A : f32 to vector<3x192xf32>
    %get3A_3 = arith.constant 0 : index
    %get3A_4 = arith.constant 0 : index
    %get3A_5 = memref.load %arg0[%get3A_3, %get3A_4] : memref<4x12xi32, #tpu.memory_space<smem>>
    %get3A_6 = arith.index_cast %get3A_5 : i32 to index
    %get3A_7 = arith.constant 0 : index
    %get3A_8 = vector.load %arg3[%get3A_6, %get3A_7] : memref<12x192xf32, #tpu.memory_space<vmem>>, vector<1x192xf32>
    %get3A_9 = arith.constant 0 : index
    %get3A_10 = arith.constant 0 : index
    %get3A_11 = vector.load %arg2[%get3A_9, %get3A_10] : memref<24x192xf32, #tpu.memory_space<vmem>>, vector<1x192xf32>
    %broadcast_in_dim3A_12 = vector.shape_cast %get3A_11 : vector<1x192xf32> to vector<1x192xf32>
    %broadcast_in_dim3A_13 = vector.broadcast %broadcast_in_dim3A_12 : vector<1x192xf32> to vector<3x192xf32>
    %broadcast_in_dim3A_14 = vector.shape_cast %get3A_8 : vector<1x192xf32> to vector<1x192xf32>
    %broadcast_in_dim3A_15 = vector.broadcast %broadcast_in_dim3A_14 : vector<1x192xf32> to vector<3x192xf32>
    %concatenate3A = tpu.concatenate %get3A_1, %broadcast_in_dim3A_13, %broadcast_in_dim3A_15, %broadcast_in_dim3A_2 in 1 : vector<3x192xf32>, vector<3x192xf32>, vector<3x192xf32>, vector<3x192xf32> -> vector<3x768xf32>
    %swap3A = arith.constant 0 : index
    %swap3A_16 = arith.constant 0 : index
    %swap3A_17 = arith.constant 0 : index
    %swap3A_18 = arith.constant 0 : index
    %swap3A_19 = vector.load %arg4[%swap3A, %swap3A_16, %swap3A_17, %swap3A_18] : memref<4x12x3x768xf32, #tpu.memory_space<vmem>>, vector<1x1x3x768xf32>
    %swap3A_20 = vector.shape_cast %swap3A_19 : vector<1x1x3x768xf32> to vector<3x768xf32>
    %swap3A_21 = vector.shape_cast %concatenate3A : vector<3x768xf32> to vector<1x1x3x768xf32>
    tpu.vector_store %arg4[%swap3A, %swap3A_16, %swap3A_17, %swap3A_18], %swap3A_21 {strides = array<i32>} : memref<4x12x3x768xf32, #tpu.memory_space<vmem>>, vector<1x1x3x768xf32>,
    %get3A_22 = arith.constant 0 : index
    %get3A_23 = arith.constant 1 : index
    %get3A_24 = memref.load %arg0[%get3A_22, %get3A_23] : memref<4x12xi32, #tpu.memory_space<smem>>
    %get3A_25 = arith.index_cast %get3A_24 : i32 to index
    %get3A_26 = arith.constant 0 : index
    %get3A_27 = vector.load %arg3[%get3A_25, %get3A_26] : memref<12x192xf32, #tpu.memory_space<vmem>>, vector<1x192xf32>
    %get3A_28 = arith.constant 1 : index
    %get3A_29 = arith.constant 0 : index
    %get3A_30 = vector.load %arg2[%get3A_28, %get3A_29] : memref<24x192xf32, #tpu.memory_space<vmem>>, vector<1x192xf32>
    %broadcast_in_dim3A_31 = vector.shape_cast %get3A_30 : vector<1x192xf32> to vector<1x192xf32>
    %broadcast_in_dim3A_32 = vector.broadcast %broadcast_in_dim3A_31 : vector<1x192xf32> to vector<3x192xf32>
    %broadcast_in_dim3A_33 = vector.shape_cast %get3A_27 : vector<1x192xf32> to vector<1x192xf32>
    %broadcast_in_dim3A_34 = vector.broadcast %broadcast_in_dim3A_33 : vector<1x192xf32> to vector<3x192xf32>
    %concatenate3A_35 = tpu.concatenate %get3A_1, %broadcast_in_dim3A_32, %broadcast_in_dim3A_34, %broadcast_in_dim3A_2 in 1 : vector<3x192xf32>, vector<3x192xf32>, vector<3x192xf32>, vector<3x192xf32> -> vector<3x768xf32>
    %swap3A_36 = arith.constant 0 : index
    %swap3A_37 = arith.constant 1 : index
    %swap3A_38 = arith.constant 0 : index
    %swap3A_39 = arith.constant 0 : index
    %swap3A_40 = vector.load %arg4[%swap3A_36, %swap3A_37, %swap3A_38, %swap3A_39] : memref<4x12x3x768xf32, #tpu.memory_space<vmem>>, vector<1x1x3x768xf32>
    %swap3A_41 = vector.shape_cast %swap3A_40 : vector<1x1x3x768xf32> to vector<3x768xf32>
    %swap3A_42 = vector.shape_cast %concatenate3A_35 : vector<3x768xf32> to vector<1x1x3x768xf32>
    tpu.vector_store %arg4[%swap3A_36, %swap3A_37, %swap3A_38, %swap3A_39], %swap3A_42 {strides = array<i32>} : memref<4x12x3x768xf32, #tpu.memory_space<vmem>>, vector<1x1x3x768xf32>,
    %get3A_43 = arith.constant 0 : index
    %get3A_44 = arith.constant 2 : index
    %get3A_45 = memref.load %arg0[%get3A_43, %get3A_44] : memref<4x12xi32, #tpu.memory_space<smem>>
    %get3A_46 = arith.index_cast %get3A_45 : i32 to index
    %get3A_47 = arith.constant 0 : index
    %get3A_48 = vector.load %arg3[%get3A_46, %get3A_47] : memref<12x192xf32, #tpu.memory_space<vmem>>, vector<1x192xf32>
    %get3A_49 = arith.constant 2 : index
    %get3A_50 = arith.constant 0 : index
    %get3A_51 = vector.load %arg2[%get3A_49, %get3A_50] : memref<24x192xf32, #tpu.memory_space<vmem>>, vector<1x192xf32>
    %broadcast_in_dim3A_52 = vector.shape_cast %get3A_51 : vector<1x192xf32> to vector<1x192xf32>
    %broadcast_in_dim3A_53 = vector.broadcast %broadcast_in_dim3A_52 : vector<1x192xf32> to vector<3x192xf32>
    %broadcast_in_dim3A_54 = vector.shape_cast %get3A_48 : vector<1x192xf32> to vector<1x192xf32>
    %broadcast_in_dim3A_55 = vector.broadcast %broadcast_in_dim3A_54 : vector<1x192xf32> to vector<3x192xf32>
    %concatenate3A_56 = tpu.concatenate %get3A_1, %broadcast_in_dim3A_53, %broadcast_in_dim3A_55, %broadcast_in_dim3A_2 in 1 : vector<3x192xf32>, vector<3x192xf32>, vector<3x192xf32>, vector<3x192xf32> -> vector<3x768xf32>
    %swap3A_57 = arith.constant 0 : index
    %swap3A_58 = arith.constant 2 : index
    %swap3A_59 = arith.constant 0 : index
    %swap3A_60 = arith.constant 0 : index
    %swap3A_61 = vector.load %arg4[%swap3A_57, %swap3A_58, %swap3A_59, %swap3A_60] : memref<4x12x3x768xf32, #tpu.memory_space<vmem>>, vector<1x1x3x768xf32>
    %swap3A_62 = vector.shape_cast %swap3A_61 : vector<1x1x3x768xf32> to vector<3x768xf32>
    %swap3A_63 = vector.shape_cast %concatenate3A_56 : vector<3x768xf32> to vector<1x1x3x768xf32>
    tpu.vector_store %arg4[%swap3A_57, %swap3A_58, %swap3A_59, %swap3A_60], %swap3A_63 {strides = array<i32>} : memref<4x12x3x768xf32, #tpu.memory_space<vmem>>, vector<1x1x3x768xf32>,
    %get3A_64 = arith.constant 0 : index
    %get3A_65 = arith.constant 3 : index
    %get3A_66 = memref.load %arg0[%get3A_64, %get3A_65] : memref<4x12xi32, #tpu.memory_space<smem>>
    %get3A_67 = arith.index_cast %get3A_66 : i32 to index
    %get3A_68 = arith.constant 0 : index
    %get3A_69 = vector.load %arg3[%get3A_67, %get3A_68] : memref<12x192xf32, #tpu.memory_space<vmem>>, vector<1x192xf32>
    %get3A_70 = arith.constant 3 : index
    %get3A_71 = arith.constant 0 : index
    %get3A_72 = vector.load %arg2[%get3A_70, %get3A_71] : memref<24x192xf32, #tpu.memory_space<vmem>>, vector<1x192xf32>
    %broadcast_in_dim3A_73 = vector.shape_cast %get3A_72 : vector<1x192xf32> to vector<1x192xf32>
    %broadcast_in_dim3A_74 = vector.broadcast %broadcast_in_dim3A_73 : vector<1x192xf32> to vector<3x192xf32>
    %broadcast_in_dim3A_75 = vector.shape_cast %get3A_69 : vector<1x192xf32> to vector<1x192xf32>
    %broadcast_in_dim3A_76 = vector.broadcast %broadcast_in_dim3A_75 : vector<1x192xf32> to vector<3x192xf32>
    %concatenate3A_77 = tpu.concatenate %get3A_1, %broadcast_in_dim3A_74, %broadcast_in_dim3A_76, %broadcast_in_dim3A_2 in 1 : vector<3x192xf32>, vector<3x192xf32>, vector<3x192xf32>, vector<3x192xf32> -> vector<3x768xf32>
    %swap3A_78 = arith.constant 0 : index
    %swap3A_79 = arith.constant 3 : index
    %swap3A_80 = arith.constant 0 : index
    %swap3A_81 = arith.constant 0 : index
    %swap3A_82 = vector.load %arg4[%swap3A_78, %swap3A_79, %swap3A_80, %swap3A_81] : memref<4x12x3x768xf32, #tpu.memory_space<vmem>>, vector<1x1x3x768xf32>
    %swap3A_83 = vector.shape_cast %swap3A_82 : vector<1x1x3x768xf32> to vector<3x768xf32>
    %swap3A_84 = vector.shape_cast %concatenate3A_77 : vector<3x768xf32> to vector<1x1x3x768xf32>
    tpu.vector_store %arg4[%swap3A_78, %swap3A_79, %swap3A_80, %swap3A_81], %swap3A_84 {strides = array<i32>} : memref<4x12x3x768xf32, #tpu.memory_space<vmem>>, vector<1x1x3x768xf32>,
    %get3A_85 = arith.constant 0 : index
    %get3A_86 = arith.constant 4 : index
    %get3A_87 = memref.load %arg0[%get3A_85, %get3A_86] : memref<4x12xi32, #tpu.memory_space<smem>>
    %get3A_88 = arith.index_cast %get3A_87 : i32 to index
    %get3A_89 = arith.constant 0 : index
    %get3A_90 = vector.load %arg3[%get3A_88, %get3A_89] : memref<12x192xf32, #tpu.memory_space<vmem>>, vector<1x192xf32>
    %get3A_91 = arith.constant 4 : index
    %get3A_92 = arith.constant 0 : index
    %get3A_93 = vector.load %arg2[%get3A_91, %get3A_92] : memref<24x192xf32, #tpu.memory_space<vmem>>, vector<1x192xf32>
    %broadcast_in_dim3A_94 = vector.shape_cast %get3A_93 : vector<1x192xf32> to vector<1x192xf32>
    %broadcast_in_dim3A_95 = vector.broadcast %broadcast_in_dim3A_94 : vector<1x192xf32> to vector<3x192xf32>
    %broadcast_in_dim3A_96 = vector.shape_cast %get3A_90 : vector<1x192xf32> to vector<1x192xf32>
    %broadcast_in_dim3A_97 = vector.broadcast %broadcast_in_dim3A_96 : vector<1x192xf32> to vector<3x192xf32>
    %concatenate3A_98 = tpu.concatenate %get3A_1, %broadcast_in_dim3A_95, %broadcast_in_dim3A_97, %broadcast_in_dim3A_2 in 1 : vector<3x192xf32>, vector<3x192xf32>, vector<3x192xf32>, vector<3x192xf32> -> vector<3x768xf32>
    %swap3A_99 = arith.constant 0 : index
    %swap3A_100 = arith.constant 4 : index
    %swap3A_101 = arith.constant 0 : index
    %swap3A_102 = arith.constant 0 : index
    %swap3A_103 = vector.load %arg4[%swap3A_99, %swap3A_100, %swap3A_101, %swap3A_102] : memref<4x12x3x768xf32, #tpu.memory_space<vmem>>, vector<1x1x3x768xf32>
    %swap3A_104 = vector.shape_cast %swap3A_103 : vector<1x1x3x768xf32> to vector<3x768xf32>
    %swap3A_105 = vector.shape_cast %concatenate3A_98 : vector<3x768xf32> to vector<1x1x3x768xf32>
    tpu.vector_store %arg4[%swap3A_99, %swap3A_100, %swap3A_101, %swap3A_102], %swap3A_105 {strides = array<i32>} : memref<4x12x3x768xf32, #tpu.memory_space<vmem>>, vector<1x1x3x768xf32>,
    %get3A_106 = arith.constant 0 : index
    %get3A_107 = arith.constant 5 : index
    %get3A_108 = memref.load %arg0[%get3A_106, %get3A_107] : memref<4x12xi32, #tpu.memory_space<smem>>
    %get3A_109 = arith.index_cast %get3A_108 : i32 to index
    %get3A_110 = arith.constant 0 : index
    %get3A_111 = vector.load %arg3[%get3A_109, %get3A_110] : memref<12x192xf32, #tpu.memory_space<vmem>>, vector<1x192xf32>
    %get3A_112 = arith.constant 5 : index
    %get3A_113 = arith.constant 0 : index
    %get3A_114 = vector.load %arg2[%get3A_112, %get3A_113] : memref<24x192xf32, #tpu.memory_space<vmem>>, vector<1x192xf32>
    %broadcast_in_dim3A_115 = vector.shape_cast %get3A_114 : vector<1x192xf32> to vector<1x192xf32>
    %broadcast_in_dim3A_116 = vector.broadcast %broadcast_in_dim3A_115 : vector<1x192xf32> to vector<3x192xf32>
    %broadcast_in_dim3A_117 = vector.shape_cast %get3A_111 : vector<1x192xf32> to vector<1x192xf32>
    %broadcast_in_dim3A_118 = vector.broadcast %broadcast_in_dim3A_117 : vector<1x192xf32> to vector<3x192xf32>
    %concatenate3A_119 = tpu.concatenate %get3A_1, %broadcast_in_dim3A_116, %broadcast_in_dim3A_118, %broadcast_in_dim3A_2 in 1 : vector<3x192xf32>, vector<3x192xf32>, vector<3x192xf32>, vector<3x192xf32> -> vector<3x768xf32>
    %swap3A_120 = arith.constant 0 : index
    %swap3A_121 = arith.constant 5 : index
    %swap3A_122 = arith.constant 0 : index
    %swap3A_123 = arith.constant 0 : index
    %swap3A_124 = vector.load %arg4[%swap3A_120, %swap3A_121, %swap3A_122, %swap3A_123] : memref<4x12x3x768xf32, #tpu.memory_space<vmem>>, vector<1x1x3x768xf32>
    %swap3A_125 = vector.shape_cast %swap3A_124 : vector<1x1x3x768xf32> to vector<3x768xf32>
    %swap3A_126 = vector.shape_cast %concatenate3A_119 : vector<3x768xf32> to vector<1x1x3x768xf32>
    tpu.vector_store %arg4[%swap3A_120, %swap3A_121, %swap3A_122, %swap3A_123], %swap3A_126 {strides = array<i32>} : memref<4x12x3x768xf32, #tpu.memory_space<vmem>>, vector<1x1x3x768xf32>,
    %get3A_127 = arith.constant 0 : index
    %get3A_128 = arith.constant 6 : index
    %get3A_129 = memref.load %arg0[%get3A_127, %get3A_128] : memref<4x12xi32, #tpu.memory_space<smem>>
    %get3A_130 = arith.index_cast %get3A_129 : i32 to index
    %get3A_131 = arith.constant 0 : index
    %get3A_132 = vector.load %arg3[%get3A_130, %get3A_131] : memref<12x192xf32, #tpu.memory_space<vmem>>, vector<1x192xf32>
    %get3A_133 = arith.constant 6 : index
    %get3A_134 = arith.constant 0 : index
    %get3A_135 = vector.load %arg2[%get3A_133, %get3A_134] : memref<24x192xf32, #tpu.memory_space<vmem>>, vector<1x192xf32>
    %broadcast_in_dim3A_136 = vector.shape_cast %get3A_135 : vector<1x192xf32> to vector<1x192xf32>
    %broadcast_in_dim3A_137 = vector.broadcast %broadcast_in_dim3A_136 : vector<1x192xf32> to vector<3x192xf32>
    %broadcast_in_dim3A_138 = vector.shape_cast %get3A_132 : vector<1x192xf32> to vector<1x192xf32>
    %broadcast_in_dim3A_139 = vector.broadcast %broadcast_in_dim3A_138 : vector<1x192xf32> to vector<3x192xf32>
    %concatenate3A_140 = tpu.concatenate %get3A_1, %broadcast_in_dim3A_137, %broadcast_in_dim3A_139, %broadcast_in_dim3A_2 in 1 : vector<3x192xf32>, vector<3x192xf32>, vector<3x192xf32>, vector<3x192xf32> -> vector<3x768xf32>
    %swap3A_141 = arith.constant 0 : index
    %swap3A_142 = arith.constant 6 : index
    %swap3A_143 = arith.constant 0 : index
    %swap3A_144 = arith.constant 0 : index
    %swap3A_145 = vector.load %arg4[%swap3A_141, %swap3A_142, %swap3A_143, %swap3A_144] : memref<4x12x3x768xf32, #tpu.memory_space<vmem>>, vector<1x1x3x768xf32>
    %swap3A_146 = vector.shape_cast %swap3A_145 : vector<1x1x3x768xf32> to vector<3x768xf32>
    %swap3A_147 = vector.shape_cast %concatenate3A_140 : vector<3x768xf32> to vector<1x1x3x768xf32>
    tpu.vector_store %arg4[%swap3A_141, %swap3A_142, %swap3A_143, %swap3A_144], %swap3A_147 {strides = array<i32>} : memref<4x12x3x768xf32, #tpu.memory_space<vmem>>, vector<1x1x3x768xf32>,
    %get3A_148 = arith.constant 0 : index
    %get3A_149 = arith.constant 7 : index
    %get3A_150 = memref.load %arg0[%get3A_148, %get3A_149] : memref<4x12xi32, #tpu.memory_space<smem>>
    %get3A_151 = arith.index_cast %get3A_150 : i32 to index
    %get3A_152 = arith.constant 0 : index
    %get3A_153 = vector.load %arg3[%get3A_151, %get3A_152] : memref<12x192xf32, #tpu.memory_space<vmem>>, vector<1x192xf32>
    %get3A_154 = arith.constant 7 : index
    %get3A_155 = arith.constant 0 : index
    %get3A_156 = vector.load %arg2[%get3A_154, %get3A_155] : memref<24x192xf32, #tpu.memory_space<vmem>>, vector<1x192xf32>
    %broadcast_in_dim3A_157 = vector.shape_cast %get3A_156 : vector<1x192xf32> to vector<1x192xf32>
    %broadcast_in_dim3A_158 = vector.broadcast %broadcast_in_dim3A_157 : vector<1x192xf32> to vector<3x192xf32>
    %broadcast_in_dim3A_159 = vector.shape_cast %get3A_153 : vector<1x192xf32> to vector<1x192xf32>
    %broadcast_in_dim3A_160 = vector.broadcast %broadcast_in_dim3A_159 : vector<1x192xf32> to vector<3x192xf32>
    %concatenate3A_161 = tpu.concatenate %get3A_1, %broadcast_in_dim3A_158, %broadcast_in_dim3A_160, %broadcast_in_dim3A_2 in 1 : vector<3x192xf32>, vector<3x192xf32>, vector<3x192xf32>, vector<3x192xf32> -> vector<3x768xf32>
    %swap3A_162 = arith.constant 0 : index
    %swap3A_163 = arith.constant 7 : index
    %swap3A_164 = arith.constant 0 : index
    %swap3A_165 = arith.constant 0 : index
    %swap3A_166 = vector.load %arg4[%swap3A_162, %swap3A_163, %swap3A_164, %swap3A_165] : memref<4x12x3x768xf32, #tpu.memory_space<vmem>>, vector<1x1x3x768xf32>
    %swap3A_167 = vector.shape_cast %swap3A_166 : vector<1x1x3x768xf32> to vector<3x768xf32>
    %swap3A_168 = vector.shape_cast %concatenate3A_161 : vector<3x768xf32> to vector<1x1x3x768xf32>
    tpu.vector_store %arg4[%swap3A_162, %swap3A_163, %swap3A_164, %swap3A_165], %swap3A_168 {strides = array<i32>} : memref<4x12x3x768xf32, #tpu.memory_space<vmem>>, vector<1x1x3x768xf32>,
    %get3A_169 = arith.constant 0 : index
    %get3A_170 = arith.constant 8 : index
    %get3A_171 = memref.load %arg0[%get3A_169, %get3A_170] : memref<4x12xi32, #tpu.memory_space<smem>>
    %get3A_172 = arith.index_cast %get3A_171 : i32 to index
    %get3A_173 = arith.constant 0 : index
    %get3A_174 = vector.load %arg3[%get3A_172, %get3A_173] : memref<12x192xf32, #tpu.memory_space<vmem>>, vector<1x192xf32>
    %get3A_175 = arith.constant 8 : index
    %get3A_176 = arith.constant 0 : index
    %get3A_177 = vector.load %arg2[%get3A_175, %get3A_176] : memref<24x192xf32, #tpu.memory_space<vmem>>, vector<1x192xf32>
    %broadcast_in_dim3A_178 = vector.shape_cast %get3A_177 : vector<1x192xf32> to vector<1x192xf32>
    %broadcast_in_dim3A_179 = vector.broadcast %broadcast_in_dim3A_178 : vector<1x192xf32> to vector<3x192xf32>
    %broadcast_in_dim3A_180 = vector.shape_cast %get3A_174 : vector<1x192xf32> to vector<1x192xf32>
    %broadcast_in_dim3A_181 = vector.broadcast %broadcast_in_dim3A_180 : vector<1x192xf32> to vector<3x192xf32>
    %concatenate3A_182 = tpu.concatenate %get3A_1, %broadcast_in_dim3A_179, %broadcast_in_dim3A_181, %broadcast_in_dim3A_2 in 1 : vector<3x192xf32>, vector<3x192xf32>, vector<3x192xf32>, vector<3x192xf32> -> vector<3x768xf32>
    %swap3A_183 = arith.constant 0 : index
    %swap3A_184 = arith.constant 8 : index
    %swap3A_185 = arith.constant 0 : index
    %swap3A_186 = arith.constant 0 : index
    %swap3A_187 = vector.load %arg4[%swap3A_183, %swap3A_184, %swap3A_185, %swap3A_186] : memref<4x12x3x768xf32, #tpu.memory_space<vmem>>, vector<1x1x3x768xf32>
    %swap3A_188 = vector.shape_cast %swap3A_187 : vector<1x1x3x768xf32> to vector<3x768xf32>
    %swap3A_189 = vector.shape_cast %concatenate3A_182 : vector<3x768xf32> to vector<1x1x3x768xf32>
    tpu.vector_store %arg4[%swap3A_183, %swap3A_184, %swap3A_185, %swap3A_186], %swap3A_189 {strides = array<i32>} : memref<4x12x3x768xf32, #tpu.memory_space<vmem>>, vector<1x1x3x768xf32>,
    %get3A_190 = arith.constant 0 : index
    %get3A_191 = arith.constant 9 : index
    %get3A_192 = memref.load %arg0[%get3A_190, %get3A_191] : memref<4x12xi32, #tpu.memory_space<smem>>
    %get3A_193 = arith.index_cast %get3A_192 : i32 to index
    %get3A_194 = arith.constant 0 : index
    %get3A_195 = vector.load %arg3[%get3A_193, %get3A_194] : memref<12x192xf32, #tpu.memory_space<vmem>>, vector<1x192xf32>
    %get3A_196 = arith.constant 9 : index
    %get3A_197 = arith.constant 0 : index
    %get3A_198 = vector.load %arg2[%get3A_196, %get3A_197] : memref<24x192xf32, #tpu.memory_space<vmem>>, vector<1x192xf32>
    %broadcast_in_dim3A_199 = vector.shape_cast %get3A_198 : vector<1x192xf32> to vector<1x192xf32>
    %broadcast_in_dim3A_200 = vector.broadcast %broadcast_in_dim3A_199 : vector<1x192xf32> to vector<3x192xf32>
    %broadcast_in_dim3A_201 = vector.shape_cast %get3A_195 : vector<1x192xf32> to vector<1x192xf32>
    %broadcast_in_dim3A_202 = vector.broadcast %broadcast_in_dim3A_201 : vector<1x192xf32> to vector<3x192xf32>
    %concatenate3A_203 = tpu.concatenate %get3A_1, %broadcast_in_dim3A_200, %broadcast_in_dim3A_202, %broadcast_in_dim3A_2 in 1 : vector<3x192xf32>, vector<3x192xf32>, vector<3x192xf32>, vector<3x192xf32> -> vector<3x768xf32>
    %swap3A_204 = arith.constant 0 : index
    %swap3A_205 = arith.constant 9 : index
    %swap3A_206 = arith.constant 0 : index
    %swap3A_207 = arith.constant 0 : index
    %swap3A_208 = vector.load %arg4[%swap3A_204, %swap3A_205, %swap3A_206, %swap3A_207] : memref<4x12x3x768xf32, #tpu.memory_space<vmem>>, vector<1x1x3x768xf32>
    %swap3A_209 = vector.shape_cast %swap3A_208 : vector<1x1x3x768xf32> to vector<3x768xf32>
    %swap3A_210 = vector.shape_cast %concatenate3A_203 : vector<3x768xf32> to vector<1x1x3x768xf32>
    tpu.vector_store %arg4[%swap3A_204, %swap3A_205, %swap3A_206, %swap3A_207], %swap3A_210 {strides = array<i32>} : memref<4x12x3x768xf32, #tpu.memory_space<vmem>>, vector<1x1x3x768xf32>,
    %get3A_211 = arith.constant 0 : index
    %get3A_212 = arith.constant 10 : index
    %get3A_213 = memref.load %arg0[%get3A_211, %get3A_212] : memref<4x12xi32, #tpu.memory_space<smem>>
    %get3A_214 = arith.index_cast %get3A_213 : i32 to index
    %get3A_215 = arith.constant 0 : index
    %get3A_216 = vector.load %arg3[%get3A_214, %get3A_215] : memref<12x192xf32, #tpu.memory_space<vmem>>, vector<1x192xf32>
    %get3A_217 = arith.constant 10 : index
    %get3A_218 = arith.constant 0 : index
    %get3A_219 = vector.load %arg2[%get3A_217, %get3A_218] : memref<24x192xf32, #tpu.memory_space<vmem>>, vector<1x192xf32>
    %broadcast_in_dim3A_220 = vector.shape_cast %get3A_219 : vector<1x192xf32> to vector<1x192xf32>
    %broadcast_in_dim3A_221 = vector.broadcast %broadcast_in_dim3A_220 : vector<1x192xf32> to vector<3x192xf32>
    %broadcast_in_dim3A_222 = vector.shape_cast %get3A_216 : vector<1x192xf32> to vector<1x192xf32>
    %broadcast_in_dim3A_223 = vector.broadcast %broadcast_in_dim3A_222 : vector<1x192xf32> to vector<3x192xf32>
    %concatenate3A_224 = tpu.concatenate %get3A_1, %broadcast_in_dim3A_221, %broadcast_in_dim3A_223, %broadcast_in_dim3A_2 in 1 : vector<3x192xf32>, vector<3x192xf32>, vector<3x192xf32>, vector<3x192xf32> -> vector<3x768xf32>
    %swap3A_225 = arith.constant 0 : index
    %swap3A_226 = arith.constant 10 : index
    %swap3A_227 = arith.constant 0 : index
    %swap3A_228 = arith.constant 0 : index
    %swap3A_229 = vector.load %arg4[%swap3A_225, %swap3A_226, %swap3A_227, %swap3A_228] : memref<4x12x3x768xf32, #tpu.memory_space<vmem>>, vector<1x1x3x768xf32>
    %swap3A_230 = vector.shape_cast %swap3A_229 : vector<1x1x3x768xf32> to vector<3x768xf32>
    %swap3A_231 = vector.shape_cast %concatenate3A_224 : vector<3x768xf32> to vector<1x1x3x768xf32>
    tpu.vector_store %arg4[%swap3A_225, %swap3A_226, %swap3A_227, %swap3A_228], %swap3A_231 {strides = array<i32>} : memref<4x12x3x768xf32, #tpu.memory_space<vmem>>, vector<1x1x3x768xf32>,
    %get3A_232 = arith.constant 0 : index
    %get3A_233 = arith.constant 11 : index
    %get3A_234 = memref.load %arg0[%get3A_232, %get3A_233] : memref<4x12xi32, #tpu.memory_space<smem>>
    %get3A_235 = arith.index_cast %get3A_234 : i32 to index
    %get3A_236 = arith.constant 0 : index
    %get3A_237 = vector.load %arg3[%get3A_235, %get3A_236] : memref<12x192xf32, #tpu.memory_space<vmem>>, vector<1x192xf32>
    %get3A_238 = arith.constant 11 : index
    %get3A_239 = arith.constant 0 : index
    %get3A_240 = vector.load %arg2[%get3A_238, %get3A_239] : memref<24x192xf32, #tpu.memory_space<vmem>>, vector<1x192xf32>
    %broadcast_in_dim3A_241 = vector.shape_cast %get3A_240 : vector<1x192xf32> to vector<1x192xf32>
    %broadcast_in_dim3A_242 = vector.broadcast %broadcast_in_dim3A_241 : vector<1x192xf32> to vector<3x192xf32>
    %broadcast_in_dim3A_243 = vector.shape_cast %get3A_237 : vector<1x192xf32> to vector<1x192xf32>
    %broadcast_in_dim3A_244 = vector.broadcast %broadcast_in_dim3A_243 : vector<1x192xf32> to vector<3x192xf32>
    %concatenate3A_245 = tpu.concatenate %get3A_1, %broadcast_in_dim3A_242, %broadcast_in_dim3A_244, %broadcast_in_dim3A_2 in 1 : vector<3x192xf32>, vector<3x192xf32>, vector<3x192xf32>, vector<3x192xf32> -> vector<3x768xf32>
    %swap3A_246 = arith.constant 0 : index
    %swap3A_247 = arith.constant 11 : index
    %swap3A_248 = arith.constant 0 : index
    %swap3A_249 = arith.constant 0 : index
    %swap3A_250 = vector.load %arg4[%swap3A_246, %swap3A_247, %swap3A_248, %swap3A_249] : memref<4x12x3x768xf32, #tpu.memory_space<vmem>>, vector<1x1x3x768xf32>
    %swap3A_251 = vector.shape_cast %swap3A_250 : vector<1x1x3x768xf32> to vector<3x768xf32>
    %swap3A_252 = vector.shape_cast %concatenate3A_245 : vector<3x768xf32> to vector<1x1x3x768xf32>
    tpu.vector_store %arg4[%swap3A_246, %swap3A_247, %swap3A_248, %swap3A_249], %swap3A_252 {strides = array<i32>} : memref<4x12x3x768xf32, #tpu.memory_space<vmem>>, vector<1x1x3x768xf32>,
    %get3A_253 = arith.constant 1 : index
    %get3A_254 = arith.constant 0 : index
    %get3A_255 = memref.load %arg0[%get3A_253, %get3A_254] : memref<4x12xi32, #tpu.memory_space<smem>>
    %get3A_256 = arith.index_cast %get3A_255 : i32 to index
    %get3A_257 = arith.constant 0 : index
    %get3A_258 = vector.load %arg3[%get3A_256, %get3A_257] : memref<12x192xf32, #tpu.memory_space<vmem>>, vector<1x192xf32>
    %get3A_259 = arith.constant 0 : index
    %get3A_260 = arith.constant 0 : index
    %get3A_261 = vector.load %arg2[%get3A_259, %get3A_260] : memref<24x192xf32, #tpu.memory_space<vmem>>, vector<1x192xf32>
    %broadcast_in_dim3A_262 = vector.shape_cast %get3A_261 : vector<1x192xf32> to vector<1x192xf32>
    %broadcast_in_dim3A_263 = vector.broadcast %broadcast_in_dim3A_262 : vector<1x192xf32> to vector<3x192xf32>
    %broadcast_in_dim3A_264 = vector.shape_cast %get3A_258 : vector<1x192xf32> to vector<1x192xf32>
    %broadcast_in_dim3A_265 = vector.broadcast %broadcast_in_dim3A_264 : vector<1x192xf32> to vector<3x192xf32>
    %concatenate3A_266 = tpu.concatenate %get3A_1, %broadcast_in_dim3A_263, %broadcast_in_dim3A_265, %broadcast_in_dim3A_2 in 1 : vector<3x192xf32>, vector<3x192xf32>, vector<3x192xf32>, vector<3x192xf32> -> vector<3x768xf32>
    %swap3A_267 = arith.constant 1 : index
    %swap3A_268 = arith.constant 0 : index
    %swap3A_269 = arith.constant 0 : index
    %swap3A_270 = arith.constant 0 : index
    %swap3A_271 = vector.load %arg4[%swap3A_267, %swap3A_268, %swap3A_269, %swap3A_270] : memref<4x12x3x768xf32, #tpu.memory_space<vmem>>, vector<1x1x3x768xf32>
    %swap3A_272 = vector.shape_cast %swap3A_271 : vector<1x1x3x768xf32> to vector<3x768xf32>
    %swap3A_273 = vector.shape_cast %concatenate3A_266 : vector<3x768xf32> to vector<1x1x3x768xf32>
    tpu.vector_store %arg4[%swap3A_267, %swap3A_268, %swap3A_269, %swap3A_270], %swap3A_273 {strides = array<i32>} : memref<4x12x3x768xf32, #tpu.memory_space<vmem>>, vector<1x1x3x768xf32>,
    %get3A_274 = arith.constant 1 : index
    %get3A_275 = arith.constant 1 : index
    %get3A_276 = memref.load %arg0[%get3A_274, %get3A_275] : memref<4x12xi32, #tpu.memory_space<smem>>
    %get3A_277 = arith.index_cast %get3A_276 : i32 to index
    %get3A_278 = arith.constant 0 : index
    %get3A_279 = vector.load %arg3[%get3A_277, %get3A_278] : memref<12x192xf32, #tpu.memory_space<vmem>>, vector<1x192xf32>
    %get3A_280 = arith.constant 1 : index
    %get3A_281 = arith.constant 0 : index
    %get3A_282 = vector.load %arg2[%get3A_280, %get3A_281] : memref<24x192xf32, #tpu.memory_space<vmem>>, vector<1x192xf32>
    %broadcast_in_dim3A_283 = vector.shape_cast %get3A_282 : vector<1x192xf32> to vector<1x192xf32>
    %broadcast_in_dim3A_284 = vector.broadcast %broadcast_in_dim3A_283 : vector<1x192xf32> to vector<3x192xf32>
    %broadcast_in_dim3A_285 = vector.shape_cast %get3A_279 : vector<1x192xf32> to vector<1x192xf32>
    %broadcast_in_dim3A_286 = vector.broadcast %broadcast_in_dim3A_285 : vector<1x192xf32> to vector<3x192xf32>
    %concatenate3A_287 = tpu.concatenate %get3A_1, %broadcast_in_dim3A_284, %broadcast_in_dim3A_286, %broadcast_in_dim3A_2 in 1 : vector<3x192xf32>, vector<3x192xf32>, vector<3x192xf32>, vector<3x192xf32> -> vector<3x768xf32>
    %swap3A_288 = arith.constant 1 : index
    %swap3A_289 = arith.constant 1 : index
    %swap3A_290 = arith.constant 0 : index
    %swap3A_291 = arith.constant 0 : index
    %swap3A_292 = vector.load %arg4[%swap3A_288, %swap3A_289, %swap3A_290, %swap3A_291] : memref<4x12x3x768xf32, #tpu.memory_space<vmem>>, vector<1x1x3x768xf32>
    %swap3A_293 = vector.shape_cast %swap3A_292 : vector<1x1x3x768xf32> to vector<3x768xf32>
    %swap3A_294 = vector.shape_cast %concatenate3A_287 : vector<3x768xf32> to vector<1x1x3x768xf32>
    tpu.vector_store %arg4[%swap3A_288, %swap3A_289, %swap3A_290, %swap3A_291], %swap3A_294 {strides = array<i32>} : memref<4x12x3x768xf32, #tpu.memory_space<vmem>>, vector<1x1x3x768xf32>,
    %get3A_295 = arith.constant 1 : index
    %get3A_296 = arith.constant 2 : index
    %get3A_297 = memref.load %arg0[%get3A_295, %get3A_296] : memref<4x12xi32, #tpu.memory_space<smem>>
    %get3A_298 = arith.index_cast %get3A_297 : i32 to index
    %get3A_299 = arith.constant 0 : index
    %get3A_300 = vector.load %arg3[%get3A_298, %get3A_299] : memref<12x192xf32, #tpu.memory_space<vmem>>, vector<1x192xf32>
    %get3A_301 = arith.constant 2 : index
    %get3A_302 = arith.constant 0 : index
    %get3A_303 = vector.load %arg2[%get3A_301, %get3A_302] : memref<24x192xf32, #tpu.memory_space<vmem>>, vector<1x192xf32>
    %broadcast_in_dim3A_304 = vector.shape_cast %get3A_303 : vector<1x192xf32> to vector<1x192xf32>
    %broadcast_in_dim3A_305 = vector.broadcast %broadcast_in_dim3A_304 : vector<1x192xf32> to vector<3x192xf32>
    %broadcast_in_dim3A_306 = vector.shape_cast %get3A_300 : vector<1x192xf32> to vector<1x192xf32>
    %broadcast_in_dim3A_307 = vector.broadcast %broadcast_in_dim3A_306 : vector<1x192xf32> to vector<3x192xf32>
    %concatenate3A_308 = tpu.concatenate %get3A_1, %broadcast_in_dim3A_305, %broadcast_in_dim3A_307, %broadcast_in_dim3A_2 in 1 : vector<3x192xf32>, vector<3x192xf32>, vector<3x192xf32>, vector<3x192xf32> -> vector<3x768xf32>
    %swap3A_309 = arith.constant 1 : index
    %swap3A_310 = arith.constant 2 : index
    %swap3A_311 = arith.constant 0 : index
    %swap3A_312 = arith.constant 0 : index
    %swap3A_313 = vector.load %arg4[%swap3A_309, %swap3A_310, %swap3A_311, %swap3A_312] : memref<4x12x3x768xf32, #tpu.memory_space<vmem>>, vector<1x1x3x768xf32>
    %swap3A_314 = vector.shape_cast %swap3A_313 : vector<1x1x3x768xf32> to vector<3x768xf32>
    %swap3A_315 = vector.shape_cast %concatenate3A_308 : vector<3x768xf32> to vector<1x1x3x768xf32>
    tpu.vector_store %arg4[%swap3A_309, %swap3A_310, %swap3A_311, %swap3A_312], %swap3A_315 {strides = array<i32>} : memref<4x12x3x768xf32, #tpu.memory_space<vmem>>, vector<1x1x3x768xf32>,
    %get3A_316 = arith.constant 1 : index
    %get3A_317 = arith.constant 3 : index
    %get3A_318 = memref.load %arg0[%get3A_316, %get3A_317] : memref<4x12xi32, #tpu.memory_space<smem>>
    %get3A_319 = arith.index_cast %get3A_318 : i32 to index
    %get3A_320 = arith.constant 0 : index
    %get3A_321 = vector.load %arg3[%get3A_319, %get3A_320] : memref<12x192xf32, #tpu.memory_space<vmem>>, vector<1x192xf32>
    %get3A_322 = arith.constant 3 : index
    %get3A_323 = arith.constant 0 : index
    %get3A_324 = vector.load %arg2[%get3A_322, %get3A_323] : memref<24x192xf32, #tpu.memory_space<vmem>>, vector<1x192xf32>
    %broadcast_in_dim3A_325 = vector.shape_cast %get3A_324 : vector<1x192xf32> to vector<1x192xf32>
    %broadcast_in_dim3A_326 = vector.broadcast %broadcast_in_dim3A_325 : vector<1x192xf32> to vector<3x192xf32>
    %broadcast_in_dim3A_327 = vector.shape_cast %get3A_321 : vector<1x192xf32> to vector<1x192xf32>
    %broadcast_in_dim3A_328 = vector.broadcast %broadcast_in_dim3A_327 : vector<1x192xf32> to vector<3x192xf32>
    %concatenate3A_329 = tpu.concatenate %get3A_1, %broadcast_in_dim3A_326, %broadcast_in_dim3A_328, %broadcast_in_dim3A_2 in 1 : vector<3x192xf32>, vector<3x192xf32>, vector<3x192xf32>, vector<3x192xf32> -> vector<3x768xf32>
    %swap3A_330 = arith.constant 1 : index
    %swap3A_331 = arith.constant 3 : index
    %swap3A_332 = arith.constant 0 : index
    %swap3A_333 = arith.constant 0 : index
    %swap3A_334 = vector.load %arg4[%swap3A_330, %swap3A_331, %swap3A_332, %swap3A_333] : memref<4x12x3x768xf32, #tpu.memory_space<vmem>>, vector<1x1x3x768xf32>
    %swap3A_335 = vector.shape_cast %swap3A_334 : vector<1x1x3x768xf32> to vector<3x768xf32>
    %swap3A_336 = vector.shape_cast %concatenate3A_329 : vector<3x768xf32> to vector<1x1x3x768xf32>
    tpu.vector_store %arg4[%swap3A_330, %swap3A_331, %swap3A_332, %swap3A_333], %swap3A_336 {strides = array<i32>} : memref<4x12x3x768xf32, #tpu.memory_space<vmem>>, vector<1x1x3x768xf32>,
    %get3A_337 = arith.constant 1 : index
    %get3A_338 = arith.constant 4 : index
    %get3A_339 = memref.load %arg0[%get3A_337, %get3A_338] : memref<4x12xi32, #tpu.memory_space<smem>>
    %get3A_340 = arith.index_cast %get3A_339 : i32 to index
    %get3A_341 = arith.constant 0 : index
    %get3A_342 = vector.load %arg3[%get3A_340, %get3A_341] : memref<12x192xf32, #tpu.memory_space<vmem>>, vector<1x192xf32>
    %get3A_343 = arith.constant 4 : index
    %get3A_344 = arith.constant 0 : index
    %get3A_345 = vector.load %arg2[%get3A_343, %get3A_344] : memref<24x192xf32, #tpu.memory_space<vmem>>, vector<1x192xf32>
    %broadcast_in_dim3A_346 = vector.shape_cast %get3A_345 : vector<1x192xf32> to vector<1x192xf32>
    %broadcast_in_dim3A_347 = vector.broadcast %broadcast_in_dim3A_346 : vector<1x192xf32> to vector<3x192xf32>
    %broadcast_in_dim3A_348 = vector.shape_cast %get3A_342 : vector<1x192xf32> to vector<1x192xf32>
    %broadcast_in_dim3A_349 = vector.broadcast %broadcast_in_dim3A_348 : vector<1x192xf32> to vector<3x192xf32>
    %concatenate3A_350 = tpu.concatenate %get3A_1, %broadcast_in_dim3A_347, %broadcast_in_dim3A_349, %broadcast_in_dim3A_2 in 1 : vector<3x192xf32>, vector<3x192xf32>, vector<3x192xf32>, vector<3x192xf32> -> vector<3x768xf32>
    %swap3A_351 = arith.constant 1 : index
    %swap3A_352 = arith.constant 4 : index
    %swap3A_353 = arith.constant 0 : index
    %swap3A_354 = arith.constant 0 : index
    %swap3A_355 = vector.load %arg4[%swap3A_351, %swap3A_352, %swap3A_353, %swap3A_354] : memref<4x12x3x768xf32, #tpu.memory_space<vmem>>, vector<1x1x3x768xf32>
    %swap3A_356 = vector.shape_cast %swap3A_355 : vector<1x1x3x768xf32> to vector<3x768xf32>
    %swap3A_357 = vector.shape_cast %concatenate3A_350 : vector<3x768xf32> to vector<1x1x3x768xf32>
    tpu.vector_store %arg4[%swap3A_351, %swap3A_352, %swap3A_353, %swap3A_354], %swap3A_357 {strides = array<i32>} : memref<4x12x3x768xf32, #tpu.memory_space<vmem>>, vector<1x1x3x768xf32>,
    %get3A_358 = arith.constant 1 : index
    %get3A_359 = arith.constant 5 : index
    %get3A_360 = memref.load %arg0[%get3A_358, %get3A_359] : memref<4x12xi32, #tpu.memory_space<smem>>
    %get3A_361 = arith.index_cast %get3A_360 : i32 to index
    %get3A_362 = arith.constant 0 : index
    %get3A_363 = vector.load %arg3[%get3A_361, %get3A_362] : memref<12x192xf32, #tpu.memory_space<vmem>>, vector<1x192xf32>
    %get3A_364 = arith.constant 5 : index
    %get3A_365 = arith.constant 0 : index
    %get3A_366 = vector.load %arg2[%get3A_364, %get3A_365] : memref<24x192xf32, #tpu.memory_space<vmem>>, vector<1x192xf32>
    %broadcast_in_dim3A_367 = vector.shape_cast %get3A_366 : vector<1x192xf32> to vector<1x192xf32>
    %broadcast_in_dim3A_368 = vector.broadcast %broadcast_in_dim3A_367 : vector<1x192xf32> to vector<3x192xf32>
    %broadcast_in_dim3A_369 = vector.shape_cast %get3A_363 : vector<1x192xf32> to vector<1x192xf32>
    %broadcast_in_dim3A_370 = vector.broadcast %broadcast_in_dim3A_369 : vector<1x192xf32> to vector<3x192xf32>
    %concatenate3A_371 = tpu.concatenate %get3A_1, %broadcast_in_dim3A_368, %broadcast_in_dim3A_370, %broadcast_in_dim3A_2 in 1 : vector<3x192xf32>, vector<3x192xf32>, vector<3x192xf32>, vector<3x192xf32> -> vector<3x768xf32>
    %swap3A_372 = arith.constant 1 : index
    %swap3A_373 = arith.constant 5 : index
    %swap3A_374 = arith.constant 0 : index
    %swap3A_375 = arith.constant 0 : index
    %swap3A_376 = vector.load %arg4[%swap3A_372, %swap3A_373, %swap3A_374, %swap3A_375] : memref<4x12x3x768xf32, #tpu.memory_space<vmem>>, vector<1x1x3x768xf32>
    %swap3A_377 = vector.shape_cast %swap3A_376 : vector<1x1x3x768xf32> to vector<3x768xf32>
    %swap3A_378 = vector.shape_cast %concatenate3A_371 : vector<3x768xf32> to vector<1x1x3x768xf32>
    tpu.vector_store %arg4[%swap3A_372, %swap3A_373, %swap3A_374, %swap3A_375], %swap3A_378 {strides = array<i32>} : memref<4x12x3x768xf32, #tpu.memory_space<vmem>>, vector<1x1x3x768xf32>,
    %get3A_379 = arith.constant 1 : index
    %get3A_380 = arith.constant 6 : index
    %get3A_381 = memref.load %arg0[%get3A_379, %get3A_380] : memref<4x12xi32, #tpu.memory_space<smem>>
    %get3A_382 = arith.index_cast %get3A_381 : i32 to index
    %get3A_383 = arith.constant 0 : index
    %get3A_384 = vector.load %arg3[%get3A_382, %get3A_383] : memref<12x192xf32, #tpu.memory_space<vmem>>, vector<1x192xf32>
    %get3A_385 = arith.constant 6 : index
    %get3A_386 = arith.constant 0 : index
    %get3A_387 = vector.load %arg2[%get3A_385, %get3A_386] : memref<24x192xf32, #tpu.memory_space<vmem>>, vector<1x192xf32>
    %broadcast_in_dim3A_388 = vector.shape_cast %get3A_387 : vector<1x192xf32> to vector<1x192xf32>
    %broadcast_in_dim3A_389 = vector.broadcast %broadcast_in_dim3A_388 : vector<1x192xf32> to vector<3x192xf32>
    %broadcast_in_dim3A_390 = vector.shape_cast %get3A_384 : vector<1x192xf32> to vector<1x192xf32>
    %broadcast_in_dim3A_391 = vector.broadcast %broadcast_in_dim3A_390 : vector<1x192xf32> to vector<3x192xf32>
    %concatenate3A_392 = tpu.concatenate %get3A_1, %broadcast_in_dim3A_389, %broadcast_in_dim3A_391, %broadcast_in_dim3A_2 in 1 : vector<3x192xf32>, vector<3x192xf32>, vector<3x192xf32>, vector<3x192xf32> -> vector<3x768xf32>
    %swap3A_393 = arith.constant 1 : index
    %swap3A_394 = arith.constant 6 : index
    %swap3A_395 = arith.constant 0 : index
    %swap3A_396 = arith.constant 0 : index
    %swap3A_397 = vector.load %arg4[%swap3A_393, %swap3A_394, %swap3A_395, %swap3A_396] : memref<4x12x3x768xf32, #tpu.memory_space<vmem>>, vector<1x1x3x768xf32>
    %swap3A_398 = vector.shape_cast %swap3A_397 : vector<1x1x3x768xf32> to vector<3x768xf32>
    %swap3A_399 = vector.shape_cast %concatenate3A_392 : vector<3x768xf32> to vector<1x1x3x768xf32>
    tpu.vector_store %arg4[%swap3A_393, %swap3A_394, %swap3A_395, %swap3A_396], %swap3A_399 {strides = array<i32>} : memref<4x12x3x768xf32, #tpu.memory_space<vmem>>, vector<1x1x3x768xf32>,
    %get3A_400 = arith.constant 1 : index
    %get3A_401 = arith.constant 7 : index
    %get3A_402 = memref.load %arg0[%get3A_400, %get3A_401] : memref<4x12xi32, #tpu.memory_space<smem>>
    %get3A_403 = arith.index_cast %get3A_402 : i32 to index
    %get3A_404 = arith.constant 0 : index
    %get3A_405 = vector.load %arg3[%get3A_403, %get3A_404] : memref<12x192xf32, #tpu.memory_space<vmem>>, vector<1x192xf32>
    %get3A_406 = arith.constant 7 : index
    %get3A_407 = arith.constant 0 : index
    %get3A_408 = vector.load %arg2[%get3A_406, %get3A_407] : memref<24x192xf32, #tpu.memory_space<vmem>>, vector<1x192xf32>
    %broadcast_in_dim3A_409 = vector.shape_cast %get3A_408 : vector<1x192xf32> to vector<1x192xf32>
    %broadcast_in_dim3A_410 = vector.broadcast %broadcast_in_dim3A_409 : vector<1x192xf32> to vector<3x192xf32>
    %broadcast_in_dim3A_411 = vector.shape_cast %get3A_405 : vector<1x192xf32> to vector<1x192xf32>
    %broadcast_in_dim3A_412 = vector.broadcast %broadcast_in_dim3A_411 : vector<1x192xf32> to vector<3x192xf32>
    %concatenate3A_413 = tpu.concatenate %get3A_1, %broadcast_in_dim3A_410, %broadcast_in_dim3A_412, %broadcast_in_dim3A_2 in 1 : vector<3x192xf32>, vector<3x192xf32>, vector<3x192xf32>, vector<3x192xf32> -> vector<3x768xf32>
    %swap3A_414 = arith.constant 1 : index
    %swap3A_415 = arith.constant 7 : index
    %swap3A_416 = arith.constant 0 : index
    %swap3A_417 = arith.constant 0 : index
    %swap3A_418 = vector.load %arg4[%swap3A_414, %swap3A_415, %swap3A_416, %swap3A_417] : memref<4x12x3x768xf32, #tpu.memory_space<vmem>>, vector<1x1x3x768xf32>
    %swap3A_419 = vector.shape_cast %swap3A_418 : vector<1x1x3x768xf32> to vector<3x768xf32>
    %swap3A_420 = vector.shape_cast %concatenate3A_413 : vector<3x768xf32> to vector<1x1x3x768xf32>
    tpu.vector_store %arg4[%swap3A_414, %swap3A_415, %swap3A_416, %swap3A_417], %swap3A_420 {strides = array<i32>} : memref<4x12x3x768xf32, #tpu.memory_space<vmem>>, vector<1x1x3x768xf32>,
    %get3A_421 = arith.constant 1 : index
    %get3A_422 = arith.constant 8 : index
    %get3A_423 = memref.load %arg0[%get3A_421, %get3A_422] : memref<4x12xi32, #tpu.memory_space<smem>>
    %get3A_424 = arith.index_cast %get3A_423 : i32 to index
    %get3A_425 = arith.constant 0 : index
    %get3A_426 = vector.load %arg3[%get3A_424, %get3A_425] : memref<12x192xf32, #tpu.memory_space<vmem>>, vector<1x192xf32>
    %get3A_427 = arith.constant 8 : index
    %get3A_428 = arith.constant 0 : index
    %get3A_429 = vector.load %arg2[%get3A_427, %get3A_428] : memref<24x192xf32, #tpu.memory_space<vmem>>, vector<1x192xf32>
    %broadcast_in_dim3A_430 = vector.shape_cast %get3A_429 : vector<1x192xf32> to vector<1x192xf32>
    %broadcast_in_dim3A_431 = vector.broadcast %broadcast_in_dim3A_430 : vector<1x192xf32> to vector<3x192xf32>
    %broadcast_in_dim3A_432 = vector.shape_cast %get3A_426 : vector<1x192xf32> to vector<1x192xf32>
    %broadcast_in_dim3A_433 = vector.broadcast %broadcast_in_dim3A_432 : vector<1x192xf32> to vector<3x192xf32>
    %concatenate3A_434 = tpu.concatenate %get3A_1, %broadcast_in_dim3A_431, %broadcast_in_dim3A_433, %broadcast_in_dim3A_2 in 1 : vector<3x192xf32>, vector<3x192xf32>, vector<3x192xf32>, vector<3x192xf32> -> vector<3x768xf32>
    %swap3A_435 = arith.constant 1 : index
    %swap3A_436 = arith.constant 8 : index
    %swap3A_437 = arith.constant 0 : index
    %swap3A_438 = arith.constant 0 : index
    %swap3A_439 = vector.load %arg4[%swap3A_435, %swap3A_436, %swap3A_437, %swap3A_438] : memref<4x12x3x768xf32, #tpu.memory_space<vmem>>, vector<1x1x3x768xf32>
    %swap3A_440 = vector.shape_cast %swap3A_439 : vector<1x1x3x768xf32> to vector<3x768xf32>
    %swap3A_441 = vector.shape_cast %concatenate3A_434 : vector<3x768xf32> to vector<1x1x3x768xf32>
    tpu.vector_store %arg4[%swap3A_435, %swap3A_436, %swap3A_437, %swap3A_438], %swap3A_441 {strides = array<i32>} : memref<4x12x3x768xf32, #tpu.memory_space<vmem>>, vector<1x1x3x768xf32>,
    %get3A_442 = arith.constant 1 : index
    %get3A_443 = arith.constant 9 : index
    %get3A_444 = memref.load %arg0[%get3A_442, %get3A_443] : memref<4x12xi32, #tpu.memory_space<smem>>
    %get3A_445 = arith.index_cast %get3A_444 : i32 to index
    %get3A_446 = arith.constant 0 : index
    %get3A_447 = vector.load %arg3[%get3A_445, %get3A_446] : memref<12x192xf32, #tpu.memory_space<vmem>>, vector<1x192xf32>
    %get3A_448 = arith.constant 9 : index
    %get3A_449 = arith.constant 0 : index
    %get3A_450 = vector.load %arg2[%get3A_448, %get3A_449] : memref<24x192xf32, #tpu.memory_space<vmem>>, vector<1x192xf32>
    %broadcast_in_dim3A_451 = vector.shape_cast %get3A_450 : vector<1x192xf32> to vector<1x192xf32>
    %broadcast_in_dim3A_452 = vector.broadcast %broadcast_in_dim3A_451 : vector<1x192xf32> to vector<3x192xf32>
    %broadcast_in_dim3A_453 = vector.shape_cast %get3A_447 : vector<1x192xf32> to vector<1x192xf32>
    %broadcast_in_dim3A_454 = vector.broadcast %broadcast_in_dim3A_453 : vector<1x192xf32> to vector<3x192xf32>
    %concatenate3A_455 = tpu.concatenate %get3A_1, %broadcast_in_dim3A_452, %broadcast_in_dim3A_454, %broadcast_in_dim3A_2 in 1 : vector<3x192xf32>, vector<3x192xf32>, vector<3x192xf32>, vector<3x192xf32> -> vector<3x768xf32>
    %swap3A_456 = arith.constant 1 : index
    %swap3A_457 = arith.constant 9 : index
    %swap3A_458 = arith.constant 0 : index
    %swap3A_459 = arith.constant 0 : index
    %swap3A_460 = vector.load %arg4[%swap3A_456, %swap3A_457, %swap3A_458, %swap3A_459] : memref<4x12x3x768xf32, #tpu.memory_space<vmem>>, vector<1x1x3x768xf32>
    %swap3A_461 = vector.shape_cast %swap3A_460 : vector<1x1x3x768xf32> to vector<3x768xf32>
    %swap3A_462 = vector.shape_cast %concatenate3A_455 : vector<3x768xf32> to vector<1x1x3x768xf32>
    tpu.vector_store %arg4[%swap3A_456, %swap3A_457, %swap3A_458, %swap3A_459], %swap3A_462 {strides = array<i32>} : memref<4x12x3x768xf32, #tpu.memory_space<vmem>>, vector<1x1x3x768xf32>,
    %get3A_463 = arith.constant 1 : index
    %get3A_464 = arith.constant 10 : index
    %get3A_465 = memref.load %arg0[%get3A_463, %get3A_464] : memref<4x12xi32, #tpu.memory_space<smem>>
    %get3A_466 = arith.index_cast %get3A_465 : i32 to index
    %get3A_467 = arith.constant 0 : index
    %get3A_468 = vector.load %arg3[%get3A_466, %get3A_467] : memref<12x192xf32, #tpu.memory_space<vmem>>, vector<1x192xf32>
    %get3A_469 = arith.constant 10 : index
    %get3A_470 = arith.constant 0 : index
    %get3A_471 = vector.load %arg2[%get3A_469, %get3A_470] : memref<24x192xf32, #tpu.memory_space<vmem>>, vector<1x192xf32>
    %broadcast_in_dim3A_472 = vector.shape_cast %get3A_471 : vector<1x192xf32> to vector<1x192xf32>
    %broadcast_in_dim3A_473 = vector.broadcast %broadcast_in_dim3A_472 : vector<1x192xf32> to vector<3x192xf32>
    %broadcast_in_dim3A_474 = vector.shape_cast %get3A_468 : vector<1x192xf32> to vector<1x192xf32>
    %broadcast_in_dim3A_475 = vector.broadcast %broadcast_in_dim3A_474 : vector<1x192xf32> to vector<3x192xf32>
    %concatenate3A_476 = tpu.concatenate %get3A_1, %broadcast_in_dim3A_473, %broadcast_in_dim3A_475, %broadcast_in_dim3A_2 in 1 : vector<3x192xf32>, vector<3x192xf32>, vector<3x192xf32>, vector<3x192xf32> -> vector<3x768xf32>
    %swap3A_477 = arith.constant 1 : index
    %swap3A_478 = arith.constant 10 : index
    %swap3A_479 = arith.constant 0 : index
    %swap3A_480 = arith.constant 0 : index
    %swap3A_481 = vector.load %arg4[%swap3A_477, %swap3A_478, %swap3A_479, %swap3A_480] : memref<4x12x3x768xf32, #tpu.memory_space<vmem>>, vector<1x1x3x768xf32>
    %swap3A_482 = vector.shape_cast %swap3A_481 : vector<1x1x3x768xf32> to vector<3x768xf32>
    %swap3A_483 = vector.shape_cast %concatenate3A_476 : vector<3x768xf32> to vector<1x1x3x768xf32>
    tpu.vector_store %arg4[%swap3A_477, %swap3A_478, %swap3A_479, %swap3A_480], %swap3A_483 {strides = array<i32>} : memref<4x12x3x768xf32, #tpu.memory_space<vmem>>, vector<1x1x3x768xf32>,
    %get3A_484 = arith.constant 1 : index
    %get3A_485 = arith.constant 11 : index
    %get3A_486 = memref.load %arg0[%get3A_484, %get3A_485] : memref<4x12xi32, #tpu.memory_space<smem>>
    %get3A_487 = arith.index_cast %get3A_486 : i32 to index
    %get3A_488 = arith.constant 0 : index
    %get3A_489 = vector.load %arg3[%get3A_487, %get3A_488] : memref<12x192xf32, #tpu.memory_space<vmem>>, vector<1x192xf32>
    %get3A_490 = arith.constant 11 : index
    %get3A_491 = arith.constant 0 : index
    %get3A_492 = vector.load %arg2[%get3A_490, %get3A_491] : memref<24x192xf32, #tpu.memory_space<vmem>>, vector<1x192xf32>
    %broadcast_in_dim3A_493 = vector.shape_cast %get3A_492 : vector<1x192xf32> to vector<1x192xf32>
    %broadcast_in_dim3A_494 = vector.broadcast %broadcast_in_dim3A_493 : vector<1x192xf32> to vector<3x192xf32>
    %broadcast_in_dim3A_495 = vector.shape_cast %get3A_489 : vector<1x192xf32> to vector<1x192xf32>
    %broadcast_in_dim3A_496 = vector.broadcast %broadcast_in_dim3A_495 : vector<1x192xf32> to vector<3x192xf32>
    %concatenate3A_497 = tpu.concatenate %get3A_1, %broadcast_in_dim3A_494, %broadcast_in_dim3A_496, %broadcast_in_dim3A_2 in 1 : vector<3x192xf32>, vector<3x192xf32>, vector<3x192xf32>, vector<3x192xf32> -> vector<3x768xf32>
    %swap3A_498 = arith.constant 1 : index
    %swap3A_499 = arith.constant 11 : index
    %swap3A_500 = arith.constant 0 : index
    %swap3A_501 = arith.constant 0 : index
    %swap3A_502 = vector.load %arg4[%swap3A_498, %swap3A_499, %swap3A_500, %swap3A_501] : memref<4x12x3x768xf32, #tpu.memory_space<vmem>>, vector<1x1x3x768xf32>
    %swap3A_503 = vector.shape_cast %swap3A_502 : vector<1x1x3x768xf32> to vector<3x768xf32>
    %swap3A_504 = vector.shape_cast %concatenate3A_497 : vector<3x768xf32> to vector<1x1x3x768xf32>
    tpu.vector_store %arg4[%swap3A_498, %swap3A_499, %swap3A_500, %swap3A_501], %swap3A_504 {strides = array<i32>} : memref<4x12x3x768xf32, #tpu.memory_space<vmem>>, vector<1x1x3x768xf32>,
    %get3A_505 = arith.constant 2 : index
    %get3A_506 = arith.constant 0 : index
    %get3A_507 = memref.load %arg0[%get3A_505, %get3A_506] : memref<4x12xi32, #tpu.memory_space<smem>>
    %get3A_508 = arith.index_cast %get3A_507 : i32 to index
    %get3A_509 = arith.constant 0 : index
    %get3A_510 = vector.load %arg3[%get3A_508, %get3A_509] : memref<12x192xf32, #tpu.memory_space<vmem>>, vector<1x192xf32>
    %get3A_511 = arith.constant 0 : index
    %get3A_512 = arith.constant 0 : index
    %get3A_513 = vector.load %arg2[%get3A_511, %get3A_512] : memref<24x192xf32, #tpu.memory_space<vmem>>, vector<1x192xf32>
    %broadcast_in_dim3A_514 = vector.shape_cast %get3A_513 : vector<1x192xf32> to vector<1x192xf32>
    %broadcast_in_dim3A_515 = vector.broadcast %broadcast_in_dim3A_514 : vector<1x192xf32> to vector<3x192xf32>
    %broadcast_in_dim3A_516 = vector.shape_cast %get3A_510 : vector<1x192xf32> to vector<1x192xf32>
    %broadcast_in_dim3A_517 = vector.broadcast %broadcast_in_dim3A_516 : vector<1x192xf32> to vector<3x192xf32>
    %concatenate3A_518 = tpu.concatenate %get3A_1, %broadcast_in_dim3A_515, %broadcast_in_dim3A_517, %broadcast_in_dim3A_2 in 1 : vector<3x192xf32>, vector<3x192xf32>, vector<3x192xf32>, vector<3x192xf32> -> vector<3x768xf32>
    %swap3A_519 = arith.constant 2 : index
    %swap3A_520 = arith.constant 0 : index
    %swap3A_521 = arith.constant 0 : index
    %swap3A_522 = arith.constant 0 : index
    %swap3A_523 = vector.load %arg4[%swap3A_519, %swap3A_520, %swap3A_521, %swap3A_522] : memref<4x12x3x768xf32, #tpu.memory_space<vmem>>, vector<1x1x3x768xf32>
    %swap3A_524 = vector.shape_cast %swap3A_523 : vector<1x1x3x768xf32> to vector<3x768xf32>
    %swap3A_525 = vector.shape_cast %concatenate3A_518 : vector<3x768xf32> to vector<1x1x3x768xf32>
    tpu.vector_store %arg4[%swap3A_519, %swap3A_520, %swap3A_521, %swap3A_522], %swap3A_525 {strides = array<i32>} : memref<4x12x3x768xf32, #tpu.memory_space<vmem>>, vector<1x1x3x768xf32>,
    %get3A_526 = arith.constant 2 : index
    %get3A_527 = arith.constant 1 : index
    %get3A_528 = memref.load %arg0[%get3A_526, %get3A_527] : memref<4x12xi32, #tpu.memory_space<smem>>
    %get3A_529 = arith.index_cast %get3A_528 : i32 to index
    %get3A_530 = arith.constant 0 : index
    %get3A_531 = vector.load %arg3[%get3A_529, %get3A_530] : memref<12x192xf32, #tpu.memory_space<vmem>>, vector<1x192xf32>
    %get3A_532 = arith.constant 1 : index
    %get3A_533 = arith.constant 0 : index
    %get3A_534 = vector.load %arg2[%get3A_532, %get3A_533] : memref<24x192xf32, #tpu.memory_space<vmem>>, vector<1x192xf32>
    %broadcast_in_dim3A_535 = vector.shape_cast %get3A_534 : vector<1x192xf32> to vector<1x192xf32>
    %broadcast_in_dim3A_536 = vector.broadcast %broadcast_in_dim3A_535 : vector<1x192xf32> to vector<3x192xf32>
    %broadcast_in_dim3A_537 = vector.shape_cast %get3A_531 : vector<1x192xf32> to vector<1x192xf32>
    %broadcast_in_dim3A_538 = vector.broadcast %broadcast_in_dim3A_537 : vector<1x192xf32> to vector<3x192xf32>
    %concatenate3A_539 = tpu.concatenate %get3A_1, %broadcast_in_dim3A_536, %broadcast_in_dim3A_538, %broadcast_in_dim3A_2 in 1 : vector<3x192xf32>, vector<3x192xf32>, vector<3x192xf32>, vector<3x192xf32> -> vector<3x768xf32>
    %swap3A_540 = arith.constant 2 : index
    %swap3A_541 = arith.constant 1 : index
    %swap3A_542 = arith.constant 0 : index
    %swap3A_543 = arith.constant 0 : index
    %swap3A_544 = vector.load %arg4[%swap3A_540, %swap3A_541, %swap3A_542, %swap3A_543] : memref<4x12x3x768xf32, #tpu.memory_space<vmem>>, vector<1x1x3x768xf32>
    %swap3A_545 = vector.shape_cast %swap3A_544 : vector<1x1x3x768xf32> to vector<3x768xf32>
    %swap3A_546 = vector.shape_cast %concatenate3A_539 : vector<3x768xf32> to vector<1x1x3x768xf32>
    tpu.vector_store %arg4[%swap3A_540, %swap3A_541, %swap3A_542, %swap3A_543], %swap3A_546 {strides = array<i32>} : memref<4x12x3x768xf32, #tpu.memory_space<vmem>>, vector<1x1x3x768xf32>,
    %get3A_547 = arith.constant 2 : index
    %get3A_548 = arith.constant 2 : index
    %get3A_549 = memref.load %arg0[%get3A_547, %get3A_548] : memref<4x12xi32, #tpu.memory_space<smem>>
    %get3A_550 = arith.index_cast %get3A_549 : i32 to index
    %get3A_551 = arith.constant 0 : index
    %get3A_552 = vector.load %arg3[%get3A_550, %get3A_551] : memref<12x192xf32, #tpu.memory_space<vmem>>, vector<1x192xf32>
    %get3A_553 = arith.constant 2 : index
    %get3A_554 = arith.constant 0 : index
    %get3A_555 = vector.load %arg2[%get3A_553, %get3A_554] : memref<24x192xf32, #tpu.memory_space<vmem>>, vector<1x192xf32>
    %broadcast_in_dim3A_556 = vector.shape_cast %get3A_555 : vector<1x192xf32> to vector<1x192xf32>
    %broadcast_in_dim3A_557 = vector.broadcast %broadcast_in_dim3A_556 : vector<1x192xf32> to vector<3x192xf32>
    %broadcast_in_dim3A_558 = vector.shape_cast %get3A_552 : vector<1x192xf32> to vector<1x192xf32>
    %broadcast_in_dim3A_559 = vector.broadcast %broadcast_in_dim3A_558 : vector<1x192xf32> to vector<3x192xf32>
    %concatenate3A_560 = tpu.concatenate %get3A_1, %broadcast_in_dim3A_557, %broadcast_in_dim3A_559, %broadcast_in_dim3A_2 in 1 : vector<3x192xf32>, vector<3x192xf32>, vector<3x192xf32>, vector<3x192xf32> -> vector<3x768xf32>
    %swap3A_561 = arith.constant 2 : index
    %swap3A_562 = arith.constant 2 : index
    %swap3A_563 = arith.constant 0 : index
    %swap3A_564 = arith.constant 0 : index
    %swap3A_565 = vector.load %arg4[%swap3A_561, %swap3A_562, %swap3A_563, %swap3A_564] : memref<4x12x3x768xf32, #tpu.memory_space<vmem>>, vector<1x1x3x768xf32>
    %swap3A_566 = vector.shape_cast %swap3A_565 : vector<1x1x3x768xf32> to vector<3x768xf32>
    %swap3A_567 = vector.shape_cast %concatenate3A_560 : vector<3x768xf32> to vector<1x1x3x768xf32>
    tpu.vector_store %arg4[%swap3A_561, %swap3A_562, %swap3A_563, %swap3A_564], %swap3A_567 {strides = array<i32>} : memref<4x12x3x768xf32, #tpu.memory_space<vmem>>, vector<1x1x3x768xf32>,
    %get3A_568 = arith.constant 2 : index
    %get3A_569 = arith.constant 3 : index
    %get3A_570 = memref.load %arg0[%get3A_568, %get3A_569] : memref<4x12xi32, #tpu.memory_space<smem>>
    %get3A_571 = arith.index_cast %get3A_570 : i32 to index
    %get3A_572 = arith.constant 0 : index
    %get3A_573 = vector.load %arg3[%get3A_571, %get3A_572] : memref<12x192xf32, #tpu.memory_space<vmem>>, vector<1x192xf32>
    %get3A_574 = arith.constant 3 : index
    %get3A_575 = arith.constant 0 : index
    %get3A_576 = vector.load %arg2[%get3A_574, %get3A_575] : memref<24x192xf32, #tpu.memory_space<vmem>>, vector<1x192xf32>
    %broadcast_in_dim3A_577 = vector.shape_cast %get3A_576 : vector<1x192xf32> to vector<1x192xf32>
    %broadcast_in_dim3A_578 = vector.broadcast %broadcast_in_dim3A_577 : vector<1x192xf32> to vector<3x192xf32>
    %broadcast_in_dim3A_579 = vector.shape_cast %get3A_573 : vector<1x192xf32> to vector<1x192xf32>
    %broadcast_in_dim3A_580 = vector.broadcast %broadcast_in_dim3A_579 : vector<1x192xf32> to vector<3x192xf32>
    %concatenate3A_581 = tpu.concatenate %get3A_1, %broadcast_in_dim3A_578, %broadcast_in_dim3A_580, %broadcast_in_dim3A_2 in 1 : vector<3x192xf32>, vector<3x192xf32>, vector<3x192xf32>, vector<3x192xf32> -> vector<3x768xf32>
    %swap3A_582 = arith.constant 2 : index
    %swap3A_583 = arith.constant 3 : index
    %swap3A_584 = arith.constant 0 : index
    %swap3A_585 = arith.constant 0 : index
    %swap3A_586 = vector.load %arg4[%swap3A_582, %swap3A_583, %swap3A_584, %swap3A_585] : memref<4x12x3x768xf32, #tpu.memory_space<vmem>>, vector<1x1x3x768xf32>
    %swap3A_587 = vector.shape_cast %swap3A_586 : vector<1x1x3x768xf32> to vector<3x768xf32>
    %swap3A_588 = vector.shape_cast %concatenate3A_581 : vector<3x768xf32> to vector<1x1x3x768xf32>
    tpu.vector_store %arg4[%swap3A_582, %swap3A_583, %swap3A_584, %swap3A_585], %swap3A_588 {strides = array<i32>} : memref<4x12x3x768xf32, #tpu.memory_space<vmem>>, vector<1x1x3x768xf32>,
    %get3A_589 = arith.constant 2 : index
    %get3A_590 = arith.constant 4 : index
    %get3A_591 = memref.load %arg0[%get3A_589, %get3A_590] : memref<4x12xi32, #tpu.memory_space<smem>>
    %get3A_592 = arith.index_cast %get3A_591 : i32 to index
    %get3A_593 = arith.constant 0 : index
    %get3A_594 = vector.load %arg3[%get3A_592, %get3A_593] : memref<12x192xf32, #tpu.memory_space<vmem>>, vector<1x192xf32>
    %get3A_595 = arith.constant 4 : index
    %get3A_596 = arith.constant 0 : index
    %get3A_597 = vector.load %arg2[%get3A_595, %get3A_596] : memref<24x192xf32, #tpu.memory_space<vmem>>, vector<1x192xf32>
    %broadcast_in_dim3A_598 = vector.shape_cast %get3A_597 : vector<1x192xf32> to vector<1x192xf32>
    %broadcast_in_dim3A_599 = vector.broadcast %broadcast_in_dim3A_598 : vector<1x192xf32> to vector<3x192xf32>
    %broadcast_in_dim3A_600 = vector.shape_cast %get3A_594 : vector<1x192xf32> to vector<1x192xf32>
    %broadcast_in_dim3A_601 = vector.broadcast %broadcast_in_dim3A_600 : vector<1x192xf32> to vector<3x192xf32>
    %concatenate3A_602 = tpu.concatenate %get3A_1, %broadcast_in_dim3A_599, %broadcast_in_dim3A_601, %broadcast_in_dim3A_2 in 1 : vector<3x192xf32>, vector<3x192xf32>, vector<3x192xf32>, vector<3x192xf32> -> vector<3x768xf32>
    %swap3A_603 = arith.constant 2 : index
    %swap3A_604 = arith.constant 4 : index
    %swap3A_605 = arith.constant 0 : index
    %swap3A_606 = arith.constant 0 : index
    %swap3A_607 = vector.load %arg4[%swap3A_603, %swap3A_604, %swap3A_605, %swap3A_606] : memref<4x12x3x768xf32, #tpu.memory_space<vmem>>, vector<1x1x3x768xf32>
    %swap3A_608 = vector.shape_cast %swap3A_607 : vector<1x1x3x768xf32> to vector<3x768xf32>
    %swap3A_609 = vector.shape_cast %concatenate3A_602 : vector<3x768xf32> to vector<1x1x3x768xf32>
    tpu.vector_store %arg4[%swap3A_603, %swap3A_604, %swap3A_605, %swap3A_606], %swap3A_609 {strides = array<i32>} : memref<4x12x3x768xf32, #tpu.memory_space<vmem>>, vector<1x1x3x768xf32>,
    %get3A_610 = arith.constant 2 : index
    %get3A_611 = arith.constant 5 : index
    %get3A_612 = memref.load %arg0[%get3A_610, %get3A_611] : memref<4x12xi32, #tpu.memory_space<smem>>
    %get3A_613 = arith.index_cast %get3A_612 : i32 to index
    %get3A_614 = arith.constant 0 : index
    %get3A_615 = vector.load %arg3[%get3A_613, %get3A_614] : memref<12x192xf32, #tpu.memory_space<vmem>>, vector<1x192xf32>
    %get3A_616 = arith.constant 5 : index
    %get3A_617 = arith.constant 0 : index
    %get3A_618 = vector.load %arg2[%get3A_616, %get3A_617] : memref<24x192xf32, #tpu.memory_space<vmem>>, vector<1x192xf32>
    %broadcast_in_dim3A_619 = vector.shape_cast %get3A_618 : vector<1x192xf32> to vector<1x192xf32>
    %broadcast_in_dim3A_620 = vector.broadcast %broadcast_in_dim3A_619 : vector<1x192xf32> to vector<3x192xf32>
    %broadcast_in_dim3A_621 = vector.shape_cast %get3A_615 : vector<1x192xf32> to vector<1x192xf32>
    %broadcast_in_dim3A_622 = vector.broadcast %broadcast_in_dim3A_621 : vector<1x192xf32> to vector<3x192xf32>
    %concatenate3A_623 = tpu.concatenate %get3A_1, %broadcast_in_dim3A_620, %broadcast_in_dim3A_622, %broadcast_in_dim3A_2 in 1 : vector<3x192xf32>, vector<3x192xf32>, vector<3x192xf32>, vector<3x192xf32> -> vector<3x768xf32>
    %swap3A_624 = arith.constant 2 : index
    %swap3A_625 = arith.constant 5 : index
    %swap3A_626 = arith.constant 0 : index
    %swap3A_627 = arith.constant 0 : index
    %swap3A_628 = vector.load %arg4[%swap3A_624, %swap3A_625, %swap3A_626, %swap3A_627] : memref<4x12x3x768xf32, #tpu.memory_space<vmem>>, vector<1x1x3x768xf32>
    %swap3A_629 = vector.shape_cast %swap3A_628 : vector<1x1x3x768xf32> to vector<3x768xf32>
    %swap3A_630 = vector.shape_cast %concatenate3A_623 : vector<3x768xf32> to vector<1x1x3x768xf32>
    tpu.vector_store %arg4[%swap3A_624, %swap3A_625, %swap3A_626, %swap3A_627], %swap3A_630 {strides = array<i32>} : memref<4x12x3x768xf32, #tpu.memory_space<vmem>>, vector<1x1x3x768xf32>,
    %get3A_631 = arith.constant 2 : index
    %get3A_632 = arith.constant 6 : index
    %get3A_633 = memref.load %arg0[%get3A_631, %get3A_632] : memref<4x12xi32, #tpu.memory_space<smem>>
    %get3A_634 = arith.index_cast %get3A_633 : i32 to index
    %get3A_635 = arith.constant 0 : index
    %get3A_636 = vector.load %arg3[%get3A_634, %get3A_635] : memref<12x192xf32, #tpu.memory_space<vmem>>, vector<1x192xf32>
    %get3A_637 = arith.constant 6 : index
    %get3A_638 = arith.constant 0 : index
    %get3A_639 = vector.load %arg2[%get3A_637, %get3A_638] : memref<24x192xf32, #tpu.memory_space<vmem>>, vector<1x192xf32>
    %broadcast_in_dim3A_640 = vector.shape_cast %get3A_639 : vector<1x192xf32> to vector<1x192xf32>
    %broadcast_in_dim3A_641 = vector.broadcast %broadcast_in_dim3A_640 : vector<1x192xf32> to vector<3x192xf32>
    %broadcast_in_dim3A_642 = vector.shape_cast %get3A_636 : vector<1x192xf32> to vector<1x192xf32>
    %broadcast_in_dim3A_643 = vector.broadcast %broadcast_in_dim3A_642 : vector<1x192xf32> to vector<3x192xf32>
    %concatenate3A_644 = tpu.concatenate %get3A_1, %broadcast_in_dim3A_641, %broadcast_in_dim3A_643, %broadcast_in_dim3A_2 in 1 : vector<3x192xf32>, vector<3x192xf32>, vector<3x192xf32>, vector<3x192xf32> -> vector<3x768xf32>
    %swap3A_645 = arith.constant 2 : index
    %swap3A_646 = arith.constant 6 : index
    %swap3A_647 = arith.constant 0 : index
    %swap3A_648 = arith.constant 0 : index
    %swap3A_649 = vector.load %arg4[%swap3A_645, %swap3A_646, %swap3A_647, %swap3A_648] : memref<4x12x3x768xf32, #tpu.memory_space<vmem>>, vector<1x1x3x768xf32>
    %swap3A_650 = vector.shape_cast %swap3A_649 : vector<1x1x3x768xf32> to vector<3x768xf32>
    %swap3A_651 = vector.shape_cast %concatenate3A_644 : vector<3x768xf32> to vector<1x1x3x768xf32>
    tpu.vector_store %arg4[%swap3A_645, %swap3A_646, %swap3A_647, %swap3A_648], %swap3A_651 {strides = array<i32>} : memref<4x12x3x768xf32, #tpu.memory_space<vmem>>, vector<1x1x3x768xf32>,
    %get3A_652 = arith.constant 2 : index
    %get3A_653 = arith.constant 7 : index
    %get3A_654 = memref.load %arg0[%get3A_652, %get3A_653] : memref<4x12xi32, #tpu.memory_space<smem>>
    %get3A_655 = arith.index_cast %get3A_654 : i32 to index
    %get3A_656 = arith.constant 0 : index
    %get3A_657 = vector.load %arg3[%get3A_655, %get3A_656] : memref<12x192xf32, #tpu.memory_space<vmem>>, vector<1x192xf32>
    %get3A_658 = arith.constant 7 : index
    %get3A_659 = arith.constant 0 : index
    %get3A_660 = vector.load %arg2[%get3A_658, %get3A_659] : memref<24x192xf32, #tpu.memory_space<vmem>>, vector<1x192xf32>
    %broadcast_in_dim3A_661 = vector.shape_cast %get3A_660 : vector<1x192xf32> to vector<1x192xf32>
    %broadcast_in_dim3A_662 = vector.broadcast %broadcast_in_dim3A_661 : vector<1x192xf32> to vector<3x192xf32>
    %broadcast_in_dim3A_663 = vector.shape_cast %get3A_657 : vector<1x192xf32> to vector<1x192xf32>
    %broadcast_in_dim3A_664 = vector.broadcast %broadcast_in_dim3A_663 : vector<1x192xf32> to vector<3x192xf32>
    %concatenate3A_665 = tpu.concatenate %get3A_1, %broadcast_in_dim3A_662, %broadcast_in_dim3A_664, %broadcast_in_dim3A_2 in 1 : vector<3x192xf32>, vector<3x192xf32>, vector<3x192xf32>, vector<3x192xf32> -> vector<3x768xf32>
    %swap3A_666 = arith.constant 2 : index
    %swap3A_667 = arith.constant 7 : index
    %swap3A_668 = arith.constant 0 : index
    %swap3A_669 = arith.constant 0 : index
    %swap3A_670 = vector.load %arg4[%swap3A_666, %swap3A_667, %swap3A_668, %swap3A_669] : memref<4x12x3x768xf32, #tpu.memory_space<vmem>>, vector<1x1x3x768xf32>
    %swap3A_671 = vector.shape_cast %swap3A_670 : vector<1x1x3x768xf32> to vector<3x768xf32>
    %swap3A_672 = vector.shape_cast %concatenate3A_665 : vector<3x768xf32> to vector<1x1x3x768xf32>
    tpu.vector_store %arg4[%swap3A_666, %swap3A_667, %swap3A_668, %swap3A_669], %swap3A_672 {strides = array<i32>} : memref<4x12x3x768xf32, #tpu.memory_space<vmem>>, vector<1x1x3x768xf32>,
    %get3A_673 = arith.constant 2 : index
    %get3A_674 = arith.constant 8 : index
    %get3A_675 = memref.load %arg0[%get3A_673, %get3A_674] : memref<4x12xi32, #tpu.memory_space<smem>>
    %get3A_676 = arith.index_cast %get3A_675 : i32 to index
    %get3A_677 = arith.constant 0 : index
    %get3A_678 = vector.load %arg3[%get3A_676, %get3A_677] : memref<12x192xf32, #tpu.memory_space<vmem>>, vector<1x192xf32>
    %get3A_679 = arith.constant 8 : index
    %get3A_680 = arith.constant 0 : index
    %get3A_681 = vector.load %arg2[%get3A_679, %get3A_680] : memref<24x192xf32, #tpu.memory_space<vmem>>, vector<1x192xf32>
    %broadcast_in_dim3A_682 = vector.shape_cast %get3A_681 : vector<1x192xf32> to vector<1x192xf32>
    %broadcast_in_dim3A_683 = vector.broadcast %broadcast_in_dim3A_682 : vector<1x192xf32> to vector<3x192xf32>
    %broadcast_in_dim3A_684 = vector.shape_cast %get3A_678 : vector<1x192xf32> to vector<1x192xf32>
    %broadcast_in_dim3A_685 = vector.broadcast %broadcast_in_dim3A_684 : vector<1x192xf32> to vector<3x192xf32>
    %concatenate3A_686 = tpu.concatenate %get3A_1, %broadcast_in_dim3A_683, %broadcast_in_dim3A_685, %broadcast_in_dim3A_2 in 1 : vector<3x192xf32>, vector<3x192xf32>, vector<3x192xf32>, vector<3x192xf32> -> vector<3x768xf32>
    %swap3A_687 = arith.constant 2 : index
    %swap3A_688 = arith.constant 8 : index
    %swap3A_689 = arith.constant 0 : index
    %swap3A_690 = arith.constant 0 : index
    %swap3A_691 = vector.load %arg4[%swap3A_687, %swap3A_688, %swap3A_689, %swap3A_690] : memref<4x12x3x768xf32, #tpu.memory_space<vmem>>, vector<1x1x3x768xf32>
    %swap3A_692 = vector.shape_cast %swap3A_691 : vector<1x1x3x768xf32> to vector<3x768xf32>
    %swap3A_693 = vector.shape_cast %concatenate3A_686 : vector<3x768xf32> to vector<1x1x3x768xf32>
    tpu.vector_store %arg4[%swap3A_687, %swap3A_688, %swap3A_689, %swap3A_690], %swap3A_693 {strides = array<i32>} : memref<4x12x3x768xf32, #tpu.memory_space<vmem>>, vector<1x1x3x768xf32>,
    %get3A_694 = arith.constant 2 : index
    %get3A_695 = arith.constant 9 : index
    %get3A_696 = memref.load %arg0[%get3A_694, %get3A_695] : memref<4x12xi32, #tpu.memory_space<smem>>
    %get3A_697 = arith.index_cast %get3A_696 : i32 to index
    %get3A_698 = arith.constant 0 : index
    %get3A_699 = vector.load %arg3[%get3A_697, %get3A_698] : memref<12x192xf32, #tpu.memory_space<vmem>>, vector<1x192xf32>
    %get3A_700 = arith.constant 9 : index
    %get3A_701 = arith.constant 0 : index
    %get3A_702 = vector.load %arg2[%get3A_700, %get3A_701] : memref<24x192xf32, #tpu.memory_space<vmem>>, vector<1x192xf32>
    %broadcast_in_dim3A_703 = vector.shape_cast %get3A_702 : vector<1x192xf32> to vector<1x192xf32>
    %broadcast_in_dim3A_704 = vector.broadcast %broadcast_in_dim3A_703 : vector<1x192xf32> to vector<3x192xf32>
    %broadcast_in_dim3A_705 = vector.shape_cast %get3A_699 : vector<1x192xf32> to vector<1x192xf32>
    %broadcast_in_dim3A_706 = vector.broadcast %broadcast_in_dim3A_705 : vector<1x192xf32> to vector<3x192xf32>
    %concatenate3A_707 = tpu.concatenate %get3A_1, %broadcast_in_dim3A_704, %broadcast_in_dim3A_706, %broadcast_in_dim3A_2 in 1 : vector<3x192xf32>, vector<3x192xf32>, vector<3x192xf32>, vector<3x192xf32> -> vector<3x768xf32>
    %swap3A_708 = arith.constant 2 : index
    %swap3A_709 = arith.constant 9 : index
    %swap3A_710 = arith.constant 0 : index
    %swap3A_711 = arith.constant 0 : index
    %swap3A_712 = vector.load %arg4[%swap3A_708, %swap3A_709, %swap3A_710, %swap3A_711] : memref<4x12x3x768xf32, #tpu.memory_space<vmem>>, vector<1x1x3x768xf32>
    %swap3A_713 = vector.shape_cast %swap3A_712 : vector<1x1x3x768xf32> to vector<3x768xf32>
    %swap3A_714 = vector.shape_cast %concatenate3A_707 : vector<3x768xf32> to vector<1x1x3x768xf32>
    tpu.vector_store %arg4[%swap3A_708, %swap3A_709, %swap3A_710, %swap3A_711], %swap3A_714 {strides = array<i32>} : memref<4x12x3x768xf32, #tpu.memory_space<vmem>>, vector<1x1x3x768xf32>,
    %get3A_715 = arith.constant 2 : index
    %get3A_716 = arith.constant 10 : index
    %get3A_717 = memref.load %arg0[%get3A_715, %get3A_716] : memref<4x12xi32, #tpu.memory_space<smem>>
    %get3A_718 = arith.index_cast %get3A_717 : i32 to index
    %get3A_719 = arith.constant 0 : index
    %get3A_720 = vector.load %arg3[%get3A_718, %get3A_719] : memref<12x192xf32, #tpu.memory_space<vmem>>, vector<1x192xf32>
    %get3A_721 = arith.constant 10 : index
    %get3A_722 = arith.constant 0 : index
    %get3A_723 = vector.load %arg2[%get3A_721, %get3A_722] : memref<24x192xf32, #tpu.memory_space<vmem>>, vector<1x192xf32>
    %broadcast_in_dim3A_724 = vector.shape_cast %get3A_723 : vector<1x192xf32> to vector<1x192xf32>
    %broadcast_in_dim3A_725 = vector.broadcast %broadcast_in_dim3A_724 : vector<1x192xf32> to vector<3x192xf32>
    %broadcast_in_dim3A_726 = vector.shape_cast %get3A_720 : vector<1x192xf32> to vector<1x192xf32>
    %broadcast_in_dim3A_727 = vector.broadcast %broadcast_in_dim3A_726 : vector<1x192xf32> to vector<3x192xf32>
    %concatenate3A_728 = tpu.concatenate %get3A_1, %broadcast_in_dim3A_725, %broadcast_in_dim3A_727, %broadcast_in_dim3A_2 in 1 : vector<3x192xf32>, vector<3x192xf32>, vector<3x192xf32>, vector<3x192xf32> -> vector<3x768xf32>
    %swap3A_729 = arith.constant 2 : index
    %swap3A_730 = arith.constant 10 : index
    %swap3A_731 = arith.constant 0 : index
    %swap3A_732 = arith.constant 0 : index
    %swap3A_733 = vector.load %arg4[%swap3A_729, %swap3A_730, %swap3A_731, %swap3A_732] : memref<4x12x3x768xf32, #tpu.memory_space<vmem>>, vector<1x1x3x768xf32>
    %swap3A_734 = vector.shape_cast %swap3A_733 : vector<1x1x3x768xf32> to vector<3x768xf32>
    %swap3A_735 = vector.shape_cast %concatenate3A_728 : vector<3x768xf32> to vector<1x1x3x768xf32>
    tpu.vector_store %arg4[%swap3A_729, %swap3A_730, %swap3A_731, %swap3A_732], %swap3A_735 {strides = array<i32>} : memref<4x12x3x768xf32, #tpu.memory_space<vmem>>, vector<1x1x3x768xf32>,
    %get3A_736 = arith.constant 2 : index
    %get3A_737 = arith.constant 11 : index
    %get3A_738 = memref.load %arg0[%get3A_736, %get3A_737] : memref<4x12xi32, #tpu.memory_space<smem>>
    %get3A_739 = arith.index_cast %get3A_738 : i32 to index
    %get3A_740 = arith.constant 0 : index
    %get3A_741 = vector.load %arg3[%get3A_739, %get3A_740] : memref<12x192xf32, #tpu.memory_space<vmem>>, vector<1x192xf32>
    %get3A_742 = arith.constant 11 : index
    %get3A_743 = arith.constant 0 : index
    %get3A_744 = vector.load %arg2[%get3A_742, %get3A_743] : memref<24x192xf32, #tpu.memory_space<vmem>>, vector<1x192xf32>
    %broadcast_in_dim3A_745 = vector.shape_cast %get3A_744 : vector<1x192xf32> to vector<1x192xf32>
    %broadcast_in_dim3A_746 = vector.broadcast %broadcast_in_dim3A_745 : vector<1x192xf32> to vector<3x192xf32>
    %broadcast_in_dim3A_747 = vector.shape_cast %get3A_741 : vector<1x192xf32> to vector<1x192xf32>
    %broadcast_in_dim3A_748 = vector.broadcast %broadcast_in_dim3A_747 : vector<1x192xf32> to vector<3x192xf32>
    %concatenate3A_749 = tpu.concatenate %get3A_1, %broadcast_in_dim3A_746, %broadcast_in_dim3A_748, %broadcast_in_dim3A_2 in 1 : vector<3x192xf32>, vector<3x192xf32>, vector<3x192xf32>, vector<3x192xf32> -> vector<3x768xf32>
    %swap3A_750 = arith.constant 2 : index
    %swap3A_751 = arith.constant 11 : index
    %swap3A_752 = arith.constant 0 : index
    %swap3A_753 = arith.constant 0 : index
    %swap3A_754 = vector.load %arg4[%swap3A_750, %swap3A_751, %swap3A_752, %swap3A_753] : memref<4x12x3x768xf32, #tpu.memory_space<vmem>>, vector<1x1x3x768xf32>
    %swap3A_755 = vector.shape_cast %swap3A_754 : vector<1x1x3x768xf32> to vector<3x768xf32>
    %swap3A_756 = vector.shape_cast %concatenate3A_749 : vector<3x768xf32> to vector<1x1x3x768xf32>
    tpu.vector_store %arg4[%swap3A_750, %swap3A_751, %swap3A_752, %swap3A_753], %swap3A_756 {strides = array<i32>} : memref<4x12x3x768xf32, #tpu.memory_space<vmem>>, vector<1x1x3x768xf32>,
    %get3A_757 = arith.constant 3 : index
    %get3A_758 = arith.constant 0 : index
    %get3A_759 = memref.load %arg0[%get3A_757, %get3A_758] : memref<4x12xi32, #tpu.memory_space<smem>>
    %get3A_760 = arith.index_cast %get3A_759 : i32 to index
    %get3A_761 = arith.constant 0 : index
    %get3A_762 = vector.load %arg3[%get3A_760, %get3A_761] : memref<12x192xf32, #tpu.memory_space<vmem>>, vector<1x192xf32>
    %get3A_763 = arith.constant 0 : index
    %get3A_764 = arith.constant 0 : index
    %get3A_765 = vector.load %arg2[%get3A_763, %get3A_764] : memref<24x192xf32, #tpu.memory_space<vmem>>, vector<1x192xf32>
    %broadcast_in_dim3A_766 = vector.shape_cast %get3A_765 : vector<1x192xf32> to vector<1x192xf32>
    %broadcast_in_dim3A_767 = vector.broadcast %broadcast_in_dim3A_766 : vector<1x192xf32> to vector<3x192xf32>
    %broadcast_in_dim3A_768 = vector.shape_cast %get3A_762 : vector<1x192xf32> to vector<1x192xf32>
    %broadcast_in_dim3A_769 = vector.broadcast %broadcast_in_dim3A_768 : vector<1x192xf32> to vector<3x192xf32>
    %concatenate3A_770 = tpu.concatenate %get3A_1, %broadcast_in_dim3A_767, %broadcast_in_dim3A_769, %broadcast_in_dim3A_2 in 1 : vector<3x192xf32>, vector<3x192xf32>, vector<3x192xf32>, vector<3x192xf32> -> vector<3x768xf32>
    %swap3A_771 = arith.constant 3 : index
    %swap3A_772 = arith.constant 0 : index
    %swap3A_773 = arith.constant 0 : index
    %swap3A_774 = arith.constant 0 : index
    %swap3A_775 = vector.load %arg4[%swap3A_771, %swap3A_772, %swap3A_773, %swap3A_774] : memref<4x12x3x768xf32, #tpu.memory_space<vmem>>, vector<1x1x3x768xf32>
    %swap3A_776 = vector.shape_cast %swap3A_775 : vector<1x1x3x768xf32> to vector<3x768xf32>
    %swap3A_777 = vector.shape_cast %concatenate3A_770 : vector<3x768xf32> to vector<1x1x3x768xf32>
    tpu.vector_store %arg4[%swap3A_771, %swap3A_772, %swap3A_773, %swap3A_774], %swap3A_777 {strides = array<i32>} : memref<4x12x3x768xf32, #tpu.memory_space<vmem>>, vector<1x1x3x768xf32>,
    %get3A_778 = arith.constant 3 : index
    %get3A_779 = arith.constant 1 : index
    %get3A_780 = memref.load %arg0[%get3A_778, %get3A_779] : memref<4x12xi32, #tpu.memory_space<smem>>
    %get3A_781 = arith.index_cast %get3A_780 : i32 to index
    %get3A_782 = arith.constant 0 : index
    %get3A_783 = vector.load %arg3[%get3A_781, %get3A_782] : memref<12x192xf32, #tpu.memory_space<vmem>>, vector<1x192xf32>
    %get3A_784 = arith.constant 1 : index
    %get3A_785 = arith.constant 0 : index
    %get3A_786 = vector.load %arg2[%get3A_784, %get3A_785] : memref<24x192xf32, #tpu.memory_space<vmem>>, vector<1x192xf32>
    %broadcast_in_dim3A_787 = vector.shape_cast %get3A_786 : vector<1x192xf32> to vector<1x192xf32>
    %broadcast_in_dim3A_788 = vector.broadcast %broadcast_in_dim3A_787 : vector<1x192xf32> to vector<3x192xf32>
    %broadcast_in_dim3A_789 = vector.shape_cast %get3A_783 : vector<1x192xf32> to vector<1x192xf32>
    %broadcast_in_dim3A_790 = vector.broadcast %broadcast_in_dim3A_789 : vector<1x192xf32> to vector<3x192xf32>
    %concatenate3A_791 = tpu.concatenate %get3A_1, %broadcast_in_dim3A_788, %broadcast_in_dim3A_790, %broadcast_in_dim3A_2 in 1 : vector<3x192xf32>, vector<3x192xf32>, vector<3x192xf32>, vector<3x192xf32> -> vector<3x768xf32>
    %swap3A_792 = arith.constant 3 : index
    %swap3A_793 = arith.constant 1 : index
    %swap3A_794 = arith.constant 0 : index
    %swap3A_795 = arith.constant 0 : index
    %swap3A_796 = vector.load %arg4[%swap3A_792, %swap3A_793, %swap3A_794, %swap3A_795] : memref<4x12x3x768xf32, #tpu.memory_space<vmem>>, vector<1x1x3x768xf32>
    %swap3A_797 = vector.shape_cast %swap3A_796 : vector<1x1x3x768xf32> to vector<3x768xf32>
    %swap3A_798 = vector.shape_cast %concatenate3A_791 : vector<3x768xf32> to vector<1x1x3x768xf32>
    tpu.vector_store %arg4[%swap3A_792, %swap3A_793, %swap3A_794, %swap3A_795], %swap3A_798 {strides = array<i32>} : memref<4x12x3x768xf32, #tpu.memory_space<vmem>>, vector<1x1x3x768xf32>,
    %get3A_799 = arith.constant 3 : index
    %get3A_800 = arith.constant 2 : index
    %get3A_801 = memref.load %arg0[%get3A_799, %get3A_800] : memref<4x12xi32, #tpu.memory_space<smem>>
    %get3A_802 = arith.index_cast %get3A_801 : i32 to index
    %get3A_803 = arith.constant 0 : index
    %get3A_804 = vector.load %arg3[%get3A_802, %get3A_803] : memref<12x192xf32, #tpu.memory_space<vmem>>, vector<1x192xf32>
    %get3A_805 = arith.constant 2 : index
    %get3A_806 = arith.constant 0 : index
    %get3A_807 = vector.load %arg2[%get3A_805, %get3A_806] : memref<24x192xf32, #tpu.memory_space<vmem>>, vector<1x192xf32>
    %broadcast_in_dim3A_808 = vector.shape_cast %get3A_807 : vector<1x192xf32> to vector<1x192xf32>
    %broadcast_in_dim3A_809 = vector.broadcast %broadcast_in_dim3A_808 : vector<1x192xf32> to vector<3x192xf32>
    %broadcast_in_dim3A_810 = vector.shape_cast %get3A_804 : vector<1x192xf32> to vector<1x192xf32>
    %broadcast_in_dim3A_811 = vector.broadcast %broadcast_in_dim3A_810 : vector<1x192xf32> to vector<3x192xf32>
    %concatenate3A_812 = tpu.concatenate %get3A_1, %broadcast_in_dim3A_809, %broadcast_in_dim3A_811, %broadcast_in_dim3A_2 in 1 : vector<3x192xf32>, vector<3x192xf32>, vector<3x192xf32>, vector<3x192xf32> -> vector<3x768xf32>
    %swap3A_813 = arith.constant 3 : index
    %swap3A_814 = arith.constant 2 : index
    %swap3A_815 = arith.constant 0 : index
    %swap3A_816 = arith.constant 0 : index
    %swap3A_817 = vector.load %arg4[%swap3A_813, %swap3A_814, %swap3A_815, %swap3A_816] : memref<4x12x3x768xf32, #tpu.memory_space<vmem>>, vector<1x1x3x768xf32>
    %swap3A_818 = vector.shape_cast %swap3A_817 : vector<1x1x3x768xf32> to vector<3x768xf32>
    %swap3A_819 = vector.shape_cast %concatenate3A_812 : vector<3x768xf32> to vector<1x1x3x768xf32>
    tpu.vector_store %arg4[%swap3A_813, %swap3A_814, %swap3A_815, %swap3A_816], %swap3A_819 {strides = array<i32>} : memref<4x12x3x768xf32, #tpu.memory_space<vmem>>, vector<1x1x3x768xf32>,
    %get3A_820 = arith.constant 3 : index
    %get3A_821 = arith.constant 3 : index
    %get3A_822 = memref.load %arg0[%get3A_820, %get3A_821] : memref<4x12xi32, #tpu.memory_space<smem>>
    %get3A_823 = arith.index_cast %get3A_822 : i32 to index
    %get3A_824 = arith.constant 0 : index
    %get3A_825 = vector.load %arg3[%get3A_823, %get3A_824] : memref<12x192xf32, #tpu.memory_space<vmem>>, vector<1x192xf32>
    %get3A_826 = arith.constant 3 : index
    %get3A_827 = arith.constant 0 : index
    %get3A_828 = vector.load %arg2[%get3A_826, %get3A_827] : memref<24x192xf32, #tpu.memory_space<vmem>>, vector<1x192xf32>
    %broadcast_in_dim3A_829 = vector.shape_cast %get3A_828 : vector<1x192xf32> to vector<1x192xf32>
    %broadcast_in_dim3A_830 = vector.broadcast %broadcast_in_dim3A_829 : vector<1x192xf32> to vector<3x192xf32>
    %broadcast_in_dim3A_831 = vector.shape_cast %get3A_825 : vector<1x192xf32> to vector<1x192xf32>
    %broadcast_in_dim3A_832 = vector.broadcast %broadcast_in_dim3A_831 : vector<1x192xf32> to vector<3x192xf32>
    %concatenate3A_833 = tpu.concatenate %get3A_1, %broadcast_in_dim3A_830, %broadcast_in_dim3A_832, %broadcast_in_dim3A_2 in 1 : vector<3x192xf32>, vector<3x192xf32>, vector<3x192xf32>, vector<3x192xf32> -> vector<3x768xf32>
    %swap3A_834 = arith.constant 3 : index
    %swap3A_835 = arith.constant 3 : index
    %swap3A_836 = arith.constant 0 : index
    %swap3A_837 = arith.constant 0 : index
    %swap3A_838 = vector.load %arg4[%swap3A_834, %swap3A_835, %swap3A_836, %swap3A_837] : memref<4x12x3x768xf32, #tpu.memory_space<vmem>>, vector<1x1x3x768xf32>
    %swap3A_839 = vector.shape_cast %swap3A_838 : vector<1x1x3x768xf32> to vector<3x768xf32>
    %swap3A_840 = vector.shape_cast %concatenate3A_833 : vector<3x768xf32> to vector<1x1x3x768xf32>
    tpu.vector_store %arg4[%swap3A_834, %swap3A_835, %swap3A_836, %swap3A_837], %swap3A_840 {strides = array<i32>} : memref<4x12x3x768xf32, #tpu.memory_space<vmem>>, vector<1x1x3x768xf32>,
    %get3A_841 = arith.constant 3 : index
    %get3A_842 = arith.constant 4 : index
    %get3A_843 = memref.load %arg0[%get3A_841, %get3A_842] : memref<4x12xi32, #tpu.memory_space<smem>>
    %get3A_844 = arith.index_cast %get3A_843 : i32 to index
    %get3A_845 = arith.constant 0 : index
    %get3A_846 = vector.load %arg3[%get3A_844, %get3A_845] : memref<12x192xf32, #tpu.memory_space<vmem>>, vector<1x192xf32>
    %get3A_847 = arith.constant 4 : index
    %get3A_848 = arith.constant 0 : index
    %get3A_849 = vector.load %arg2[%get3A_847, %get3A_848] : memref<24x192xf32, #tpu.memory_space<vmem>>, vector<1x192xf32>
    %broadcast_in_dim3A_850 = vector.shape_cast %get3A_849 : vector<1x192xf32> to vector<1x192xf32>
    %broadcast_in_dim3A_851 = vector.broadcast %broadcast_in_dim3A_850 : vector<1x192xf32> to vector<3x192xf32>
    %broadcast_in_dim3A_852 = vector.shape_cast %get3A_846 : vector<1x192xf32> to vector<1x192xf32>
    %broadcast_in_dim3A_853 = vector.broadcast %broadcast_in_dim3A_852 : vector<1x192xf32> to vector<3x192xf32>
    %concatenate3A_854 = tpu.concatenate %get3A_1, %broadcast_in_dim3A_851, %broadcast_in_dim3A_853, %broadcast_in_dim3A_2 in 1 : vector<3x192xf32>, vector<3x192xf32>, vector<3x192xf32>, vector<3x192xf32> -> vector<3x768xf32>
    %swap3A_855 = arith.constant 3 : index
    %swap3A_856 = arith.constant 4 : index
    %swap3A_857 = arith.constant 0 : index
    %swap3A_858 = arith.constant 0 : index
    %swap3A_859 = vector.load %arg4[%swap3A_855, %swap3A_856, %swap3A_857, %swap3A_858] : memref<4x12x3x768xf32, #tpu.memory_space<vmem>>, vector<1x1x3x768xf32>
    %swap3A_860 = vector.shape_cast %swap3A_859 : vector<1x1x3x768xf32> to vector<3x768xf32>
    %swap3A_861 = vector.shape_cast %concatenate3A_854 : vector<3x768xf32> to vector<1x1x3x768xf32>
    tpu.vector_store %arg4[%swap3A_855, %swap3A_856, %swap3A_857, %swap3A_858], %swap3A_861 {strides = array<i32>} : memref<4x12x3x768xf32, #tpu.memory_space<vmem>>, vector<1x1x3x768xf32>,
    %get3A_862 = arith.constant 3 : index
    %get3A_863 = arith.constant 5 : index
    %get3A_864 = memref.load %arg0[%get3A_862, %get3A_863] : memref<4x12xi32, #tpu.memory_space<smem>>
    %get3A_865 = arith.index_cast %get3A_864 : i32 to index
    %get3A_866 = arith.constant 0 : index
    %get3A_867 = vector.load %arg3[%get3A_865, %get3A_866] : memref<12x192xf32, #tpu.memory_space<vmem>>, vector<1x192xf32>
    %get3A_868 = arith.constant 5 : index
    %get3A_869 = arith.constant 0 : index
    %get3A_870 = vector.load %arg2[%get3A_868, %get3A_869] : memref<24x192xf32, #tpu.memory_space<vmem>>, vector<1x192xf32>
    %broadcast_in_dim3A_871 = vector.shape_cast %get3A_870 : vector<1x192xf32> to vector<1x192xf32>
    %broadcast_in_dim3A_872 = vector.broadcast %broadcast_in_dim3A_871 : vector<1x192xf32> to vector<3x192xf32>
    %broadcast_in_dim3A_873 = vector.shape_cast %get3A_867 : vector<1x192xf32> to vector<1x192xf32>
    %broadcast_in_dim3A_874 = vector.broadcast %broadcast_in_dim3A_873 : vector<1x192xf32> to vector<3x192xf32>
    %concatenate3A_875 = tpu.concatenate %get3A_1, %broadcast_in_dim3A_872, %broadcast_in_dim3A_874, %broadcast_in_dim3A_2 in 1 : vector<3x192xf32>, vector<3x192xf32>, vector<3x192xf32>, vector<3x192xf32> -> vector<3x768xf32>
    %swap3A_876 = arith.constant 3 : index
    %swap3A_877 = arith.constant 5 : index
    %swap3A_878 = arith.constant 0 : index
    %swap3A_879 = arith.constant 0 : index
    %swap3A_880 = vector.load %arg4[%swap3A_876, %swap3A_877, %swap3A_878, %swap3A_879] : memref<4x12x3x768xf32, #tpu.memory_space<vmem>>, vector<1x1x3x768xf32>
    %swap3A_881 = vector.shape_cast %swap3A_880 : vector<1x1x3x768xf32> to vector<3x768xf32>
    %swap3A_882 = vector.shape_cast %concatenate3A_875 : vector<3x768xf32> to vector<1x1x3x768xf32>
    tpu.vector_store %arg4[%swap3A_876, %swap3A_877, %swap3A_878, %swap3A_879], %swap3A_882 {strides = array<i32>} : memref<4x12x3x768xf32, #tpu.memory_space<vmem>>, vector<1x1x3x768xf32>,
    %get3A_883 = arith.constant 3 : index
    %get3A_884 = arith.constant 6 : index
    %get3A_885 = memref.load %arg0[%get3A_883, %get3A_884] : memref<4x12xi32, #tpu.memory_space<smem>>
    %get3A_886 = arith.index_cast %get3A_885 : i32 to index
    %get3A_887 = arith.constant 0 : index
    %get3A_888 = vector.load %arg3[%get3A_886, %get3A_887] : memref<12x192xf32, #tpu.memory_space<vmem>>, vector<1x192xf32>
    %get3A_889 = arith.constant 6 : index
    %get3A_890 = arith.constant 0 : index
    %get3A_891 = vector.load %arg2[%get3A_889, %get3A_890] : memref<24x192xf32, #tpu.memory_space<vmem>>, vector<1x192xf32>
    %broadcast_in_dim3A_892 = vector.shape_cast %get3A_891 : vector<1x192xf32> to vector<1x192xf32>
    %broadcast_in_dim3A_893 = vector.broadcast %broadcast_in_dim3A_892 : vector<1x192xf32> to vector<3x192xf32>
    %broadcast_in_dim3A_894 = vector.shape_cast %get3A_888 : vector<1x192xf32> to vector<1x192xf32>
    %broadcast_in_dim3A_895 = vector.broadcast %broadcast_in_dim3A_894 : vector<1x192xf32> to vector<3x192xf32>
    %concatenate3A_896 = tpu.concatenate %get3A_1, %broadcast_in_dim3A_893, %broadcast_in_dim3A_895, %broadcast_in_dim3A_2 in 1 : vector<3x192xf32>, vector<3x192xf32>, vector<3x192xf32>, vector<3x192xf32> -> vector<3x768xf32>
    %swap3A_897 = arith.constant 3 : index
    %swap3A_898 = arith.constant 6 : index
    %swap3A_899 = arith.constant 0 : index
    %swap3A_900 = arith.constant 0 : index
    %swap3A_901 = vector.load %arg4[%swap3A_897, %swap3A_898, %swap3A_899, %swap3A_900] : memref<4x12x3x768xf32, #tpu.memory_space<vmem>>, vector<1x1x3x768xf32>
    %swap3A_902 = vector.shape_cast %swap3A_901 : vector<1x1x3x768xf32> to vector<3x768xf32>
    %swap3A_903 = vector.shape_cast %concatenate3A_896 : vector<3x768xf32> to vector<1x1x3x768xf32>
    tpu.vector_store %arg4[%swap3A_897, %swap3A_898, %swap3A_899, %swap3A_900], %swap3A_903 {strides = array<i32>} : memref<4x12x3x768xf32, #tpu.memory_space<vmem>>, vector<1x1x3x768xf32>,
    %get3A_904 = arith.constant 3 : index
    %get3A_905 = arith.constant 7 : index
    %get3A_906 = memref.load %arg0[%get3A_904, %get3A_905] : memref<4x12xi32, #tpu.memory_space<smem>>
    %get3A_907 = arith.index_cast %get3A_906 : i32 to index
    %get3A_908 = arith.constant 0 : index
    %get3A_909 = vector.load %arg3[%get3A_907, %get3A_908] : memref<12x192xf32, #tpu.memory_space<vmem>>, vector<1x192xf32>
    %get3A_910 = arith.constant 7 : index
    %get3A_911 = arith.constant 0 : index
    %get3A_912 = vector.load %arg2[%get3A_910, %get3A_911] : memref<24x192xf32, #tpu.memory_space<vmem>>, vector<1x192xf32>
    %broadcast_in_dim3A_913 = vector.shape_cast %get3A_912 : vector<1x192xf32> to vector<1x192xf32>
    %broadcast_in_dim3A_914 = vector.broadcast %broadcast_in_dim3A_913 : vector<1x192xf32> to vector<3x192xf32>
    %broadcast_in_dim3A_915 = vector.shape_cast %get3A_909 : vector<1x192xf32> to vector<1x192xf32>
    %broadcast_in_dim3A_916 = vector.broadcast %broadcast_in_dim3A_915 : vector<1x192xf32> to vector<3x192xf32>
    %concatenate3A_917 = tpu.concatenate %get3A_1, %broadcast_in_dim3A_914, %broadcast_in_dim3A_916, %broadcast_in_dim3A_2 in 1 : vector<3x192xf32>, vector<3x192xf32>, vector<3x192xf32>, vector<3x192xf32> -> vector<3x768xf32>
    %swap3A_918 = arith.constant 3 : index
    %swap3A_919 = arith.constant 7 : index
    %swap3A_920 = arith.constant 0 : index
    %swap3A_921 = arith.constant 0 : index
    %swap3A_922 = vector.load %arg4[%swap3A_918, %swap3A_919, %swap3A_920, %swap3A_921] : memref<4x12x3x768xf32, #tpu.memory_space<vmem>>, vector<1x1x3x768xf32>
    %swap3A_923 = vector.shape_cast %swap3A_922 : vector<1x1x3x768xf32> to vector<3x768xf32>
    %swap3A_924 = vector.shape_cast %concatenate3A_917 : vector<3x768xf32> to vector<1x1x3x768xf32>
    tpu.vector_store %arg4[%swap3A_918, %swap3A_919, %swap3A_920, %swap3A_921], %swap3A_924 {strides = array<i32>} : memref<4x12x3x768xf32, #tpu.memory_space<vmem>>, vector<1x1x3x768xf32>,
    %get3A_925 = arith.constant 3 : index
    %get3A_926 = arith.constant 8 : index
    %get3A_927 = memref.load %arg0[%get3A_925, %get3A_926] : memref<4x12xi32, #tpu.memory_space<smem>>
    %get3A_928 = arith.index_cast %get3A_927 : i32 to index
    %get3A_929 = arith.constant 0 : index
    %get3A_930 = vector.load %arg3[%get3A_928, %get3A_929] : memref<12x192xf32, #tpu.memory_space<vmem>>, vector<1x192xf32>
    %get3A_931 = arith.constant 8 : index
    %get3A_932 = arith.constant 0 : index
    %get3A_933 = vector.load %arg2[%get3A_931, %get3A_932] : memref<24x192xf32, #tpu.memory_space<vmem>>, vector<1x192xf32>
    %broadcast_in_dim3A_934 = vector.shape_cast %get3A_933 : vector<1x192xf32> to vector<1x192xf32>
    %broadcast_in_dim3A_935 = vector.broadcast %broadcast_in_dim3A_934 : vector<1x192xf32> to vector<3x192xf32>
    %broadcast_in_dim3A_936 = vector.shape_cast %get3A_930 : vector<1x192xf32> to vector<1x192xf32>
    %broadcast_in_dim3A_937 = vector.broadcast %broadcast_in_dim3A_936 : vector<1x192xf32> to vector<3x192xf32>
    %concatenate3A_938 = tpu.concatenate %get3A_1, %broadcast_in_dim3A_935, %broadcast_in_dim3A_937, %broadcast_in_dim3A_2 in 1 : vector<3x192xf32>, vector<3x192xf32>, vector<3x192xf32>, vector<3x192xf32> -> vector<3x768xf32>
    %swap3A_939 = arith.constant 3 : index
    %swap3A_940 = arith.constant 8 : index
    %swap3A_941 = arith.constant 0 : index
    %swap3A_942 = arith.constant 0 : index
    %swap3A_943 = vector.load %arg4[%swap3A_939, %swap3A_940, %swap3A_941, %swap3A_942] : memref<4x12x3x768xf32, #tpu.memory_space<vmem>>, vector<1x1x3x768xf32>
    %swap3A_944 = vector.shape_cast %swap3A_943 : vector<1x1x3x768xf32> to vector<3x768xf32>
    %swap3A_945 = vector.shape_cast %concatenate3A_938 : vector<3x768xf32> to vector<1x1x3x768xf32>
    tpu.vector_store %arg4[%swap3A_939, %swap3A_940, %swap3A_941, %swap3A_942], %swap3A_945 {strides = array<i32>} : memref<4x12x3x768xf32, #tpu.memory_space<vmem>>, vector<1x1x3x768xf32>,
    %get3A_946 = arith.constant 3 : index
    %get3A_947 = arith.constant 9 : index
    %get3A_948 = memref.load %arg0[%get3A_946, %get3A_947] : memref<4x12xi32, #tpu.memory_space<smem>>
    %get3A_949 = arith.index_cast %get3A_948 : i32 to index
    %get3A_950 = arith.constant 0 : index
    %get3A_951 = vector.load %arg3[%get3A_949, %get3A_950] : memref<12x192xf32, #tpu.memory_space<vmem>>, vector<1x192xf32>
    %get3A_952 = arith.constant 9 : index
    %get3A_953 = arith.constant 0 : index
    %get3A_954 = vector.load %arg2[%get3A_952, %get3A_953] : memref<24x192xf32, #tpu.memory_space<vmem>>, vector<1x192xf32>
    %broadcast_in_dim3A_955 = vector.shape_cast %get3A_954 : vector<1x192xf32> to vector<1x192xf32>
    %broadcast_in_dim3A_956 = vector.broadcast %broadcast_in_dim3A_955 : vector<1x192xf32> to vector<3x192xf32>
    %broadcast_in_dim3A_957 = vector.shape_cast %get3A_951 : vector<1x192xf32> to vector<1x192xf32>
    %broadcast_in_dim3A_958 = vector.broadcast %broadcast_in_dim3A_957 : vector<1x192xf32> to vector<3x192xf32>
    %concatenate3A_959 = tpu.concatenate %get3A_1, %broadcast_in_dim3A_956, %broadcast_in_dim3A_958, %broadcast_in_dim3A_2 in 1 : vector<3x192xf32>, vector<3x192xf32>, vector<3x192xf32>, vector<3x192xf32> -> vector<3x768xf32>
    %swap3A_960 = arith.constant 3 : index
    %swap3A_961 = arith.constant 9 : index
    %swap3A_962 = arith.constant 0 : index
    %swap3A_963 = arith.constant 0 : index
    %swap3A_964 = vector.load %arg4[%swap3A_960, %swap3A_961, %swap3A_962, %swap3A_963] : memref<4x12x3x768xf32, #tpu.memory_space<vmem>>, vector<1x1x3x768xf32>
    %swap3A_965 = vector.shape_cast %swap3A_964 : vector<1x1x3x768xf32> to vector<3x768xf32>
    %swap3A_966 = vector.shape_cast %concatenate3A_959 : vector<3x768xf32> to vector<1x1x3x768xf32>
    tpu.vector_store %arg4[%swap3A_960, %swap3A_961, %swap3A_962, %swap3A_963], %swap3A_966 {strides = array<i32>} : memref<4x12x3x768xf32, #tpu.memory_space<vmem>>, vector<1x1x3x768xf32>,
    %get3A_967 = arith.constant 3 : index
    %get3A_968 = arith.constant 10 : index
    %get3A_969 = memref.load %arg0[%get3A_967, %get3A_968] : memref<4x12xi32, #tpu.memory_space<smem>>
    %get3A_970 = arith.index_cast %get3A_969 : i32 to index
    %get3A_971 = arith.constant 0 : index
    %get3A_972 = vector.load %arg3[%get3A_970, %get3A_971] : memref<12x192xf32, #tpu.memory_space<vmem>>, vector<1x192xf32>
    %get3A_973 = arith.constant 10 : index
    %get3A_974 = arith.constant 0 : index
    %get3A_975 = vector.load %arg2[%get3A_973, %get3A_974] : memref<24x192xf32, #tpu.memory_space<vmem>>, vector<1x192xf32>
    %broadcast_in_dim3A_976 = vector.shape_cast %get3A_975 : vector<1x192xf32> to vector<1x192xf32>
    %broadcast_in_dim3A_977 = vector.broadcast %broadcast_in_dim3A_976 : vector<1x192xf32> to vector<3x192xf32>
    %broadcast_in_dim3A_978 = vector.shape_cast %get3A_972 : vector<1x192xf32> to vector<1x192xf32>
    %broadcast_in_dim3A_979 = vector.broadcast %broadcast_in_dim3A_978 : vector<1x192xf32> to vector<3x192xf32>
    %concatenate3A_980 = tpu.concatenate %get3A_1, %broadcast_in_dim3A_977, %broadcast_in_dim3A_979, %broadcast_in_dim3A_2 in 1 : vector<3x192xf32>, vector<3x192xf32>, vector<3x192xf32>, vector<3x192xf32> -> vector<3x768xf32>
    %swap3A_981 = arith.constant 3 : index
    %swap3A_982 = arith.constant 10 : index
    %swap3A_983 = arith.constant 0 : index
    %swap3A_984 = arith.constant 0 : index
    %swap3A_985 = vector.load %arg4[%swap3A_981, %swap3A_982, %swap3A_983, %swap3A_984] : memref<4x12x3x768xf32, #tpu.memory_space<vmem>>, vector<1x1x3x768xf32>
    %swap3A_986 = vector.shape_cast %swap3A_985 : vector<1x1x3x768xf32> to vector<3x768xf32>
    %swap3A_987 = vector.shape_cast %concatenate3A_980 : vector<3x768xf32> to vector<1x1x3x768xf32>
    tpu.vector_store %arg4[%swap3A_981, %swap3A_982, %swap3A_983, %swap3A_984], %swap3A_987 {strides = array<i32>} : memref<4x12x3x768xf32, #tpu.memory_space<vmem>>, vector<1x1x3x768xf32>,
    %get3A_988 = arith.constant 3 : index
    %get3A_989 = arith.constant 11 : index
    %get3A_990 = memref.load %arg0[%get3A_988, %get3A_989] : memref<4x12xi32, #tpu.memory_space<smem>>
    %get3A_991 = arith.index_cast %get3A_990 : i32 to index
    %get3A_992 = arith.constant 0 : index
    %get3A_993 = vector.load %arg3[%get3A_991, %get3A_992] : memref<12x192xf32, #tpu.memory_space<vmem>>, vector<1x192xf32>
    %get3A_994 = arith.constant 11 : index
    %get3A_995 = arith.constant 0 : index
    %get3A_996 = vector.load %arg2[%get3A_994, %get3A_995] : memref<24x192xf32, #tpu.memory_space<vmem>>, vector<1x192xf32>
    %broadcast_in_dim3A_997 = vector.shape_cast %get3A_996 : vector<1x192xf32> to vector<1x192xf32>
    %broadcast_in_dim3A_998 = vector.broadcast %broadcast_in_dim3A_997 : vector<1x192xf32> to vector<3x192xf32>
    %broadcast_in_dim3A_999 = vector.shape_cast %get3A_993 : vector<1x192xf32> to vector<1x192xf32>
    %broadcast_in_dim3A_1000 = vector.broadcast %broadcast_in_dim3A_999 : vector<1x192xf32> to vector<3x192xf32>
    %concatenate3A_1001 = tpu.concatenate %get3A_1, %broadcast_in_dim3A_998, %broadcast_in_dim3A_1000, %broadcast_in_dim3A_2 in 1 : vector<3x192xf32>, vector<3x192xf32>, vector<3x192xf32>, vector<3x192xf32> -> vector<3x768xf32>
    %swap3A_1002 = arith.constant 3 : index
    %swap3A_1003 = arith.constant 11 : index
    %swap3A_1004 = arith.constant 0 : index
    %swap3A_1005 = arith.constant 0 : index
    %swap3A_1006 = vector.load %arg4[%swap3A_1002, %swap3A_1003, %swap3A_1004, %swap3A_1005] : memref<4x12x3x768xf32, #tpu.memory_space<vmem>>, vector<1x1x3x768xf32>
    %swap3A_1007 = vector.shape_cast %swap3A_1006 : vector<1x1x3x768xf32> to vector<3x768xf32>
    %swap3A_1008 = vector.shape_cast %concatenate3A_1001 : vector<3x768xf32> to vector<1x1x3x768xf32>
    tpu.vector_store %arg4[%swap3A_1002, %swap3A_1003, %swap3A_1004, %swap3A_1005], %swap3A_1008 {strides = array<i32>} : memref<4x12x3x768xf32, #tpu.memory_space<vmem>>, vector<1x1x3x768xf32>,
    return
  }
}

</mosaic_0001>

<sc_bundles>
// kernel: kernel.4.cloned.1.call-start
scs
__scs_entry_jumppad:
0x0: {  	(pc) =	sbr.rel $0x88, $3  }
0x1: {  	(tag) =	ssettag $0x0;
	lr =	simm.s32 $0x1  }
0x2: {  	[smem:$0x3F9C] =	sst lr;
	_ =	strace $0xD0000000  }
0x3: {  	_ = 	snop  }
0x4: {  	_ = 	snop  }
0x5: {  	_ = 	snop  }
0x6: {  	_ = 	snop  }
0x7: {  	_ = 	snop  }
__scs_overlays_trampoline_lowered:
0x8: {  	[smem:$0x3FAB] =	sst s0  }
0x9: {  	[smem:$0x3FAC] =	sst s1  }
0xa: {  	[smem:$0x3FAD] =	sst s2  }
0xb: {  	[smem:$0x3FAE] =	sst s3  }
0xc: {  	[smem:$0x3FAF] =	sst s4  }
0xd: {  	[smem:$0x3FB0] =	sst s5  }
0xe: {  	[smem:$0x3FB1] =	sst s6  }
0xf: {  	[smem:$0x3FB2] =	sst s7  }
0x10: {  	[smem:$0x3FB3] =	sst s8  }
0x11: {  	[smem:$0x3FB4] =	sst s9;
	s0 =	simm.s32 @!p0 $0x0  }
0x12: {  	s1 =	sld [smem:$0x3F9A];
	s0 =	simm.s32 @p0 $0x1  }
0x13: {  	[smem:$0x3FB5] =	sst s0;
	s0 =	simm.s32 @!p1 $0x0  }
0x14: {  	s2 =	sld [smem:$0x3F99];
	s0 =	simm.s32 @p1 $0x1  }
0x15: {  	[smem:$0x3FB6] =	sst s0;
	s0 =	simm.s32 @!p2 $0x0  }
0x16: {  	s3 =	sld [smem:$0x3FDB];
	s0 =	simm.s32 @p2 $0x1  }
0x17: {  	s4 =	simm.s32 $0x1BF5;
	[smem:$0x3FB8] =	sst s0  }
0x18: {  	s0 =	sld [smem:$0x3F9B];
	_ =	swait.ge [sflag:s4], $0x0  }
0x19: {  	s7 =	sld [smem:$0x3F9C]  }
0x1a: {  	s8 =	sadd.s32 $0xFFFFE003, lr  }
0x1b: {  	s9 =	sadd.s32 $0xFFFFFEF7, lr;
	s5 =	simm.s32 $0xFFFFFFFF;
	p2 =	slt.u32 s8, $0xFFFFF086  }
0x1c: {  	p1 =	slt.u32 s9, $0xF7A;
	s5 =	simm.s32 @!p2 $0x0  }
0x1d: {  	s5 =	simm.s32 @p1 $0x1;
	p0 =	seq.s32 s7, s2  }
0x1e: {  	s7 =	smul.u32 @!p0 $0xF7A, s2;
	p2 =	seq.s32 @!p0 s5, $0x0  }
0x1f: {  	s9 =	smul.u32 $0xF7A, s1;
	s8 =	simm.s32 @!p0 $0x1BF5;
	p2 =	por !p2, p0  }
0x20: {  	[sflag:s8] =	ssyncset.s32 @!p0 $0xFFFFF086;
	s6 =	sadd.s32 @!p0 s3, s7;
	s7 =	simm.s32 @!p0 $0x108  }
0x21: {  	s3 =	sadd.s32 s3, s9;
	s6 =	sadd.s32 @!p0 $0x88, s6;
	s7 =	simm.s32 @p2 $0x1082  }
0x22: {  	[simem:s7], [sflag:s8] =	dma.local @!p0 [hbm:s6], $0xF7A  }
0x23: {  	s9 =	sor.u32 $0xD0000000, s2;
	s6 =	simm.s32 $0x108;
	_ =	swait.ge @!p0 [sflag:s8], $0x0  }
0x24: {  	s3 =	sadd.s32 $0x88, s3;
	s6 =	simm.s32 @!p1 $0x1082;
	[sflag:s4] =	ssyncset.s32 $0xFFFFF086  }
0x25: {  	[simem:s6], [sflag:s4] =	dma.local [hbm:s3], $0xF7A  }
0x26: {  	[smem:$0x3F9C] =	sst s1;
	(tag) =	ssettag s2;
	_ =	strace s9  }
0x27: {  	s1 =	sld [smem:$0x3FAC]  }
0x28: {  	s2 =	sld [smem:$0x3FAD]  }
0x29: {  	s4 =	sld [smem:$0x3FAF]  }
0x2a: {  	p0 =	seq.s32 s5, $0x0;
	s5 =	sld [smem:$0x3FB0]  }
0x2b: {  	s6 =	sld [smem:$0x3FB1]  }
0x2c: {  	s7 =	sld [smem:$0x3FB2]  }
0x2d: {  	s3 =	simm.s32 $0x108;
	s8 =	sld [smem:$0x3FB3]  }
0x2e: {  	s3 =	simm.s32 @!p0 $0x1082;
	s9 =	sld [smem:$0x3FB4]  }
0x2f: {  	lr =	sadd.s32 s0, s3;
	s0 =	sld [smem:$0x3FAB]  }
0x30: {  	s3 =	sld [smem:$0x3FAE]  }
0x31: {  	[smem:$0x3FB7] =	sst s10  }
0x32: {  	s10 =	sld [smem:$0x3FB5];
	_ =	sdelay $0x3  }
0x33: {  	p0 =	seq.s32 s10, $0x1;
	s10 =	sld [smem:$0x3FB7];
	_ =	sdelay $0x3  }
0x34: {  	[smem:$0x3FB7] =	sst s10  }
0x35: {  	s10 =	sld [smem:$0x3FB6];
	_ =	sdelay $0x3  }
0x36: {  	p1 =	seq.s32 s10, $0x1;
	s10 =	sld [smem:$0x3FB7];
	_ =	sdelay $0x3  }
0x37: {  	[smem:$0x3FB7] =	sst s10  }
0x38: {  	s10 =	sld [smem:$0x3FB8]  }
0x39: {  	_ = 	snop;
	(pc) =	sbr.ind lr, $3  }
0x3a: {  	_ = 	snop  }
0x3b: {  	_ = 	snop  }
0x3c: {  	p2 =	seq.s32 s10, $0x1;
	s10 =	sld [smem:$0x3FB7]  }
0x3d: {  	_ =	shalt  }
0x3e: {  	_ =	shalt  }
0x3f: {  	_ =	shalt  }
0x40: {  	_ =	shalt  }
0x41: {  	_ =	shalt  }
0x42: {  	_ =	shalt  }
0x43: {  	_ =	shalt  }
0x44: {  	_ =	shalt  }
0x45: {  	_ =	shalt  }
0x46: {  	_ =	shalt  }
0x47: {  	_ =	shalt  }
0x48: {  	_ =	shalt  }
0x49: {  	_ =	shalt  }
0x4a: {  	_ =	shalt  }
0x4b: {  	_ =	shalt  }
0x4c: {  	_ =	shalt  }
0x4d: {  	_ =	shalt  }
0x4e: {  	_ =	shalt  }
0x4f: {  	_ =	shalt  }
0x50: {  	_ =	shalt  }
0x51: {  	_ =	shalt  }
0x52: {  	_ =	shalt  }
0x53: {  	_ =	shalt  }
0x54: {  	_ =	shalt  }
0x55: {  	_ =	shalt  }
0x56: {  	_ =	shalt  }
0x57: {  	_ =	shalt  }
0x58: {  	_ =	shalt  }
0x59: {  	_ =	shalt  }
0x5a: {  	_ =	shalt  }
0x5b: {  	_ =	shalt  }
0x5c: {  	_ =	shalt  }
0x5d: {  	_ =	shalt  }
0x5e: {  	_ =	shalt  }
0x5f: {  	_ =	shalt  }
0x60: {  	_ =	shalt  }
0x61: {  	_ =	shalt  }
0x62: {  	_ =	shalt  }
0x63: {  	_ =	shalt  }
0x64: {  	_ =	shalt  }
0x65: {  	_ =	shalt  }
0x66: {  	_ =	shalt  }
0x67: {  	_ =	shalt  }
0x68: {  	_ =	shalt  }
0x69: {  	_ =	shalt  }
0x6a: {  	_ =	shalt  }
0x6b: {  	_ =	shalt  }
0x6c: {  	_ =	shalt  }
0x6d: {  	_ =	shalt  }
0x6e: {  	_ =	shalt  }
0x6f: {  	_ =	shalt  }
0x70: {  	_ =	shalt  }
0x71: {  	_ =	shalt  }
0x72: {  	_ =	shalt  }
0x73: {  	_ =	shalt  }
0x74: {  	_ =	shalt  }
0x75: {  	_ =	shalt  }
0x76: {  	_ =	shalt  }
0x77: {  	_ =	shalt  }
0x78: {  	_ =	shalt  }
0x79: {  	_ =	shalt  }
0x7a: {  	_ =	shalt  }
0x7b: {  	_ =	shalt  }
0x7c: {  	_ =	shalt  }
0x7d: {  	_ =	shalt  }
0x7e: {  	_ =	shalt  }
0x7f: {  	_ =	shalt  }
0x80: {  	_ =	shalt  }
0x81: {  	_ =	shalt  }
0x82: {  	_ =	shalt  }
0x83: {  	_ =	shalt  }
0x84: {  	_ =	shalt  }
0x85: {  	_ =	shalt  }
0x86: {  	_ =	shalt  }
0x87: {  	_ =	shalt  }
.Lfunc_end0:
.L_simem_size_0:
called_computation_lowered:
.L_overlay_start_0:
0x88: {  	s2 =	sld [smem:$0x3FD9]  }
0x89: {  	s3 =	sld [smem:$0x3FFE];
	_ =	sdelay $0x1  }
0x8a: {  	s1 =	srdreg.scid  }
0x8b: {  	s0 =	sand.u32 $0x1, s1  }
0x8c: {  	s17 =	sshll.u32 s0, $0xA;
	s2 =	sadd.s32 s3, s2  }
0x8d: {  	s2 =	sadd.s32 s2, s17  }
0x8e: {  	[smem:$0x3FC3] =	sst s2  }
0x8f: {  	_ = 	snop  }
0x90: {  	s2 =	sld [smem:$0x3FD0];
	(tm) =	ssettm $0x1  }
0x91: {  	s18 =	sld [smem:$0x3FFB];
	_ =	sdelay $0x3  }
0x92: {  	_ =	strace s18  }
0x93: {  	s3 =	sld [smem:$0x3FFC];
	_ =	sdelay $0x3  }
0x94: {  	_ =	strace s3  }
0x95: {  	s3 =	sld [smem:$0x3FFD];
	_ =	sdelay $0x3  }
0x96: {  	_ =	strace s3  }
0x97: {  	_ =	strace $0x8FFFFFFF  }
0x98: {  	s19 =	sld [smem:$0x3FDB];
	_ =	sdelay $0x1  }
0x99: {  	s4 =	simm.s32 $_scs_section_size  }
0x9a: {  	s5 =	simm.s32 $_size__tile_overlayer_lowered;
	s6 =	simm.s32 $_tile_overlayer_lowered  }
0x9b: {  	s22 =	simm.s32 $0x1BFF;
	s21 =	sshll.u32 s6, $0x1;
	s3 =	sadd.s32 s4, s19  }
0x9c: {  	s7 =	simm.s32 $0x0;
	s20 =	sshll.u32 s5, $0x1;
	s5 =	sadd.s32 s21, s3  }
0x9d: {  	[timem:s7], [sflag:s22] =	dma.local [hbm:s5], s20  }
0x9e: {  	_ =	swait.ge [sflag:s22], s20  }
0x9f: {  	s4 =	ssub.s32 $0x0, s20;
	[sflag:s22] =	ssyncset.done $0x0  }
0xa0: {  	[sflag:s22] =	ssyncadd.s32 s4;
	_ =	sdelay $0x1  }
0xa1: {  	s23 =	simm.s32 $0x1B8B  }
0xa2: {  	_ =	swait.ge [sflag:s23], $0x1  }
0xa3: {  	[sflag:s23] =	ssyncset.done $0x0  }
0xa4: {  	s25 =	simm.s32 $0x1B8E;
	s24 =	sld [smem:$0x3FFE];
	[sflag:s23] =	ssyncadd.s32 $0xFFFFFFFF  }
0xa5: {  	s26 =	simm.s32 $execute0_lowered;
	[smem:$0x3FD2] =	sst s25  }
0xa6: {  	s5 =	sshll.u32 s26, $0x1;
	_ =	strace $0x80000046;
	[dreg:$0x1] =	wrdreg $0xFFFFFFFF  }
0xa7: {  	s28 =	simm.s32 $_size_execute0_lowered;
	s3 =	sadd.s32 s3, s5;
	[dreg:$0x0] =	wrdreg $0x0  }
0xa8: {  	s5 =	sshll.u32 s28, $0x1;
	[dreg:$0x2] =	wrdreg s3  }
0xa9: {  	[dreg:$0x3] =	wrdreg s5  }
0xaa: {  	[dreg:$0x4] =	wrdreg $0xC0  }
0xab: {  	_ =	task [dreg:s7], $0x5FFFF  }
0xac: {  	[dreg:$0x1] =	wrdreg $0xFFFFFFFF  }
0xad: {  	[dreg:$0x0] =	wrdreg $0x60  }
0xae: {  	[dreg:$0x2] =	wrdreg s24  }
0xaf: {  	[dreg:$0x3] =	wrdreg s2  }
0xb0: {  	[dreg:$0x4] =	wrdreg $0x9  }
0xb1: {  	_ =	task.clear_ibuf [dreg:s7], $0x5FFFF;
	_ =	strace $0x90000046  }
0xb2: {  	s29 =	simm.s32 $0x9;
	_ =	strace $0x80000048  }
0xb3: {  	_ =	swait.ge [sflag:s29], $0x1  }
0xb4: {  	[sflag:s29] =	ssyncadd.s32 $0xFFFFFFFF  }
0xb5: {  	_ =	strace $0x90000048  }
0xb6: {  	_ =	sfence  }
0xb7: {  	s30 =	sld [smem:$0x0];
	_ =	sdelay $0x2  }
0xb8: {  	s31 =	sshll.u32 s1, $0xD;
	s1 =	sshrl.u32 s1, $0x2  }
0xb9: {  	s3 =	sand.u32 $0x4000, s31;
	s1 =	sadd.s32 s1, s30  }
0xba: {  	s0 =	sor.u32 s3, s0;
	s1 =	sshll.u32 s1, $0x11  }
0xbb: {  	s0 =	sor.u32 s1, s0  }
0xbc: {  	s0 =	sadd.s32 $0x8F2B, s0  }
0xbd: {  	[sflag:s0] =	ssyncadd.remote.s32 $0x1  }
0xbe: {  	_ =	sfence.sel $0xFFFF  }
0xbf: {  	[dreg:$0x0] =	wrdreg $0xFFFFFFFF;
	(pc) =	sbr.abs _section_cstart, $3  }
0xc0: {  	[dreg:$0x1] =	wrdreg $0xFFFFFFFF  }
0xc1: {  	_ =	task.clear_ibuf [dreg:s7], $0x2FFFF;
	_ =	strace $0x9FFFFFFF  }
0xc2: {  	(tm) =	ssettm $0x7FFFFFFF  }
0xc3: {  	_ =	shalt  }
tec
execute0_lowered:
.L_overlay_start_1:
0x0: {  	(tag) =	ssettag $0x1  }
0x1: {  	s1 =	srdreg.scid;
	s5 =	rddreg [dreg:$0x0]  }
0x2: {  	s0 =	stileid.u32;
	s7 =	rddreg [dreg:$0x1]  }
0x3: {  	s2 =	simm.s32 $0x0;
	s13 =	simm.s32 $0x12000;
	s14 =	simm.s32 $0x5  }
0x4: {  	s15 =	simm.s32 $0x9000;
	s16 =	simm.s32 $0x1;
	s17 =	simm.s32 $0x2  }
0x5: {  	s18 =	simm.s32 $0x3;
	s6 =	sand.u32 $0x1, s1;
	s31 =	sshll.u32 s0, $0x1  }
0x6: {  	s19 =	simm.s32 $0x4;
	s9 =	sshrl.u32 s0, $0x2;
	s8 =	sor.u32 s6, s31  }
0x7: {  	s20 =	simm.s32 $0x0;
	s3 =	smul.u32 $0x900000, s9;
	s4 =	sshll.u32 s8, $0x1  }
0x8: {  	s1 =	rddreg [dreg:$0x2];
	s9 =	smul.u32 $0x1200, s9;
	s4 =	sand.u32 $0xE, s4  }
0x9: {  	[smem:$0x7FF] =	sst s2;
	s6 =	ssub.s32 $0x2, s6;
	s10 =	smul.u32 $0x90000, s4  }
.Ltmp0:
0xa: {  	_ =	strace $0x80000047;
	s11 =	sshrl.u32 s6, $0x1;
	(pc) =	sbr.rel .LBB2_1-.Ltmp0, $4  }
0xb: {  	s12 =	ssub.s32 s6, s11;
	s6 =	sadd.s32 s7, s9;
	s10 =	sadd.s32 s3, s10  }
0xc: {  	s7 =	sshll.u32 s8, $0x5;
	s4 =	sadd.s32 $0xC00, s5;
	s10 =	sshrl.u32 s10, $0x3  }
0xd: {  	s11 =	sor.u32 $0x9000, s3;
	s5 =	sadd.s32 $0x480C00, s5;
	s8 =	sadd.s32 s4, s10  }
0xe: {  	s12 =	smax.u32 s12, $0x1;
	s10 =	sand.u32 $0xE0, s7;
	s9 =	sadd.s32 $0x1200, s8  }
.LBB2_8:
0xf: {  	s20 =	sadd.s32 $0x1, s20  }
0x10: {  	_ =	swait.ge [sflag:s18], $0x9000;
	p0 =	sne.s32 s20, s12  }
.Ltmp1:
0x11: {  	[sflag:s18] =	ssyncset.done $0x0;
	(pc) =	sbr.rel @!p0 .LBB2_9-.Ltmp1, $4  }
0x12: {  	[sflag:s18] =	ssyncadd.s32 $0xFFFF7000  }
0x13: {  	_ =	swait.ge [sflag:s19], $0x9000  }
0x14: {  	[sflag:s19] =	ssyncset.done $0x0  }
0x15: {  	[sflag:s19] =	ssyncadd.s32 $0xFFFF7000  }
.LBB2_1:
0x16: {  	[tilespmem:s13], [sflag:$0x5] =	stream.linear.gather [hbm4b:s6+s2], $0x9000, $0x38;
	[tilespmem:$0x1B000] =	vst v63  }
0x17: {  	_ =	swait.ge [sflag:s14], $0x9000  }
0x18: {  	[sflag:s14] =	ssyncset.done $0x0  }
0x19: {  	[sflag:s14] =	ssyncadd.s32 $0xFFFF7000  }
0x1a: {  	[tilespmem:s2], [sflag:$0x1] =	stream.linear.gather [hbm4b:s8+s2], $0x9000, $0x38;
	[tilespmem:$0x1B000] =	vst v63  }
0x1b: {  	s21 =	simm.s32 $0x0  }
0x1c: {  	[tilespmem:s15], [sflag:$0x2] =	stream.linear.gather [hbm4b:s9+s2], $0x9000, $0x38;
	[tilespmem:$0x1B000] =	vst v63  }
.LBB2_2:
0x1d: {  	_ =	swait.ge [sflag:s16], $0x9000  }
0x1e: {  	[sflag:s16] =	ssyncset.done $0x0  }
0x1f: {  	s22 =	simm.s32 $0x0;
	[sflag:s16] =	ssyncadd.s32 $0xFFFF7000  }
.LBB2_3:
0x20: {  	s23 =	smul.u32 $0xAB, s22;
	_ =	sdelay $0x1  }
0x21: {  	s23 =	sshrl.u32 s23, $0x9  }
0x22: {  	s23 =	sand.u32 $0x7F, s23  }
0x23: {  	s24 =	smul.u32 $0x3, s23;
	_ =	sdelay $0x1  }
0x24: {  	s24 =	ssub.s32 s22, s24  }
0x25: {  	s23 =	smul.u32 $0xC00, s23;
	s24 =	sand.u32 $0xFF, s24  }
0x26: {  	s24 =	sshll.u32 s24, $0x7  }
0x27: {  	s23 =	sor.u32 s24, s23  }
0x28: {  	v0 =	vld [tilespmem:s23+$0x12000]  }
0x29: {  	s24 =	sor.u32 $0x200, s23;
	v3 =	vld [tilespmem:s23+$0x12200]  }
0x2a: {  	v2 =	vld [tilespmem:s24+$0x0]  }
0x2b: {  	v1 =	vld [tilespmem:s23+$0x12010]  }
0x2c: {  	v4 =	vld [tilespmem:s23+$0x12020]  }
0x2d: {  	v5 =	vld [tilespmem:s23+$0x12030]  }
0x2e: {  	v6 =	vld [tilespmem:s23+$0x12040]  }
0x2f: {  	v7 =	vld [tilespmem:s23+$0x12050];
	v2 =	vadd.f32 v3, v2  }
0x30: {  	v8 =	vld [tilespmem:s23+$0x12060]  }
0x31: {  	v38 =	vld [tilespmem:s23+$0x12070];
	s31 =	sor.u32 $0x210, s23;
	[tilespmem:s24+$0x0] =	vst v2  }
0x32: {  	v2 =	vld [tilespmem:s31+$0x0]  }
0x33: {  	v9 =	vld [tilespmem:s23+$0x12210];
	_ =	sdelay $0x4  }
0x34: {  	v2 =	vadd.f32 v9, v2;
	_ =	sdelay $0x1  }
0x35: {  	s25 =	sor.u32 $0x220, s23;
	[tilespmem:s31+$0x0] =	vst v2  }
0x36: {  	v2 =	vld [tilespmem:s25+$0x0]  }
0x37: {  	v39 =	vld [tilespmem:s23+$0x12220];
	_ =	sdelay $0x4  }
0x38: {  	v2 =	vadd.f32 v39, v2;
	_ =	sdelay $0x1  }
0x39: {  	s26 =	sor.u32 $0x230, s23;
	[tilespmem:s25+$0x0] =	vst v2  }
0x3a: {  	v2 =	vld [tilespmem:s26+$0x0]  }
0x3b: {  	v40 =	vld [tilespmem:s23+$0x12230];
	_ =	sdelay $0x4  }
0x3c: {  	v2 =	vadd.f32 v40, v2;
	_ =	sdelay $0x1  }
0x3d: {  	s28 =	sor.u32 $0x240, s23;
	[tilespmem:s26+$0x0] =	vst v2  }
0x3e: {  	v2 =	vld [tilespmem:s28+$0x0]  }
0x3f: {  	v41 =	vld [tilespmem:s23+$0x12240];
	_ =	sdelay $0x4  }
0x40: {  	v2 =	vadd.f32 v41, v2;
	_ =	sdelay $0x1  }
0x41: {  	s29 =	sor.u32 $0x250, s23;
	[tilespmem:s28+$0x0] =	vst v2  }
0x42: {  	v2 =	vld [tilespmem:s29+$0x0]  }
0x43: {  	v42 =	vld [tilespmem:s23+$0x12250];
	_ =	sdelay $0x4  }
0x44: {  	v2 =	vadd.f32 v42, v2;
	_ =	sdelay $0x1  }
0x45: {  	s30 =	sor.u32 $0x260, s23;
	[tilespmem:s29+$0x0] =	vst v2  }
0x46: {  	v2 =	vld [tilespmem:s30+$0x0]  }
0x47: {  	v43 =	vld [tilespmem:s23+$0x12260];
	_ =	sdelay $0x3  }
0x48: {  	v44 =	vld [tilespmem:s23+$0x0]  }
0x49: {  	v11 =	vld [tilespmem:s23+$0x10];
	v2 =	vadd.f32 v43, v2  }
0x4a: {  	v12 =	vld [tilespmem:s23+$0x20]  }
0x4b: {  	v45 =	vld [tilespmem:s23+$0x60];
	s31 =	sor.u32 $0x270, s23;
	[tilespmem:s30+$0x0] =	vst v2  }
0x4c: {  	v2 =	vld [tilespmem:s31+$0x0]  }
0x4d: {  	v10 =	vld [tilespmem:s23+$0x12270]  }
0x4e: {  	v13 =	vld [tilespmem:s23+$0x30]  }
0x4f: {  	v14 =	vld [tilespmem:s23+$0x40]  }
0x50: {  	v15 =	vld [tilespmem:s23+$0x50]  }
0x51: {  	v16 =	vld [tilespmem:s23+$0x70];
	v56 =	vadd.f32 v8, v45  }
0x52: {  	v22 =	vld [tilespmem:s23+$0x430];
	v2 =	vadd.f32 v10, v2  }
0x53: {  	[tilespmem:s23+$0x60] =	vst v56;
	v55 =	vld [tilespmem:s23+$0x630]  }
0x54: {  	v56 =	vld [tilespmem:s23+$0x830];
	[tilespmem:s31+$0x0] =	vst v2  }
0x55: {  	v2 =	vld [tilespmem:s23+$0x400]  }
0x56: {  	v17 =	vld [tilespmem:s23+$0x12400]  }
0x57: {  	v18 =	vld [tilespmem:s23+$0x410]  }
0x58: {  	v19 =	vld [tilespmem:s23+$0x12410]  }
0x59: {  	v20 =	vld [tilespmem:s23+$0x420]  }
0x5a: {  	v21 =	vld [tilespmem:s23+$0x12420]  }
0x5b: {  	v23 =	vld [tilespmem:s23+$0x12430]  }
0x5c: {  	v24 =	vld [tilespmem:s23+$0x440]  }
0x5d: {  	v25 =	vld [tilespmem:s23+$0x12440]  }
0x5e: {  	v26 =	vld [tilespmem:s23+$0x450]  }
0x5f: {  	v27 =	vld [tilespmem:s23+$0x12450]  }
0x60: {  	v28 =	vld [tilespmem:s23+$0x460]  }
0x61: {  	v29 =	vld [tilespmem:s23+$0x12460]  }
0x62: {  	v30 =	vld [tilespmem:s23+$0x470]  }
0x63: {  	v31 =	vld [tilespmem:s23+$0x12470]  }
0x64: {  	v0 =	vadd.f32 v0, v44;
	v32 =	vld [tilespmem:s23+$0x600]  }
0x65: {  	v1 =	vadd.f32 v1, v11;
	v46 =	vld [tilespmem:s23+$0x12600]  }
0x66: {  	v48 =	vadd.f32 v4, v12;
	[tilespmem:s23+$0x0] =	vst v0;
	v47 =	vld [tilespmem:s23+$0x610]  }
0x67: {  	v50 =	vadd.f32 v5, v13;
	[tilespmem:s23+$0x10] =	vst v1;
	v49 =	vld [tilespmem:s23+$0x12610]  }
0x68: {  	v52 =	vadd.f32 v6, v14;
	[tilespmem:s23+$0x20] =	vst v48;
	v51 =	vld [tilespmem:s23+$0x620]  }
0x69: {  	v54 =	vadd.f32 v7, v15;
	[tilespmem:s23+$0x30] =	vst v50;
	v53 =	vld [tilespmem:s23+$0x12620]  }
0x6a: {  	v58 =	vadd.f32 v38, v16;
	[tilespmem:s23+$0x40] =	vst v52;
	v57 =	vld [tilespmem:s23+$0x12630]  }
0x6b: {  	[tilespmem:s23+$0x50] =	vst v54;
	v59 =	vld [tilespmem:s23+$0x640];
	v60 =	vadd.f32 v17, v2  }
0x6c: {  	[tilespmem:s23+$0x70] =	vst v58;
	v61 =	vld [tilespmem:s23+$0x12640];
	v62 =	vadd.f32 v19, v18  }
0x6d: {  	v63 =	vld [tilespmem:s23+$0x650];
	v33 =	vadd.f32 v21, v20;
	[tilespmem:s23+$0x400] =	vst v60  }
0x6e: {  	v34 =	vld [tilespmem:s23+$0x12650];
	v35 =	vadd.f32 v23, v22;
	[tilespmem:s23+$0x410] =	vst v62  }
0x6f: {  	v36 =	vld [tilespmem:s23+$0x660];
	v37 =	vadd.f32 v25, v24;
	[tilespmem:s23+$0x420] =	vst v33  }
0x70: {  	v38 =	vld [tilespmem:s23+$0x12660];
	v39 =	vadd.f32 v27, v26;
	[tilespmem:s23+$0x430] =	vst v35  }
0x71: {  	v40 =	vld [tilespmem:s23+$0x670];
	v41 =	vadd.f32 v29, v28;
	[tilespmem:s23+$0x440] =	vst v37  }
0x72: {  	v42 =	vld [tilespmem:s23+$0x12670];
	v43 =	vadd.f32 v31, v30;
	[tilespmem:s23+$0x450] =	vst v39  }
0x73: {  	v44 =	vld [tilespmem:s23+$0x800];
	v45 =	vadd.f32 v46, v32;
	[tilespmem:s23+$0x460] =	vst v41  }
0x74: {  	v48 =	vld [tilespmem:s23+$0x810];
	v47 =	vadd.f32 v49, v47;
	[tilespmem:s23+$0x470] =	vst v43  }
0x75: {  	v50 =	vld [tilespmem:s23+$0x12810];
	v49 =	vadd.f32 v53, v51;
	[tilespmem:s23+$0x600] =	vst v45  }
0x76: {  	v52 =	vld [tilespmem:s23+$0x820];
	v51 =	vadd.f32 v57, v55;
	[tilespmem:s23+$0x610] =	vst v47  }
0x77: {  	v58 =	vld [tilespmem:s23+$0x12830];
	v53 =	vadd.f32 v61, v59;
	[tilespmem:s23+$0x620] =	vst v49  }
0x78: {  	v54 =	vld [tilespmem:s23+$0x12820];
	v55 =	vadd.f32 v34, v63;
	[tilespmem:s23+$0x630] =	vst v51  }
0x79: {  	v46 =	vld [tilespmem:s23+$0x12800];
	v57 =	vadd.f32 v38, v36;
	[tilespmem:s23+$0x640] =	vst v53  }
0x7a: {  	v59 =	vadd.f32 v42, v40;
	[tilespmem:s23+$0x650] =	vst v55  }
0x7b: {  	p0 =	sne.s32 s22, $0x23;
	v61 =	vadd.f32 v50, v48;
	[tilespmem:s23+$0x660] =	vst v57  }
.Ltmp2:
0x7c: {  	v63 =	vadd.f32 v58, v56;
	[tilespmem:s23+$0x670] =	vst v59;
	(pc) =	sbr.rel @p0 .LBB2_3-.Ltmp2, $4  }
0x7d: {  	v62 =	vadd.f32 v54, v52;
	[tilespmem:s23+$0x810] =	vst v61  }
0x7e: {  	[tilespmem:s23+$0x830] =	vst v63;
	v60 =	vadd.f32 v46, v44  }
0x7f: {  	[tilespmem:s23+$0x820] =	vst v62  }
0x80: {  	s22 =	sadd.s32 $0x1, s22;
	[tilespmem:s23+$0x800] =	vst v60  }
0x81: {  	s22 =	sshll.u32 s21, $0x1  }
0x82: {  	s23 =	sor.u32 s10, s22;
	s24 =	sand.u32 $0xE, s22  }
0x83: {  	s25 =	sshrl.u32 s23, $0x4;
	s23 =	smul.u32 $0x9000, s24  }
0x84: {  	s30 =	smul.u32 $0x90000, s25  }
0x85: {  	s31 =	sor.u32 s3, s23  }
0x86: {  	s24 =	sadd.s32 s30, s31  }
0x87: {  	s24 =	sshrl.u32 s24, $0x3  }
0x88: {  	p0 =	seq.s32 s21, $0xF;
	s24 =	sadd.s32 s5, s24  }
0x89: {  	[hbm4b:s24+s2] =	stream.linear.scatter [tilespmem:s2], [sflag:$0x3], $0x9000, $0x38;
	[tilespmem:$0x1B000] =	vst v63  }
0x8a: {  	s28 =	simm.s32 $0x0;
	s24 =	sadd.s32 @!p0 $0x2, s22  }
0x8b: {  	s28 =	smul.u32 $0xAB, s28;
	s25 =	sadd.s32 @!p0 s7, s24;
	s24 =	sand.u32 @!p0 $0xE, s24  }
0x8c: {  	s26 =	sshrl.u32 @!p0 s25, $0x8;
	s25 =	sshrl.u32 @!p0 s25, $0x4;
	s24 =	smul.u32 @!p0 $0x9000, s24  }
0x8d: {  	s26 =	smul.u32 @!p0 $0x900000, s26;
	s25 =	sand.u32 @!p0 $0xF, s25  }
0x8e: {  	s29 =	simm.s32 @!p0 $0x3;
	s25 =	smul.u32 @!p0 $0x90000, s25  }
0x8f: {  	_ =	swait.ge @!p0 [sflag:s29], $0x9000;
	s24 =	sor.u32 @!p0 s24, s26  }
0x90: {  	[sflag:s29] =	ssyncset.done @!p0 $0x0;
	s26 =	sshrl.u32 s28, $0x9;
	s24 =	sadd.s32 @!p0 s25, s24  }
0x91: {  	[sflag:s29] =	ssyncadd.s32 @!p0 $0xFFFF7000;
	s25 =	sand.u32 $0x7F, s26;
	s24 =	sshrl.u32 @!p0 s24, $0x3  }
0x92: {  	s26 =	simm.s32 @!p0 $0x0;
	s28 =	smul.u32 $0x3, s25;
	s24 =	sadd.s32 @!p0 s4, s24  }
0x93: {  	[tilespmem:s26], [sflag:$0x1] =	stream.linear.gather @!p0 [hbm4b:s24+s26], $0x9000, $0x38;
	[tilespmem:$0x1B000] =	vst v63  }
0x94: {  	s30 =	ssub.s32 $0x0, s28  }
0x95: {  	s25 =	smul.u32 $0xC00, s25;
	_ =	swait.ge [sflag:s17], $0x9000;
	s24 =	sand.u32 $0xFF, s30  }
0x96: {  	[sflag:s17] =	ssyncset.done $0x0;
	s24 =	sshll.u32 s24, $0x7  }
0x97: {  	[sflag:s17] =	ssyncadd.s32 $0xFFFF7000;
	s24 =	sor.u32 s24, s25  }
0x98: {  	v0 =	vld [tilespmem:s24+$0x9000]  }
0x99: {  	v1 =	vld [tilespmem:s24+$0x12000];
	_ =	sdelay $0x4  }
0x9a: {  	v0 =	vadd.f32 v1, v0;
	_ =	sdelay $0x1  }
0x9b: {  	s25 =	sadd.s32 $0x12000, s24;
	[tilespmem:s24+$0x9000] =	vst v0;
	v0 =	vld [tilespmem:s24+$0x9010]  }
0x9c: {  	v2 =	vld [tilespmem:s25+$0x10];
	_ =	sdelay $0x4  }
0x9d: {  	v0 =	vadd.f32 v2, v0;
	_ =	sdelay $0x1  }
0x9e: {  	[tilespmem:s24+$0x9010] =	vst v0;
	v0 =	vld [tilespmem:s24+$0x9020]  }
0x9f: {  	v2 =	vld [tilespmem:s25+$0x20];
	_ =	sdelay $0x4  }
0xa0: {  	v0 =	vadd.f32 v2, v0;
	_ =	sdelay $0x1  }
0xa1: {  	[tilespmem:s24+$0x9020] =	vst v0;
	v0 =	vld [tilespmem:s24+$0x9030]  }
0xa2: {  	v2 =	vld [tilespmem:s25+$0x30];
	_ =	sdelay $0x4  }
0xa3: {  	v0 =	vadd.f32 v2, v0;
	_ =	sdelay $0x1  }
0xa4: {  	[tilespmem:s24+$0x9030] =	vst v0;
	v0 =	vld [tilespmem:s24+$0x9040]  }
0xa5: {  	v2 =	vld [tilespmem:s25+$0x40];
	_ =	sdelay $0x4  }
0xa6: {  	v0 =	vadd.f32 v2, v0;
	_ =	sdelay $0x1  }
0xa7: {  	[tilespmem:s24+$0x9040] =	vst v0;
	v0 =	vld [tilespmem:s24+$0x9050]  }
0xa8: {  	v2 =	vld [tilespmem:s25+$0x50];
	_ =	sdelay $0x4  }
0xa9: {  	v0 =	vadd.f32 v2, v0;
	_ =	sdelay $0x1  }
0xaa: {  	[tilespmem:s24+$0x9050] =	vst v0;
	v0 =	vld [tilespmem:s24+$0x9060]  }
0xab: {  	v2 =	vld [tilespmem:s25+$0x60];
	_ =	sdelay $0x4  }
0xac: {  	v0 =	vadd.f32 v2, v0;
	_ =	sdelay $0x1  }
0xad: {  	[tilespmem:s24+$0x9060] =	vst v0;
	v0 =	vld [tilespmem:s24+$0x9070]  }
0xae: {  	v2 =	vld [tilespmem:s25+$0x70];
	_ =	sdelay $0x4  }
0xaf: {  	v0 =	vadd.f32 v2, v0;
	_ =	sdelay $0x1  }
0xb0: {  	s31 =	sor.u32 $0x200, s25;
	[tilespmem:s24+$0x9070] =	vst v0;
	v0 =	vld [tilespmem:s24+$0x9200]  }
0xb1: {  	v2 =	vld [tilespmem:s31+$0x0];
	_ =	sdelay $0x4  }
0xb2: {  	v0 =	vadd.f32 v2, v0;
	_ =	sdelay $0x1  }
0xb3: {  	s29 =	sor.u32 $0x210, s25;
	[tilespmem:s24+$0x9200] =	vst v0;
	v0 =	vld [tilespmem:s24+$0x9210]  }
0xb4: {  	v2 =	vld [tilespmem:s29+$0x0];
	_ =	sdelay $0x4  }
0xb5: {  	v0 =	vadd.f32 v2, v0;
	_ =	sdelay $0x1  }
0xb6: {  	s30 =	sor.u32 $0x220, s25;
	[tilespmem:s24+$0x9210] =	vst v0;
	v0 =	vld [tilespmem:s24+$0x9220]  }
0xb7: {  	v2 =	vld [tilespmem:s30+$0x0];
	_ =	sdelay $0x4  }
0xb8: {  	v0 =	vadd.f32 v2, v0;
	_ =	sdelay $0x1  }
0xb9: {  	s31 =	sor.u32 $0x230, s25;
	[tilespmem:s24+$0x9220] =	vst v0;
	v0 =	vld [tilespmem:s24+$0x9230]  }
0xba: {  	v2 =	vld [tilespmem:s31+$0x0];
	_ =	sdelay $0x4  }
0xbb: {  	v0 =	vadd.f32 v2, v0;
	_ =	sdelay $0x1  }
0xbc: {  	s29 =	sor.u32 $0x240, s25;
	[tilespmem:s24+$0x9230] =	vst v0;
	v0 =	vld [tilespmem:s24+$0x9240]  }
0xbd: {  	v2 =	vld [tilespmem:s29+$0x0];
	_ =	sdelay $0x4  }
0xbe: {  	v0 =	vadd.f32 v2, v0;
	_ =	sdelay $0x1  }
0xbf: {  	s30 =	sor.u32 $0x250, s25;
	[tilespmem:s24+$0x9240] =	vst v0;
	v0 =	vld [tilespmem:s24+$0x9250]  }
0xc0: {  	v2 =	vld [tilespmem:s30+$0x0];
	_ =	sdelay $0x4  }
0xc1: {  	v0 =	vadd.f32 v2, v0;
	_ =	sdelay $0x1  }
0xc2: {  	s31 =	sor.u32 $0x260, s25;
	[tilespmem:s24+$0x9250] =	vst v0;
	v0 =	vld [tilespmem:s24+$0x9260]  }
0xc3: {  	v2 =	vld [tilespmem:s31+$0x0];
	_ =	sdelay $0x4  }
0xc4: {  	v3 =	vld [tilespmem:s24+$0x12400];
	v0 =	vadd.f32 v2, v0  }
0xc5: {  	v2 =	vld [tilespmem:s24+$0x9270]  }
0xc6: {  	s25 =	sor.u32 $0x270, s25;
	[tilespmem:s24+$0x9260] =	vst v0;
	v0 =	vld [tilespmem:s24+$0x9400]  }
0xc7: {  	v4 =	vld [tilespmem:s25+$0x0];
	_ =	sdelay $0x3  }
0xc8: {  	v0 =	vadd.f32 v3, v0  }
0xc9: {  	v2 =	vadd.f32 v4, v2  }
0xca: {  	[tilespmem:s24+$0x9400] =	vst v0  }
0xcb: {  	s26 =	sadd.s32 $0x12400, s24;
	v0 =	vld [tilespmem:s24+$0x9410];
	[tilespmem:s24+$0x9270] =	vst v2  }
0xcc: {  	v2 =	vld [tilespmem:s26+$0x10];
	_ =	sdelay $0x4  }
0xcd: {  	v0 =	vadd.f32 v2, v0;
	_ =	sdelay $0x1  }
0xce: {  	[tilespmem:s24+$0x9410] =	vst v0;
	v0 =	vld [tilespmem:s24+$0x9420]  }
0xcf: {  	v2 =	vld [tilespmem:s26+$0x20];
	_ =	sdelay $0x4  }
0xd0: {  	v0 =	vadd.f32 v2, v0;
	_ =	sdelay $0x1  }
0xd1: {  	[tilespmem:s24+$0x9420] =	vst v0;
	v0 =	vld [tilespmem:s24+$0x9430]  }
0xd2: {  	v2 =	vld [tilespmem:s26+$0x30];
	_ =	sdelay $0x4  }
0xd3: {  	v0 =	vadd.f32 v2, v0;
	_ =	sdelay $0x1  }
0xd4: {  	[tilespmem:s24+$0x9430] =	vst v0;
	v0 =	vld [tilespmem:s24+$0x9440]  }
0xd5: {  	v2 =	vld [tilespmem:s26+$0x40];
	_ =	sdelay $0x4  }
0xd6: {  	v0 =	vadd.f32 v2, v0;
	_ =	sdelay $0x1  }
0xd7: {  	[tilespmem:s24+$0x9440] =	vst v0;
	v0 =	vld [tilespmem:s24+$0x9450]  }
0xd8: {  	v2 =	vld [tilespmem:s26+$0x50];
	_ =	sdelay $0x4  }
0xd9: {  	v0 =	vadd.f32 v2, v0;
	_ =	sdelay $0x1  }
0xda: {  	[tilespmem:s24+$0x9450] =	vst v0;
	v0 =	vld [tilespmem:s24+$0x9460]  }
0xdb: {  	v2 =	vld [tilespmem:s26+$0x60];
	_ =	sdelay $0x4  }
0xdc: {  	v1 =	vld [tilespmem:s24+$0x12600];
	v0 =	vadd.f32 v2, v0  }
0xdd: {  	v2 =	vld [tilespmem:s24+$0x9600]  }
0xde: {  	[tilespmem:s24+$0x9460] =	vst v0;
	v0 =	vld [tilespmem:s24+$0x9470]  }
0xdf: {  	v3 =	vld [tilespmem:s26+$0x70];
	_ =	sdelay $0x3  }
0xe0: {  	v1 =	vadd.f32 v1, v2  }
0xe1: {  	v0 =	vadd.f32 v3, v0  }
0xe2: {  	[tilespmem:s24+$0x9600] =	vst v1  }
0xe3: {  	s29 =	sadd.s32 $0x12600, s24;
	[tilespmem:s24+$0x9470] =	vst v0;
	v0 =	vld [tilespmem:s24+$0x9610]  }
0xe4: {  	v1 =	vld [tilespmem:s29+$0x10];
	_ =	sdelay $0x4  }
0xe5: {  	v0 =	vadd.f32 v1, v0;
	_ =	sdelay $0x1  }
0xe6: {  	[tilespmem:s24+$0x9610] =	vst v0;
	v0 =	vld [tilespmem:s24+$0x9620]  }
0xe7: {  	v1 =	vld [tilespmem:s29+$0x20];
	_ =	sdelay $0x4  }
0xe8: {  	v0 =	vadd.f32 v1, v0;
	_ =	sdelay $0x1  }
0xe9: {  	[tilespmem:s24+$0x9620] =	vst v0;
	v0 =	vld [tilespmem:s24+$0x9630]  }
0xea: {  	v1 =	vld [tilespmem:s29+$0x30];
	_ =	sdelay $0x4  }
0xeb: {  	v0 =	vadd.f32 v1, v0;
	_ =	sdelay $0x1  }
0xec: {  	[tilespmem:s24+$0x9630] =	vst v0;
	v0 =	vld [tilespmem:s24+$0x9640]  }
0xed: {  	v1 =	vld [tilespmem:s29+$0x40];
	_ =	sdelay $0x4  }
0xee: {  	v0 =	vadd.f32 v1, v0;
	_ =	sdelay $0x1  }
0xef: {  	[tilespmem:s24+$0x9640] =	vst v0;
	v0 =	vld [tilespmem:s24+$0x9650]  }
0xf0: {  	v1 =	vld [tilespmem:s29+$0x50];
	_ =	sdelay $0x4  }
0xf1: {  	v0 =	vadd.f32 v1, v0;
	_ =	sdelay $0x1  }
0xf2: {  	[tilespmem:s24+$0x9650] =	vst v0;
	v0 =	vld [tilespmem:s24+$0x9660]  }
0xf3: {  	v1 =	vld [tilespmem:s29+$0x60];
	_ =	sdelay $0x4  }
0xf4: {  	v2 =	vld [tilespmem:s24+$0x12800];
	v0 =	vadd.f32 v1, v0  }
0xf5: {  	v1 =	vld [tilespmem:s24+$0x9800]  }
0xf6: {  	[tilespmem:s24+$0x9660] =	vst v0;
	v0 =	vld [tilespmem:s24+$0x9670]  }
0xf7: {  	v3 =	vld [tilespmem:s29+$0x70];
	_ =	sdelay $0x3  }
0xf8: {  	v1 =	vadd.f32 v2, v1  }
0xf9: {  	v0 =	vadd.f32 v3, v0  }
0xfa: {  	[tilespmem:s24+$0x9800] =	vst v1  }
0xfb: {  	s30 =	sadd.s32 $0x12800, s24;
	[tilespmem:s24+$0x9670] =	vst v0;
	v0 =	vld [tilespmem:s24+$0x9810]  }
0xfc: {  	v1 =	vld [tilespmem:s30+$0x10];
	_ =	sdelay $0x1  }
0xfd: {  	s31 =	simm.s32 $0x1  }
0xfe: {  	s26 =	smul.u32 $0xAB, s31;
	_ =	sdelay $0x1  }
0xff: {  	s26 =	sshrl.u32 s26, $0x9;
	v0 =	vadd.f32 v1, v0  }
0x100: {  	s26 =	sand.u32 $0x7F, s26  }
0x101: {  	s28 =	smul.u32 $0x3, s26;
	[tilespmem:s24+$0x9810] =	vst v0;
	v0 =	vld [tilespmem:s24+$0x9820]  }
0x102: {  	v1 =	vld [tilespmem:s30+$0x20]  }
0x103: {  	s28 =	ssub.s32 $0x1, s28  }
0x104: {  	s26 =	smul.u32 $0xC00, s26;
	s28 =	sand.u32 $0xFF, s28  }
0x105: {  	s28 =	sshll.u32 s28, $0x7  }
0x106: {  	s28 =	sor.u32 s28, s26  }
0x107: {  	v3 =	vld [tilespmem:s28+$0x9000];
	v0 =	vadd.f32 v1, v0  }
0x108: {  	v4 =	vld [tilespmem:s28+$0x12000]  }
0x109: {  	v1 =	vld [tilespmem:s24+$0x9830];
	[tilespmem:s24+$0x9820] =	vst v0  }
0x10a: {  	v2 =	vld [tilespmem:s30+$0x30];
	_ =	sdelay $0x3  }
0x10b: {  	s25 =	simm.s32 $0x2;
	v3 =	vadd.f32 v4, v3;
	v0 =	vld [tilespmem:s28+$0x12600]  }
.LBB2_5:
0x10c: {  	p1 =	sne.s32 s25, $0x23;
	v1 =	vadd.f32 v2, v1;
	s26 =	smov.u32 s25;
	s25 =	sadd.s32 $0x1, s25  }
0x10d: {  	[tilespmem:s28+$0x9000] =	vst v3  }
0x10e: {  	s29 =	sadd.s32 $0x12000, s28;
	v2 =	vld [tilespmem:s28+$0x9010];
	[tilespmem:s24+$0x9830] =	vst v1;
	s24 =	smov.u32 s28  }
0x10f: {  	v1 =	vld [tilespmem:s29+$0x10];
	_ =	sdelay $0x4  }
0x110: {  	v1 =	vadd.f32 v1, v2;
	_ =	sdelay $0x1  }
0x111: {  	[tilespmem:s24+$0x9010] =	vst v1;
	v1 =	vld [tilespmem:s24+$0x9020]  }
0x112: {  	v2 =	vld [tilespmem:s29+$0x20];
	_ =	sdelay $0x4  }
0x113: {  	v1 =	vadd.f32 v2, v1;
	_ =	sdelay $0x1  }
0x114: {  	[tilespmem:s24+$0x9020] =	vst v1;
	v1 =	vld [tilespmem:s24+$0x9030]  }
0x115: {  	v2 =	vld [tilespmem:s29+$0x30];
	_ =	sdelay $0x4  }
0x116: {  	v1 =	vadd.f32 v2, v1;
	_ =	sdelay $0x1  }
0x117: {  	[tilespmem:s24+$0x9030] =	vst v1;
	v1 =	vld [tilespmem:s24+$0x9040]  }
0x118: {  	v2 =	vld [tilespmem:s29+$0x40];
	_ =	sdelay $0x4  }
0x119: {  	v1 =	vadd.f32 v2, v1;
	_ =	sdelay $0x1  }
0x11a: {  	[tilespmem:s24+$0x9040] =	vst v1;
	v1 =	vld [tilespmem:s24+$0x9050]  }
0x11b: {  	v2 =	vld [tilespmem:s29+$0x50];
	_ =	sdelay $0x4  }
0x11c: {  	v1 =	vadd.f32 v2, v1;
	_ =	sdelay $0x1  }
0x11d: {  	[tilespmem:s24+$0x9050] =	vst v1;
	v1 =	vld [tilespmem:s24+$0x9060]  }
0x11e: {  	v2 =	vld [tilespmem:s29+$0x60];
	_ =	sdelay $0x4  }
0x11f: {  	v1 =	vadd.f32 v2, v1;
	_ =	sdelay $0x1  }
0x120: {  	[tilespmem:s24+$0x9060] =	vst v1;
	v1 =	vld [tilespmem:s24+$0x9070]  }
0x121: {  	v2 =	vld [tilespmem:s29+$0x70];
	_ =	sdelay $0x4  }
0x122: {  	v1 =	vadd.f32 v2, v1;
	_ =	sdelay $0x1  }
0x123: {  	s28 =	sor.u32 $0x200, s29;
	[tilespmem:s24+$0x9070] =	vst v1;
	v1 =	vld [tilespmem:s24+$0x9200]  }
0x124: {  	v2 =	vld [tilespmem:s28+$0x0];
	_ =	sdelay $0x4  }
0x125: {  	v1 =	vadd.f32 v2, v1;
	_ =	sdelay $0x1  }
0x126: {  	s28 =	sor.u32 $0x210, s29;
	[tilespmem:s24+$0x9200] =	vst v1;
	v1 =	vld [tilespmem:s24+$0x9210]  }
0x127: {  	v2 =	vld [tilespmem:s28+$0x0];
	_ =	sdelay $0x4  }
0x128: {  	v1 =	vadd.f32 v2, v1;
	_ =	sdelay $0x1  }
0x129: {  	s28 =	sor.u32 $0x220, s29;
	[tilespmem:s24+$0x9210] =	vst v1;
	v1 =	vld [tilespmem:s24+$0x9220]  }
0x12a: {  	v2 =	vld [tilespmem:s28+$0x0];
	_ =	sdelay $0x4  }
0x12b: {  	v1 =	vadd.f32 v2, v1;
	_ =	sdelay $0x1  }
0x12c: {  	s28 =	sor.u32 $0x230, s29;
	[tilespmem:s24+$0x9220] =	vst v1;
	v1 =	vld [tilespmem:s24+$0x9230]  }
0x12d: {  	v2 =	vld [tilespmem:s28+$0x0];
	_ =	sdelay $0x4  }
0x12e: {  	v1 =	vadd.f32 v2, v1;
	_ =	sdelay $0x1  }
0x12f: {  	s28 =	sor.u32 $0x240, s29;
	[tilespmem:s24+$0x9230] =	vst v1;
	v1 =	vld [tilespmem:s24+$0x9240]  }
0x130: {  	v2 =	vld [tilespmem:s28+$0x0];
	_ =	sdelay $0x4  }
0x131: {  	v1 =	vadd.f32 v2, v1;
	_ =	sdelay $0x1  }
0x132: {  	s28 =	sor.u32 $0x250, s29;
	[tilespmem:s24+$0x9240] =	vst v1;
	v1 =	vld [tilespmem:s24+$0x9250]  }
0x133: {  	v2 =	vld [tilespmem:s28+$0x0];
	_ =	sdelay $0x4  }
0x134: {  	v1 =	vadd.f32 v2, v1;
	_ =	sdelay $0x1  }
0x135: {  	s28 =	sor.u32 $0x260, s29;
	[tilespmem:s24+$0x9250] =	vst v1;
	v1 =	vld [tilespmem:s24+$0x9260]  }
0x136: {  	v2 =	vld [tilespmem:s28+$0x0];
	_ =	sdelay $0x4  }
0x137: {  	v1 =	vadd.f32 v2, v1;
	v2 =	vld [tilespmem:s24+$0x9270]  }
0x138: {  	v3 =	vld [tilespmem:s24+$0x12400]  }
0x139: {  	s28 =	sor.u32 $0x270, s29;
	[tilespmem:s24+$0x9260] =	vst v1;
	v1 =	vld [tilespmem:s24+$0x9400]  }
0x13a: {  	v4 =	vld [tilespmem:s28+$0x0];
	_ =	sdelay $0x3  }
0x13b: {  	v1 =	vadd.f32 v3, v1  }
0x13c: {  	v2 =	vadd.f32 v4, v2  }
0x13d: {  	[tilespmem:s24+$0x9400] =	vst v1  }
0x13e: {  	s28 =	sadd.s32 $0x12400, s24;
	[tilespmem:s24+$0x9270] =	vst v2;
	v1 =	vld [tilespmem:s24+$0x9410]  }
0x13f: {  	v2 =	vld [tilespmem:s28+$0x10];
	_ =	sdelay $0x4  }
0x140: {  	v1 =	vadd.f32 v2, v1;
	_ =	sdelay $0x1  }
0x141: {  	[tilespmem:s24+$0x9410] =	vst v1;
	v1 =	vld [tilespmem:s24+$0x9420]  }
0x142: {  	v2 =	vld [tilespmem:s28+$0x20];
	_ =	sdelay $0x4  }
0x143: {  	v1 =	vadd.f32 v2, v1;
	_ =	sdelay $0x1  }
0x144: {  	[tilespmem:s24+$0x9420] =	vst v1;
	v1 =	vld [tilespmem:s24+$0x9430]  }
0x145: {  	v2 =	vld [tilespmem:s28+$0x30];
	_ =	sdelay $0x4  }
0x146: {  	v1 =	vadd.f32 v2, v1;
	_ =	sdelay $0x1  }
0x147: {  	[tilespmem:s24+$0x9430] =	vst v1;
	v1 =	vld [tilespmem:s24+$0x9440]  }
0x148: {  	v2 =	vld [tilespmem:s28+$0x40];
	_ =	sdelay $0x4  }
0x149: {  	v1 =	vadd.f32 v2, v1;
	_ =	sdelay $0x1  }
0x14a: {  	[tilespmem:s24+$0x9440] =	vst v1;
	v1 =	vld [tilespmem:s24+$0x9450]  }
0x14b: {  	v2 =	vld [tilespmem:s28+$0x50];
	_ =	sdelay $0x4  }
0x14c: {  	v1 =	vadd.f32 v2, v1;
	_ =	sdelay $0x1  }
0x14d: {  	[tilespmem:s24+$0x9450] =	vst v1;
	v1 =	vld [tilespmem:s24+$0x9460]  }
0x14e: {  	v2 =	vld [tilespmem:s28+$0x60];
	_ =	sdelay $0x1  }
0x14f: {  	v3 =	vld [tilespmem:s24+$0x9600];
	_ =	sdelay $0x2  }
0x150: {  	v1 =	vadd.f32 v2, v1;
	_ =	sdelay $0x1  }
0x151: {  	[tilespmem:s24+$0x9460] =	vst v1;
	v1 =	vld [tilespmem:s24+$0x9470];
	v0 =	vadd.f32 v0, v3  }
0x152: {  	v2 =	vld [tilespmem:s28+$0x70]  }
0x153: {  	[tilespmem:s24+$0x9600] =	vst v0;
	_ =	sdelay $0x3  }
0x154: {  	v0 =	vadd.f32 v2, v1;
	_ =	sdelay $0x1  }
0x155: {  	s28 =	sadd.s32 $0x12600, s24;
	[tilespmem:s24+$0x9470] =	vst v0;
	v0 =	vld [tilespmem:s24+$0x9610]  }
0x156: {  	v1 =	vld [tilespmem:s28+$0x10];
	_ =	sdelay $0x4  }
0x157: {  	v0 =	vadd.f32 v1, v0;
	_ =	sdelay $0x1  }
0x158: {  	[tilespmem:s24+$0x9610] =	vst v0;
	v0 =	vld [tilespmem:s24+$0x9620]  }
0x159: {  	v1 =	vld [tilespmem:s28+$0x20];
	_ =	sdelay $0x4  }
0x15a: {  	v0 =	vadd.f32 v1, v0;
	_ =	sdelay $0x1  }
0x15b: {  	[tilespmem:s24+$0x9620] =	vst v0;
	v0 =	vld [tilespmem:s24+$0x9630]  }
0x15c: {  	v1 =	vld [tilespmem:s28+$0x30];
	_ =	sdelay $0x4  }
0x15d: {  	v0 =	vadd.f32 v1, v0;
	_ =	sdelay $0x1  }
0x15e: {  	[tilespmem:s24+$0x9630] =	vst v0;
	v0 =	vld [tilespmem:s24+$0x9640]  }
0x15f: {  	v1 =	vld [tilespmem:s28+$0x40];
	_ =	sdelay $0x4  }
0x160: {  	v0 =	vadd.f32 v1, v0;
	_ =	sdelay $0x1  }
0x161: {  	[tilespmem:s24+$0x9640] =	vst v0;
	v0 =	vld [tilespmem:s24+$0x9650]  }
0x162: {  	v1 =	vld [tilespmem:s28+$0x50];
	_ =	sdelay $0x4  }
0x163: {  	v0 =	vadd.f32 v1, v0;
	_ =	sdelay $0x1  }
0x164: {  	[tilespmem:s24+$0x9650] =	vst v0;
	v0 =	vld [tilespmem:s24+$0x9660]  }
0x165: {  	v1 =	vld [tilespmem:s28+$0x60]  }
0x166: {  	v2 =	vld [tilespmem:s24+$0x12800]  }
0x167: {  	v3 =	vld [tilespmem:s24+$0x9800];
	_ =	sdelay $0x2  }
0x168: {  	v0 =	vadd.f32 v1, v0;
	_ =	sdelay $0x1  }
0x169: {  	[tilespmem:s24+$0x9660] =	vst v0;
	v0 =	vld [tilespmem:s24+$0x9670];
	v1 =	vadd.f32 v2, v3  }
0x16a: {  	v2 =	vld [tilespmem:s28+$0x70]  }
0x16b: {  	[tilespmem:s24+$0x9800] =	vst v1;
	_ =	sdelay $0x3  }
0x16c: {  	v0 =	vadd.f32 v2, v0;
	_ =	sdelay $0x1  }
0x16d: {  	s29 =	sadd.s32 $0x12800, s24;
	[tilespmem:s24+$0x9670] =	vst v0;
	v0 =	vld [tilespmem:s24+$0x9810]  }
0x16e: {  	v1 =	vld [tilespmem:s29+$0x10];
	_ =	sdelay $0x3  }
0x16f: {  	s28 =	smul.u32 $0xAB, s26  }
0x170: {  	v0 =	vadd.f32 v1, v0  }
0x171: {  	s28 =	sshrl.u32 s28, $0x9  }
0x172: {  	s28 =	sand.u32 $0x7F, s28;
	[tilespmem:s24+$0x9810] =	vst v0;
	v0 =	vld [tilespmem:s24+$0x9820]  }
0x173: {  	s30 =	smul.u32 $0x3, s28;
	v1 =	vld [tilespmem:s29+$0x20];
	_ =	sdelay $0x1  }
0x174: {  	s26 =	ssub.s32 s26, s30  }
0x175: {  	s28 =	smul.u32 $0xC00, s28;
	s26 =	sand.u32 $0xFF, s26  }
0x176: {  	s26 =	sshll.u32 s26, $0x7  }
0x177: {  	s28 =	sor.u32 s26, s28;
	v0 =	vadd.f32 v1, v0;
	v1 =	vld [tilespmem:s24+$0x9830]  }
0x178: {  	v3 =	vld [tilespmem:s28+$0x9000]  }
0x179: {  	v4 =	vld [tilespmem:s28+$0x12000];
	[tilespmem:s24+$0x9820] =	vst v0  }
.Ltmp3:
0x17a: {  	v2 =	vld [tilespmem:s29+$0x30];
	(pc) =	sbr.rel @p1 .LBB2_5-.Ltmp3, $2  }
0x17b: {  	v0 =	vld [tilespmem:s28+$0x12600];
	_ =	sdelay $0x2  }
0x17c: {  	v3 =	vadd.f32 v4, v3  }
0x17d: {  	v1 =	vadd.f32 v2, v1  }
0x17e: {  	[tilespmem:s28+$0x9000] =	vst v3  }
0x17f: {  	v61 =	vld [tilespmem:s28+$0x9010];
	s25 =	sadd.s32 $0x12000, s28;
	[tilespmem:s24+$0x9830] =	vst v1  }
0x180: {  	v1 =	vld [tilespmem:s25+$0x10];
	_ =	sdelay $0x4  }
0x181: {  	v1 =	vadd.f32 v1, v61;
	_ =	sdelay $0x1  }
0x182: {  	v62 =	vld [tilespmem:s28+$0x9020];
	[tilespmem:s28+$0x9010] =	vst v1  }
0x183: {  	v63 =	vld [tilespmem:s25+$0x20];
	_ =	sdelay $0x4  }
0x184: {  	v1 =	vadd.f32 v63, v62;
	_ =	sdelay $0x1  }
0x185: {  	v4 =	vld [tilespmem:s28+$0x9030];
	[tilespmem:s28+$0x9020] =	vst v1  }
0x186: {  	v5 =	vld [tilespmem:s25+$0x30];
	_ =	sdelay $0x4  }
0x187: {  	v1 =	vadd.f32 v5, v4;
	_ =	sdelay $0x1  }
0x188: {  	v6 =	vld [tilespmem:s28+$0x9040];
	[tilespmem:s28+$0x9030] =	vst v1  }
0x189: {  	v7 =	vld [tilespmem:s25+$0x40];
	_ =	sdelay $0x4  }
0x18a: {  	v1 =	vadd.f32 v7, v6;
	_ =	sdelay $0x1  }
0x18b: {  	v8 =	vld [tilespmem:s28+$0x9050];
	[tilespmem:s28+$0x9040] =	vst v1  }
0x18c: {  	v9 =	vld [tilespmem:s25+$0x50];
	_ =	sdelay $0x4  }
0x18d: {  	v1 =	vadd.f32 v9, v8;
	_ =	sdelay $0x1  }
0x18e: {  	v10 =	vld [tilespmem:s28+$0x9060];
	[tilespmem:s28+$0x9050] =	vst v1  }
0x18f: {  	v11 =	vld [tilespmem:s25+$0x60];
	_ =	sdelay $0x4  }
0x190: {  	v1 =	vadd.f32 v11, v10;
	_ =	sdelay $0x1  }
0x191: {  	v12 =	vld [tilespmem:s28+$0x9070];
	[tilespmem:s28+$0x9060] =	vst v1  }
0x192: {  	v13 =	vld [tilespmem:s25+$0x70];
	_ =	sdelay $0x4  }
0x193: {  	v1 =	vadd.f32 v13, v12;
	_ =	sdelay $0x1  }
0x194: {  	s29 =	sor.u32 $0x200, s25;
	v14 =	vld [tilespmem:s28+$0x9200];
	[tilespmem:s28+$0x9070] =	vst v1  }
0x195: {  	v15 =	vld [tilespmem:s29+$0x0];
	_ =	sdelay $0x4  }
0x196: {  	v1 =	vadd.f32 v15, v14;
	_ =	sdelay $0x1  }
0x197: {  	s30 =	sor.u32 $0x210, s25;
	v16 =	vld [tilespmem:s28+$0x9210];
	[tilespmem:s28+$0x9200] =	vst v1  }
0x198: {  	v17 =	vld [tilespmem:s30+$0x0];
	_ =	sdelay $0x4  }
0x199: {  	v1 =	vadd.f32 v17, v16;
	_ =	sdelay $0x1  }
0x19a: {  	s31 =	sor.u32 $0x220, s25;
	v18 =	vld [tilespmem:s28+$0x9220];
	[tilespmem:s28+$0x9210] =	vst v1  }
0x19b: {  	v19 =	vld [tilespmem:s31+$0x0];
	_ =	sdelay $0x4  }
0x19c: {  	v1 =	vadd.f32 v19, v18;
	_ =	sdelay $0x1  }
0x19d: {  	s26 =	sor.u32 $0x230, s25;
	v20 =	vld [tilespmem:s28+$0x9230];
	[tilespmem:s28+$0x9220] =	vst v1  }
0x19e: {  	v21 =	vld [tilespmem:s26+$0x0];
	_ =	sdelay $0x4  }
0x19f: {  	v1 =	vadd.f32 v21, v20;
	_ =	sdelay $0x1  }
0x1a0: {  	v22 =	vld [tilespmem:s28+$0x9240];
	s29 =	sor.u32 $0x240, s25;
	[tilespmem:s28+$0x9230] =	vst v1  }
0x1a1: {  	v23 =	vld [tilespmem:s29+$0x0];
	_ =	sdelay $0x4  }
0x1a2: {  	v1 =	vadd.f32 v23, v22;
	_ =	sdelay $0x1  }
0x1a3: {  	v24 =	vld [tilespmem:s28+$0x9250];
	s30 =	sor.u32 $0x250, s25;
	[tilespmem:s28+$0x9240] =	vst v1  }
0x1a4: {  	v25 =	vld [tilespmem:s30+$0x0];
	_ =	sdelay $0x4  }
0x1a5: {  	v1 =	vadd.f32 v25, v24;
	_ =	sdelay $0x1  }
0x1a6: {  	v26 =	vld [tilespmem:s28+$0x9260];
	s31 =	sor.u32 $0x260, s25;
	[tilespmem:s28+$0x9250] =	vst v1  }
0x1a7: {  	v27 =	vld [tilespmem:s31+$0x0];
	_ =	sdelay $0x4  }
0x1a8: {  	v28 =	vld [tilespmem:s28+$0x9270];
	v1 =	vadd.f32 v27, v26  }
0x1a9: {  	v29 =	vld [tilespmem:s28+$0x12400]  }
0x1aa: {  	v30 =	vld [tilespmem:s28+$0x9400];
	s25 =	sor.u32 $0x270, s25;
	[tilespmem:s28+$0x9260] =	vst v1  }
0x1ab: {  	v4 =	vld [tilespmem:s25+$0x0];
	_ =	sdelay $0x3  }
0x1ac: {  	v1 =	vadd.f32 v29, v30  }
0x1ad: {  	v2 =	vadd.f32 v4, v28  }
0x1ae: {  	[tilespmem:s28+$0x9400] =	vst v1  }
0x1af: {  	v31 =	vld [tilespmem:s28+$0x9410];
	s26 =	sadd.s32 $0x12400, s28;
	[tilespmem:s28+$0x9270] =	vst v2  }
0x1b0: {  	v2 =	vld [tilespmem:s26+$0x10];
	_ =	sdelay $0x4  }
0x1b1: {  	v1 =	vadd.f32 v2, v31;
	_ =	sdelay $0x1  }
0x1b2: {  	v32 =	vld [tilespmem:s28+$0x9420];
	[tilespmem:s28+$0x9410] =	vst v1  }
0x1b3: {  	v33 =	vld [tilespmem:s26+$0x20];
	_ =	sdelay $0x4  }
0x1b4: {  	v1 =	vadd.f32 v33, v32;
	_ =	sdelay $0x1  }
0x1b5: {  	v34 =	vld [tilespmem:s28+$0x9430];
	[tilespmem:s28+$0x9420] =	vst v1  }
0x1b6: {  	v35 =	vld [tilespmem:s26+$0x30];
	_ =	sdelay $0x4  }
0x1b7: {  	v1 =	vadd.f32 v35, v34;
	_ =	sdelay $0x1  }
0x1b8: {  	v36 =	vld [tilespmem:s28+$0x9440];
	[tilespmem:s28+$0x9430] =	vst v1  }
0x1b9: {  	v37 =	vld [tilespmem:s26+$0x40];
	_ =	sdelay $0x4  }
0x1ba: {  	v1 =	vadd.f32 v37, v36;
	_ =	sdelay $0x1  }
0x1bb: {  	v38 =	vld [tilespmem:s28+$0x9450];
	[tilespmem:s28+$0x9440] =	vst v1  }
0x1bc: {  	v39 =	vld [tilespmem:s26+$0x50];
	_ =	sdelay $0x4  }
0x1bd: {  	v1 =	vadd.f32 v39, v38;
	_ =	sdelay $0x1  }
0x1be: {  	v40 =	vld [tilespmem:s28+$0x9460];
	[tilespmem:s28+$0x9450] =	vst v1  }
0x1bf: {  	v41 =	vld [tilespmem:s26+$0x60];
	_ =	sdelay $0x4  }
0x1c0: {  	v1 =	vadd.f32 v41, v40  }
0x1c1: {  	v42 =	vld [tilespmem:s28+$0x9600]  }
0x1c2: {  	v43 =	vld [tilespmem:s28+$0x9470];
	[tilespmem:s28+$0x9460] =	vst v1  }
0x1c3: {  	v44 =	vld [tilespmem:s26+$0x70];
	_ =	sdelay $0x3  }
0x1c4: {  	v0 =	vadd.f32 v0, v42  }
0x1c5: {  	v1 =	vadd.f32 v44, v43  }
0x1c6: {  	[tilespmem:s28+$0x9600] =	vst v0  }
0x1c7: {  	v45 =	vld [tilespmem:s28+$0x9610];
	s29 =	sadd.s32 $0x12600, s28;
	[tilespmem:s28+$0x9470] =	vst v1  }
0x1c8: {  	v1 =	vld [tilespmem:s29+$0x10];
	_ =	sdelay $0x4  }
0x1c9: {  	v0 =	vadd.f32 v1, v45;
	_ =	sdelay $0x1  }
0x1ca: {  	v46 =	vld [tilespmem:s28+$0x9620];
	[tilespmem:s28+$0x9610] =	vst v0  }
0x1cb: {  	v47 =	vld [tilespmem:s29+$0x20];
	_ =	sdelay $0x4  }
0x1cc: {  	v0 =	vadd.f32 v47, v46;
	_ =	sdelay $0x1  }
0x1cd: {  	v48 =	vld [tilespmem:s28+$0x9630];
	[tilespmem:s28+$0x9620] =	vst v0  }
0x1ce: {  	v49 =	vld [tilespmem:s29+$0x30];
	_ =	sdelay $0x4  }
0x1cf: {  	v0 =	vadd.f32 v49, v48;
	_ =	sdelay $0x1  }
0x1d0: {  	v50 =	vld [tilespmem:s28+$0x9640];
	[tilespmem:s28+$0x9630] =	vst v0  }
0x1d1: {  	v51 =	vld [tilespmem:s29+$0x40];
	_ =	sdelay $0x4  }
0x1d2: {  	v0 =	vadd.f32 v51, v50;
	_ =	sdelay $0x1  }
0x1d3: {  	v52 =	vld [tilespmem:s28+$0x9650];
	[tilespmem:s28+$0x9640] =	vst v0  }
0x1d4: {  	v53 =	vld [tilespmem:s29+$0x50];
	_ =	sdelay $0x4  }
0x1d5: {  	v0 =	vadd.f32 v53, v52;
	_ =	sdelay $0x1  }
0x1d6: {  	v54 =	vld [tilespmem:s28+$0x9660];
	[tilespmem:s28+$0x9650] =	vst v0  }
0x1d7: {  	v55 =	vld [tilespmem:s29+$0x60];
	_ =	sdelay $0x4  }
0x1d8: {  	v56 =	vld [tilespmem:s28+$0x12800];
	v0 =	vadd.f32 v55, v54  }
0x1d9: {  	v57 =	vld [tilespmem:s28+$0x9800]  }
0x1da: {  	v58 =	vld [tilespmem:s28+$0x9670];
	[tilespmem:s28+$0x9660] =	vst v0  }
0x1db: {  	v59 =	vld [tilespmem:s29+$0x70];
	_ =	sdelay $0x3  }
0x1dc: {  	v1 =	vadd.f32 v56, v57  }
0x1dd: {  	v0 =	vadd.f32 v59, v58  }
0x1de: {  	[tilespmem:s28+$0x9800] =	vst v1  }
0x1df: {  	v60 =	vld [tilespmem:s28+$0x9810];
	s30 =	sadd.s32 $0x12800, s28;
	[tilespmem:s28+$0x9670] =	vst v0  }
0x1e0: {  	v1 =	vld [tilespmem:s30+$0x10];
	_ =	sdelay $0x4  }
0x1e1: {  	v0 =	vadd.f32 v1, v60;
	_ =	sdelay $0x1  }
0x1e2: {  	v61 =	vld [tilespmem:s28+$0x9820];
	[tilespmem:s28+$0x9810] =	vst v0  }
0x1e3: {  	v62 =	vld [tilespmem:s30+$0x20];
	_ =	sdelay $0x4  }
0x1e4: {  	v0 =	vadd.f32 v62, v61;
	_ =	sdelay $0x1  }
0x1e5: {  	v63 =	vld [tilespmem:s28+$0x9830];
	[tilespmem:s28+$0x9820] =	vst v0  }
0x1e6: {  	s31 =	sor.u32 s7, s22;
	v0 =	vld [tilespmem:s30+$0x30]  }
0x1e7: {  	s24 =	sshrl.u32 s31, $0x4  }
0x1e8: {  	s24 =	sand.u32 $0xF, s24  }
0x1e9: {  	s24 =	smul.u32 $0x90000, s24  }
.Ltmp4:
0x1ea: {  	s23 =	sadd.s32 s23, s11;
	(pc) =	sbr.rel @p0 .LBB2_8-.Ltmp4, $4  }
0x1eb: {  	s23 =	sadd.s32 s24, s23;
	v0 =	vadd.f32 v0, v63  }
0x1ec: {  	s23 =	sshrl.u32 s23, $0x3  }
0x1ed: {  	s23 =	sadd.s32 s5, s23;
	[tilespmem:s28+$0x9830] =	vst v0  }
0x1ee: {  	[hbm4b:s23+s2] =	stream.linear.scatter [tilespmem:s15], [sflag:$0x4], $0x9000, $0x38;
	[tilespmem:$0x1B000] =	vst v63  }
0x1ef: {  	s22 =	sadd.s32 $0x3, s22  }
0x1f0: {  	s23 =	sadd.s32 s7, s22;
	s22 =	sand.u32 $0xF, s22  }
0x1f1: {  	s24 =	sshrl.u32 s23, $0x8;
	s23 =	sshrl.u32 s23, $0x4;
	s22 =	smul.u32 $0x9000, s22  }
0x1f2: {  	s24 =	smul.u32 $0x900000, s24;
	s23 =	sand.u32 $0xF, s23  }
0x1f3: {  	s23 =	smul.u32 $0x90000, s23  }
.Ltmp5:
0x1f4: {  	s22 =	sor.u32 s22, s24;
	(pc) =	sbr.rel .LBB2_2-.Ltmp5, $4  }
0x1f5: {  	_ =	swait.ge [sflag:s19], $0x9000;
	s22 =	sadd.s32 s23, s22  }
0x1f6: {  	[sflag:s19] =	ssyncset.done $0x0;
	s22 =	sshrl.u32 s22, $0x3  }
0x1f7: {  	s21 =	sadd.s32 $0x1, s21;
	[sflag:s19] =	ssyncadd.s32 $0xFFFF7000;
	s22 =	sadd.s32 s4, s22  }
0x1f8: {  	[tilespmem:s15], [sflag:$0x2] =	stream.linear.gather [hbm4b:s22+s2], $0x9000, $0x38;
	[tilespmem:$0x1B000] =	vst v63  }
.LBB2_9:
0x1f9: {  	_ =	sfence.sel $0x180000  }
0x1fa: {  	[bflag:$0x0] =	sbarrier.arrive $0xFFFF  }
0x1fb: {  	p0 =	sne.s32 s0, $0x0;
	_ =	strace $0x90000047  }
0x1fc: {  	s0 =	sadd.s32 @!p0 $0x100000, s1;
	[bflag:$0x2] =	sbarrier.arrive $0xFFFF  }
0x1fd: {  	[sflag:s0] =	ssyncadd.tile.s32 @!p0 $0x1;
	_ =	shalt  }
.Lfunc_end2:
_tile_overlayer_lowered:
.L_overlay_start_2:
0x1fe: {  	(tag) =	ssettag $0x2  }
0x1ff: {  	s0 =	rddreg [dreg:$0x0];
	s2 =	stileid.u32  }
0x200: {  	s1 =	rddreg [dreg:$0x1];
	p0 =	sne.s32 s2, $0x0  }
0x201: {  	s3 =	rddreg [dreg:$0x2];
	[bflag:$0x3] =	sbarrier.arrive $0xFFFF;
	s2 =	simm.s32 @!p0 $0x1C05  }
0x202: {  	[timem:s3], [sflag:s2] =	dma.local @!p0 [hbm:s0], s1  }
0x203: {  	s0 =	simm.s32 @!p0 $0x5  }
0x204: {  	_ =	swait.ge @!p0 [sflag:s0], s1  }
0x205: {  	s1 =	ssub.s32 @!p0 $0x0, s1;
	[sflag:s0] =	ssyncset.done @!p0 $0x0  }
0x206: {  	[sflag:s0] =	ssyncadd.s32 @!p0 s1  }
0x207: {  	[bflag:$0x3] =	sbarrier.arrive $0xFFFF  }
0x208: {  	_ =	shalt  }

</sc_bundles>
